<compile_context>
chip_gen: v7x
topology: tpu7x:2x2x1
jax: 0.10.2.dev20260603
libtpu: 0.0.44.dev20260713+nightly
codegen_flags: <defaults>
</compile_context>

<pallas_src>
import functools

import jax
import jax.numpy as jnp
from jax import lax
from jax.experimental import pallas as pl
from jax.experimental.pallas import tpu as pltpu
from jax.experimental.pallas import tpu_sc as plsc

N = 10000
K = 32
C = 128
NP = 10240
NW = 32
PPW = NP // NW
CPC = 4
NCH = PPW // CPC
TN = 2048
KS3 = 125


def _sc_gather_sum(feaT, idx):
    mesh = plsc.VectorSubcoreMesh(
        core_axis_name="c", subcore_axis_name="s", num_cores=2, num_subcores=16
    )

    @functools.partial(
        pl.kernel,
        out_type=jax.ShapeDtypeStruct((NP, C), jnp.float32),
        mesh=mesh,
        scratch_types=[
            pltpu.VMEM((NCH, 128), jnp.int32),
            pltpu.VMEM((128, C), jnp.float32),
            pltpu.VMEM((128, C), jnp.float32),
            pltpu.VMEM((CPC, C), jnp.float32),
            pltpu.VMEM((CPC, C), jnp.float32),
            pltpu.VMEM_SHARED((NP, C), jnp.float32),
            pltpu.SemaphoreType.DMA,
            pltpu.SemaphoreType.DMA,
            pltpu.SemaphoreType.DMA,
            pltpu.SemaphoreType.DMA,
        ],
    )
    def sc_kernel(
        feaT_hbm, idx_hbm, out_hbm,
        idx_v, rows0, rows1, st0, st1, tab_sh,
        gsem0, gsem1, osem0, osem1,
    ):
        sid = lax.axis_index("s")
        wid = sid * 2 + lax.axis_index("c")
        obase = wid * PPW
        tb = NP // 16
        for piece in range(tb // 128):
            off = sid * tb + piece * 128
            pltpu.sync_copy(feaT_hbm.at[pl.ds(off, 128)], rows0)
            pltpu.sync_copy(rows0, tab_sh.at[pl.ds(off, 128)])
        pltpu.sync_copy(idx_hbm.at[wid], idx_v)
        plsc.subcore_barrier()

        rows = (rows0, rows1)
        stages = (st0, st1)
        gsems = (gsem0, gsem1)
        osems = (osem0, osem1)

        pltpu.async_copy(tab_sh.at[idx_v.at[0]], rows0, gsem0)
        pltpu.async_copy(tab_sh.at[idx_v.at[1]], rows1, gsem1)

        def do_chunk(c, rb, sg, gsem, osem, first):
            pltpu.make_async_copy(tab_sh.at[idx_v.at[c]], rb, gsem).wait()
            if not first:
                pltpu.make_async_copy(
                    sg, out_hbm.at[pl.ds(obase + (c - 2) * CPC, CPC)], osem
                ).wait()
            for p in range(CPC):
                r0 = p * K

                def jbody(j, accs, _r0=r0):
                    return tuple(
                        accs[v] + rb[_r0 + j, pl.ds(v * 16, 16)]
                        for v in range(C // 16)
                    )

                accs = tuple(
                    rb[r0, pl.ds(v * 16, 16)] for v in range(C // 16)
                )
                accs = lax.fori_loop(1, K, jbody, accs)
                for v in range(C // 16):
                    sg[p, pl.ds(v * 16, 16)] = accs[v]
            pltpu.async_copy(
                sg, out_hbm.at[pl.ds(obase + c * CPC, CPC)], osem
            )

            @pl.when(c + 2 < NCH)
            def _():
                pltpu.async_copy(tab_sh.at[idx_v.at[c + 2]], rb, gsem)

        for b in range(2):
            do_chunk(b, rows[b], stages[b], gsems[b], osems[b], True)

        def two_chunks(i, carry):
            c0 = i * 2
            for b in range(2):
                do_chunk(c0 + b, rows[b], stages[b], gsems[b], osems[b], False)
            return carry

        lax.fori_loop(1, NCH // 2, two_chunks, 0)
        for b in range(2):
            c = NCH - 2 + b
            pltpu.make_async_copy(
                stages[b], out_hbm.at[pl.ds(obase + c * CPC, CPC)], osems[b]
            ).wait()

    return sc_kernel(feaT, idx)


def _tc_body(s_ref, fea_ref, rel_ref, smp_ref, w1f_ref, w1x_ref, b1_ref, dw_ref, out_ref):
    w1f = w1f_ref[:]
    z = lax.dot_general(
        w1f, s_ref[:], (((1,), (1,)), ((), ())), preferred_element_type=jnp.float32
    )
    z = z - 30.0 * jnp.dot(w1f, fea_ref[:], preferred_element_type=jnp.float32)
    rel_s = jnp.sum(rel_ref[:], axis=1)
    z = z + jnp.dot(w1x_ref[:], rel_s, preferred_element_type=jnp.float32)
    z = z + 32.0 * b1_ref[:]

    smp = jnp.clip(smp_ref[:], -0.99999, 0.99999) * (5.0 / 2.0)
    coord = smp.astype(jnp.int32) + 2
    pos = coord[2:3, :] * 25 + coord[1:2, :] * 5 + coord[0:1, :]
    onehot = (
        lax.broadcasted_iota(jnp.int32, (KS3, TN), 0) == pos
    ).astype(jnp.float32)
    kern = jnp.dot(dw_ref[:], onehot, preferred_element_type=jnp.float32)
    out_ref[:] = kern * z


def _tc_combine(S, fea2d, rel3, smpT, W1f, W1x, b1c, dw):
    return pl.pallas_call(
        _tc_body,
        grid=((N + TN - 1) // TN,),
        in_specs=[
            pl.BlockSpec((TN, C), lambda i: (i, 0)),
            pl.BlockSpec((C, TN), lambda i: (0, i)),
            pl.BlockSpec((3, K, TN), lambda i: (0, 0, i)),
            pl.BlockSpec((3, TN), lambda i: (0, i)),
            pl.BlockSpec((C, C), lambda i: (0, 0)),
            pl.BlockSpec((C, 3), lambda i: (0, 0)),
            pl.BlockSpec((C, 1), lambda i: (0, 0)),
            pl.BlockSpec((C, KS3), lambda i: (0, 0)),
        ],
        out_specs=pl.BlockSpec((C, TN), lambda i: (0, i)),
        out_shape=jax.ShapeDtypeStruct((C, N), jnp.float32),
    )(S, fea2d, rel3, smpT, W1f, W1x, b1c, dw)


def kernel(sample_xyz, rel_xyz, fea, knn_idx, W1, b1, conv_dw):
    fea2d = fea[0]
    feaT = jnp.pad(fea2d.T, ((0, NP - N), (0, 0)))
    idx = knn_idx[0, :, 1:]
    idx = jnp.concatenate(
        [idx, jnp.full((N, 1), N, dtype=jnp.int32)], axis=1
    )
    idx = jnp.pad(idx, ((0, NP - N), (0, 0)), constant_values=N)
    idx = idx.reshape(NW, NCH, 128)

    S = _sc_gather_sum(feaT, idx)

    out2d = _tc_combine(
        S,
        fea2d,
        rel_xyz[0],
        sample_xyz[0].T,
        W1[:, :C],
        W1[:, C:],
        b1.reshape(C, 1),
        conv_dw[0].reshape(C, KS3),
    )
    return out2d[None]

# --- scband reference (transcript-rebuilt; emitter-appended) ---
"""Pipeline reference for scband-point-conv-sm-8323646619716 (READ-ONLY COPY).

The authoritative reference and input builder live on the scoring server;
editing this copy changes nothing except your own understanding.
"""

import jax, jax.numpy as jnp
import numpy as np

B = 1
N = 10000
K = 32
IN_CH = 128
OUT_CH = 128
KS = 5


def setup_inputs(seed: int = 0) -> dict:
    key = jax.random.key(seed)
    k1, k2, k3, k4, k5, k6 = jax.random.split(key, 6)
    sample_xyz = jax.random.uniform(k1, (B, N, 3), dtype=jnp.float32)
    rel_xyz = jax.random.normal(k2, (B, 3, K, N), dtype=jnp.float32)
    fea = jax.random.normal(k3, (B, IN_CH, N), dtype=jnp.float32)
    knn_idx = jax.random.randint(k4, (B, N, K), 0, N, dtype=jnp.int32)
    # learned params: conv_1x1 (Conv1d with kernel size 1) and depthwise volumetric kernel
    W1 = jax.random.normal(k5, (OUT_CH, IN_CH + 3), dtype=jnp.float32) * 0.05
    b1 = jnp.zeros((OUT_CH,), dtype=jnp.float32)
    conv_dw = jax.random.normal(k6, (1, OUT_CH, KS, KS, KS), dtype=jnp.float32) * 0.05
    return {"sample_xyz": sample_xyz, "rel_xyz": rel_xyz, "fea": fea, "knn_idx": knn_idx, "W1": W1, "b1": b1, "conv_dw": conv_dw}


def batch_gather_residual(x, knn_idx):
    # x: [b, c, N], knn_idx: [b, n, k] -> out: [b, c, k, n]
    b, n, k = knn_idx.shape
    idx = jnp.broadcast_to(jnp.arange(b)[:, None, None], (b, n, k - 1))
    center = x[:, :, :n][:, :, None, :]  # [b, c, 1, n]
    g = x[idx, :, knn_idx[:, :, 1:]]  # advanced indexing -> [b, n, k-1, c]
    g = jnp.transpose(g, (0, 3, 2, 1))  # [b, c, k-1, n]
    return jnp.concatenate([center, g - center], axis=2)


def reference(sample_xyz, rel_xyz, fea, knn_idx, W1, b1, conv_dw):
    b, n, k = knn_idx.shape
    neighbor_fea = batch_gather_residual(fea, knn_idx)  # [b, in_ch, k, n]
    cat = jnp.concatenate([neighbor_fea, rel_xyz], axis=1)  # [b, in_ch+3, k, n]
    y = jnp.einsum('oc,bcl->bol', W1, cat.reshape(b, cat.shape[1], k * n)) + b1[None, :, None]
    neighbor_fea2 = y.reshape(b, OUT_CH, k, n)
    # torch .long() truncates toward zero; astype(int32) matches for this value range
    coord = (jnp.clip(sample_xyz, -0.99999, 0.99999) * 5 / 2).astype(jnp.int32) + 2  # [b, n, 3] in [0,4]
    kernel = conv_dw[:, :, coord[..., 2:3], coord[..., 1:2], coord[..., 0:1]]  # [1, out_ch, b, n, 1]
    kernel = kernel.reshape(b, OUT_CH, -1, n)  # [b, out_ch, 1, n] (b=1 so layout matches torch view)
    out = (kernel * neighbor_fea2).sum(axis=2)  # [b, out_ch, n]
    return out

if __name__ == "__main__":
    import jax
    _d = setup_inputs()
    print(jax.jit(kernel)(*tuple(_d.values())))

</pallas_src>

<mosaic_0001>
#map = affine_map<(d0, d1) -> (0, 0)>
#map1 = affine_map<(d0, d1) -> (0, 0, 0)>
module attributes {stable_mosaic.version = 14 : i64} {
  func.func @sc_kernel(%arg0: i32, %arg1: i32, %arg2: memref<10240x128xf32, #tpu.memory_space<hbm>>, %arg3: memref<32x80x128xi32, #tpu.memory_space<hbm>>, %arg4: memref<10240x128xf32, #tpu.memory_space<hbm>>, %arg5: memref<80x128xi32, #tpu.memory_space<vmem>>, %arg6: memref<128x128xf32, #tpu.memory_space<vmem>>, %arg7: memref<128x128xf32, #tpu.memory_space<vmem>>, %arg8: memref<4x128xf32, #tpu.memory_space<vmem>>, %arg9: memref<4x128xf32, #tpu.memory_space<vmem>>, %arg10: memref<10240x128xf32, #tpu.memory_space<vmem_shared>>, %arg11: memref<!tpu.dma_semaphore, #tpu.memory_space<semaphore_mem>>, %arg12: memref<!tpu.dma_semaphore, #tpu.memory_space<semaphore_mem>>, %arg13: memref<!tpu.dma_semaphore, #tpu.memory_space<semaphore_mem>>, %arg14: memref<!tpu.dma_semaphore, #tpu.memory_space<semaphore_mem>>) attributes {dimension_semantics = [#tpu.dimension_semantics<core_parallel>, #tpu.dimension_semantics<subcore_parallel>], iteration_bounds = array<i64: 2, 16>, scalar_prefetch = 0 : i64, scratch_operands = 10 : i64, tpu.core_type = #tpu.core_type<sc_vector_subcore>, window_params = [{transform_indices = #map}, {transform_indices = #map1}, {transform_indices = #map}]} {
    %mul3A = arith.constant 2 : i32
    %mul3A_0 = arith.muli %arg1, %mul3A : i32
    %add3A = arith.addi %mul3A_0, %arg0 : i32
    %mul3A_1 = arith.constant 320 : i32
    %mul3A_2 = arith.muli %add3A, %mul3A_1 : i32
    %mul3A_3 = arith.constant 640 : i32
    %mul3A_4 = arith.muli %arg1, %mul3A_3 : i32
    %add3A_5 = arith.constant 0 : i32
    %add3A_6 = arith.addi %mul3A_4, %add3A_5 : i32
    "tpu.region"() ({
      %run_scoped3A = tpu.sem_alloc : memref<!tpu.dma_semaphore, #tpu.memory_space<semaphore_mem>>
      %dma_start3A_842 = arith.constant 0 : i32
      %dma_start3A_843 = tpu.memref_slice %arg2[%add3A_6, %dma_start3A_842] : memref<10240x128xf32, #tpu.memory_space<hbm>> -> memref<128x128xf32, #tpu.memory_space<hbm>>
      %dma_start3A_844 = arith.constant 0 : i32
      %dma_start3A_845 = tpu.memref_slice %arg2[%add3A_6, %dma_start3A_844] : memref<10240x128xf32, #tpu.memory_space<hbm>> -> memref<128x128xf32, #tpu.memory_space<hbm>>
      tpu.enqueue_dma source(%dma_start3A_845 : memref<128x128xf32, #tpu.memory_space<hbm>>) target(%arg6 : memref<128x128xf32, #tpu.memory_space<vmem>>) target_semaphore(%run_scoped3A : memref<!tpu.dma_semaphore, #tpu.memory_space<semaphore_mem>>)
      %dma_wait3A_846 = arith.constant 0 : i32
      %dma_wait3A_847 = tpu.memref_slice %arg2[%add3A_6, %dma_wait3A_846] : memref<10240x128xf32, #tpu.memory_space<hbm>> -> memref<128x128xf32, #tpu.memory_space<hbm>>
      %dma_wait3A_848 = arith.constant 0 : i32
      %dma_wait3A_849 = tpu.memref_slice %arg2[%add3A_6, %dma_wait3A_848] : memref<10240x128xf32, #tpu.memory_space<hbm>> -> memref<128x128xf32, #tpu.memory_space<hbm>>
      tpu.wait_dma2 semaphore(%run_scoped3A : memref<!tpu.dma_semaphore, #tpu.memory_space<semaphore_mem>>) src(%dma_wait3A_849 : memref<128x128xf32, #tpu.memory_space<hbm>>) dst(%arg6 : memref<128x128xf32, #tpu.memory_space<vmem>>)
      tpu.yield
    }) : () -> ()
    "tpu.region"() ({
      %run_scoped3A = tpu.sem_alloc : memref<!tpu.dma_semaphore, #tpu.memory_space<semaphore_mem>>
      %dma_start3A_842 = arith.constant 0 : i32
      %dma_start3A_843 = tpu.memref_slice %arg10[%add3A_6, %dma_start3A_842] : memref<10240x128xf32, #tpu.memory_space<vmem_shared>> -> memref<128x128xf32, #tpu.memory_space<vmem_shared>>
      %dma_start3A_844 = arith.constant 0 : i32
      %dma_start3A_845 = tpu.memref_slice %arg10[%add3A_6, %dma_start3A_844] : memref<10240x128xf32, #tpu.memory_space<vmem_shared>> -> memref<128x128xf32, #tpu.memory_space<vmem_shared>>
      tpu.enqueue_dma source(%arg6 : memref<128x128xf32, #tpu.memory_space<vmem>>) target(%dma_start3A_845 : memref<128x128xf32, #tpu.memory_space<vmem_shared>>) target_semaphore(%run_scoped3A : memref<!tpu.dma_semaphore, #tpu.memory_space<semaphore_mem>>)
      %dma_wait3A_846 = arith.constant 0 : i32
      %dma_wait3A_847 = tpu.memref_slice %arg10[%add3A_6, %dma_wait3A_846] : memref<10240x128xf32, #tpu.memory_space<vmem_shared>> -> memref<128x128xf32, #tpu.memory_space<vmem_shared>>
      %dma_wait3A_848 = arith.constant 0 : i32
      %dma_wait3A_849 = tpu.memref_slice %arg10[%add3A_6, %dma_wait3A_848] : memref<10240x128xf32, #tpu.memory_space<vmem_shared>> -> memref<128x128xf32, #tpu.memory_space<vmem_shared>>
      tpu.wait_dma2 semaphore(%run_scoped3A : memref<!tpu.dma_semaphore, #tpu.memory_space<semaphore_mem>>) src(%arg6 : memref<128x128xf32, #tpu.memory_space<vmem>>) dst(%dma_wait3A_849 : memref<128x128xf32, #tpu.memory_space<vmem_shared>>)
      tpu.yield
    }) : () -> ()
    %mul3A_7 = arith.constant 640 : i32
    %mul3A_8 = arith.muli %arg1, %mul3A_7 : i32
    %add3A_9 = arith.constant 128 : i32
    %add3A_10 = arith.addi %mul3A_8, %add3A_9 : i32
    "tpu.region"() ({
      %run_scoped3A = tpu.sem_alloc : memref<!tpu.dma_semaphore, #tpu.memory_space<semaphore_mem>>
      %dma_start3A_842 = arith.constant 0 : i32
      %dma_start3A_843 = tpu.memref_slice %arg2[%add3A_10, %dma_start3A_842] : memref<10240x128xf32, #tpu.memory_space<hbm>> -> memref<128x128xf32, #tpu.memory_space<hbm>>
      %dma_start3A_844 = arith.constant 0 : i32
      %dma_start3A_845 = tpu.memref_slice %arg2[%add3A_10, %dma_start3A_844] : memref<10240x128xf32, #tpu.memory_space<hbm>> -> memref<128x128xf32, #tpu.memory_space<hbm>>
      tpu.enqueue_dma source(%dma_start3A_845 : memref<128x128xf32, #tpu.memory_space<hbm>>) target(%arg6 : memref<128x128xf32, #tpu.memory_space<vmem>>) target_semaphore(%run_scoped3A : memref<!tpu.dma_semaphore, #tpu.memory_space<semaphore_mem>>)
      %dma_wait3A_846 = arith.constant 0 : i32
      %dma_wait3A_847 = tpu.memref_slice %arg2[%add3A_10, %dma_wait3A_846] : memref<10240x128xf32, #tpu.memory_space<hbm>> -> memref<128x128xf32, #tpu.memory_space<hbm>>
      %dma_wait3A_848 = arith.constant 0 : i32
      %dma_wait3A_849 = tpu.memref_slice %arg2[%add3A_10, %dma_wait3A_848] : memref<10240x128xf32, #tpu.memory_space<hbm>> -> memref<128x128xf32, #tpu.memory_space<hbm>>
      tpu.wait_dma2 semaphore(%run_scoped3A : memref<!tpu.dma_semaphore, #tpu.memory_space<semaphore_mem>>) src(%dma_wait3A_849 : memref<128x128xf32, #tpu.memory_space<hbm>>) dst(%arg6 : memref<128x128xf32, #tpu.memory_space<vmem>>)
      tpu.yield
    }) : () -> ()
    "tpu.region"() ({
      %run_scoped3A = tpu.sem_alloc : memref<!tpu.dma_semaphore, #tpu.memory_space<semaphore_mem>>
      %dma_start3A_842 = arith.constant 0 : i32
      %dma_start3A_843 = tpu.memref_slice %arg10[%add3A_10, %dma_start3A_842] : memref<10240x128xf32, #tpu.memory_space<vmem_shared>> -> memref<128x128xf32, #tpu.memory_space<vmem_shared>>
      %dma_start3A_844 = arith.constant 0 : i32
      %dma_start3A_845 = tpu.memref_slice %arg10[%add3A_10, %dma_start3A_844] : memref<10240x128xf32, #tpu.memory_space<vmem_shared>> -> memref<128x128xf32, #tpu.memory_space<vmem_shared>>
      tpu.enqueue_dma source(%arg6 : memref<128x128xf32, #tpu.memory_space<vmem>>) target(%dma_start3A_845 : memref<128x128xf32, #tpu.memory_space<vmem_shared>>) target_semaphore(%run_scoped3A : memref<!tpu.dma_semaphore, #tpu.memory_space<semaphore_mem>>)
      %dma_wait3A_846 = arith.constant 0 : i32
      %dma_wait3A_847 = tpu.memref_slice %arg10[%add3A_10, %dma_wait3A_846] : memref<10240x128xf32, #tpu.memory_space<vmem_shared>> -> memref<128x128xf32, #tpu.memory_space<vmem_shared>>
      %dma_wait3A_848 = arith.constant 0 : i32
      %dma_wait3A_849 = tpu.memref_slice %arg10[%add3A_10, %dma_wait3A_848] : memref<10240x128xf32, #tpu.memory_space<vmem_shared>> -> memref<128x128xf32, #tpu.memory_space<vmem_shared>>
      tpu.wait_dma2 semaphore(%run_scoped3A : memref<!tpu.dma_semaphore, #tpu.memory_space<semaphore_mem>>) src(%arg6 : memref<128x128xf32, #tpu.memory_space<vmem>>) dst(%dma_wait3A_849 : memref<128x128xf32, #tpu.memory_space<vmem_shared>>)
      tpu.yield
    }) : () -> ()
    %mul3A_11 = arith.constant 640 : i32
    %mul3A_12 = arith.muli %arg1, %mul3A_11 : i32
    %add3A_13 = arith.constant 256 : i32
    %add3A_14 = arith.addi %mul3A_12, %add3A_13 : i32
    "tpu.region"() ({
      %run_scoped3A = tpu.sem_alloc : memref<!tpu.dma_semaphore, #tpu.memory_space<semaphore_mem>>
      %dma_start3A_842 = arith.constant 0 : i32
      %dma_start3A_843 = tpu.memref_slice %arg2[%add3A_14, %dma_start3A_842] : memref<10240x128xf32, #tpu.memory_space<hbm>> -> memref<128x128xf32, #tpu.memory_space<hbm>>
      %dma_start3A_844 = arith.constant 0 : i32
      %dma_start3A_845 = tpu.memref_slice %arg2[%add3A_14, %dma_start3A_844] : memref<10240x128xf32, #tpu.memory_space<hbm>> -> memref<128x128xf32, #tpu.memory_space<hbm>>
      tpu.enqueue_dma source(%dma_start3A_845 : memref<128x128xf32, #tpu.memory_space<hbm>>) target(%arg6 : memref<128x128xf32, #tpu.memory_space<vmem>>) target_semaphore(%run_scoped3A : memref<!tpu.dma_semaphore, #tpu.memory_space<semaphore_mem>>)
      %dma_wait3A_846 = arith.constant 0 : i32
      %dma_wait3A_847 = tpu.memref_slice %arg2[%add3A_14, %dma_wait3A_846] : memref<10240x128xf32, #tpu.memory_space<hbm>> -> memref<128x128xf32, #tpu.memory_space<hbm>>
      %dma_wait3A_848 = arith.constant 0 : i32
      %dma_wait3A_849 = tpu.memref_slice %arg2[%add3A_14, %dma_wait3A_848] : memref<10240x128xf32, #tpu.memory_space<hbm>> -> memref<128x128xf32, #tpu.memory_space<hbm>>
      tpu.wait_dma2 semaphore(%run_scoped3A : memref<!tpu.dma_semaphore, #tpu.memory_space<semaphore_mem>>) src(%dma_wait3A_849 : memref<128x128xf32, #tpu.memory_space<hbm>>) dst(%arg6 : memref<128x128xf32, #tpu.memory_space<vmem>>)
      tpu.yield
    }) : () -> ()
    "tpu.region"() ({
      %run_scoped3A = tpu.sem_alloc : memref<!tpu.dma_semaphore, #tpu.memory_space<semaphore_mem>>
      %dma_start3A_842 = arith.constant 0 : i32
      %dma_start3A_843 = tpu.memref_slice %arg10[%add3A_14, %dma_start3A_842] : memref<10240x128xf32, #tpu.memory_space<vmem_shared>> -> memref<128x128xf32, #tpu.memory_space<vmem_shared>>
      %dma_start3A_844 = arith.constant 0 : i32
      %dma_start3A_845 = tpu.memref_slice %arg10[%add3A_14, %dma_start3A_844] : memref<10240x128xf32, #tpu.memory_space<vmem_shared>> -> memref<128x128xf32, #tpu.memory_space<vmem_shared>>
      tpu.enqueue_dma source(%arg6 : memref<128x128xf32, #tpu.memory_space<vmem>>) target(%dma_start3A_845 : memref<128x128xf32, #tpu.memory_space<vmem_shared>>) target_semaphore(%run_scoped3A : memref<!tpu.dma_semaphore, #tpu.memory_space<semaphore_mem>>)
      %dma_wait3A_846 = arith.constant 0 : i32
      %dma_wait3A_847 = tpu.memref_slice %arg10[%add3A_14, %dma_wait3A_846] : memref<10240x128xf32, #tpu.memory_space<vmem_shared>> -> memref<128x128xf32, #tpu.memory_space<vmem_shared>>
      %dma_wait3A_848 = arith.constant 0 : i32
      %dma_wait3A_849 = tpu.memref_slice %arg10[%add3A_14, %dma_wait3A_848] : memref<10240x128xf32, #tpu.memory_space<vmem_shared>> -> memref<128x128xf32, #tpu.memory_space<vmem_shared>>
      tpu.wait_dma2 semaphore(%run_scoped3A : memref<!tpu.dma_semaphore, #tpu.memory_space<semaphore_mem>>) src(%arg6 : memref<128x128xf32, #tpu.memory_space<vmem>>) dst(%dma_wait3A_849 : memref<128x128xf32, #tpu.memory_space<vmem_shared>>)
      tpu.yield
    }) : () -> ()
    %mul3A_15 = arith.constant 640 : i32
    %mul3A_16 = arith.muli %arg1, %mul3A_15 : i32
    %add3A_17 = arith.constant 384 : i32
    %add3A_18 = arith.addi %mul3A_16, %add3A_17 : i32
    "tpu.region"() ({
      %run_scoped3A = tpu.sem_alloc : memref<!tpu.dma_semaphore, #tpu.memory_space<semaphore_mem>>
      %dma_start3A_842 = arith.constant 0 : i32
      %dma_start3A_843 = tpu.memref_slice %arg2[%add3A_18, %dma_start3A_842] : memref<10240x128xf32, #tpu.memory_space<hbm>> -> memref<128x128xf32, #tpu.memory_space<hbm>>
      %dma_start3A_844 = arith.constant 0 : i32
      %dma_start3A_845 = tpu.memref_slice %arg2[%add3A_18, %dma_start3A_844] : memref<10240x128xf32, #tpu.memory_space<hbm>> -> memref<128x128xf32, #tpu.memory_space<hbm>>
      tpu.enqueue_dma source(%dma_start3A_845 : memref<128x128xf32, #tpu.memory_space<hbm>>) target(%arg6 : memref<128x128xf32, #tpu.memory_space<vmem>>) target_semaphore(%run_scoped3A : memref<!tpu.dma_semaphore, #tpu.memory_space<semaphore_mem>>)
      %dma_wait3A_846 = arith.constant 0 : i32
      %dma_wait3A_847 = tpu.memref_slice %arg2[%add3A_18, %dma_wait3A_846] : memref<10240x128xf32, #tpu.memory_space<hbm>> -> memref<128x128xf32, #tpu.memory_space<hbm>>
      %dma_wait3A_848 = arith.constant 0 : i32
      %dma_wait3A_849 = tpu.memref_slice %arg2[%add3A_18, %dma_wait3A_848] : memref<10240x128xf32, #tpu.memory_space<hbm>> -> memref<128x128xf32, #tpu.memory_space<hbm>>
      tpu.wait_dma2 semaphore(%run_scoped3A : memref<!tpu.dma_semaphore, #tpu.memory_space<semaphore_mem>>) src(%dma_wait3A_849 : memref<128x128xf32, #tpu.memory_space<hbm>>) dst(%arg6 : memref<128x128xf32, #tpu.memory_space<vmem>>)
      tpu.yield
    }) : () -> ()
    "tpu.region"() ({
      %run_scoped3A = tpu.sem_alloc : memref<!tpu.dma_semaphore, #tpu.memory_space<semaphore_mem>>
      %dma_start3A_842 = arith.constant 0 : i32
      %dma_start3A_843 = tpu.memref_slice %arg10[%add3A_18, %dma_start3A_842] : memref<10240x128xf32, #tpu.memory_space<vmem_shared>> -> memref<128x128xf32, #tpu.memory_space<vmem_shared>>
      %dma_start3A_844 = arith.constant 0 : i32
      %dma_start3A_845 = tpu.memref_slice %arg10[%add3A_18, %dma_start3A_844] : memref<10240x128xf32, #tpu.memory_space<vmem_shared>> -> memref<128x128xf32, #tpu.memory_space<vmem_shared>>
      tpu.enqueue_dma source(%arg6 : memref<128x128xf32, #tpu.memory_space<vmem>>) target(%dma_start3A_845 : memref<128x128xf32, #tpu.memory_space<vmem_shared>>) target_semaphore(%run_scoped3A : memref<!tpu.dma_semaphore, #tpu.memory_space<semaphore_mem>>)
      %dma_wait3A_846 = arith.constant 0 : i32
      %dma_wait3A_847 = tpu.memref_slice %arg10[%add3A_18, %dma_wait3A_846] : memref<10240x128xf32, #tpu.memory_space<vmem_shared>> -> memref<128x128xf32, #tpu.memory_space<vmem_shared>>
      %dma_wait3A_848 = arith.constant 0 : i32
      %dma_wait3A_849 = tpu.memref_slice %arg10[%add3A_18, %dma_wait3A_848] : memref<10240x128xf32, #tpu.memory_space<vmem_shared>> -> memref<128x128xf32, #tpu.memory_space<vmem_shared>>
      tpu.wait_dma2 semaphore(%run_scoped3A : memref<!tpu.dma_semaphore, #tpu.memory_space<semaphore_mem>>) src(%arg6 : memref<128x128xf32, #tpu.memory_space<vmem>>) dst(%dma_wait3A_849 : memref<128x128xf32, #tpu.memory_space<vmem_shared>>)
      tpu.yield
    }) : () -> ()
    %mul3A_19 = arith.constant 640 : i32
    %mul3A_20 = arith.muli %arg1, %mul3A_19 : i32
    %add3A_21 = arith.constant 512 : i32
    %add3A_22 = arith.addi %mul3A_20, %add3A_21 : i32
    "tpu.region"() ({
      %run_scoped3A = tpu.sem_alloc : memref<!tpu.dma_semaphore, #tpu.memory_space<semaphore_mem>>
      %dma_start3A_842 = arith.constant 0 : i32
      %dma_start3A_843 = tpu.memref_slice %arg2[%add3A_22, %dma_start3A_842] : memref<10240x128xf32, #tpu.memory_space<hbm>> -> memref<128x128xf32, #tpu.memory_space<hbm>>
      %dma_start3A_844 = arith.constant 0 : i32
      %dma_start3A_845 = tpu.memref_slice %arg2[%add3A_22, %dma_start3A_844] : memref<10240x128xf32, #tpu.memory_space<hbm>> -> memref<128x128xf32, #tpu.memory_space<hbm>>
      tpu.enqueue_dma source(%dma_start3A_845 : memref<128x128xf32, #tpu.memory_space<hbm>>) target(%arg6 : memref<128x128xf32, #tpu.memory_space<vmem>>) target_semaphore(%run_scoped3A : memref<!tpu.dma_semaphore, #tpu.memory_space<semaphore_mem>>)
      %dma_wait3A_846 = arith.constant 0 : i32
      %dma_wait3A_847 = tpu.memref_slice %arg2[%add3A_22, %dma_wait3A_846] : memref<10240x128xf32, #tpu.memory_space<hbm>> -> memref<128x128xf32, #tpu.memory_space<hbm>>
      %dma_wait3A_848 = arith.constant 0 : i32
      %dma_wait3A_849 = tpu.memref_slice %arg2[%add3A_22, %dma_wait3A_848] : memref<10240x128xf32, #tpu.memory_space<hbm>> -> memref<128x128xf32, #tpu.memory_space<hbm>>
      tpu.wait_dma2 semaphore(%run_scoped3A : memref<!tpu.dma_semaphore, #tpu.memory_space<semaphore_mem>>) src(%dma_wait3A_849 : memref<128x128xf32, #tpu.memory_space<hbm>>) dst(%arg6 : memref<128x128xf32, #tpu.memory_space<vmem>>)
      tpu.yield
    }) : () -> ()
    "tpu.region"() ({
      %run_scoped3A = tpu.sem_alloc : memref<!tpu.dma_semaphore, #tpu.memory_space<semaphore_mem>>
      %dma_start3A_842 = arith.constant 0 : i32
      %dma_start3A_843 = tpu.memref_slice %arg10[%add3A_22, %dma_start3A_842] : memref<10240x128xf32, #tpu.memory_space<vmem_shared>> -> memref<128x128xf32, #tpu.memory_space<vmem_shared>>
      %dma_start3A_844 = arith.constant 0 : i32
      %dma_start3A_845 = tpu.memref_slice %arg10[%add3A_22, %dma_start3A_844] : memref<10240x128xf32, #tpu.memory_space<vmem_shared>> -> memref<128x128xf32, #tpu.memory_space<vmem_shared>>
      tpu.enqueue_dma source(%arg6 : memref<128x128xf32, #tpu.memory_space<vmem>>) target(%dma_start3A_845 : memref<128x128xf32, #tpu.memory_space<vmem_shared>>) target_semaphore(%run_scoped3A : memref<!tpu.dma_semaphore, #tpu.memory_space<semaphore_mem>>)
      %dma_wait3A_846 = arith.constant 0 : i32
      %dma_wait3A_847 = tpu.memref_slice %arg10[%add3A_22, %dma_wait3A_846] : memref<10240x128xf32, #tpu.memory_space<vmem_shared>> -> memref<128x128xf32, #tpu.memory_space<vmem_shared>>
      %dma_wait3A_848 = arith.constant 0 : i32
      %dma_wait3A_849 = tpu.memref_slice %arg10[%add3A_22, %dma_wait3A_848] : memref<10240x128xf32, #tpu.memory_space<vmem_shared>> -> memref<128x128xf32, #tpu.memory_space<vmem_shared>>
      tpu.wait_dma2 semaphore(%run_scoped3A : memref<!tpu.dma_semaphore, #tpu.memory_space<semaphore_mem>>) src(%arg6 : memref<128x128xf32, #tpu.memory_space<vmem>>) dst(%dma_wait3A_849 : memref<128x128xf32, #tpu.memory_space<vmem_shared>>)
      tpu.yield
    }) : () -> ()
    "tpu.region"() ({
      %run_scoped3A = tpu.sem_alloc : memref<!tpu.dma_semaphore, #tpu.memory_space<semaphore_mem>>
      %dma_start3A_842 = arith.constant 0 : i32
      %dma_start3A_843 = arith.constant 0 : i32
      %dma_start3A_844 = tpu.memref_slice %arg3[%add3A, %dma_start3A_842, %dma_start3A_843] : memref<32x80x128xi32, #tpu.memory_space<hbm>> -> memref<1x80x128xi32, #tpu.memory_space<hbm>>
      %dma_start3A_845 = tpu.memref_squeeze %dma_start3A_844 : memref<1x80x128xi32, #tpu.memory_space<hbm>> -> memref<80x128xi32, #tpu.memory_space<hbm>>
      %dma_start3A_846 = arith.constant 0 : i32
      %dma_start3A_847 = arith.constant 0 : i32
      %dma_start3A_848 = tpu.memref_slice %arg3[%add3A, %dma_start3A_846, %dma_start3A_847] : memref<32x80x128xi32, #tpu.memory_space<hbm>> -> memref<1x80x128xi32, #tpu.memory_space<hbm>>
      %dma_start3A_849 = tpu.memref_squeeze %dma_start3A_848 : memref<1x80x128xi32, #tpu.memory_space<hbm>> -> memref<80x128xi32, #tpu.memory_space<hbm>>
      tpu.enqueue_dma source(%dma_start3A_849 : memref<80x128xi32, #tpu.memory_space<hbm>>) target(%arg5 : memref<80x128xi32, #tpu.memory_space<vmem>>) target_semaphore(%run_scoped3A : memref<!tpu.dma_semaphore, #tpu.memory_space<semaphore_mem>>)
      %dma_wait3A_850 = arith.constant 0 : i32
      %dma_wait3A_851 = arith.constant 0 : i32
      %dma_wait3A_852 = tpu.memref_slice %arg3[%add3A, %dma_wait3A_850, %dma_wait3A_851] : memref<32x80x128xi32, #tpu.memory_space<hbm>> -> memref<1x80x128xi32, #tpu.memory_space<hbm>>
      %dma_wait3A_853 = tpu.memref_squeeze %dma_wait3A_852 : memref<1x80x128xi32, #tpu.memory_space<hbm>> -> memref<80x128xi32, #tpu.memory_space<hbm>>
      %dma_wait3A_854 = arith.constant 0 : i32
      %dma_wait3A_855 = arith.constant 0 : i32
      %dma_wait3A_856 = tpu.memref_slice %arg3[%add3A, %dma_wait3A_854, %dma_wait3A_855] : memref<32x80x128xi32, #tpu.memory_space<hbm>> -> memref<1x80x128xi32, #tpu.memory_space<hbm>>
      %dma_wait3A_857 = tpu.memref_squeeze %dma_wait3A_856 : memref<1x80x128xi32, #tpu.memory_space<hbm>> -> memref<80x128xi32, #tpu.memory_space<hbm>>
      tpu.wait_dma2 semaphore(%run_scoped3A : memref<!tpu.dma_semaphore, #tpu.memory_space<semaphore_mem>>) src(%dma_wait3A_857 : memref<80x128xi32, #tpu.memory_space<hbm>>) dst(%arg5 : memref<80x128xi32, #tpu.memory_space<vmem>>)
      tpu.yield
    }) : () -> ()
    %barrier3A = arith.constant 0 : index
    tpu.barrier barrier_id(%barrier3A)
    %dma_start3A = arith.constant 0 : i32
    %dma_start3A_23 = arith.constant 0 : i32
    %dma_start3A_24 = tpu.memref_slice %arg5[%dma_start3A, %dma_start3A_23] : memref<80x128xi32, #tpu.memory_space<vmem>> -> memref<1x128xi32, #tpu.memory_space<vmem>>
    %dma_start3A_25 = tpu.memref_squeeze %dma_start3A_24 : memref<1x128xi32, #tpu.memory_space<vmem>> -> memref<128xi32, #tpu.memory_space<vmem>>
    %dma_start3A_26 = arith.constant 0 : i32
    %dma_start3A_27 = arith.constant 0 : i32
    %dma_start3A_28 = tpu.memref_slice %arg10[%dma_start3A_26, %dma_start3A_27] : memref<10240x128xf32, #tpu.memory_space<vmem_shared>> -> memref<10240x128xf32, #tpu.memory_space<vmem_shared>>
    tpu.enqueue_indirect_dma source(%dma_start3A_28 : memref<10240x128xf32, #tpu.memory_space<vmem_shared>>) target(%arg6 : memref<128x128xf32, #tpu.memory_space<vmem>>) offsets(%dma_start3A_25 : memref<128xi32, #tpu.memory_space<vmem>>) semaphore(%arg11 : memref<!tpu.dma_semaphore, #tpu.memory_space<semaphore_mem>>)
    %dma_start3A_29 = arith.constant 1 : i32
    %dma_start3A_30 = arith.constant 0 : i32
    %dma_start3A_31 = tpu.memref_slice %arg5[%dma_start3A_29, %dma_start3A_30] : memref<80x128xi32, #tpu.memory_space<vmem>> -> memref<1x128xi32, #tpu.memory_space<vmem>>
    %dma_start3A_32 = tpu.memref_squeeze %dma_start3A_31 : memref<1x128xi32, #tpu.memory_space<vmem>> -> memref<128xi32, #tpu.memory_space<vmem>>
    %dma_start3A_33 = arith.constant 0 : i32
    %dma_start3A_34 = arith.constant 0 : i32
    %dma_start3A_35 = tpu.memref_slice %arg10[%dma_start3A_33, %dma_start3A_34] : memref<10240x128xf32, #tpu.memory_space<vmem_shared>> -> memref<10240x128xf32, #tpu.memory_space<vmem_shared>>
    tpu.enqueue_indirect_dma source(%dma_start3A_35 : memref<10240x128xf32, #tpu.memory_space<vmem_shared>>) target(%arg7 : memref<128x128xf32, #tpu.memory_space<vmem>>) offsets(%dma_start3A_32 : memref<128xi32, #tpu.memory_space<vmem>>) semaphore(%arg12 : memref<!tpu.dma_semaphore, #tpu.memory_space<semaphore_mem>>)
    %dma_wait3A = arith.constant 0 : i32
    %dma_wait3A_36 = arith.constant 0 : i32
    %dma_wait3A_37 = tpu.memref_slice %arg5[%dma_wait3A, %dma_wait3A_36] : memref<80x128xi32, #tpu.memory_space<vmem>> -> memref<1x128xi32, #tpu.memory_space<vmem>>
    %dma_wait3A_38 = tpu.memref_squeeze %dma_wait3A_37 : memref<1x128xi32, #tpu.memory_space<vmem>> -> memref<128xi32, #tpu.memory_space<vmem>>
    %dma_wait3A_39 = arith.constant 0 : i32
    %dma_wait3A_40 = arith.constant 0 : i32
    %dma_wait3A_41 = tpu.memref_slice %arg10[%dma_wait3A_39, %dma_wait3A_40] : memref<10240x128xf32, #tpu.memory_space<vmem_shared>> -> memref<10240x128xf32, #tpu.memory_space<vmem_shared>>
    tpu.wait_indirect_dma semaphore(%arg11 : memref<!tpu.dma_semaphore, #tpu.memory_space<semaphore_mem>>) src(%dma_wait3A_41 : memref<10240x128xf32, #tpu.memory_space<vmem_shared>>) dst(%arg6 : memref<128x128xf32, #tpu.memory_space<vmem>>)
    %get3A = arith.constant 0 : i32
    %get3A_42 = arith.index_cast %get3A : i32 to index
    %get3A_43 = arith.constant 0 : index
    %get3A_44 = tpu.vector_load %arg6[%get3A_42, %get3A_43] {strides = array<i32>} : memref<128x128xf32, #tpu.memory_space<vmem>>, vector<1x16xf32>,
    %get3A_45 = vector.shape_cast %get3A_44 : vector<1x16xf32> to vector<16xf32>
    %get3A_46 = arith.constant 0 : i32
    %get3A_47 = arith.index_cast %get3A_46 : i32 to index
    %get3A_48 = arith.constant 16 : index
    %get3A_49 = tpu.vector_load %arg6[%get3A_47, %get3A_48] {strides = array<i32>} : memref<128x128xf32, #tpu.memory_space<vmem>>, vector<1x16xf32>,
    %get3A_50 = vector.shape_cast %get3A_49 : vector<1x16xf32> to vector<16xf32>
    %get3A_51 = arith.constant 0 : i32
    %get3A_52 = arith.index_cast %get3A_51 : i32 to index
    %get3A_53 = arith.constant 32 : index
    %get3A_54 = tpu.vector_load %arg6[%get3A_52, %get3A_53] {strides = array<i32>} : memref<128x128xf32, #tpu.memory_space<vmem>>, vector<1x16xf32>,
    %get3A_55 = vector.shape_cast %get3A_54 : vector<1x16xf32> to vector<16xf32>
    %get3A_56 = arith.constant 0 : i32
    %get3A_57 = arith.index_cast %get3A_56 : i32 to index
    %get3A_58 = arith.constant 48 : index
    %get3A_59 = tpu.vector_load %arg6[%get3A_57, %get3A_58] {strides = array<i32>} : memref<128x128xf32, #tpu.memory_space<vmem>>, vector<1x16xf32>,
    %get3A_60 = vector.shape_cast %get3A_59 : vector<1x16xf32> to vector<16xf32>
    %get3A_61 = arith.constant 0 : i32
    %get3A_62 = arith.index_cast %get3A_61 : i32 to index
    %get3A_63 = arith.constant 64 : index
    %get3A_64 = tpu.vector_load %arg6[%get3A_62, %get3A_63] {strides = array<i32>} : memref<128x128xf32, #tpu.memory_space<vmem>>, vector<1x16xf32>,
    %get3A_65 = vector.shape_cast %get3A_64 : vector<1x16xf32> to vector<16xf32>
    %get3A_66 = arith.constant 0 : i32
    %get3A_67 = arith.index_cast %get3A_66 : i32 to index
    %get3A_68 = arith.constant 80 : index
    %get3A_69 = tpu.vector_load %arg6[%get3A_67, %get3A_68] {strides = array<i32>} : memref<128x128xf32, #tpu.memory_space<vmem>>, vector<1x16xf32>,
    %get3A_70 = vector.shape_cast %get3A_69 : vector<1x16xf32> to vector<16xf32>
    %get3A_71 = arith.constant 0 : i32
    %get3A_72 = arith.index_cast %get3A_71 : i32 to index
    %get3A_73 = arith.constant 96 : index
    %get3A_74 = tpu.vector_load %arg6[%get3A_72, %get3A_73] {strides = array<i32>} : memref<128x128xf32, #tpu.memory_space<vmem>>, vector<1x16xf32>,
    %get3A_75 = vector.shape_cast %get3A_74 : vector<1x16xf32> to vector<16xf32>
    %get3A_76 = arith.constant 0 : i32
    %get3A_77 = arith.index_cast %get3A_76 : i32 to index
    %get3A_78 = arith.constant 112 : index
    %get3A_79 = tpu.vector_load %arg6[%get3A_77, %get3A_78] {strides = array<i32>} : memref<128x128xf32, #tpu.memory_space<vmem>>, vector<1x16xf32>,
    %get3A_80 = vector.shape_cast %get3A_79 : vector<1x16xf32> to vector<16xf32>
    %scan3A = arith.constant 1 : i32
    %scan3A_81 = arith.constant 31 : i32
    %scan3A_82 = arith.addi %scan3A, %scan3A_81 : i32
    %scan3A_83 = arith.constant 1 : i32
    %scan3A_84:8 = scf.for %scan3A_842 = %scan3A to %scan3A_82 step %scan3A_83 iter_args(%scan3A_843 = %get3A_45, %scan3A_844 = %get3A_50, %scan3A_845 = %get3A_55, %scan3A_846 = %get3A_60, %scan3A_847 = %get3A_65, %scan3A_848 = %get3A_70, %scan3A_849 = %get3A_75, %scan3A_850 = %get3A_80) -> (vector<16xf32>, vector<16xf32>, vector<16xf32>, vector<16xf32>, vector<16xf32>, vector<16xf32>, vector<16xf32>, vector<16xf32>)  : i32 {
      %add3A_851 = arith.constant 0 : i32
      %add3A_852 = arith.addi %add3A_851, %scan3A_842 : i32
      %get3A_853 = arith.index_cast %add3A_852 : i32 to index
      %get3A_854 = arith.constant 0 : index
      %get3A_855 = tpu.vector_load %arg6[%get3A_853, %get3A_854] {strides = array<i32>} : memref<128x128xf32, #tpu.memory_space<vmem>>, vector<1x16xf32>,
      %get3A_856 = vector.shape_cast %get3A_855 : vector<1x16xf32> to vector<16xf32>
      %add3A_857 = arith.addf %scan3A_843, %get3A_856 : vector<16xf32>
      %add3A_858 = arith.constant 0 : i32
      %add3A_859 = arith.addi %add3A_858, %scan3A_842 : i32
      %get3A_860 = arith.index_cast %add3A_859 : i32 to index
      %get3A_861 = arith.constant 16 : index
      %get3A_862 = tpu.vector_load %arg6[%get3A_860, %get3A_861] {strides = array<i32>} : memref<128x128xf32, #tpu.memory_space<vmem>>, vector<1x16xf32>,
      %get3A_863 = vector.shape_cast %get3A_862 : vector<1x16xf32> to vector<16xf32>
      %add3A_864 = arith.addf %scan3A_844, %get3A_863 : vector<16xf32>
      %add3A_865 = arith.constant 0 : i32
      %add3A_866 = arith.addi %add3A_865, %scan3A_842 : i32
      %get3A_867 = arith.index_cast %add3A_866 : i32 to index
      %get3A_868 = arith.constant 32 : index
      %get3A_869 = tpu.vector_load %arg6[%get3A_867, %get3A_868] {strides = array<i32>} : memref<128x128xf32, #tpu.memory_space<vmem>>, vector<1x16xf32>,
      %get3A_870 = vector.shape_cast %get3A_869 : vector<1x16xf32> to vector<16xf32>
      %add3A_871 = arith.addf %scan3A_845, %get3A_870 : vector<16xf32>
      %add3A_872 = arith.constant 0 : i32
      %add3A_873 = arith.addi %add3A_872, %scan3A_842 : i32
      %get3A_874 = arith.index_cast %add3A_873 : i32 to index
      %get3A_875 = arith.constant 48 : index
      %get3A_876 = tpu.vector_load %arg6[%get3A_874, %get3A_875] {strides = array<i32>} : memref<128x128xf32, #tpu.memory_space<vmem>>, vector<1x16xf32>,
      %get3A_877 = vector.shape_cast %get3A_876 : vector<1x16xf32> to vector<16xf32>
      %add3A_878 = arith.addf %scan3A_846, %get3A_877 : vector<16xf32>
      %add3A_879 = arith.constant 0 : i32
      %add3A_880 = arith.addi %add3A_879, %scan3A_842 : i32
      %get3A_881 = arith.index_cast %add3A_880 : i32 to index
      %get3A_882 = arith.constant 64 : index
      %get3A_883 = tpu.vector_load %arg6[%get3A_881, %get3A_882] {strides = array<i32>} : memref<128x128xf32, #tpu.memory_space<vmem>>, vector<1x16xf32>,
      %get3A_884 = vector.shape_cast %get3A_883 : vector<1x16xf32> to vector<16xf32>
      %add3A_885 = arith.addf %scan3A_847, %get3A_884 : vector<16xf32>
      %add3A_886 = arith.constant 0 : i32
      %add3A_887 = arith.addi %add3A_886, %scan3A_842 : i32
      %get3A_888 = arith.index_cast %add3A_887 : i32 to index
      %get3A_889 = arith.constant 80 : index
      %get3A_890 = tpu.vector_load %arg6[%get3A_888, %get3A_889] {strides = array<i32>} : memref<128x128xf32, #tpu.memory_space<vmem>>, vector<1x16xf32>,
      %get3A_891 = vector.shape_cast %get3A_890 : vector<1x16xf32> to vector<16xf32>
      %add3A_892 = arith.addf %scan3A_848, %get3A_891 : vector<16xf32>
      %add3A_893 = arith.constant 0 : i32
      %add3A_894 = arith.addi %add3A_893, %scan3A_842 : i32
      %get3A_895 = arith.index_cast %add3A_894 : i32 to index
      %get3A_896 = arith.constant 96 : index
      %get3A_897 = tpu.vector_load %arg6[%get3A_895, %get3A_896] {strides = array<i32>} : memref<128x128xf32, #tpu.memory_space<vmem>>, vector<1x16xf32>,
      %get3A_898 = vector.shape_cast %get3A_897 : vector<1x16xf32> to vector<16xf32>
      %add3A_899 = arith.addf %scan3A_849, %get3A_898 : vector<16xf32>
      %add3A_900 = arith.constant 0 : i32
      %add3A_901 = arith.addi %add3A_900, %scan3A_842 : i32
      %get3A_902 = arith.index_cast %add3A_901 : i32 to index
      %get3A_903 = arith.constant 112 : index
      %get3A_904 = tpu.vector_load %arg6[%get3A_902, %get3A_903] {strides = array<i32>} : memref<128x128xf32, #tpu.memory_space<vmem>>, vector<1x16xf32>,
      %get3A_905 = vector.shape_cast %get3A_904 : vector<1x16xf32> to vector<16xf32>
      %add3A_906 = arith.addf %scan3A_850, %get3A_905 : vector<16xf32>
      scf.yield %add3A_857, %add3A_864, %add3A_871, %add3A_878, %add3A_885, %add3A_892, %add3A_899, %add3A_906 : vector<16xf32>, vector<16xf32>, vector<16xf32>, vector<16xf32>, vector<16xf32>, vector<16xf32>, vector<16xf32>, vector<16xf32>
    }
    %scan3A_85 = arith.constant 31 : i32
    %swap3A = arith.constant 0 : i32
    %swap3A_86 = arith.index_cast %swap3A : i32 to index
    %swap3A_87 = arith.constant 0 : index
    %swap3A_88 = tpu.vector_load %arg8[%swap3A_86, %swap3A_87] {strides = array<i32>} : memref<4x128xf32, #tpu.memory_space<vmem>>, vector<1x16xf32>,
    %swap3A_89 = vector.shape_cast %swap3A_88 : vector<1x16xf32> to vector<16xf32>
    %swap3A_90 = vector.shape_cast %scan3A_84#0 : vector<16xf32> to vector<1x16xf32>
    tpu.vector_store %arg8[%swap3A_86, %swap3A_87], %swap3A_90 {strides = array<i32>} : memref<4x128xf32, #tpu.memory_space<vmem>>, vector<1x16xf32>,
    %swap3A_91 = arith.constant 0 : i32
    %swap3A_92 = arith.index_cast %swap3A_91 : i32 to index
    %swap3A_93 = arith.constant 16 : index
    %swap3A_94 = tpu.vector_load %arg8[%swap3A_92, %swap3A_93] {strides = array<i32>} : memref<4x128xf32, #tpu.memory_space<vmem>>, vector<1x16xf32>,
    %swap3A_95 = vector.shape_cast %swap3A_94 : vector<1x16xf32> to vector<16xf32>
    %swap3A_96 = vector.shape_cast %scan3A_84#1 : vector<16xf32> to vector<1x16xf32>
    tpu.vector_store %arg8[%swap3A_92, %swap3A_93], %swap3A_96 {strides = array<i32>} : memref<4x128xf32, #tpu.memory_space<vmem>>, vector<1x16xf32>,
    %swap3A_97 = arith.constant 0 : i32
    %swap3A_98 = arith.index_cast %swap3A_97 : i32 to index
    %swap3A_99 = arith.constant 32 : index
    %swap3A_100 = tpu.vector_load %arg8[%swap3A_98, %swap3A_99] {strides = array<i32>} : memref<4x128xf32, #tpu.memory_space<vmem>>, vector<1x16xf32>,
    %swap3A_101 = vector.shape_cast %swap3A_100 : vector<1x16xf32> to vector<16xf32>
    %swap3A_102 = vector.shape_cast %scan3A_84#2 : vector<16xf32> to vector<1x16xf32>
    tpu.vector_store %arg8[%swap3A_98, %swap3A_99], %swap3A_102 {strides = array<i32>} : memref<4x128xf32, #tpu.memory_space<vmem>>, vector<1x16xf32>,
    %swap3A_103 = arith.constant 0 : i32
    %swap3A_104 = arith.index_cast %swap3A_103 : i32 to index
    %swap3A_105 = arith.constant 48 : index
    %swap3A_106 = tpu.vector_load %arg8[%swap3A_104, %swap3A_105] {strides = array<i32>} : memref<4x128xf32, #tpu.memory_space<vmem>>, vector<1x16xf32>,
    %swap3A_107 = vector.shape_cast %swap3A_106 : vector<1x16xf32> to vector<16xf32>
    %swap3A_108 = vector.shape_cast %scan3A_84#3 : vector<16xf32> to vector<1x16xf32>
    tpu.vector_store %arg8[%swap3A_104, %swap3A_105], %swap3A_108 {strides = array<i32>} : memref<4x128xf32, #tpu.memory_space<vmem>>, vector<1x16xf32>,
    %swap3A_109 = arith.constant 0 : i32
    %swap3A_110 = arith.index_cast %swap3A_109 : i32 to index
    %swap3A_111 = arith.constant 64 : index
    %swap3A_112 = tpu.vector_load %arg8[%swap3A_110, %swap3A_111] {strides = array<i32>} : memref<4x128xf32, #tpu.memory_space<vmem>>, vector<1x16xf32>,
    %swap3A_113 = vector.shape_cast %swap3A_112 : vector<1x16xf32> to vector<16xf32>
    %swap3A_114 = vector.shape_cast %scan3A_84#4 : vector<16xf32> to vector<1x16xf32>
    tpu.vector_store %arg8[%swap3A_110, %swap3A_111], %swap3A_114 {strides = array<i32>} : memref<4x128xf32, #tpu.memory_space<vmem>>, vector<1x16xf32>,
    %swap3A_115 = arith.constant 0 : i32
    %swap3A_116 = arith.index_cast %swap3A_115 : i32 to index
    %swap3A_117 = arith.constant 80 : index
    %swap3A_118 = tpu.vector_load %arg8[%swap3A_116, %swap3A_117] {strides = array<i32>} : memref<4x128xf32, #tpu.memory_space<vmem>>, vector<1x16xf32>,
    %swap3A_119 = vector.shape_cast %swap3A_118 : vector<1x16xf32> to vector<16xf32>
    %swap3A_120 = vector.shape_cast %scan3A_84#5 : vector<16xf32> to vector<1x16xf32>
    tpu.vector_store %arg8[%swap3A_116, %swap3A_117], %swap3A_120 {strides = array<i32>} : memref<4x128xf32, #tpu.memory_space<vmem>>, vector<1x16xf32>,
    %swap3A_121 = arith.constant 0 : i32
    %swap3A_122 = arith.index_cast %swap3A_121 : i32 to index
    %swap3A_123 = arith.constant 96 : index
    %swap3A_124 = tpu.vector_load %arg8[%swap3A_122, %swap3A_123] {strides = array<i32>} : memref<4x128xf32, #tpu.memory_space<vmem>>, vector<1x16xf32>,
    %swap3A_125 = vector.shape_cast %swap3A_124 : vector<1x16xf32> to vector<16xf32>
    %swap3A_126 = vector.shape_cast %scan3A_84#6 : vector<16xf32> to vector<1x16xf32>
    tpu.vector_store %arg8[%swap3A_122, %swap3A_123], %swap3A_126 {strides = array<i32>} : memref<4x128xf32, #tpu.memory_space<vmem>>, vector<1x16xf32>,
    %swap3A_127 = arith.constant 0 : i32
    %swap3A_128 = arith.index_cast %swap3A_127 : i32 to index
    %swap3A_129 = arith.constant 112 : index
    %swap3A_130 = tpu.vector_load %arg8[%swap3A_128, %swap3A_129] {strides = array<i32>} : memref<4x128xf32, #tpu.memory_space<vmem>>, vector<1x16xf32>,
    %swap3A_131 = vector.shape_cast %swap3A_130 : vector<1x16xf32> to vector<16xf32>
    %swap3A_132 = vector.shape_cast %scan3A_84#7 : vector<16xf32> to vector<1x16xf32>
    tpu.vector_store %arg8[%swap3A_128, %swap3A_129], %swap3A_132 {strides = array<i32>} : memref<4x128xf32, #tpu.memory_space<vmem>>, vector<1x16xf32>,
    %get3A_133 = arith.constant 32 : i32
    %get3A_134 = arith.index_cast %get3A_133 : i32 to index
    %get3A_135 = arith.constant 0 : index
    %get3A_136 = tpu.vector_load %arg6[%get3A_134, %get3A_135] {strides = array<i32>} : memref<128x128xf32, #tpu.memory_space<vmem>>, vector<1x16xf32>,
    %get3A_137 = vector.shape_cast %get3A_136 : vector<1x16xf32> to vector<16xf32>
    %get3A_138 = arith.constant 32 : i32
    %get3A_139 = arith.index_cast %get3A_138 : i32 to index
    %get3A_140 = arith.constant 16 : index
    %get3A_141 = tpu.vector_load %arg6[%get3A_139, %get3A_140] {strides = array<i32>} : memref<128x128xf32, #tpu.memory_space<vmem>>, vector<1x16xf32>,
    %get3A_142 = vector.shape_cast %get3A_141 : vector<1x16xf32> to vector<16xf32>
    %get3A_143 = arith.constant 32 : i32
    %get3A_144 = arith.index_cast %get3A_143 : i32 to index
    %get3A_145 = arith.constant 32 : index
    %get3A_146 = tpu.vector_load %arg6[%get3A_144, %get3A_145] {strides = array<i32>} : memref<128x128xf32, #tpu.memory_space<vmem>>, vector<1x16xf32>,
    %get3A_147 = vector.shape_cast %get3A_146 : vector<1x16xf32> to vector<16xf32>
    %get3A_148 = arith.constant 32 : i32
    %get3A_149 = arith.index_cast %get3A_148 : i32 to index
    %get3A_150 = arith.constant 48 : index
    %get3A_151 = tpu.vector_load %arg6[%get3A_149, %get3A_150] {strides = array<i32>} : memref<128x128xf32, #tpu.memory_space<vmem>>, vector<1x16xf32>,
    %get3A_152 = vector.shape_cast %get3A_151 : vector<1x16xf32> to vector<16xf32>
    %get3A_153 = arith.constant 32 : i32
    %get3A_154 = arith.index_cast %get3A_153 : i32 to index
    %get3A_155 = arith.constant 64 : index
    %get3A_156 = tpu.vector_load %arg6[%get3A_154, %get3A_155] {strides = array<i32>} : memref<128x128xf32, #tpu.memory_space<vmem>>, vector<1x16xf32>,
    %get3A_157 = vector.shape_cast %get3A_156 : vector<1x16xf32> to vector<16xf32>
    %get3A_158 = arith.constant 32 : i32
    %get3A_159 = arith.index_cast %get3A_158 : i32 to index
    %get3A_160 = arith.constant 80 : index
    %get3A_161 = tpu.vector_load %arg6[%get3A_159, %get3A_160] {strides = array<i32>} : memref<128x128xf32, #tpu.memory_space<vmem>>, vector<1x16xf32>,
    %get3A_162 = vector.shape_cast %get3A_161 : vector<1x16xf32> to vector<16xf32>
    %get3A_163 = arith.constant 32 : i32
    %get3A_164 = arith.index_cast %get3A_163 : i32 to index
    %get3A_165 = arith.constant 96 : index
    %get3A_166 = tpu.vector_load %arg6[%get3A_164, %get3A_165] {strides = array<i32>} : memref<128x128xf32, #tpu.memory_space<vmem>>, vector<1x16xf32>,
    %get3A_167 = vector.shape_cast %get3A_166 : vector<1x16xf32> to vector<16xf32>
    %get3A_168 = arith.constant 32 : i32
    %get3A_169 = arith.index_cast %get3A_168 : i32 to index
    %get3A_170 = arith.constant 112 : index
    %get3A_171 = tpu.vector_load %arg6[%get3A_169, %get3A_170] {strides = array<i32>} : memref<128x128xf32, #tpu.memory_space<vmem>>, vector<1x16xf32>,
    %get3A_172 = vector.shape_cast %get3A_171 : vector<1x16xf32> to vector<16xf32>
    %scan3A_173 = arith.constant 1 : i32
    %scan3A_174 = arith.constant 31 : i32
    %scan3A_175 = arith.addi %scan3A_173, %scan3A_174 : i32
    %scan3A_176 = arith.constant 1 : i32
    %scan3A_177:8 = scf.for %scan3A_842 = %scan3A_173 to %scan3A_175 step %scan3A_176 iter_args(%scan3A_843 = %get3A_137, %scan3A_844 = %get3A_142, %scan3A_845 = %get3A_147, %scan3A_846 = %get3A_152, %scan3A_847 = %get3A_157, %scan3A_848 = %get3A_162, %scan3A_849 = %get3A_167, %scan3A_850 = %get3A_172) -> (vector<16xf32>, vector<16xf32>, vector<16xf32>, vector<16xf32>, vector<16xf32>, vector<16xf32>, vector<16xf32>, vector<16xf32>)  : i32 {
      %add3A_851 = arith.constant 32 : i32
      %add3A_852 = arith.addi %add3A_851, %scan3A_842 : i32
      %get3A_853 = arith.index_cast %add3A_852 : i32 to index
      %get3A_854 = arith.constant 0 : index
      %get3A_855 = tpu.vector_load %arg6[%get3A_853, %get3A_854] {strides = array<i32>} : memref<128x128xf32, #tpu.memory_space<vmem>>, vector<1x16xf32>,
      %get3A_856 = vector.shape_cast %get3A_855 : vector<1x16xf32> to vector<16xf32>
      %add3A_857 = arith.addf %scan3A_843, %get3A_856 : vector<16xf32>
      %add3A_858 = arith.constant 32 : i32
      %add3A_859 = arith.addi %add3A_858, %scan3A_842 : i32
      %get3A_860 = arith.index_cast %add3A_859 : i32 to index
      %get3A_861 = arith.constant 16 : index
      %get3A_862 = tpu.vector_load %arg6[%get3A_860, %get3A_861] {strides = array<i32>} : memref<128x128xf32, #tpu.memory_space<vmem>>, vector<1x16xf32>,
      %get3A_863 = vector.shape_cast %get3A_862 : vector<1x16xf32> to vector<16xf32>
      %add3A_864 = arith.addf %scan3A_844, %get3A_863 : vector<16xf32>
      %add3A_865 = arith.constant 32 : i32
      %add3A_866 = arith.addi %add3A_865, %scan3A_842 : i32
      %get3A_867 = arith.index_cast %add3A_866 : i32 to index
      %get3A_868 = arith.constant 32 : index
      %get3A_869 = tpu.vector_load %arg6[%get3A_867, %get3A_868] {strides = array<i32>} : memref<128x128xf32, #tpu.memory_space<vmem>>, vector<1x16xf32>,
      %get3A_870 = vector.shape_cast %get3A_869 : vector<1x16xf32> to vector<16xf32>
      %add3A_871 = arith.addf %scan3A_845, %get3A_870 : vector<16xf32>
      %add3A_872 = arith.constant 32 : i32
      %add3A_873 = arith.addi %add3A_872, %scan3A_842 : i32
      %get3A_874 = arith.index_cast %add3A_873 : i32 to index
      %get3A_875 = arith.constant 48 : index
      %get3A_876 = tpu.vector_load %arg6[%get3A_874, %get3A_875] {strides = array<i32>} : memref<128x128xf32, #tpu.memory_space<vmem>>, vector<1x16xf32>,
      %get3A_877 = vector.shape_cast %get3A_876 : vector<1x16xf32> to vector<16xf32>
      %add3A_878 = arith.addf %scan3A_846, %get3A_877 : vector<16xf32>
      %add3A_879 = arith.constant 32 : i32
      %add3A_880 = arith.addi %add3A_879, %scan3A_842 : i32
      %get3A_881 = arith.index_cast %add3A_880 : i32 to index
      %get3A_882 = arith.constant 64 : index
      %get3A_883 = tpu.vector_load %arg6[%get3A_881, %get3A_882] {strides = array<i32>} : memref<128x128xf32, #tpu.memory_space<vmem>>, vector<1x16xf32>,
      %get3A_884 = vector.shape_cast %get3A_883 : vector<1x16xf32> to vector<16xf32>
      %add3A_885 = arith.addf %scan3A_847, %get3A_884 : vector<16xf32>
      %add3A_886 = arith.constant 32 : i32
      %add3A_887 = arith.addi %add3A_886, %scan3A_842 : i32
      %get3A_888 = arith.index_cast %add3A_887 : i32 to index
      %get3A_889 = arith.constant 80 : index
      %get3A_890 = tpu.vector_load %arg6[%get3A_888, %get3A_889] {strides = array<i32>} : memref<128x128xf32, #tpu.memory_space<vmem>>, vector<1x16xf32>,
      %get3A_891 = vector.shape_cast %get3A_890 : vector<1x16xf32> to vector<16xf32>
      %add3A_892 = arith.addf %scan3A_848, %get3A_891 : vector<16xf32>
      %add3A_893 = arith.constant 32 : i32
      %add3A_894 = arith.addi %add3A_893, %scan3A_842 : i32
      %get3A_895 = arith.index_cast %add3A_894 : i32 to index
      %get3A_896 = arith.constant 96 : index
      %get3A_897 = tpu.vector_load %arg6[%get3A_895, %get3A_896] {strides = array<i32>} : memref<128x128xf32, #tpu.memory_space<vmem>>, vector<1x16xf32>,
      %get3A_898 = vector.shape_cast %get3A_897 : vector<1x16xf32> to vector<16xf32>
      %add3A_899 = arith.addf %scan3A_849, %get3A_898 : vector<16xf32>
      %add3A_900 = arith.constant 32 : i32
      %add3A_901 = arith.addi %add3A_900, %scan3A_842 : i32
      %get3A_902 = arith.index_cast %add3A_901 : i32 to index
      %get3A_903 = arith.constant 112 : index
      %get3A_904 = tpu.vector_load %arg6[%get3A_902, %get3A_903] {strides = array<i32>} : memref<128x128xf32, #tpu.memory_space<vmem>>, vector<1x16xf32>,
      %get3A_905 = vector.shape_cast %get3A_904 : vector<1x16xf32> to vector<16xf32>
      %add3A_906 = arith.addf %scan3A_850, %get3A_905 : vector<16xf32>
      scf.yield %add3A_857, %add3A_864, %add3A_871, %add3A_878, %add3A_885, %add3A_892, %add3A_899, %add3A_906 : vector<16xf32>, vector<16xf32>, vector<16xf32>, vector<16xf32>, vector<16xf32>, vector<16xf32>, vector<16xf32>, vector<16xf32>
    }
    %scan3A_178 = arith.constant 31 : i32
    %swap3A_179 = arith.constant 1 : i32
    %swap3A_180 = arith.index_cast %swap3A_179 : i32 to index
    %swap3A_181 = arith.constant 0 : index
    %swap3A_182 = tpu.vector_load %arg8[%swap3A_180, %swap3A_181] {strides = array<i32>} : memref<4x128xf32, #tpu.memory_space<vmem>>, vector<1x16xf32>,
    %swap3A_183 = vector.shape_cast %swap3A_182 : vector<1x16xf32> to vector<16xf32>
    %swap3A_184 = vector.shape_cast %scan3A_177#0 : vector<16xf32> to vector<1x16xf32>
    tpu.vector_store %arg8[%swap3A_180, %swap3A_181], %swap3A_184 {strides = array<i32>} : memref<4x128xf32, #tpu.memory_space<vmem>>, vector<1x16xf32>,
    %swap3A_185 = arith.constant 1 : i32
    %swap3A_186 = arith.index_cast %swap3A_185 : i32 to index
    %swap3A_187 = arith.constant 16 : index
    %swap3A_188 = tpu.vector_load %arg8[%swap3A_186, %swap3A_187] {strides = array<i32>} : memref<4x128xf32, #tpu.memory_space<vmem>>, vector<1x16xf32>,
    %swap3A_189 = vector.shape_cast %swap3A_188 : vector<1x16xf32> to vector<16xf32>
    %swap3A_190 = vector.shape_cast %scan3A_177#1 : vector<16xf32> to vector<1x16xf32>
    tpu.vector_store %arg8[%swap3A_186, %swap3A_187], %swap3A_190 {strides = array<i32>} : memref<4x128xf32, #tpu.memory_space<vmem>>, vector<1x16xf32>,
    %swap3A_191 = arith.constant 1 : i32
    %swap3A_192 = arith.index_cast %swap3A_191 : i32 to index
    %swap3A_193 = arith.constant 32 : index
    %swap3A_194 = tpu.vector_load %arg8[%swap3A_192, %swap3A_193] {strides = array<i32>} : memref<4x128xf32, #tpu.memory_space<vmem>>, vector<1x16xf32>,
    %swap3A_195 = vector.shape_cast %swap3A_194 : vector<1x16xf32> to vector<16xf32>
    %swap3A_196 = vector.shape_cast %scan3A_177#2 : vector<16xf32> to vector<1x16xf32>
    tpu.vector_store %arg8[%swap3A_192, %swap3A_193], %swap3A_196 {strides = array<i32>} : memref<4x128xf32, #tpu.memory_space<vmem>>, vector<1x16xf32>,
    %swap3A_197 = arith.constant 1 : i32
    %swap3A_198 = arith.index_cast %swap3A_197 : i32 to index
    %swap3A_199 = arith.constant 48 : index
    %swap3A_200 = tpu.vector_load %arg8[%swap3A_198, %swap3A_199] {strides = array<i32>} : memref<4x128xf32, #tpu.memory_space<vmem>>, vector<1x16xf32>,
    %swap3A_201 = vector.shape_cast %swap3A_200 : vector<1x16xf32> to vector<16xf32>
    %swap3A_202 = vector.shape_cast %scan3A_177#3 : vector<16xf32> to vector<1x16xf32>
    tpu.vector_store %arg8[%swap3A_198, %swap3A_199], %swap3A_202 {strides = array<i32>} : memref<4x128xf32, #tpu.memory_space<vmem>>, vector<1x16xf32>,
    %swap3A_203 = arith.constant 1 : i32
    %swap3A_204 = arith.index_cast %swap3A_203 : i32 to index
    %swap3A_205 = arith.constant 64 : index
    %swap3A_206 = tpu.vector_load %arg8[%swap3A_204, %swap3A_205] {strides = array<i32>} : memref<4x128xf32, #tpu.memory_space<vmem>>, vector<1x16xf32>,
    %swap3A_207 = vector.shape_cast %swap3A_206 : vector<1x16xf32> to vector<16xf32>
    %swap3A_208 = vector.shape_cast %scan3A_177#4 : vector<16xf32> to vector<1x16xf32>
    tpu.vector_store %arg8[%swap3A_204, %swap3A_205], %swap3A_208 {strides = array<i32>} : memref<4x128xf32, #tpu.memory_space<vmem>>, vector<1x16xf32>,
    %swap3A_209 = arith.constant 1 : i32
    %swap3A_210 = arith.index_cast %swap3A_209 : i32 to index
    %swap3A_211 = arith.constant 80 : index
    %swap3A_212 = tpu.vector_load %arg8[%swap3A_210, %swap3A_211] {strides = array<i32>} : memref<4x128xf32, #tpu.memory_space<vmem>>, vector<1x16xf32>,
    %swap3A_213 = vector.shape_cast %swap3A_212 : vector<1x16xf32> to vector<16xf32>
    %swap3A_214 = vector.shape_cast %scan3A_177#5 : vector<16xf32> to vector<1x16xf32>
    tpu.vector_store %arg8[%swap3A_210, %swap3A_211], %swap3A_214 {strides = array<i32>} : memref<4x128xf32, #tpu.memory_space<vmem>>, vector<1x16xf32>,
    %swap3A_215 = arith.constant 1 : i32
    %swap3A_216 = arith.index_cast %swap3A_215 : i32 to index
    %swap3A_217 = arith.constant 96 : index
    %swap3A_218 = tpu.vector_load %arg8[%swap3A_216, %swap3A_217] {strides = array<i32>} : memref<4x128xf32, #tpu.memory_space<vmem>>, vector<1x16xf32>,
    %swap3A_219 = vector.shape_cast %swap3A_218 : vector<1x16xf32> to vector<16xf32>
    %swap3A_220 = vector.shape_cast %scan3A_177#6 : vector<16xf32> to vector<1x16xf32>
    tpu.vector_store %arg8[%swap3A_216, %swap3A_217], %swap3A_220 {strides = array<i32>} : memref<4x128xf32, #tpu.memory_space<vmem>>, vector<1x16xf32>,
    %swap3A_221 = arith.constant 1 : i32
    %swap3A_222 = arith.index_cast %swap3A_221 : i32 to index
    %swap3A_223 = arith.constant 112 : index
    %swap3A_224 = tpu.vector_load %arg8[%swap3A_222, %swap3A_223] {strides = array<i32>} : memref<4x128xf32, #tpu.memory_space<vmem>>, vector<1x16xf32>,
    %swap3A_225 = vector.shape_cast %swap3A_224 : vector<1x16xf32> to vector<16xf32>
    %swap3A_226 = vector.shape_cast %scan3A_177#7 : vector<16xf32> to vector<1x16xf32>
    tpu.vector_store %arg8[%swap3A_222, %swap3A_223], %swap3A_226 {strides = array<i32>} : memref<4x128xf32, #tpu.memory_space<vmem>>, vector<1x16xf32>,
    %get3A_227 = arith.constant 64 : i32
    %get3A_228 = arith.index_cast %get3A_227 : i32 to index
    %get3A_229 = arith.constant 0 : index
    %get3A_230 = tpu.vector_load %arg6[%get3A_228, %get3A_229] {strides = array<i32>} : memref<128x128xf32, #tpu.memory_space<vmem>>, vector<1x16xf32>,
    %get3A_231 = vector.shape_cast %get3A_230 : vector<1x16xf32> to vector<16xf32>
    %get3A_232 = arith.constant 64 : i32
    %get3A_233 = arith.index_cast %get3A_232 : i32 to index
    %get3A_234 = arith.constant 16 : index
    %get3A_235 = tpu.vector_load %arg6[%get3A_233, %get3A_234] {strides = array<i32>} : memref<128x128xf32, #tpu.memory_space<vmem>>, vector<1x16xf32>,
    %get3A_236 = vector.shape_cast %get3A_235 : vector<1x16xf32> to vector<16xf32>
    %get3A_237 = arith.constant 64 : i32
    %get3A_238 = arith.index_cast %get3A_237 : i32 to index
    %get3A_239 = arith.constant 32 : index
    %get3A_240 = tpu.vector_load %arg6[%get3A_238, %get3A_239] {strides = array<i32>} : memref<128x128xf32, #tpu.memory_space<vmem>>, vector<1x16xf32>,
    %get3A_241 = vector.shape_cast %get3A_240 : vector<1x16xf32> to vector<16xf32>
    %get3A_242 = arith.constant 64 : i32
    %get3A_243 = arith.index_cast %get3A_242 : i32 to index
    %get3A_244 = arith.constant 48 : index
    %get3A_245 = tpu.vector_load %arg6[%get3A_243, %get3A_244] {strides = array<i32>} : memref<128x128xf32, #tpu.memory_space<vmem>>, vector<1x16xf32>,
    %get3A_246 = vector.shape_cast %get3A_245 : vector<1x16xf32> to vector<16xf32>
    %get3A_247 = arith.constant 64 : i32
    %get3A_248 = arith.index_cast %get3A_247 : i32 to index
    %get3A_249 = arith.constant 64 : index
    %get3A_250 = tpu.vector_load %arg6[%get3A_248, %get3A_249] {strides = array<i32>} : memref<128x128xf32, #tpu.memory_space<vmem>>, vector<1x16xf32>,
    %get3A_251 = vector.shape_cast %get3A_250 : vector<1x16xf32> to vector<16xf32>
    %get3A_252 = arith.constant 64 : i32
    %get3A_253 = arith.index_cast %get3A_252 : i32 to index
    %get3A_254 = arith.constant 80 : index
    %get3A_255 = tpu.vector_load %arg6[%get3A_253, %get3A_254] {strides = array<i32>} : memref<128x128xf32, #tpu.memory_space<vmem>>, vector<1x16xf32>,
    %get3A_256 = vector.shape_cast %get3A_255 : vector<1x16xf32> to vector<16xf32>
    %get3A_257 = arith.constant 64 : i32
    %get3A_258 = arith.index_cast %get3A_257 : i32 to index
    %get3A_259 = arith.constant 96 : index
    %get3A_260 = tpu.vector_load %arg6[%get3A_258, %get3A_259] {strides = array<i32>} : memref<128x128xf32, #tpu.memory_space<vmem>>, vector<1x16xf32>,
    %get3A_261 = vector.shape_cast %get3A_260 : vector<1x16xf32> to vector<16xf32>
    %get3A_262 = arith.constant 64 : i32
    %get3A_263 = arith.index_cast %get3A_262 : i32 to index
    %get3A_264 = arith.constant 112 : index
    %get3A_265 = tpu.vector_load %arg6[%get3A_263, %get3A_264] {strides = array<i32>} : memref<128x128xf32, #tpu.memory_space<vmem>>, vector<1x16xf32>,
    %get3A_266 = vector.shape_cast %get3A_265 : vector<1x16xf32> to vector<16xf32>
    %scan3A_267 = arith.constant 1 : i32
    %scan3A_268 = arith.constant 31 : i32
    %scan3A_269 = arith.addi %scan3A_267, %scan3A_268 : i32
    %scan3A_270 = arith.constant 1 : i32
    %scan3A_271:8 = scf.for %scan3A_842 = %scan3A_267 to %scan3A_269 step %scan3A_270 iter_args(%scan3A_843 = %get3A_231, %scan3A_844 = %get3A_236, %scan3A_845 = %get3A_241, %scan3A_846 = %get3A_246, %scan3A_847 = %get3A_251, %scan3A_848 = %get3A_256, %scan3A_849 = %get3A_261, %scan3A_850 = %get3A_266) -> (vector<16xf32>, vector<16xf32>, vector<16xf32>, vector<16xf32>, vector<16xf32>, vector<16xf32>, vector<16xf32>, vector<16xf32>)  : i32 {
      %add3A_851 = arith.constant 64 : i32
      %add3A_852 = arith.addi %add3A_851, %scan3A_842 : i32
      %get3A_853 = arith.index_cast %add3A_852 : i32 to index
      %get3A_854 = arith.constant 0 : index
      %get3A_855 = tpu.vector_load %arg6[%get3A_853, %get3A_854] {strides = array<i32>} : memref<128x128xf32, #tpu.memory_space<vmem>>, vector<1x16xf32>,
      %get3A_856 = vector.shape_cast %get3A_855 : vector<1x16xf32> to vector<16xf32>
      %add3A_857 = arith.addf %scan3A_843, %get3A_856 : vector<16xf32>
      %add3A_858 = arith.constant 64 : i32
      %add3A_859 = arith.addi %add3A_858, %scan3A_842 : i32
      %get3A_860 = arith.index_cast %add3A_859 : i32 to index
      %get3A_861 = arith.constant 16 : index
      %get3A_862 = tpu.vector_load %arg6[%get3A_860, %get3A_861] {strides = array<i32>} : memref<128x128xf32, #tpu.memory_space<vmem>>, vector<1x16xf32>,
      %get3A_863 = vector.shape_cast %get3A_862 : vector<1x16xf32> to vector<16xf32>
      %add3A_864 = arith.addf %scan3A_844, %get3A_863 : vector<16xf32>
      %add3A_865 = arith.constant 64 : i32
      %add3A_866 = arith.addi %add3A_865, %scan3A_842 : i32
      %get3A_867 = arith.index_cast %add3A_866 : i32 to index
      %get3A_868 = arith.constant 32 : index
      %get3A_869 = tpu.vector_load %arg6[%get3A_867, %get3A_868] {strides = array<i32>} : memref<128x128xf32, #tpu.memory_space<vmem>>, vector<1x16xf32>,
      %get3A_870 = vector.shape_cast %get3A_869 : vector<1x16xf32> to vector<16xf32>
      %add3A_871 = arith.addf %scan3A_845, %get3A_870 : vector<16xf32>
      %add3A_872 = arith.constant 64 : i32
      %add3A_873 = arith.addi %add3A_872, %scan3A_842 : i32
      %get3A_874 = arith.index_cast %add3A_873 : i32 to index
      %get3A_875 = arith.constant 48 : index
      %get3A_876 = tpu.vector_load %arg6[%get3A_874, %get3A_875] {strides = array<i32>} : memref<128x128xf32, #tpu.memory_space<vmem>>, vector<1x16xf32>,
      %get3A_877 = vector.shape_cast %get3A_876 : vector<1x16xf32> to vector<16xf32>
      %add3A_878 = arith.addf %scan3A_846, %get3A_877 : vector<16xf32>
      %add3A_879 = arith.constant 64 : i32
      %add3A_880 = arith.addi %add3A_879, %scan3A_842 : i32
      %get3A_881 = arith.index_cast %add3A_880 : i32 to index
      %get3A_882 = arith.constant 64 : index
      %get3A_883 = tpu.vector_load %arg6[%get3A_881, %get3A_882] {strides = array<i32>} : memref<128x128xf32, #tpu.memory_space<vmem>>, vector<1x16xf32>,
      %get3A_884 = vector.shape_cast %get3A_883 : vector<1x16xf32> to vector<16xf32>
      %add3A_885 = arith.addf %scan3A_847, %get3A_884 : vector<16xf32>
      %add3A_886 = arith.constant 64 : i32
      %add3A_887 = arith.addi %add3A_886, %scan3A_842 : i32
      %get3A_888 = arith.index_cast %add3A_887 : i32 to index
      %get3A_889 = arith.constant 80 : index
      %get3A_890 = tpu.vector_load %arg6[%get3A_888, %get3A_889] {strides = array<i32>} : memref<128x128xf32, #tpu.memory_space<vmem>>, vector<1x16xf32>,
      %get3A_891 = vector.shape_cast %get3A_890 : vector<1x16xf32> to vector<16xf32>
      %add3A_892 = arith.addf %scan3A_848, %get3A_891 : vector<16xf32>
      %add3A_893 = arith.constant 64 : i32
      %add3A_894 = arith.addi %add3A_893, %scan3A_842 : i32
      %get3A_895 = arith.index_cast %add3A_894 : i32 to index
      %get3A_896 = arith.constant 96 : index
      %get3A_897 = tpu.vector_load %arg6[%get3A_895, %get3A_896] {strides = array<i32>} : memref<128x128xf32, #tpu.memory_space<vmem>>, vector<1x16xf32>,
      %get3A_898 = vector.shape_cast %get3A_897 : vector<1x16xf32> to vector<16xf32>
      %add3A_899 = arith.addf %scan3A_849, %get3A_898 : vector<16xf32>
      %add3A_900 = arith.constant 64 : i32
      %add3A_901 = arith.addi %add3A_900, %scan3A_842 : i32
      %get3A_902 = arith.index_cast %add3A_901 : i32 to index
      %get3A_903 = arith.constant 112 : index
      %get3A_904 = tpu.vector_load %arg6[%get3A_902, %get3A_903] {strides = array<i32>} : memref<128x128xf32, #tpu.memory_space<vmem>>, vector<1x16xf32>,
      %get3A_905 = vector.shape_cast %get3A_904 : vector<1x16xf32> to vector<16xf32>
      %add3A_906 = arith.addf %scan3A_850, %get3A_905 : vector<16xf32>
      scf.yield %add3A_857, %add3A_864, %add3A_871, %add3A_878, %add3A_885, %add3A_892, %add3A_899, %add3A_906 : vector<16xf32>, vector<16xf32>, vector<16xf32>, vector<16xf32>, vector<16xf32>, vector<16xf32>, vector<16xf32>, vector<16xf32>
    }
    %scan3A_272 = arith.constant 31 : i32
    %swap3A_273 = arith.constant 2 : i32
    %swap3A_274 = arith.index_cast %swap3A_273 : i32 to index
    %swap3A_275 = arith.constant 0 : index
    %swap3A_276 = tpu.vector_load %arg8[%swap3A_274, %swap3A_275] {strides = array<i32>} : memref<4x128xf32, #tpu.memory_space<vmem>>, vector<1x16xf32>,
    %swap3A_277 = vector.shape_cast %swap3A_276 : vector<1x16xf32> to vector<16xf32>
    %swap3A_278 = vector.shape_cast %scan3A_271#0 : vector<16xf32> to vector<1x16xf32>
    tpu.vector_store %arg8[%swap3A_274, %swap3A_275], %swap3A_278 {strides = array<i32>} : memref<4x128xf32, #tpu.memory_space<vmem>>, vector<1x16xf32>,
    %swap3A_279 = arith.constant 2 : i32
    %swap3A_280 = arith.index_cast %swap3A_279 : i32 to index
    %swap3A_281 = arith.constant 16 : index
    %swap3A_282 = tpu.vector_load %arg8[%swap3A_280, %swap3A_281] {strides = array<i32>} : memref<4x128xf32, #tpu.memory_space<vmem>>, vector<1x16xf32>,
    %swap3A_283 = vector.shape_cast %swap3A_282 : vector<1x16xf32> to vector<16xf32>
    %swap3A_284 = vector.shape_cast %scan3A_271#1 : vector<16xf32> to vector<1x16xf32>
    tpu.vector_store %arg8[%swap3A_280, %swap3A_281], %swap3A_284 {strides = array<i32>} : memref<4x128xf32, #tpu.memory_space<vmem>>, vector<1x16xf32>,
    %swap3A_285 = arith.constant 2 : i32
    %swap3A_286 = arith.index_cast %swap3A_285 : i32 to index
    %swap3A_287 = arith.constant 32 : index
    %swap3A_288 = tpu.vector_load %arg8[%swap3A_286, %swap3A_287] {strides = array<i32>} : memref<4x128xf32, #tpu.memory_space<vmem>>, vector<1x16xf32>,
    %swap3A_289 = vector.shape_cast %swap3A_288 : vector<1x16xf32> to vector<16xf32>
    %swap3A_290 = vector.shape_cast %scan3A_271#2 : vector<16xf32> to vector<1x16xf32>
    tpu.vector_store %arg8[%swap3A_286, %swap3A_287], %swap3A_290 {strides = array<i32>} : memref<4x128xf32, #tpu.memory_space<vmem>>, vector<1x16xf32>,
    %swap3A_291 = arith.constant 2 : i32
    %swap3A_292 = arith.index_cast %swap3A_291 : i32 to index
    %swap3A_293 = arith.constant 48 : index
    %swap3A_294 = tpu.vector_load %arg8[%swap3A_292, %swap3A_293] {strides = array<i32>} : memref<4x128xf32, #tpu.memory_space<vmem>>, vector<1x16xf32>,
    %swap3A_295 = vector.shape_cast %swap3A_294 : vector<1x16xf32> to vector<16xf32>
    %swap3A_296 = vector.shape_cast %scan3A_271#3 : vector<16xf32> to vector<1x16xf32>
    tpu.vector_store %arg8[%swap3A_292, %swap3A_293], %swap3A_296 {strides = array<i32>} : memref<4x128xf32, #tpu.memory_space<vmem>>, vector<1x16xf32>,
    %swap3A_297 = arith.constant 2 : i32
    %swap3A_298 = arith.index_cast %swap3A_297 : i32 to index
    %swap3A_299 = arith.constant 64 : index
    %swap3A_300 = tpu.vector_load %arg8[%swap3A_298, %swap3A_299] {strides = array<i32>} : memref<4x128xf32, #tpu.memory_space<vmem>>, vector<1x16xf32>,
    %swap3A_301 = vector.shape_cast %swap3A_300 : vector<1x16xf32> to vector<16xf32>
    %swap3A_302 = vector.shape_cast %scan3A_271#4 : vector<16xf32> to vector<1x16xf32>
    tpu.vector_store %arg8[%swap3A_298, %swap3A_299], %swap3A_302 {strides = array<i32>} : memref<4x128xf32, #tpu.memory_space<vmem>>, vector<1x16xf32>,
    %swap3A_303 = arith.constant 2 : i32
    %swap3A_304 = arith.index_cast %swap3A_303 : i32 to index
    %swap3A_305 = arith.constant 80 : index
    %swap3A_306 = tpu.vector_load %arg8[%swap3A_304, %swap3A_305] {strides = array<i32>} : memref<4x128xf32, #tpu.memory_space<vmem>>, vector<1x16xf32>,
    %swap3A_307 = vector.shape_cast %swap3A_306 : vector<1x16xf32> to vector<16xf32>
    %swap3A_308 = vector.shape_cast %scan3A_271#5 : vector<16xf32> to vector<1x16xf32>
    tpu.vector_store %arg8[%swap3A_304, %swap3A_305], %swap3A_308 {strides = array<i32>} : memref<4x128xf32, #tpu.memory_space<vmem>>, vector<1x16xf32>,
    %swap3A_309 = arith.constant 2 : i32
    %swap3A_310 = arith.index_cast %swap3A_309 : i32 to index
    %swap3A_311 = arith.constant 96 : index
    %swap3A_312 = tpu.vector_load %arg8[%swap3A_310, %swap3A_311] {strides = array<i32>} : memref<4x128xf32, #tpu.memory_space<vmem>>, vector<1x16xf32>,
    %swap3A_313 = vector.shape_cast %swap3A_312 : vector<1x16xf32> to vector<16xf32>
    %swap3A_314 = vector.shape_cast %scan3A_271#6 : vector<16xf32> to vector<1x16xf32>
    tpu.vector_store %arg8[%swap3A_310, %swap3A_311], %swap3A_314 {strides = array<i32>} : memref<4x128xf32, #tpu.memory_space<vmem>>, vector<1x16xf32>,
    %swap3A_315 = arith.constant 2 : i32
    %swap3A_316 = arith.index_cast %swap3A_315 : i32 to index
    %swap3A_317 = arith.constant 112 : index
    %swap3A_318 = tpu.vector_load %arg8[%swap3A_316, %swap3A_317] {strides = array<i32>} : memref<4x128xf32, #tpu.memory_space<vmem>>, vector<1x16xf32>,
    %swap3A_319 = vector.shape_cast %swap3A_318 : vector<1x16xf32> to vector<16xf32>
    %swap3A_320 = vector.shape_cast %scan3A_271#7 : vector<16xf32> to vector<1x16xf32>
    tpu.vector_store %arg8[%swap3A_316, %swap3A_317], %swap3A_320 {strides = array<i32>} : memref<4x128xf32, #tpu.memory_space<vmem>>, vector<1x16xf32>,
    %get3A_321 = arith.constant 96 : i32
    %get3A_322 = arith.index_cast %get3A_321 : i32 to index
    %get3A_323 = arith.constant 0 : index
    %get3A_324 = tpu.vector_load %arg6[%get3A_322, %get3A_323] {strides = array<i32>} : memref<128x128xf32, #tpu.memory_space<vmem>>, vector<1x16xf32>,
    %get3A_325 = vector.shape_cast %get3A_324 : vector<1x16xf32> to vector<16xf32>
    %get3A_326 = arith.constant 96 : i32
    %get3A_327 = arith.index_cast %get3A_326 : i32 to index
    %get3A_328 = arith.constant 16 : index
    %get3A_329 = tpu.vector_load %arg6[%get3A_327, %get3A_328] {strides = array<i32>} : memref<128x128xf32, #tpu.memory_space<vmem>>, vector<1x16xf32>,
    %get3A_330 = vector.shape_cast %get3A_329 : vector<1x16xf32> to vector<16xf32>
    %get3A_331 = arith.constant 96 : i32
    %get3A_332 = arith.index_cast %get3A_331 : i32 to index
    %get3A_333 = arith.constant 32 : index
    %get3A_334 = tpu.vector_load %arg6[%get3A_332, %get3A_333] {strides = array<i32>} : memref<128x128xf32, #tpu.memory_space<vmem>>, vector<1x16xf32>,
    %get3A_335 = vector.shape_cast %get3A_334 : vector<1x16xf32> to vector<16xf32>
    %get3A_336 = arith.constant 96 : i32
    %get3A_337 = arith.index_cast %get3A_336 : i32 to index
    %get3A_338 = arith.constant 48 : index
    %get3A_339 = tpu.vector_load %arg6[%get3A_337, %get3A_338] {strides = array<i32>} : memref<128x128xf32, #tpu.memory_space<vmem>>, vector<1x16xf32>,
    %get3A_340 = vector.shape_cast %get3A_339 : vector<1x16xf32> to vector<16xf32>
    %get3A_341 = arith.constant 96 : i32
    %get3A_342 = arith.index_cast %get3A_341 : i32 to index
    %get3A_343 = arith.constant 64 : index
    %get3A_344 = tpu.vector_load %arg6[%get3A_342, %get3A_343] {strides = array<i32>} : memref<128x128xf32, #tpu.memory_space<vmem>>, vector<1x16xf32>,
    %get3A_345 = vector.shape_cast %get3A_344 : vector<1x16xf32> to vector<16xf32>
    %get3A_346 = arith.constant 96 : i32
    %get3A_347 = arith.index_cast %get3A_346 : i32 to index
    %get3A_348 = arith.constant 80 : index
    %get3A_349 = tpu.vector_load %arg6[%get3A_347, %get3A_348] {strides = array<i32>} : memref<128x128xf32, #tpu.memory_space<vmem>>, vector<1x16xf32>,
    %get3A_350 = vector.shape_cast %get3A_349 : vector<1x16xf32> to vector<16xf32>
    %get3A_351 = arith.constant 96 : i32
    %get3A_352 = arith.index_cast %get3A_351 : i32 to index
    %get3A_353 = arith.constant 96 : index
    %get3A_354 = tpu.vector_load %arg6[%get3A_352, %get3A_353] {strides = array<i32>} : memref<128x128xf32, #tpu.memory_space<vmem>>, vector<1x16xf32>,
    %get3A_355 = vector.shape_cast %get3A_354 : vector<1x16xf32> to vector<16xf32>
    %get3A_356 = arith.constant 96 : i32
    %get3A_357 = arith.index_cast %get3A_356 : i32 to index
    %get3A_358 = arith.constant 112 : index
    %get3A_359 = tpu.vector_load %arg6[%get3A_357, %get3A_358] {strides = array<i32>} : memref<128x128xf32, #tpu.memory_space<vmem>>, vector<1x16xf32>,
    %get3A_360 = vector.shape_cast %get3A_359 : vector<1x16xf32> to vector<16xf32>
    %scan3A_361 = arith.constant 1 : i32
    %scan3A_362 = arith.constant 31 : i32
    %scan3A_363 = arith.addi %scan3A_361, %scan3A_362 : i32
    %scan3A_364 = arith.constant 1 : i32
    %scan3A_365:8 = scf.for %scan3A_842 = %scan3A_361 to %scan3A_363 step %scan3A_364 iter_args(%scan3A_843 = %get3A_325, %scan3A_844 = %get3A_330, %scan3A_845 = %get3A_335, %scan3A_846 = %get3A_340, %scan3A_847 = %get3A_345, %scan3A_848 = %get3A_350, %scan3A_849 = %get3A_355, %scan3A_850 = %get3A_360) -> (vector<16xf32>, vector<16xf32>, vector<16xf32>, vector<16xf32>, vector<16xf32>, vector<16xf32>, vector<16xf32>, vector<16xf32>)  : i32 {
      %add3A_851 = arith.constant 96 : i32
      %add3A_852 = arith.addi %add3A_851, %scan3A_842 : i32
      %get3A_853 = arith.index_cast %add3A_852 : i32 to index
      %get3A_854 = arith.constant 0 : index
      %get3A_855 = tpu.vector_load %arg6[%get3A_853, %get3A_854] {strides = array<i32>} : memref<128x128xf32, #tpu.memory_space<vmem>>, vector<1x16xf32>,
      %get3A_856 = vector.shape_cast %get3A_855 : vector<1x16xf32> to vector<16xf32>
      %add3A_857 = arith.addf %scan3A_843, %get3A_856 : vector<16xf32>
      %add3A_858 = arith.constant 96 : i32
      %add3A_859 = arith.addi %add3A_858, %scan3A_842 : i32
      %get3A_860 = arith.index_cast %add3A_859 : i32 to index
      %get3A_861 = arith.constant 16 : index
      %get3A_862 = tpu.vector_load %arg6[%get3A_860, %get3A_861] {strides = array<i32>} : memref<128x128xf32, #tpu.memory_space<vmem>>, vector<1x16xf32>,
      %get3A_863 = vector.shape_cast %get3A_862 : vector<1x16xf32> to vector<16xf32>
      %add3A_864 = arith.addf %scan3A_844, %get3A_863 : vector<16xf32>
      %add3A_865 = arith.constant 96 : i32
      %add3A_866 = arith.addi %add3A_865, %scan3A_842 : i32
      %get3A_867 = arith.index_cast %add3A_866 : i32 to index
      %get3A_868 = arith.constant 32 : index
      %get3A_869 = tpu.vector_load %arg6[%get3A_867, %get3A_868] {strides = array<i32>} : memref<128x128xf32, #tpu.memory_space<vmem>>, vector<1x16xf32>,
      %get3A_870 = vector.shape_cast %get3A_869 : vector<1x16xf32> to vector<16xf32>
      %add3A_871 = arith.addf %scan3A_845, %get3A_870 : vector<16xf32>
      %add3A_872 = arith.constant 96 : i32
      %add3A_873 = arith.addi %add3A_872, %scan3A_842 : i32
      %get3A_874 = arith.index_cast %add3A_873 : i32 to index
      %get3A_875 = arith.constant 48 : index
      %get3A_876 = tpu.vector_load %arg6[%get3A_874, %get3A_875] {strides = array<i32>} : memref<128x128xf32, #tpu.memory_space<vmem>>, vector<1x16xf32>,
      %get3A_877 = vector.shape_cast %get3A_876 : vector<1x16xf32> to vector<16xf32>
      %add3A_878 = arith.addf %scan3A_846, %get3A_877 : vector<16xf32>
      %add3A_879 = arith.constant 96 : i32
      %add3A_880 = arith.addi %add3A_879, %scan3A_842 : i32
      %get3A_881 = arith.index_cast %add3A_880 : i32 to index
      %get3A_882 = arith.constant 64 : index
      %get3A_883 = tpu.vector_load %arg6[%get3A_881, %get3A_882] {strides = array<i32>} : memref<128x128xf32, #tpu.memory_space<vmem>>, vector<1x16xf32>,
      %get3A_884 = vector.shape_cast %get3A_883 : vector<1x16xf32> to vector<16xf32>
      %add3A_885 = arith.addf %scan3A_847, %get3A_884 : vector<16xf32>
      %add3A_886 = arith.constant 96 : i32
      %add3A_887 = arith.addi %add3A_886, %scan3A_842 : i32
      %get3A_888 = arith.index_cast %add3A_887 : i32 to index
      %get3A_889 = arith.constant 80 : index
      %get3A_890 = tpu.vector_load %arg6[%get3A_888, %get3A_889] {strides = array<i32>} : memref<128x128xf32, #tpu.memory_space<vmem>>, vector<1x16xf32>,
      %get3A_891 = vector.shape_cast %get3A_890 : vector<1x16xf32> to vector<16xf32>
      %add3A_892 = arith.addf %scan3A_848, %get3A_891 : vector<16xf32>
      %add3A_893 = arith.constant 96 : i32
      %add3A_894 = arith.addi %add3A_893, %scan3A_842 : i32
      %get3A_895 = arith.index_cast %add3A_894 : i32 to index
      %get3A_896 = arith.constant 96 : index
      %get3A_897 = tpu.vector_load %arg6[%get3A_895, %get3A_896] {strides = array<i32>} : memref<128x128xf32, #tpu.memory_space<vmem>>, vector<1x16xf32>,
      %get3A_898 = vector.shape_cast %get3A_897 : vector<1x16xf32> to vector<16xf32>
      %add3A_899 = arith.addf %scan3A_849, %get3A_898 : vector<16xf32>
      %add3A_900 = arith.constant 96 : i32
      %add3A_901 = arith.addi %add3A_900, %scan3A_842 : i32
      %get3A_902 = arith.index_cast %add3A_901 : i32 to index
      %get3A_903 = arith.constant 112 : index
      %get3A_904 = tpu.vector_load %arg6[%get3A_902, %get3A_903] {strides = array<i32>} : memref<128x128xf32, #tpu.memory_space<vmem>>, vector<1x16xf32>,
      %get3A_905 = vector.shape_cast %get3A_904 : vector<1x16xf32> to vector<16xf32>
      %add3A_906 = arith.addf %scan3A_850, %get3A_905 : vector<16xf32>
      scf.yield %add3A_857, %add3A_864, %add3A_871, %add3A_878, %add3A_885, %add3A_892, %add3A_899, %add3A_906 : vector<16xf32>, vector<16xf32>, vector<16xf32>, vector<16xf32>, vector<16xf32>, vector<16xf32>, vector<16xf32>, vector<16xf32>
    }
    %scan3A_366 = arith.constant 31 : i32
    %swap3A_367 = arith.constant 3 : i32
    %swap3A_368 = arith.index_cast %swap3A_367 : i32 to index
    %swap3A_369 = arith.constant 0 : index
    %swap3A_370 = tpu.vector_load %arg8[%swap3A_368, %swap3A_369] {strides = array<i32>} : memref<4x128xf32, #tpu.memory_space<vmem>>, vector<1x16xf32>,
    %swap3A_371 = vector.shape_cast %swap3A_370 : vector<1x16xf32> to vector<16xf32>
    %swap3A_372 = vector.shape_cast %scan3A_365#0 : vector<16xf32> to vector<1x16xf32>
    tpu.vector_store %arg8[%swap3A_368, %swap3A_369], %swap3A_372 {strides = array<i32>} : memref<4x128xf32, #tpu.memory_space<vmem>>, vector<1x16xf32>,
    %swap3A_373 = arith.constant 3 : i32
    %swap3A_374 = arith.index_cast %swap3A_373 : i32 to index
    %swap3A_375 = arith.constant 16 : index
    %swap3A_376 = tpu.vector_load %arg8[%swap3A_374, %swap3A_375] {strides = array<i32>} : memref<4x128xf32, #tpu.memory_space<vmem>>, vector<1x16xf32>,
    %swap3A_377 = vector.shape_cast %swap3A_376 : vector<1x16xf32> to vector<16xf32>
    %swap3A_378 = vector.shape_cast %scan3A_365#1 : vector<16xf32> to vector<1x16xf32>
    tpu.vector_store %arg8[%swap3A_374, %swap3A_375], %swap3A_378 {strides = array<i32>} : memref<4x128xf32, #tpu.memory_space<vmem>>, vector<1x16xf32>,
    %swap3A_379 = arith.constant 3 : i32
    %swap3A_380 = arith.index_cast %swap3A_379 : i32 to index
    %swap3A_381 = arith.constant 32 : index
    %swap3A_382 = tpu.vector_load %arg8[%swap3A_380, %swap3A_381] {strides = array<i32>} : memref<4x128xf32, #tpu.memory_space<vmem>>, vector<1x16xf32>,
    %swap3A_383 = vector.shape_cast %swap3A_382 : vector<1x16xf32> to vector<16xf32>
    %swap3A_384 = vector.shape_cast %scan3A_365#2 : vector<16xf32> to vector<1x16xf32>
    tpu.vector_store %arg8[%swap3A_380, %swap3A_381], %swap3A_384 {strides = array<i32>} : memref<4x128xf32, #tpu.memory_space<vmem>>, vector<1x16xf32>,
    %swap3A_385 = arith.constant 3 : i32
    %swap3A_386 = arith.index_cast %swap3A_385 : i32 to index
    %swap3A_387 = arith.constant 48 : index
    %swap3A_388 = tpu.vector_load %arg8[%swap3A_386, %swap3A_387] {strides = array<i32>} : memref<4x128xf32, #tpu.memory_space<vmem>>, vector<1x16xf32>,
    %swap3A_389 = vector.shape_cast %swap3A_388 : vector<1x16xf32> to vector<16xf32>
    %swap3A_390 = vector.shape_cast %scan3A_365#3 : vector<16xf32> to vector<1x16xf32>
    tpu.vector_store %arg8[%swap3A_386, %swap3A_387], %swap3A_390 {strides = array<i32>} : memref<4x128xf32, #tpu.memory_space<vmem>>, vector<1x16xf32>,
    %swap3A_391 = arith.constant 3 : i32
    %swap3A_392 = arith.index_cast %swap3A_391 : i32 to index
    %swap3A_393 = arith.constant 64 : index
    %swap3A_394 = tpu.vector_load %arg8[%swap3A_392, %swap3A_393] {strides = array<i32>} : memref<4x128xf32, #tpu.memory_space<vmem>>, vector<1x16xf32>,
    %swap3A_395 = vector.shape_cast %swap3A_394 : vector<1x16xf32> to vector<16xf32>
    %swap3A_396 = vector.shape_cast %scan3A_365#4 : vector<16xf32> to vector<1x16xf32>
    tpu.vector_store %arg8[%swap3A_392, %swap3A_393], %swap3A_396 {strides = array<i32>} : memref<4x128xf32, #tpu.memory_space<vmem>>, vector<1x16xf32>,
    %swap3A_397 = arith.constant 3 : i32
    %swap3A_398 = arith.index_cast %swap3A_397 : i32 to index
    %swap3A_399 = arith.constant 80 : index
    %swap3A_400 = tpu.vector_load %arg8[%swap3A_398, %swap3A_399] {strides = array<i32>} : memref<4x128xf32, #tpu.memory_space<vmem>>, vector<1x16xf32>,
    %swap3A_401 = vector.shape_cast %swap3A_400 : vector<1x16xf32> to vector<16xf32>
    %swap3A_402 = vector.shape_cast %scan3A_365#5 : vector<16xf32> to vector<1x16xf32>
    tpu.vector_store %arg8[%swap3A_398, %swap3A_399], %swap3A_402 {strides = array<i32>} : memref<4x128xf32, #tpu.memory_space<vmem>>, vector<1x16xf32>,
    %swap3A_403 = arith.constant 3 : i32
    %swap3A_404 = arith.index_cast %swap3A_403 : i32 to index
    %swap3A_405 = arith.constant 96 : index
    %swap3A_406 = tpu.vector_load %arg8[%swap3A_404, %swap3A_405] {strides = array<i32>} : memref<4x128xf32, #tpu.memory_space<vmem>>, vector<1x16xf32>,
    %swap3A_407 = vector.shape_cast %swap3A_406 : vector<1x16xf32> to vector<16xf32>
    %swap3A_408 = vector.shape_cast %scan3A_365#6 : vector<16xf32> to vector<1x16xf32>
    tpu.vector_store %arg8[%swap3A_404, %swap3A_405], %swap3A_408 {strides = array<i32>} : memref<4x128xf32, #tpu.memory_space<vmem>>, vector<1x16xf32>,
    %swap3A_409 = arith.constant 3 : i32
    %swap3A_410 = arith.index_cast %swap3A_409 : i32 to index
    %swap3A_411 = arith.constant 112 : index
    %swap3A_412 = tpu.vector_load %arg8[%swap3A_410, %swap3A_411] {strides = array<i32>} : memref<4x128xf32, #tpu.memory_space<vmem>>, vector<1x16xf32>,
    %swap3A_413 = vector.shape_cast %swap3A_412 : vector<1x16xf32> to vector<16xf32>
    %swap3A_414 = vector.shape_cast %scan3A_365#7 : vector<16xf32> to vector<1x16xf32>
    tpu.vector_store %arg8[%swap3A_410, %swap3A_411], %swap3A_414 {strides = array<i32>} : memref<4x128xf32, #tpu.memory_space<vmem>>, vector<1x16xf32>,
    %add3A_415 = arith.constant 0 : i32
    %add3A_416 = arith.addi %mul3A_2, %add3A_415 : i32
    %dma_start3A_417 = arith.constant 0 : i32
    %dma_start3A_418 = tpu.memref_slice %arg4[%add3A_416, %dma_start3A_417] : memref<10240x128xf32, #tpu.memory_space<hbm>> -> memref<4x128xf32, #tpu.memory_space<hbm>>
    %dma_start3A_419 = arith.constant 0 : i32
    %dma_start3A_420 = tpu.memref_slice %arg4[%add3A_416, %dma_start3A_419] : memref<10240x128xf32, #tpu.memory_space<hbm>> -> memref<4x128xf32, #tpu.memory_space<hbm>>
    tpu.enqueue_dma source(%arg8 : memref<4x128xf32, #tpu.memory_space<vmem>>) target(%dma_start3A_420 : memref<4x128xf32, #tpu.memory_space<hbm>>) target_semaphore(%arg13 : memref<!tpu.dma_semaphore, #tpu.memory_space<semaphore_mem>>)
    %dma_start3A_421 = arith.constant 2 : i32
    %dma_start3A_422 = arith.constant 0 : i32
    %dma_start3A_423 = tpu.memref_slice %arg5[%dma_start3A_421, %dma_start3A_422] : memref<80x128xi32, #tpu.memory_space<vmem>> -> memref<1x128xi32, #tpu.memory_space<vmem>>
    %dma_start3A_424 = tpu.memref_squeeze %dma_start3A_423 : memref<1x128xi32, #tpu.memory_space<vmem>> -> memref<128xi32, #tpu.memory_space<vmem>>
    %dma_start3A_425 = arith.constant 0 : i32
    %dma_start3A_426 = arith.constant 0 : i32
    %dma_start3A_427 = tpu.memref_slice %arg10[%dma_start3A_425, %dma_start3A_426] : memref<10240x128xf32, #tpu.memory_space<vmem_shared>> -> memref<10240x128xf32, #tpu.memory_space<vmem_shared>>
    tpu.enqueue_indirect_dma source(%dma_start3A_427 : memref<10240x128xf32, #tpu.memory_space<vmem_shared>>) target(%arg6 : memref<128x128xf32, #tpu.memory_space<vmem>>) offsets(%dma_start3A_424 : memref<128xi32, #tpu.memory_space<vmem>>) semaphore(%arg11 : memref<!tpu.dma_semaphore, #tpu.memory_space<semaphore_mem>>)
    %dma_wait3A_428 = arith.constant 1 : i32
    %dma_wait3A_429 = arith.constant 0 : i32
    %dma_wait3A_430 = tpu.memref_slice %arg5[%dma_wait3A_428, %dma_wait3A_429] : memref<80x128xi32, #tpu.memory_space<vmem>> -> memref<1x128xi32, #tpu.memory_space<vmem>>
    %dma_wait3A_431 = tpu.memref_squeeze %dma_wait3A_430 : memref<1x128xi32, #tpu.memory_space<vmem>> -> memref<128xi32, #tpu.memory_space<vmem>>
    %dma_wait3A_432 = arith.constant 0 : i32
    %dma_wait3A_433 = arith.constant 0 : i32
    %dma_wait3A_434 = tpu.memref_slice %arg10[%dma_wait3A_432, %dma_wait3A_433] : memref<10240x128xf32, #tpu.memory_space<vmem_shared>> -> memref<10240x128xf32, #tpu.memory_space<vmem_shared>>
    tpu.wait_indirect_dma semaphore(%arg12 : memref<!tpu.dma_semaphore, #tpu.memory_space<semaphore_mem>>) src(%dma_wait3A_434 : memref<10240x128xf32, #tpu.memory_space<vmem_shared>>) dst(%arg7 : memref<128x128xf32, #tpu.memory_space<vmem>>)
    %get3A_435 = arith.constant 0 : i32
    %get3A_436 = arith.index_cast %get3A_435 : i32 to index
    %get3A_437 = arith.constant 0 : index
    %get3A_438 = tpu.vector_load %arg7[%get3A_436, %get3A_437] {strides = array<i32>} : memref<128x128xf32, #tpu.memory_space<vmem>>, vector<1x16xf32>,
    %get3A_439 = vector.shape_cast %get3A_438 : vector<1x16xf32> to vector<16xf32>
    %get3A_440 = arith.constant 0 : i32
    %get3A_441 = arith.index_cast %get3A_440 : i32 to index
    %get3A_442 = arith.constant 16 : index
    %get3A_443 = tpu.vector_load %arg7[%get3A_441, %get3A_442] {strides = array<i32>} : memref<128x128xf32, #tpu.memory_space<vmem>>, vector<1x16xf32>,
    %get3A_444 = vector.shape_cast %get3A_443 : vector<1x16xf32> to vector<16xf32>
    %get3A_445 = arith.constant 0 : i32
    %get3A_446 = arith.index_cast %get3A_445 : i32 to index
    %get3A_447 = arith.constant 32 : index
    %get3A_448 = tpu.vector_load %arg7[%get3A_446, %get3A_447] {strides = array<i32>} : memref<128x128xf32, #tpu.memory_space<vmem>>, vector<1x16xf32>,
    %get3A_449 = vector.shape_cast %get3A_448 : vector<1x16xf32> to vector<16xf32>
    %get3A_450 = arith.constant 0 : i32
    %get3A_451 = arith.index_cast %get3A_450 : i32 to index
    %get3A_452 = arith.constant 48 : index
    %get3A_453 = tpu.vector_load %arg7[%get3A_451, %get3A_452] {strides = array<i32>} : memref<128x128xf32, #tpu.memory_space<vmem>>, vector<1x16xf32>,
    %get3A_454 = vector.shape_cast %get3A_453 : vector<1x16xf32> to vector<16xf32>
    %get3A_455 = arith.constant 0 : i32
    %get3A_456 = arith.index_cast %get3A_455 : i32 to index
    %get3A_457 = arith.constant 64 : index
    %get3A_458 = tpu.vector_load %arg7[%get3A_456, %get3A_457] {strides = array<i32>} : memref<128x128xf32, #tpu.memory_space<vmem>>, vector<1x16xf32>,
    %get3A_459 = vector.shape_cast %get3A_458 : vector<1x16xf32> to vector<16xf32>
    %get3A_460 = arith.constant 0 : i32
    %get3A_461 = arith.index_cast %get3A_460 : i32 to index
    %get3A_462 = arith.constant 80 : index
    %get3A_463 = tpu.vector_load %arg7[%get3A_461, %get3A_462] {strides = array<i32>} : memref<128x128xf32, #tpu.memory_space<vmem>>, vector<1x16xf32>,
    %get3A_464 = vector.shape_cast %get3A_463 : vector<1x16xf32> to vector<16xf32>
    %get3A_465 = arith.constant 0 : i32
    %get3A_466 = arith.index_cast %get3A_465 : i32 to index
    %get3A_467 = arith.constant 96 : index
    %get3A_468 = tpu.vector_load %arg7[%get3A_466, %get3A_467] {strides = array<i32>} : memref<128x128xf32, #tpu.memory_space<vmem>>, vector<1x16xf32>,
    %get3A_469 = vector.shape_cast %get3A_468 : vector<1x16xf32> to vector<16xf32>
    %get3A_470 = arith.constant 0 : i32
    %get3A_471 = arith.index_cast %get3A_470 : i32 to index
    %get3A_472 = arith.constant 112 : index
    %get3A_473 = tpu.vector_load %arg7[%get3A_471, %get3A_472] {strides = array<i32>} : memref<128x128xf32, #tpu.memory_space<vmem>>, vector<1x16xf32>,
    %get3A_474 = vector.shape_cast %get3A_473 : vector<1x16xf32> to vector<16xf32>
    %scan3A_475 = arith.constant 1 : i32
    %scan3A_476 = arith.constant 31 : i32
    %scan3A_477 = arith.addi %scan3A_475, %scan3A_476 : i32
    %scan3A_478 = arith.constant 1 : i32
    %scan3A_479:8 = scf.for %scan3A_842 = %scan3A_475 to %scan3A_477 step %scan3A_478 iter_args(%scan3A_843 = %get3A_439, %scan3A_844 = %get3A_444, %scan3A_845 = %get3A_449, %scan3A_846 = %get3A_454, %scan3A_847 = %get3A_459, %scan3A_848 = %get3A_464, %scan3A_849 = %get3A_469, %scan3A_850 = %get3A_474) -> (vector<16xf32>, vector<16xf32>, vector<16xf32>, vector<16xf32>, vector<16xf32>, vector<16xf32>, vector<16xf32>, vector<16xf32>)  : i32 {
      %add3A_851 = arith.constant 0 : i32
      %add3A_852 = arith.addi %add3A_851, %scan3A_842 : i32
      %get3A_853 = arith.index_cast %add3A_852 : i32 to index
      %get3A_854 = arith.constant 0 : index
      %get3A_855 = tpu.vector_load %arg7[%get3A_853, %get3A_854] {strides = array<i32>} : memref<128x128xf32, #tpu.memory_space<vmem>>, vector<1x16xf32>,
      %get3A_856 = vector.shape_cast %get3A_855 : vector<1x16xf32> to vector<16xf32>
      %add3A_857 = arith.addf %scan3A_843, %get3A_856 : vector<16xf32>
      %add3A_858 = arith.constant 0 : i32
      %add3A_859 = arith.addi %add3A_858, %scan3A_842 : i32
      %get3A_860 = arith.index_cast %add3A_859 : i32 to index
      %get3A_861 = arith.constant 16 : index
      %get3A_862 = tpu.vector_load %arg7[%get3A_860, %get3A_861] {strides = array<i32>} : memref<128x128xf32, #tpu.memory_space<vmem>>, vector<1x16xf32>,
      %get3A_863 = vector.shape_cast %get3A_862 : vector<1x16xf32> to vector<16xf32>
      %add3A_864 = arith.addf %scan3A_844, %get3A_863 : vector<16xf32>
      %add3A_865 = arith.constant 0 : i32
      %add3A_866 = arith.addi %add3A_865, %scan3A_842 : i32
      %get3A_867 = arith.index_cast %add3A_866 : i32 to index
      %get3A_868 = arith.constant 32 : index
      %get3A_869 = tpu.vector_load %arg7[%get3A_867, %get3A_868] {strides = array<i32>} : memref<128x128xf32, #tpu.memory_space<vmem>>, vector<1x16xf32>,
      %get3A_870 = vector.shape_cast %get3A_869 : vector<1x16xf32> to vector<16xf32>
      %add3A_871 = arith.addf %scan3A_845, %get3A_870 : vector<16xf32>
      %add3A_872 = arith.constant 0 : i32
      %add3A_873 = arith.addi %add3A_872, %scan3A_842 : i32
      %get3A_874 = arith.index_cast %add3A_873 : i32 to index
      %get3A_875 = arith.constant 48 : index
      %get3A_876 = tpu.vector_load %arg7[%get3A_874, %get3A_875] {strides = array<i32>} : memref<128x128xf32, #tpu.memory_space<vmem>>, vector<1x16xf32>,
      %get3A_877 = vector.shape_cast %get3A_876 : vector<1x16xf32> to vector<16xf32>
      %add3A_878 = arith.addf %scan3A_846, %get3A_877 : vector<16xf32>
      %add3A_879 = arith.constant 0 : i32
      %add3A_880 = arith.addi %add3A_879, %scan3A_842 : i32
      %get3A_881 = arith.index_cast %add3A_880 : i32 to index
      %get3A_882 = arith.constant 64 : index
      %get3A_883 = tpu.vector_load %arg7[%get3A_881, %get3A_882] {strides = array<i32>} : memref<128x128xf32, #tpu.memory_space<vmem>>, vector<1x16xf32>,
      %get3A_884 = vector.shape_cast %get3A_883 : vector<1x16xf32> to vector<16xf32>
      %add3A_885 = arith.addf %scan3A_847, %get3A_884 : vector<16xf32>
      %add3A_886 = arith.constant 0 : i32
      %add3A_887 = arith.addi %add3A_886, %scan3A_842 : i32
      %get3A_888 = arith.index_cast %add3A_887 : i32 to index
      %get3A_889 = arith.constant 80 : index
      %get3A_890 = tpu.vector_load %arg7[%get3A_888, %get3A_889] {strides = array<i32>} : memref<128x128xf32, #tpu.memory_space<vmem>>, vector<1x16xf32>,
      %get3A_891 = vector.shape_cast %get3A_890 : vector<1x16xf32> to vector<16xf32>
      %add3A_892 = arith.addf %scan3A_848, %get3A_891 : vector<16xf32>
      %add3A_893 = arith.constant 0 : i32
      %add3A_894 = arith.addi %add3A_893, %scan3A_842 : i32
      %get3A_895 = arith.index_cast %add3A_894 : i32 to index
      %get3A_896 = arith.constant 96 : index
      %get3A_897 = tpu.vector_load %arg7[%get3A_895, %get3A_896] {strides = array<i32>} : memref<128x128xf32, #tpu.memory_space<vmem>>, vector<1x16xf32>,
      %get3A_898 = vector.shape_cast %get3A_897 : vector<1x16xf32> to vector<16xf32>
      %add3A_899 = arith.addf %scan3A_849, %get3A_898 : vector<16xf32>
      %add3A_900 = arith.constant 0 : i32
      %add3A_901 = arith.addi %add3A_900, %scan3A_842 : i32
      %get3A_902 = arith.index_cast %add3A_901 : i32 to index
      %get3A_903 = arith.constant 112 : index
      %get3A_904 = tpu.vector_load %arg7[%get3A_902, %get3A_903] {strides = array<i32>} : memref<128x128xf32, #tpu.memory_space<vmem>>, vector<1x16xf32>,
      %get3A_905 = vector.shape_cast %get3A_904 : vector<1x16xf32> to vector<16xf32>
      %add3A_906 = arith.addf %scan3A_850, %get3A_905 : vector<16xf32>
      scf.yield %add3A_857, %add3A_864, %add3A_871, %add3A_878, %add3A_885, %add3A_892, %add3A_899, %add3A_906 : vector<16xf32>, vector<16xf32>, vector<16xf32>, vector<16xf32>, vector<16xf32>, vector<16xf32>, vector<16xf32>, vector<16xf32>
    }
    %scan3A_480 = arith.constant 31 : i32
    %swap3A_481 = arith.constant 0 : i32
    %swap3A_482 = arith.index_cast %swap3A_481 : i32 to index
    %swap3A_483 = arith.constant 0 : index
    %swap3A_484 = tpu.vector_load %arg9[%swap3A_482, %swap3A_483] {strides = array<i32>} : memref<4x128xf32, #tpu.memory_space<vmem>>, vector<1x16xf32>,
    %swap3A_485 = vector.shape_cast %swap3A_484 : vector<1x16xf32> to vector<16xf32>
    %swap3A_486 = vector.shape_cast %scan3A_479#0 : vector<16xf32> to vector<1x16xf32>
    tpu.vector_store %arg9[%swap3A_482, %swap3A_483], %swap3A_486 {strides = array<i32>} : memref<4x128xf32, #tpu.memory_space<vmem>>, vector<1x16xf32>,
    %swap3A_487 = arith.constant 0 : i32
    %swap3A_488 = arith.index_cast %swap3A_487 : i32 to index
    %swap3A_489 = arith.constant 16 : index
    %swap3A_490 = tpu.vector_load %arg9[%swap3A_488, %swap3A_489] {strides = array<i32>} : memref<4x128xf32, #tpu.memory_space<vmem>>, vector<1x16xf32>,
    %swap3A_491 = vector.shape_cast %swap3A_490 : vector<1x16xf32> to vector<16xf32>
    %swap3A_492 = vector.shape_cast %scan3A_479#1 : vector<16xf32> to vector<1x16xf32>
    tpu.vector_store %arg9[%swap3A_488, %swap3A_489], %swap3A_492 {strides = array<i32>} : memref<4x128xf32, #tpu.memory_space<vmem>>, vector<1x16xf32>,
    %swap3A_493 = arith.constant 0 : i32
    %swap3A_494 = arith.index_cast %swap3A_493 : i32 to index
    %swap3A_495 = arith.constant 32 : index
    %swap3A_496 = tpu.vector_load %arg9[%swap3A_494, %swap3A_495] {strides = array<i32>} : memref<4x128xf32, #tpu.memory_space<vmem>>, vector<1x16xf32>,
    %swap3A_497 = vector.shape_cast %swap3A_496 : vector<1x16xf32> to vector<16xf32>
    %swap3A_498 = vector.shape_cast %scan3A_479#2 : vector<16xf32> to vector<1x16xf32>
    tpu.vector_store %arg9[%swap3A_494, %swap3A_495], %swap3A_498 {strides = array<i32>} : memref<4x128xf32, #tpu.memory_space<vmem>>, vector<1x16xf32>,
    %swap3A_499 = arith.constant 0 : i32
    %swap3A_500 = arith.index_cast %swap3A_499 : i32 to index
    %swap3A_501 = arith.constant 48 : index
    %swap3A_502 = tpu.vector_load %arg9[%swap3A_500, %swap3A_501] {strides = array<i32>} : memref<4x128xf32, #tpu.memory_space<vmem>>, vector<1x16xf32>,
    %swap3A_503 = vector.shape_cast %swap3A_502 : vector<1x16xf32> to vector<16xf32>
    %swap3A_504 = vector.shape_cast %scan3A_479#3 : vector<16xf32> to vector<1x16xf32>
    tpu.vector_store %arg9[%swap3A_500, %swap3A_501], %swap3A_504 {strides = array<i32>} : memref<4x128xf32, #tpu.memory_space<vmem>>, vector<1x16xf32>,
    %swap3A_505 = arith.constant 0 : i32
    %swap3A_506 = arith.index_cast %swap3A_505 : i32 to index
    %swap3A_507 = arith.constant 64 : index
    %swap3A_508 = tpu.vector_load %arg9[%swap3A_506, %swap3A_507] {strides = array<i32>} : memref<4x128xf32, #tpu.memory_space<vmem>>, vector<1x16xf32>,
    %swap3A_509 = vector.shape_cast %swap3A_508 : vector<1x16xf32> to vector<16xf32>
    %swap3A_510 = vector.shape_cast %scan3A_479#4 : vector<16xf32> to vector<1x16xf32>
    tpu.vector_store %arg9[%swap3A_506, %swap3A_507], %swap3A_510 {strides = array<i32>} : memref<4x128xf32, #tpu.memory_space<vmem>>, vector<1x16xf32>,
    %swap3A_511 = arith.constant 0 : i32
    %swap3A_512 = arith.index_cast %swap3A_511 : i32 to index
    %swap3A_513 = arith.constant 80 : index
    %swap3A_514 = tpu.vector_load %arg9[%swap3A_512, %swap3A_513] {strides = array<i32>} : memref<4x128xf32, #tpu.memory_space<vmem>>, vector<1x16xf32>,
    %swap3A_515 = vector.shape_cast %swap3A_514 : vector<1x16xf32> to vector<16xf32>
    %swap3A_516 = vector.shape_cast %scan3A_479#5 : vector<16xf32> to vector<1x16xf32>
    tpu.vector_store %arg9[%swap3A_512, %swap3A_513], %swap3A_516 {strides = array<i32>} : memref<4x128xf32, #tpu.memory_space<vmem>>, vector<1x16xf32>,
    %swap3A_517 = arith.constant 0 : i32
    %swap3A_518 = arith.index_cast %swap3A_517 : i32 to index
    %swap3A_519 = arith.constant 96 : index
    %swap3A_520 = tpu.vector_load %arg9[%swap3A_518, %swap3A_519] {strides = array<i32>} : memref<4x128xf32, #tpu.memory_space<vmem>>, vector<1x16xf32>,
    %swap3A_521 = vector.shape_cast %swap3A_520 : vector<1x16xf32> to vector<16xf32>
    %swap3A_522 = vector.shape_cast %scan3A_479#6 : vector<16xf32> to vector<1x16xf32>
    tpu.vector_store %arg9[%swap3A_518, %swap3A_519], %swap3A_522 {strides = array<i32>} : memref<4x128xf32, #tpu.memory_space<vmem>>, vector<1x16xf32>,
    %swap3A_523 = arith.constant 0 : i32
    %swap3A_524 = arith.index_cast %swap3A_523 : i32 to index
    %swap3A_525 = arith.constant 112 : index
    %swap3A_526 = tpu.vector_load %arg9[%swap3A_524, %swap3A_525] {strides = array<i32>} : memref<4x128xf32, #tpu.memory_space<vmem>>, vector<1x16xf32>,
    %swap3A_527 = vector.shape_cast %swap3A_526 : vector<1x16xf32> to vector<16xf32>
    %swap3A_528 = vector.shape_cast %scan3A_479#7 : vector<16xf32> to vector<1x16xf32>
    tpu.vector_store %arg9[%swap3A_524, %swap3A_525], %swap3A_528 {strides = array<i32>} : memref<4x128xf32, #tpu.memory_space<vmem>>, vector<1x16xf32>,
    %get3A_529 = arith.constant 32 : i32
    %get3A_530 = arith.index_cast %get3A_529 : i32 to index
    %get3A_531 = arith.constant 0 : index
    %get3A_532 = tpu.vector_load %arg7[%get3A_530, %get3A_531] {strides = array<i32>} : memref<128x128xf32, #tpu.memory_space<vmem>>, vector<1x16xf32>,
    %get3A_533 = vector.shape_cast %get3A_532 : vector<1x16xf32> to vector<16xf32>
    %get3A_534 = arith.constant 32 : i32
    %get3A_535 = arith.index_cast %get3A_534 : i32 to index
    %get3A_536 = arith.constant 16 : index
    %get3A_537 = tpu.vector_load %arg7[%get3A_535, %get3A_536] {strides = array<i32>} : memref<128x128xf32, #tpu.memory_space<vmem>>, vector<1x16xf32>,
    %get3A_538 = vector.shape_cast %get3A_537 : vector<1x16xf32> to vector<16xf32>
    %get3A_539 = arith.constant 32 : i32
    %get3A_540 = arith.index_cast %get3A_539 : i32 to index
    %get3A_541 = arith.constant 32 : index
    %get3A_542 = tpu.vector_load %arg7[%get3A_540, %get3A_541] {strides = array<i32>} : memref<128x128xf32, #tpu.memory_space<vmem>>, vector<1x16xf32>,
    %get3A_543 = vector.shape_cast %get3A_542 : vector<1x16xf32> to vector<16xf32>
    %get3A_544 = arith.constant 32 : i32
    %get3A_545 = arith.index_cast %get3A_544 : i32 to index
    %get3A_546 = arith.constant 48 : index
    %get3A_547 = tpu.vector_load %arg7[%get3A_545, %get3A_546] {strides = array<i32>} : memref<128x128xf32, #tpu.memory_space<vmem>>, vector<1x16xf32>,
    %get3A_548 = vector.shape_cast %get3A_547 : vector<1x16xf32> to vector<16xf32>
    %get3A_549 = arith.constant 32 : i32
    %get3A_550 = arith.index_cast %get3A_549 : i32 to index
    %get3A_551 = arith.constant 64 : index
    %get3A_552 = tpu.vector_load %arg7[%get3A_550, %get3A_551] {strides = array<i32>} : memref<128x128xf32, #tpu.memory_space<vmem>>, vector<1x16xf32>,
    %get3A_553 = vector.shape_cast %get3A_552 : vector<1x16xf32> to vector<16xf32>
    %get3A_554 = arith.constant 32 : i32
    %get3A_555 = arith.index_cast %get3A_554 : i32 to index
    %get3A_556 = arith.constant 80 : index
    %get3A_557 = tpu.vector_load %arg7[%get3A_555, %get3A_556] {strides = array<i32>} : memref<128x128xf32, #tpu.memory_space<vmem>>, vector<1x16xf32>,
    %get3A_558 = vector.shape_cast %get3A_557 : vector<1x16xf32> to vector<16xf32>
    %get3A_559 = arith.constant 32 : i32
    %get3A_560 = arith.index_cast %get3A_559 : i32 to index
    %get3A_561 = arith.constant 96 : index
    %get3A_562 = tpu.vector_load %arg7[%get3A_560, %get3A_561] {strides = array<i32>} : memref<128x128xf32, #tpu.memory_space<vmem>>, vector<1x16xf32>,
    %get3A_563 = vector.shape_cast %get3A_562 : vector<1x16xf32> to vector<16xf32>
    %get3A_564 = arith.constant 32 : i32
    %get3A_565 = arith.index_cast %get3A_564 : i32 to index
    %get3A_566 = arith.constant 112 : index
    %get3A_567 = tpu.vector_load %arg7[%get3A_565, %get3A_566] {strides = array<i32>} : memref<128x128xf32, #tpu.memory_space<vmem>>, vector<1x16xf32>,
    %get3A_568 = vector.shape_cast %get3A_567 : vector<1x16xf32> to vector<16xf32>
    %scan3A_569 = arith.constant 1 : i32
    %scan3A_570 = arith.constant 31 : i32
    %scan3A_571 = arith.addi %scan3A_569, %scan3A_570 : i32
    %scan3A_572 = arith.constant 1 : i32
    %scan3A_573:8 = scf.for %scan3A_842 = %scan3A_569 to %scan3A_571 step %scan3A_572 iter_args(%scan3A_843 = %get3A_533, %scan3A_844 = %get3A_538, %scan3A_845 = %get3A_543, %scan3A_846 = %get3A_548, %scan3A_847 = %get3A_553, %scan3A_848 = %get3A_558, %scan3A_849 = %get3A_563, %scan3A_850 = %get3A_568) -> (vector<16xf32>, vector<16xf32>, vector<16xf32>, vector<16xf32>, vector<16xf32>, vector<16xf32>, vector<16xf32>, vector<16xf32>)  : i32 {
      %add3A_851 = arith.constant 32 : i32
      %add3A_852 = arith.addi %add3A_851, %scan3A_842 : i32
      %get3A_853 = arith.index_cast %add3A_852 : i32 to index
      %get3A_854 = arith.constant 0 : index
      %get3A_855 = tpu.vector_load %arg7[%get3A_853, %get3A_854] {strides = array<i32>} : memref<128x128xf32, #tpu.memory_space<vmem>>, vector<1x16xf32>,
      %get3A_856 = vector.shape_cast %get3A_855 : vector<1x16xf32> to vector<16xf32>
      %add3A_857 = arith.addf %scan3A_843, %get3A_856 : vector<16xf32>
      %add3A_858 = arith.constant 32 : i32
      %add3A_859 = arith.addi %add3A_858, %scan3A_842 : i32
      %get3A_860 = arith.index_cast %add3A_859 : i32 to index
      %get3A_861 = arith.constant 16 : index
      %get3A_862 = tpu.vector_load %arg7[%get3A_860, %get3A_861] {strides = array<i32>} : memref<128x128xf32, #tpu.memory_space<vmem>>, vector<1x16xf32>,
      %get3A_863 = vector.shape_cast %get3A_862 : vector<1x16xf32> to vector<16xf32>
      %add3A_864 = arith.addf %scan3A_844, %get3A_863 : vector<16xf32>
      %add3A_865 = arith.constant 32 : i32
      %add3A_866 = arith.addi %add3A_865, %scan3A_842 : i32
      %get3A_867 = arith.index_cast %add3A_866 : i32 to index
      %get3A_868 = arith.constant 32 : index
      %get3A_869 = tpu.vector_load %arg7[%get3A_867, %get3A_868] {strides = array<i32>} : memref<128x128xf32, #tpu.memory_space<vmem>>, vector<1x16xf32>,
      %get3A_870 = vector.shape_cast %get3A_869 : vector<1x16xf32> to vector<16xf32>
      %add3A_871 = arith.addf %scan3A_845, %get3A_870 : vector<16xf32>
      %add3A_872 = arith.constant 32 : i32
      %add3A_873 = arith.addi %add3A_872, %scan3A_842 : i32
      %get3A_874 = arith.index_cast %add3A_873 : i32 to index
      %get3A_875 = arith.constant 48 : index
      %get3A_876 = tpu.vector_load %arg7[%get3A_874, %get3A_875] {strides = array<i32>} : memref<128x128xf32, #tpu.memory_space<vmem>>, vector<1x16xf32>,
      %get3A_877 = vector.shape_cast %get3A_876 : vector<1x16xf32> to vector<16xf32>
      %add3A_878 = arith.addf %scan3A_846, %get3A_877 : vector<16xf32>
      %add3A_879 = arith.constant 32 : i32
      %add3A_880 = arith.addi %add3A_879, %scan3A_842 : i32
      %get3A_881 = arith.index_cast %add3A_880 : i32 to index
      %get3A_882 = arith.constant 64 : index
      %get3A_883 = tpu.vector_load %arg7[%get3A_881, %get3A_882] {strides = array<i32>} : memref<128x128xf32, #tpu.memory_space<vmem>>, vector<1x16xf32>,
      %get3A_884 = vector.shape_cast %get3A_883 : vector<1x16xf32> to vector<16xf32>
      %add3A_885 = arith.addf %scan3A_847, %get3A_884 : vector<16xf32>
      %add3A_886 = arith.constant 32 : i32
      %add3A_887 = arith.addi %add3A_886, %scan3A_842 : i32
      %get3A_888 = arith.index_cast %add3A_887 : i32 to index
      %get3A_889 = arith.constant 80 : index
      %get3A_890 = tpu.vector_load %arg7[%get3A_888, %get3A_889] {strides = array<i32>} : memref<128x128xf32, #tpu.memory_space<vmem>>, vector<1x16xf32>,
      %get3A_891 = vector.shape_cast %get3A_890 : vector<1x16xf32> to vector<16xf32>
      %add3A_892 = arith.addf %scan3A_848, %get3A_891 : vector<16xf32>
      %add3A_893 = arith.constant 32 : i32
      %add3A_894 = arith.addi %add3A_893, %scan3A_842 : i32
      %get3A_895 = arith.index_cast %add3A_894 : i32 to index
      %get3A_896 = arith.constant 96 : index
      %get3A_897 = tpu.vector_load %arg7[%get3A_895, %get3A_896] {strides = array<i32>} : memref<128x128xf32, #tpu.memory_space<vmem>>, vector<1x16xf32>,
      %get3A_898 = vector.shape_cast %get3A_897 : vector<1x16xf32> to vector<16xf32>
      %add3A_899 = arith.addf %scan3A_849, %get3A_898 : vector<16xf32>
      %add3A_900 = arith.constant 32 : i32
      %add3A_901 = arith.addi %add3A_900, %scan3A_842 : i32
      %get3A_902 = arith.index_cast %add3A_901 : i32 to index
      %get3A_903 = arith.constant 112 : index
      %get3A_904 = tpu.vector_load %arg7[%get3A_902, %get3A_903] {strides = array<i32>} : memref<128x128xf32, #tpu.memory_space<vmem>>, vector<1x16xf32>,
      %get3A_905 = vector.shape_cast %get3A_904 : vector<1x16xf32> to vector<16xf32>
      %add3A_906 = arith.addf %scan3A_850, %get3A_905 : vector<16xf32>
      scf.yield %add3A_857, %add3A_864, %add3A_871, %add3A_878, %add3A_885, %add3A_892, %add3A_899, %add3A_906 : vector<16xf32>, vector<16xf32>, vector<16xf32>, vector<16xf32>, vector<16xf32>, vector<16xf32>, vector<16xf32>, vector<16xf32>
    }
    %scan3A_574 = arith.constant 31 : i32
    %swap3A_575 = arith.constant 1 : i32
    %swap3A_576 = arith.index_cast %swap3A_575 : i32 to index
    %swap3A_577 = arith.constant 0 : index
    %swap3A_578 = tpu.vector_load %arg9[%swap3A_576, %swap3A_577] {strides = array<i32>} : memref<4x128xf32, #tpu.memory_space<vmem>>, vector<1x16xf32>,
    %swap3A_579 = vector.shape_cast %swap3A_578 : vector<1x16xf32> to vector<16xf32>
    %swap3A_580 = vector.shape_cast %scan3A_573#0 : vector<16xf32> to vector<1x16xf32>
    tpu.vector_store %arg9[%swap3A_576, %swap3A_577], %swap3A_580 {strides = array<i32>} : memref<4x128xf32, #tpu.memory_space<vmem>>, vector<1x16xf32>,
    %swap3A_581 = arith.constant 1 : i32
    %swap3A_582 = arith.index_cast %swap3A_581 : i32 to index
    %swap3A_583 = arith.constant 16 : index
    %swap3A_584 = tpu.vector_load %arg9[%swap3A_582, %swap3A_583] {strides = array<i32>} : memref<4x128xf32, #tpu.memory_space<vmem>>, vector<1x16xf32>,
    %swap3A_585 = vector.shape_cast %swap3A_584 : vector<1x16xf32> to vector<16xf32>
    %swap3A_586 = vector.shape_cast %scan3A_573#1 : vector<16xf32> to vector<1x16xf32>
    tpu.vector_store %arg9[%swap3A_582, %swap3A_583], %swap3A_586 {strides = array<i32>} : memref<4x128xf32, #tpu.memory_space<vmem>>, vector<1x16xf32>,
    %swap3A_587 = arith.constant 1 : i32
    %swap3A_588 = arith.index_cast %swap3A_587 : i32 to index
    %swap3A_589 = arith.constant 32 : index
    %swap3A_590 = tpu.vector_load %arg9[%swap3A_588, %swap3A_589] {strides = array<i32>} : memref<4x128xf32, #tpu.memory_space<vmem>>, vector<1x16xf32>,
    %swap3A_591 = vector.shape_cast %swap3A_590 : vector<1x16xf32> to vector<16xf32>
    %swap3A_592 = vector.shape_cast %scan3A_573#2 : vector<16xf32> to vector<1x16xf32>
    tpu.vector_store %arg9[%swap3A_588, %swap3A_589], %swap3A_592 {strides = array<i32>} : memref<4x128xf32, #tpu.memory_space<vmem>>, vector<1x16xf32>,
    %swap3A_593 = arith.constant 1 : i32
    %swap3A_594 = arith.index_cast %swap3A_593 : i32 to index
    %swap3A_595 = arith.constant 48 : index
    %swap3A_596 = tpu.vector_load %arg9[%swap3A_594, %swap3A_595] {strides = array<i32>} : memref<4x128xf32, #tpu.memory_space<vmem>>, vector<1x16xf32>,
    %swap3A_597 = vector.shape_cast %swap3A_596 : vector<1x16xf32> to vector<16xf32>
    %swap3A_598 = vector.shape_cast %scan3A_573#3 : vector<16xf32> to vector<1x16xf32>
    tpu.vector_store %arg9[%swap3A_594, %swap3A_595], %swap3A_598 {strides = array<i32>} : memref<4x128xf32, #tpu.memory_space<vmem>>, vector<1x16xf32>,
    %swap3A_599 = arith.constant 1 : i32
    %swap3A_600 = arith.index_cast %swap3A_599 : i32 to index
    %swap3A_601 = arith.constant 64 : index
    %swap3A_602 = tpu.vector_load %arg9[%swap3A_600, %swap3A_601] {strides = array<i32>} : memref<4x128xf32, #tpu.memory_space<vmem>>, vector<1x16xf32>,
    %swap3A_603 = vector.shape_cast %swap3A_602 : vector<1x16xf32> to vector<16xf32>
    %swap3A_604 = vector.shape_cast %scan3A_573#4 : vector<16xf32> to vector<1x16xf32>
    tpu.vector_store %arg9[%swap3A_600, %swap3A_601], %swap3A_604 {strides = array<i32>} : memref<4x128xf32, #tpu.memory_space<vmem>>, vector<1x16xf32>,
    %swap3A_605 = arith.constant 1 : i32
    %swap3A_606 = arith.index_cast %swap3A_605 : i32 to index
    %swap3A_607 = arith.constant 80 : index
    %swap3A_608 = tpu.vector_load %arg9[%swap3A_606, %swap3A_607] {strides = array<i32>} : memref<4x128xf32, #tpu.memory_space<vmem>>, vector<1x16xf32>,
    %swap3A_609 = vector.shape_cast %swap3A_608 : vector<1x16xf32> to vector<16xf32>
    %swap3A_610 = vector.shape_cast %scan3A_573#5 : vector<16xf32> to vector<1x16xf32>
    tpu.vector_store %arg9[%swap3A_606, %swap3A_607], %swap3A_610 {strides = array<i32>} : memref<4x128xf32, #tpu.memory_space<vmem>>, vector<1x16xf32>,
    %swap3A_611 = arith.constant 1 : i32
    %swap3A_612 = arith.index_cast %swap3A_611 : i32 to index
    %swap3A_613 = arith.constant 96 : index
    %swap3A_614 = tpu.vector_load %arg9[%swap3A_612, %swap3A_613] {strides = array<i32>} : memref<4x128xf32, #tpu.memory_space<vmem>>, vector<1x16xf32>,
    %swap3A_615 = vector.shape_cast %swap3A_614 : vector<1x16xf32> to vector<16xf32>
    %swap3A_616 = vector.shape_cast %scan3A_573#6 : vector<16xf32> to vector<1x16xf32>
    tpu.vector_store %arg9[%swap3A_612, %swap3A_613], %swap3A_616 {strides = array<i32>} : memref<4x128xf32, #tpu.memory_space<vmem>>, vector<1x16xf32>,
    %swap3A_617 = arith.constant 1 : i32
    %swap3A_618 = arith.index_cast %swap3A_617 : i32 to index
    %swap3A_619 = arith.constant 112 : index
    %swap3A_620 = tpu.vector_load %arg9[%swap3A_618, %swap3A_619] {strides = array<i32>} : memref<4x128xf32, #tpu.memory_space<vmem>>, vector<1x16xf32>,
    %swap3A_621 = vector.shape_cast %swap3A_620 : vector<1x16xf32> to vector<16xf32>
    %swap3A_622 = vector.shape_cast %scan3A_573#7 : vector<16xf32> to vector<1x16xf32>
    tpu.vector_store %arg9[%swap3A_618, %swap3A_619], %swap3A_622 {strides = array<i32>} : memref<4x128xf32, #tpu.memory_space<vmem>>, vector<1x16xf32>,
    %get3A_623 = arith.constant 64 : i32
    %get3A_624 = arith.index_cast %get3A_623 : i32 to index
    %get3A_625 = arith.constant 0 : index
    %get3A_626 = tpu.vector_load %arg7[%get3A_624, %get3A_625] {strides = array<i32>} : memref<128x128xf32, #tpu.memory_space<vmem>>, vector<1x16xf32>,
    %get3A_627 = vector.shape_cast %get3A_626 : vector<1x16xf32> to vector<16xf32>
    %get3A_628 = arith.constant 64 : i32
    %get3A_629 = arith.index_cast %get3A_628 : i32 to index
    %get3A_630 = arith.constant 16 : index
    %get3A_631 = tpu.vector_load %arg7[%get3A_629, %get3A_630] {strides = array<i32>} : memref<128x128xf32, #tpu.memory_space<vmem>>, vector<1x16xf32>,
    %get3A_632 = vector.shape_cast %get3A_631 : vector<1x16xf32> to vector<16xf32>
    %get3A_633 = arith.constant 64 : i32
    %get3A_634 = arith.index_cast %get3A_633 : i32 to index
    %get3A_635 = arith.constant 32 : index
    %get3A_636 = tpu.vector_load %arg7[%get3A_634, %get3A_635] {strides = array<i32>} : memref<128x128xf32, #tpu.memory_space<vmem>>, vector<1x16xf32>,
    %get3A_637 = vector.shape_cast %get3A_636 : vector<1x16xf32> to vector<16xf32>
    %get3A_638 = arith.constant 64 : i32
    %get3A_639 = arith.index_cast %get3A_638 : i32 to index
    %get3A_640 = arith.constant 48 : index
    %get3A_641 = tpu.vector_load %arg7[%get3A_639, %get3A_640] {strides = array<i32>} : memref<128x128xf32, #tpu.memory_space<vmem>>, vector<1x16xf32>,
    %get3A_642 = vector.shape_cast %get3A_641 : vector<1x16xf32> to vector<16xf32>
    %get3A_643 = arith.constant 64 : i32
    %get3A_644 = arith.index_cast %get3A_643 : i32 to index
    %get3A_645 = arith.constant 64 : index
    %get3A_646 = tpu.vector_load %arg7[%get3A_644, %get3A_645] {strides = array<i32>} : memref<128x128xf32, #tpu.memory_space<vmem>>, vector<1x16xf32>,
    %get3A_647 = vector.shape_cast %get3A_646 : vector<1x16xf32> to vector<16xf32>
    %get3A_648 = arith.constant 64 : i32
    %get3A_649 = arith.index_cast %get3A_648 : i32 to index
    %get3A_650 = arith.constant 80 : index
    %get3A_651 = tpu.vector_load %arg7[%get3A_649, %get3A_650] {strides = array<i32>} : memref<128x128xf32, #tpu.memory_space<vmem>>, vector<1x16xf32>,
    %get3A_652 = vector.shape_cast %get3A_651 : vector<1x16xf32> to vector<16xf32>
    %get3A_653 = arith.constant 64 : i32
    %get3A_654 = arith.index_cast %get3A_653 : i32 to index
    %get3A_655 = arith.constant 96 : index
    %get3A_656 = tpu.vector_load %arg7[%get3A_654, %get3A_655] {strides = array<i32>} : memref<128x128xf32, #tpu.memory_space<vmem>>, vector<1x16xf32>,
    %get3A_657 = vector.shape_cast %get3A_656 : vector<1x16xf32> to vector<16xf32>
    %get3A_658 = arith.constant 64 : i32
    %get3A_659 = arith.index_cast %get3A_658 : i32 to index
    %get3A_660 = arith.constant 112 : index
    %get3A_661 = tpu.vector_load %arg7[%get3A_659, %get3A_660] {strides = array<i32>} : memref<128x128xf32, #tpu.memory_space<vmem>>, vector<1x16xf32>,
    %get3A_662 = vector.shape_cast %get3A_661 : vector<1x16xf32> to vector<16xf32>
    %scan3A_663 = arith.constant 1 : i32
    %scan3A_664 = arith.constant 31 : i32
    %scan3A_665 = arith.addi %scan3A_663, %scan3A_664 : i32
    %scan3A_666 = arith.constant 1 : i32
    %scan3A_667:8 = scf.for %scan3A_842 = %scan3A_663 to %scan3A_665 step %scan3A_666 iter_args(%scan3A_843 = %get3A_627, %scan3A_844 = %get3A_632, %scan3A_845 = %get3A_637, %scan3A_846 = %get3A_642, %scan3A_847 = %get3A_647, %scan3A_848 = %get3A_652, %scan3A_849 = %get3A_657, %scan3A_850 = %get3A_662) -> (vector<16xf32>, vector<16xf32>, vector<16xf32>, vector<16xf32>, vector<16xf32>, vector<16xf32>, vector<16xf32>, vector<16xf32>)  : i32 {
      %add3A_851 = arith.constant 64 : i32
      %add3A_852 = arith.addi %add3A_851, %scan3A_842 : i32
      %get3A_853 = arith.index_cast %add3A_852 : i32 to index
      %get3A_854 = arith.constant 0 : index
      %get3A_855 = tpu.vector_load %arg7[%get3A_853, %get3A_854] {strides = array<i32>} : memref<128x128xf32, #tpu.memory_space<vmem>>, vector<1x16xf32>,
      %get3A_856 = vector.shape_cast %get3A_855 : vector<1x16xf32> to vector<16xf32>
      %add3A_857 = arith.addf %scan3A_843, %get3A_856 : vector<16xf32>
      %add3A_858 = arith.constant 64 : i32
      %add3A_859 = arith.addi %add3A_858, %scan3A_842 : i32
      %get3A_860 = arith.index_cast %add3A_859 : i32 to index
      %get3A_861 = arith.constant 16 : index
      %get3A_862 = tpu.vector_load %arg7[%get3A_860, %get3A_861] {strides = array<i32>} : memref<128x128xf32, #tpu.memory_space<vmem>>, vector<1x16xf32>,
      %get3A_863 = vector.shape_cast %get3A_862 : vector<1x16xf32> to vector<16xf32>
      %add3A_864 = arith.addf %scan3A_844, %get3A_863 : vector<16xf32>
      %add3A_865 = arith.constant 64 : i32
      %add3A_866 = arith.addi %add3A_865, %scan3A_842 : i32
      %get3A_867 = arith.index_cast %add3A_866 : i32 to index
      %get3A_868 = arith.constant 32 : index
      %get3A_869 = tpu.vector_load %arg7[%get3A_867, %get3A_868] {strides = array<i32>} : memref<128x128xf32, #tpu.memory_space<vmem>>, vector<1x16xf32>,
      %get3A_870 = vector.shape_cast %get3A_869 : vector<1x16xf32> to vector<16xf32>
      %add3A_871 = arith.addf %scan3A_845, %get3A_870 : vector<16xf32>
      %add3A_872 = arith.constant 64 : i32
      %add3A_873 = arith.addi %add3A_872, %scan3A_842 : i32
      %get3A_874 = arith.index_cast %add3A_873 : i32 to index
      %get3A_875 = arith.constant 48 : index
      %get3A_876 = tpu.vector_load %arg7[%get3A_874, %get3A_875] {strides = array<i32>} : memref<128x128xf32, #tpu.memory_space<vmem>>, vector<1x16xf32>,
      %get3A_877 = vector.shape_cast %get3A_876 : vector<1x16xf32> to vector<16xf32>
      %add3A_878 = arith.addf %scan3A_846, %get3A_877 : vector<16xf32>
      %add3A_879 = arith.constant 64 : i32
      %add3A_880 = arith.addi %add3A_879, %scan3A_842 : i32
      %get3A_881 = arith.index_cast %add3A_880 : i32 to index
      %get3A_882 = arith.constant 64 : index
      %get3A_883 = tpu.vector_load %arg7[%get3A_881, %get3A_882] {strides = array<i32>} : memref<128x128xf32, #tpu.memory_space<vmem>>, vector<1x16xf32>,
      %get3A_884 = vector.shape_cast %get3A_883 : vector<1x16xf32> to vector<16xf32>
      %add3A_885 = arith.addf %scan3A_847, %get3A_884 : vector<16xf32>
      %add3A_886 = arith.constant 64 : i32
      %add3A_887 = arith.addi %add3A_886, %scan3A_842 : i32
      %get3A_888 = arith.index_cast %add3A_887 : i32 to index
      %get3A_889 = arith.constant 80 : index
      %get3A_890 = tpu.vector_load %arg7[%get3A_888, %get3A_889] {strides = array<i32>} : memref<128x128xf32, #tpu.memory_space<vmem>>, vector<1x16xf32>,
      %get3A_891 = vector.shape_cast %get3A_890 : vector<1x16xf32> to vector<16xf32>
      %add3A_892 = arith.addf %scan3A_848, %get3A_891 : vector<16xf32>
      %add3A_893 = arith.constant 64 : i32
      %add3A_894 = arith.addi %add3A_893, %scan3A_842 : i32
      %get3A_895 = arith.index_cast %add3A_894 : i32 to index
      %get3A_896 = arith.constant 96 : index
      %get3A_897 = tpu.vector_load %arg7[%get3A_895, %get3A_896] {strides = array<i32>} : memref<128x128xf32, #tpu.memory_space<vmem>>, vector<1x16xf32>,
      %get3A_898 = vector.shape_cast %get3A_897 : vector<1x16xf32> to vector<16xf32>
      %add3A_899 = arith.addf %scan3A_849, %get3A_898 : vector<16xf32>
      %add3A_900 = arith.constant 64 : i32
      %add3A_901 = arith.addi %add3A_900, %scan3A_842 : i32
      %get3A_902 = arith.index_cast %add3A_901 : i32 to index
      %get3A_903 = arith.constant 112 : index
      %get3A_904 = tpu.vector_load %arg7[%get3A_902, %get3A_903] {strides = array<i32>} : memref<128x128xf32, #tpu.memory_space<vmem>>, vector<1x16xf32>,
      %get3A_905 = vector.shape_cast %get3A_904 : vector<1x16xf32> to vector<16xf32>
      %add3A_906 = arith.addf %scan3A_850, %get3A_905 : vector<16xf32>
      scf.yield %add3A_857, %add3A_864, %add3A_871, %add3A_878, %add3A_885, %add3A_892, %add3A_899, %add3A_906 : vector<16xf32>, vector<16xf32>, vector<16xf32>, vector<16xf32>, vector<16xf32>, vector<16xf32>, vector<16xf32>, vector<16xf32>
    }
    %scan3A_668 = arith.constant 31 : i32
    %swap3A_669 = arith.constant 2 : i32
    %swap3A_670 = arith.index_cast %swap3A_669 : i32 to index
    %swap3A_671 = arith.constant 0 : index
    %swap3A_672 = tpu.vector_load %arg9[%swap3A_670, %swap3A_671] {strides = array<i32>} : memref<4x128xf32, #tpu.memory_space<vmem>>, vector<1x16xf32>,
    %swap3A_673 = vector.shape_cast %swap3A_672 : vector<1x16xf32> to vector<16xf32>
    %swap3A_674 = vector.shape_cast %scan3A_667#0 : vector<16xf32> to vector<1x16xf32>
    tpu.vector_store %arg9[%swap3A_670, %swap3A_671], %swap3A_674 {strides = array<i32>} : memref<4x128xf32, #tpu.memory_space<vmem>>, vector<1x16xf32>,
    %swap3A_675 = arith.constant 2 : i32
    %swap3A_676 = arith.index_cast %swap3A_675 : i32 to index
    %swap3A_677 = arith.constant 16 : index
    %swap3A_678 = tpu.vector_load %arg9[%swap3A_676, %swap3A_677] {strides = array<i32>} : memref<4x128xf32, #tpu.memory_space<vmem>>, vector<1x16xf32>,
    %swap3A_679 = vector.shape_cast %swap3A_678 : vector<1x16xf32> to vector<16xf32>
    %swap3A_680 = vector.shape_cast %scan3A_667#1 : vector<16xf32> to vector<1x16xf32>
    tpu.vector_store %arg9[%swap3A_676, %swap3A_677], %swap3A_680 {strides = array<i32>} : memref<4x128xf32, #tpu.memory_space<vmem>>, vector<1x16xf32>,
    %swap3A_681 = arith.constant 2 : i32
    %swap3A_682 = arith.index_cast %swap3A_681 : i32 to index
    %swap3A_683 = arith.constant 32 : index
    %swap3A_684 = tpu.vector_load %arg9[%swap3A_682, %swap3A_683] {strides = array<i32>} : memref<4x128xf32, #tpu.memory_space<vmem>>, vector<1x16xf32>,
    %swap3A_685 = vector.shape_cast %swap3A_684 : vector<1x16xf32> to vector<16xf32>
    %swap3A_686 = vector.shape_cast %scan3A_667#2 : vector<16xf32> to vector<1x16xf32>
    tpu.vector_store %arg9[%swap3A_682, %swap3A_683], %swap3A_686 {strides = array<i32>} : memref<4x128xf32, #tpu.memory_space<vmem>>, vector<1x16xf32>,
    %swap3A_687 = arith.constant 2 : i32
    %swap3A_688 = arith.index_cast %swap3A_687 : i32 to index
    %swap3A_689 = arith.constant 48 : index
    %swap3A_690 = tpu.vector_load %arg9[%swap3A_688, %swap3A_689] {strides = array<i32>} : memref<4x128xf32, #tpu.memory_space<vmem>>, vector<1x16xf32>,
    %swap3A_691 = vector.shape_cast %swap3A_690 : vector<1x16xf32> to vector<16xf32>
    %swap3A_692 = vector.shape_cast %scan3A_667#3 : vector<16xf32> to vector<1x16xf32>
    tpu.vector_store %arg9[%swap3A_688, %swap3A_689], %swap3A_692 {strides = array<i32>} : memref<4x128xf32, #tpu.memory_space<vmem>>, vector<1x16xf32>,
    %swap3A_693 = arith.constant 2 : i32
    %swap3A_694 = arith.index_cast %swap3A_693 : i32 to index
    %swap3A_695 = arith.constant 64 : index
    %swap3A_696 = tpu.vector_load %arg9[%swap3A_694, %swap3A_695] {strides = array<i32>} : memref<4x128xf32, #tpu.memory_space<vmem>>, vector<1x16xf32>,
    %swap3A_697 = vector.shape_cast %swap3A_696 : vector<1x16xf32> to vector<16xf32>
    %swap3A_698 = vector.shape_cast %scan3A_667#4 : vector<16xf32> to vector<1x16xf32>
    tpu.vector_store %arg9[%swap3A_694, %swap3A_695], %swap3A_698 {strides = array<i32>} : memref<4x128xf32, #tpu.memory_space<vmem>>, vector<1x16xf32>,
    %swap3A_699 = arith.constant 2 : i32
    %swap3A_700 = arith.index_cast %swap3A_699 : i32 to index
    %swap3A_701 = arith.constant 80 : index
    %swap3A_702 = tpu.vector_load %arg9[%swap3A_700, %swap3A_701] {strides = array<i32>} : memref<4x128xf32, #tpu.memory_space<vmem>>, vector<1x16xf32>,
    %swap3A_703 = vector.shape_cast %swap3A_702 : vector<1x16xf32> to vector<16xf32>
    %swap3A_704 = vector.shape_cast %scan3A_667#5 : vector<16xf32> to vector<1x16xf32>
    tpu.vector_store %arg9[%swap3A_700, %swap3A_701], %swap3A_704 {strides = array<i32>} : memref<4x128xf32, #tpu.memory_space<vmem>>, vector<1x16xf32>,
    %swap3A_705 = arith.constant 2 : i32
    %swap3A_706 = arith.index_cast %swap3A_705 : i32 to index
    %swap3A_707 = arith.constant 96 : index
    %swap3A_708 = tpu.vector_load %arg9[%swap3A_706, %swap3A_707] {strides = array<i32>} : memref<4x128xf32, #tpu.memory_space<vmem>>, vector<1x16xf32>,
    %swap3A_709 = vector.shape_cast %swap3A_708 : vector<1x16xf32> to vector<16xf32>
    %swap3A_710 = vector.shape_cast %scan3A_667#6 : vector<16xf32> to vector<1x16xf32>
    tpu.vector_store %arg9[%swap3A_706, %swap3A_707], %swap3A_710 {strides = array<i32>} : memref<4x128xf32, #tpu.memory_space<vmem>>, vector<1x16xf32>,
    %swap3A_711 = arith.constant 2 : i32
    %swap3A_712 = arith.index_cast %swap3A_711 : i32 to index
    %swap3A_713 = arith.constant 112 : index
    %swap3A_714 = tpu.vector_load %arg9[%swap3A_712, %swap3A_713] {strides = array<i32>} : memref<4x128xf32, #tpu.memory_space<vmem>>, vector<1x16xf32>,
    %swap3A_715 = vector.shape_cast %swap3A_714 : vector<1x16xf32> to vector<16xf32>
    %swap3A_716 = vector.shape_cast %scan3A_667#7 : vector<16xf32> to vector<1x16xf32>
    tpu.vector_store %arg9[%swap3A_712, %swap3A_713], %swap3A_716 {strides = array<i32>} : memref<4x128xf32, #tpu.memory_space<vmem>>, vector<1x16xf32>,
    %get3A_717 = arith.constant 96 : i32
    %get3A_718 = arith.index_cast %get3A_717 : i32 to index
    %get3A_719 = arith.constant 0 : index
    %get3A_720 = tpu.vector_load %arg7[%get3A_718, %get3A_719] {strides = array<i32>} : memref<128x128xf32, #tpu.memory_space<vmem>>, vector<1x16xf32>,
    %get3A_721 = vector.shape_cast %get3A_720 : vector<1x16xf32> to vector<16xf32>
    %get3A_722 = arith.constant 96 : i32
    %get3A_723 = arith.index_cast %get3A_722 : i32 to index
    %get3A_724 = arith.constant 16 : index
    %get3A_725 = tpu.vector_load %arg7[%get3A_723, %get3A_724] {strides = array<i32>} : memref<128x128xf32, #tpu.memory_space<vmem>>, vector<1x16xf32>,
    %get3A_726 = vector.shape_cast %get3A_725 : vector<1x16xf32> to vector<16xf32>
    %get3A_727 = arith.constant 96 : i32
    %get3A_728 = arith.index_cast %get3A_727 : i32 to index
    %get3A_729 = arith.constant 32 : index
    %get3A_730 = tpu.vector_load %arg7[%get3A_728, %get3A_729] {strides = array<i32>} : memref<128x128xf32, #tpu.memory_space<vmem>>, vector<1x16xf32>,
    %get3A_731 = vector.shape_cast %get3A_730 : vector<1x16xf32> to vector<16xf32>
    %get3A_732 = arith.constant 96 : i32
    %get3A_733 = arith.index_cast %get3A_732 : i32 to index
    %get3A_734 = arith.constant 48 : index
    %get3A_735 = tpu.vector_load %arg7[%get3A_733, %get3A_734] {strides = array<i32>} : memref<128x128xf32, #tpu.memory_space<vmem>>, vector<1x16xf32>,
    %get3A_736 = vector.shape_cast %get3A_735 : vector<1x16xf32> to vector<16xf32>
    %get3A_737 = arith.constant 96 : i32
    %get3A_738 = arith.index_cast %get3A_737 : i32 to index
    %get3A_739 = arith.constant 64 : index
    %get3A_740 = tpu.vector_load %arg7[%get3A_738, %get3A_739] {strides = array<i32>} : memref<128x128xf32, #tpu.memory_space<vmem>>, vector<1x16xf32>,
    %get3A_741 = vector.shape_cast %get3A_740 : vector<1x16xf32> to vector<16xf32>
    %get3A_742 = arith.constant 96 : i32
    %get3A_743 = arith.index_cast %get3A_742 : i32 to index
    %get3A_744 = arith.constant 80 : index
    %get3A_745 = tpu.vector_load %arg7[%get3A_743, %get3A_744] {strides = array<i32>} : memref<128x128xf32, #tpu.memory_space<vmem>>, vector<1x16xf32>,
    %get3A_746 = vector.shape_cast %get3A_745 : vector<1x16xf32> to vector<16xf32>
    %get3A_747 = arith.constant 96 : i32
    %get3A_748 = arith.index_cast %get3A_747 : i32 to index
    %get3A_749 = arith.constant 96 : index
    %get3A_750 = tpu.vector_load %arg7[%get3A_748, %get3A_749] {strides = array<i32>} : memref<128x128xf32, #tpu.memory_space<vmem>>, vector<1x16xf32>,
    %get3A_751 = vector.shape_cast %get3A_750 : vector<1x16xf32> to vector<16xf32>
    %get3A_752 = arith.constant 96 : i32
    %get3A_753 = arith.index_cast %get3A_752 : i32 to index
    %get3A_754 = arith.constant 112 : index
    %get3A_755 = tpu.vector_load %arg7[%get3A_753, %get3A_754] {strides = array<i32>} : memref<128x128xf32, #tpu.memory_space<vmem>>, vector<1x16xf32>,
    %get3A_756 = vector.shape_cast %get3A_755 : vector<1x16xf32> to vector<16xf32>
    %scan3A_757 = arith.constant 1 : i32
    %scan3A_758 = arith.constant 31 : i32
    %scan3A_759 = arith.addi %scan3A_757, %scan3A_758 : i32
    %scan3A_760 = arith.constant 1 : i32
    %scan3A_761:8 = scf.for %scan3A_842 = %scan3A_757 to %scan3A_759 step %scan3A_760 iter_args(%scan3A_843 = %get3A_721, %scan3A_844 = %get3A_726, %scan3A_845 = %get3A_731, %scan3A_846 = %get3A_736, %scan3A_847 = %get3A_741, %scan3A_848 = %get3A_746, %scan3A_849 = %get3A_751, %scan3A_850 = %get3A_756) -> (vector<16xf32>, vector<16xf32>, vector<16xf32>, vector<16xf32>, vector<16xf32>, vector<16xf32>, vector<16xf32>, vector<16xf32>)  : i32 {
      %add3A_851 = arith.constant 96 : i32
      %add3A_852 = arith.addi %add3A_851, %scan3A_842 : i32
      %get3A_853 = arith.index_cast %add3A_852 : i32 to index
      %get3A_854 = arith.constant 0 : index
      %get3A_855 = tpu.vector_load %arg7[%get3A_853, %get3A_854] {strides = array<i32>} : memref<128x128xf32, #tpu.memory_space<vmem>>, vector<1x16xf32>,
      %get3A_856 = vector.shape_cast %get3A_855 : vector<1x16xf32> to vector<16xf32>
      %add3A_857 = arith.addf %scan3A_843, %get3A_856 : vector<16xf32>
      %add3A_858 = arith.constant 96 : i32
      %add3A_859 = arith.addi %add3A_858, %scan3A_842 : i32
      %get3A_860 = arith.index_cast %add3A_859 : i32 to index
      %get3A_861 = arith.constant 16 : index
      %get3A_862 = tpu.vector_load %arg7[%get3A_860, %get3A_861] {strides = array<i32>} : memref<128x128xf32, #tpu.memory_space<vmem>>, vector<1x16xf32>,
      %get3A_863 = vector.shape_cast %get3A_862 : vector<1x16xf32> to vector<16xf32>
      %add3A_864 = arith.addf %scan3A_844, %get3A_863 : vector<16xf32>
      %add3A_865 = arith.constant 96 : i32
      %add3A_866 = arith.addi %add3A_865, %scan3A_842 : i32
      %get3A_867 = arith.index_cast %add3A_866 : i32 to index
      %get3A_868 = arith.constant 32 : index
      %get3A_869 = tpu.vector_load %arg7[%get3A_867, %get3A_868] {strides = array<i32>} : memref<128x128xf32, #tpu.memory_space<vmem>>, vector<1x16xf32>,
      %get3A_870 = vector.shape_cast %get3A_869 : vector<1x16xf32> to vector<16xf32>
      %add3A_871 = arith.addf %scan3A_845, %get3A_870 : vector<16xf32>
      %add3A_872 = arith.constant 96 : i32
      %add3A_873 = arith.addi %add3A_872, %scan3A_842 : i32
      %get3A_874 = arith.index_cast %add3A_873 : i32 to index
      %get3A_875 = arith.constant 48 : index
      %get3A_876 = tpu.vector_load %arg7[%get3A_874, %get3A_875] {strides = array<i32>} : memref<128x128xf32, #tpu.memory_space<vmem>>, vector<1x16xf32>,
      %get3A_877 = vector.shape_cast %get3A_876 : vector<1x16xf32> to vector<16xf32>
      %add3A_878 = arith.addf %scan3A_846, %get3A_877 : vector<16xf32>
      %add3A_879 = arith.constant 96 : i32
      %add3A_880 = arith.addi %add3A_879, %scan3A_842 : i32
      %get3A_881 = arith.index_cast %add3A_880 : i32 to index
      %get3A_882 = arith.constant 64 : index
      %get3A_883 = tpu.vector_load %arg7[%get3A_881, %get3A_882] {strides = array<i32>} : memref<128x128xf32, #tpu.memory_space<vmem>>, vector<1x16xf32>,
      %get3A_884 = vector.shape_cast %get3A_883 : vector<1x16xf32> to vector<16xf32>
      %add3A_885 = arith.addf %scan3A_847, %get3A_884 : vector<16xf32>
      %add3A_886 = arith.constant 96 : i32
      %add3A_887 = arith.addi %add3A_886, %scan3A_842 : i32
      %get3A_888 = arith.index_cast %add3A_887 : i32 to index
      %get3A_889 = arith.constant 80 : index
      %get3A_890 = tpu.vector_load %arg7[%get3A_888, %get3A_889] {strides = array<i32>} : memref<128x128xf32, #tpu.memory_space<vmem>>, vector<1x16xf32>,
      %get3A_891 = vector.shape_cast %get3A_890 : vector<1x16xf32> to vector<16xf32>
      %add3A_892 = arith.addf %scan3A_848, %get3A_891 : vector<16xf32>
      %add3A_893 = arith.constant 96 : i32
      %add3A_894 = arith.addi %add3A_893, %scan3A_842 : i32
      %get3A_895 = arith.index_cast %add3A_894 : i32 to index
      %get3A_896 = arith.constant 96 : index
      %get3A_897 = tpu.vector_load %arg7[%get3A_895, %get3A_896] {strides = array<i32>} : memref<128x128xf32, #tpu.memory_space<vmem>>, vector<1x16xf32>,
      %get3A_898 = vector.shape_cast %get3A_897 : vector<1x16xf32> to vector<16xf32>
      %add3A_899 = arith.addf %scan3A_849, %get3A_898 : vector<16xf32>
      %add3A_900 = arith.constant 96 : i32
      %add3A_901 = arith.addi %add3A_900, %scan3A_842 : i32
      %get3A_902 = arith.index_cast %add3A_901 : i32 to index
      %get3A_903 = arith.constant 112 : index
      %get3A_904 = tpu.vector_load %arg7[%get3A_902, %get3A_903] {strides = array<i32>} : memref<128x128xf32, #tpu.memory_space<vmem>>, vector<1x16xf32>,
      %get3A_905 = vector.shape_cast %get3A_904 : vector<1x16xf32> to vector<16xf32>
      %add3A_906 = arith.addf %scan3A_850, %get3A_905 : vector<16xf32>
      scf.yield %add3A_857, %add3A_864, %add3A_871, %add3A_878, %add3A_885, %add3A_892, %add3A_899, %add3A_906 : vector<16xf32>, vector<16xf32>, vector<16xf32>, vector<16xf32>, vector<16xf32>, vector<16xf32>, vector<16xf32>, vector<16xf32>
    }
    %scan3A_762 = arith.constant 31 : i32
    %swap3A_763 = arith.constant 3 : i32
    %swap3A_764 = arith.index_cast %swap3A_763 : i32 to index
    %swap3A_765 = arith.constant 0 : index
    %swap3A_766 = tpu.vector_load %arg9[%swap3A_764, %swap3A_765] {strides = array<i32>} : memref<4x128xf32, #tpu.memory_space<vmem>>, vector<1x16xf32>,
    %swap3A_767 = vector.shape_cast %swap3A_766 : vector<1x16xf32> to vector<16xf32>
    %swap3A_768 = vector.shape_cast %scan3A_761#0 : vector<16xf32> to vector<1x16xf32>
    tpu.vector_store %arg9[%swap3A_764, %swap3A_765], %swap3A_768 {strides = array<i32>} : memref<4x128xf32, #tpu.memory_space<vmem>>, vector<1x16xf32>,
    %swap3A_769 = arith.constant 3 : i32
    %swap3A_770 = arith.index_cast %swap3A_769 : i32 to index
    %swap3A_771 = arith.constant 16 : index
    %swap3A_772 = tpu.vector_load %arg9[%swap3A_770, %swap3A_771] {strides = array<i32>} : memref<4x128xf32, #tpu.memory_space<vmem>>, vector<1x16xf32>,
    %swap3A_773 = vector.shape_cast %swap3A_772 : vector<1x16xf32> to vector<16xf32>
    %swap3A_774 = vector.shape_cast %scan3A_761#1 : vector<16xf32> to vector<1x16xf32>
    tpu.vector_store %arg9[%swap3A_770, %swap3A_771], %swap3A_774 {strides = array<i32>} : memref<4x128xf32, #tpu.memory_space<vmem>>, vector<1x16xf32>,
    %swap3A_775 = arith.constant 3 : i32
    %swap3A_776 = arith.index_cast %swap3A_775 : i32 to index
    %swap3A_777 = arith.constant 32 : index
    %swap3A_778 = tpu.vector_load %arg9[%swap3A_776, %swap3A_777] {strides = array<i32>} : memref<4x128xf32, #tpu.memory_space<vmem>>, vector<1x16xf32>,
    %swap3A_779 = vector.shape_cast %swap3A_778 : vector<1x16xf32> to vector<16xf32>
    %swap3A_780 = vector.shape_cast %scan3A_761#2 : vector<16xf32> to vector<1x16xf32>
    tpu.vector_store %arg9[%swap3A_776, %swap3A_777], %swap3A_780 {strides = array<i32>} : memref<4x128xf32, #tpu.memory_space<vmem>>, vector<1x16xf32>,
    %swap3A_781 = arith.constant 3 : i32
    %swap3A_782 = arith.index_cast %swap3A_781 : i32 to index
    %swap3A_783 = arith.constant 48 : index
    %swap3A_784 = tpu.vector_load %arg9[%swap3A_782, %swap3A_783] {strides = array<i32>} : memref<4x128xf32, #tpu.memory_space<vmem>>, vector<1x16xf32>,
    %swap3A_785 = vector.shape_cast %swap3A_784 : vector<1x16xf32> to vector<16xf32>
    %swap3A_786 = vector.shape_cast %scan3A_761#3 : vector<16xf32> to vector<1x16xf32>
    tpu.vector_store %arg9[%swap3A_782, %swap3A_783], %swap3A_786 {strides = array<i32>} : memref<4x128xf32, #tpu.memory_space<vmem>>, vector<1x16xf32>,
    %swap3A_787 = arith.constant 3 : i32
    %swap3A_788 = arith.index_cast %swap3A_787 : i32 to index
    %swap3A_789 = arith.constant 64 : index
    %swap3A_790 = tpu.vector_load %arg9[%swap3A_788, %swap3A_789] {strides = array<i32>} : memref<4x128xf32, #tpu.memory_space<vmem>>, vector<1x16xf32>,
    %swap3A_791 = vector.shape_cast %swap3A_790 : vector<1x16xf32> to vector<16xf32>
    %swap3A_792 = vector.shape_cast %scan3A_761#4 : vector<16xf32> to vector<1x16xf32>
    tpu.vector_store %arg9[%swap3A_788, %swap3A_789], %swap3A_792 {strides = array<i32>} : memref<4x128xf32, #tpu.memory_space<vmem>>, vector<1x16xf32>,
    %swap3A_793 = arith.constant 3 : i32
    %swap3A_794 = arith.index_cast %swap3A_793 : i32 to index
    %swap3A_795 = arith.constant 80 : index
    %swap3A_796 = tpu.vector_load %arg9[%swap3A_794, %swap3A_795] {strides = array<i32>} : memref<4x128xf32, #tpu.memory_space<vmem>>, vector<1x16xf32>,
    %swap3A_797 = vector.shape_cast %swap3A_796 : vector<1x16xf32> to vector<16xf32>
    %swap3A_798 = vector.shape_cast %scan3A_761#5 : vector<16xf32> to vector<1x16xf32>
    tpu.vector_store %arg9[%swap3A_794, %swap3A_795], %swap3A_798 {strides = array<i32>} : memref<4x128xf32, #tpu.memory_space<vmem>>, vector<1x16xf32>,
    %swap3A_799 = arith.constant 3 : i32
    %swap3A_800 = arith.index_cast %swap3A_799 : i32 to index
    %swap3A_801 = arith.constant 96 : index
    %swap3A_802 = tpu.vector_load %arg9[%swap3A_800, %swap3A_801] {strides = array<i32>} : memref<4x128xf32, #tpu.memory_space<vmem>>, vector<1x16xf32>,
    %swap3A_803 = vector.shape_cast %swap3A_802 : vector<1x16xf32> to vector<16xf32>
    %swap3A_804 = vector.shape_cast %scan3A_761#6 : vector<16xf32> to vector<1x16xf32>
    tpu.vector_store %arg9[%swap3A_800, %swap3A_801], %swap3A_804 {strides = array<i32>} : memref<4x128xf32, #tpu.memory_space<vmem>>, vector<1x16xf32>,
    %swap3A_805 = arith.constant 3 : i32
    %swap3A_806 = arith.index_cast %swap3A_805 : i32 to index
    %swap3A_807 = arith.constant 112 : index
    %swap3A_808 = tpu.vector_load %arg9[%swap3A_806, %swap3A_807] {strides = array<i32>} : memref<4x128xf32, #tpu.memory_space<vmem>>, vector<1x16xf32>,
    %swap3A_809 = vector.shape_cast %swap3A_808 : vector<1x16xf32> to vector<16xf32>
    %swap3A_810 = vector.shape_cast %scan3A_761#7 : vector<16xf32> to vector<1x16xf32>
    tpu.vector_store %arg9[%swap3A_806, %swap3A_807], %swap3A_810 {strides = array<i32>} : memref<4x128xf32, #tpu.memory_space<vmem>>, vector<1x16xf32>,
    %add3A_811 = arith.constant 4 : i32
    %add3A_812 = arith.addi %mul3A_2, %add3A_811 : i32
    %dma_start3A_813 = arith.constant 0 : i32
    %dma_start3A_814 = tpu.memref_slice %arg4[%add3A_812, %dma_start3A_813] : memref<10240x128xf32, #tpu.memory_space<hbm>> -> memref<4x128xf32, #tpu.memory_space<hbm>>
    %dma_start3A_815 = arith.constant 0 : i32
    %dma_start3A_816 = tpu.memref_slice %arg4[%add3A_812, %dma_start3A_815] : memref<10240x128xf32, #tpu.memory_space<hbm>> -> memref<4x128xf32, #tpu.memory_space<hbm>>
    tpu.enqueue_dma source(%arg9 : memref<4x128xf32, #tpu.memory_space<vmem>>) target(%dma_start3A_816 : memref<4x128xf32, #tpu.memory_space<hbm>>) target_semaphore(%arg14 : memref<!tpu.dma_semaphore, #tpu.memory_space<semaphore_mem>>)
    %dma_start3A_817 = arith.constant 3 : i32
    %dma_start3A_818 = arith.constant 0 : i32
    %dma_start3A_819 = tpu.memref_slice %arg5[%dma_start3A_817, %dma_start3A_818] : memref<80x128xi32, #tpu.memory_space<vmem>> -> memref<1x128xi32, #tpu.memory_space<vmem>>
    %dma_start3A_820 = tpu.memref_squeeze %dma_start3A_819 : memref<1x128xi32, #tpu.memory_space<vmem>> -> memref<128xi32, #tpu.memory_space<vmem>>
    %dma_start3A_821 = arith.constant 0 : i32
    %dma_start3A_822 = arith.constant 0 : i32
    %dma_start3A_823 = tpu.memref_slice %arg10[%dma_start3A_821, %dma_start3A_822] : memref<10240x128xf32, #tpu.memory_space<vmem_shared>> -> memref<10240x128xf32, #tpu.memory_space<vmem_shared>>
    tpu.enqueue_indirect_dma source(%dma_start3A_823 : memref<10240x128xf32, #tpu.memory_space<vmem_shared>>) target(%arg7 : memref<128x128xf32, #tpu.memory_space<vmem>>) offsets(%dma_start3A_820 : memref<128xi32, #tpu.memory_space<vmem>>) semaphore(%arg12 : memref<!tpu.dma_semaphore, #tpu.memory_space<semaphore_mem>>)
    %scan3A_824 = arith.constant 0 : i32
    %scan3A_825 = arith.constant 1 : i32
    %scan3A_826 = arith.constant 39 : i32
    %scan3A_827 = arith.addi %scan3A_825, %scan3A_826 : i32
    %scan3A_828 = arith.constant 1 : i32
    scf.for %scan3A_842 = %scan3A_825 to %scan3A_827 step %scan3A_828  : i32 {
      %mul3A_843 = arith.constant 2 : i32
      %mul3A_844 = arith.muli %scan3A_842, %mul3A_843 : i32
      %add3A_845 = arith.constant 0 : i32
      %add3A_846 = arith.addi %mul3A_844, %add3A_845 : i32
      %dma_wait3A_847 = arith.constant 0 : i32
      %dma_wait3A_848 = tpu.memref_slice %arg5[%add3A_846, %dma_wait3A_847] : memref<80x128xi32, #tpu.memory_space<vmem>> -> memref<1x128xi32, #tpu.memory_space<vmem>>
      %dma_wait3A_849 = tpu.memref_squeeze %dma_wait3A_848 : memref<1x128xi32, #tpu.memory_space<vmem>> -> memref<128xi32, #tpu.memory_space<vmem>>
      %dma_wait3A_850 = arith.constant 0 : i32
      %dma_wait3A_851 = arith.constant 0 : i32
      %dma_wait3A_852 = tpu.memref_slice %arg10[%dma_wait3A_850, %dma_wait3A_851] : memref<10240x128xf32, #tpu.memory_space<vmem_shared>> -> memref<10240x128xf32, #tpu.memory_space<vmem_shared>>
      tpu.wait_indirect_dma semaphore(%arg11 : memref<!tpu.dma_semaphore, #tpu.memory_space<semaphore_mem>>) src(%dma_wait3A_852 : memref<10240x128xf32, #tpu.memory_space<vmem_shared>>) dst(%arg6 : memref<128x128xf32, #tpu.memory_space<vmem>>)
      %sub3A = arith.constant 2 : i32
      %sub3A_853 = arith.subi %add3A_846, %sub3A : i32
      %mul3A_854 = arith.constant 4 : i32
      %mul3A_855 = arith.muli %sub3A_853, %mul3A_854 : i32
      %add3A_856 = arith.addi %mul3A_2, %mul3A_855 : i32
      %dma_wait3A_857 = arith.constant 0 : i32
      %dma_wait3A_858 = tpu.memref_slice %arg4[%add3A_856, %dma_wait3A_857] : memref<10240x128xf32, #tpu.memory_space<hbm>> -> memref<4x128xf32, #tpu.memory_space<hbm>>
      %dma_wait3A_859 = arith.constant 0 : i32
      %dma_wait3A_860 = tpu.memref_slice %arg4[%add3A_856, %dma_wait3A_859] : memref<10240x128xf32, #tpu.memory_space<hbm>> -> memref<4x128xf32, #tpu.memory_space<hbm>>
      tpu.wait_dma2 semaphore(%arg13 : memref<!tpu.dma_semaphore, #tpu.memory_space<semaphore_mem>>) src(%arg8 : memref<4x128xf32, #tpu.memory_space<vmem>>) dst(%dma_wait3A_860 : memref<4x128xf32, #tpu.memory_space<hbm>>)
      %get3A_861 = arith.constant 0 : i32
      %get3A_862 = arith.index_cast %get3A_861 : i32 to index
      %get3A_863 = arith.constant 0 : index
      %get3A_864 = tpu.vector_load %arg6[%get3A_862, %get3A_863] {strides = array<i32>} : memref<128x128xf32, #tpu.memory_space<vmem>>, vector<1x16xf32>,
      %get3A_865 = vector.shape_cast %get3A_864 : vector<1x16xf32> to vector<16xf32>
      %get3A_866 = arith.constant 0 : i32
      %get3A_867 = arith.index_cast %get3A_866 : i32 to index
      %get3A_868 = arith.constant 16 : index
      %get3A_869 = tpu.vector_load %arg6[%get3A_867, %get3A_868] {strides = array<i32>} : memref<128x128xf32, #tpu.memory_space<vmem>>, vector<1x16xf32>,
      %get3A_870 = vector.shape_cast %get3A_869 : vector<1x16xf32> to vector<16xf32>
      %get3A_871 = arith.constant 0 : i32
      %get3A_872 = arith.index_cast %get3A_871 : i32 to index
      %get3A_873 = arith.constant 32 : index
      %get3A_874 = tpu.vector_load %arg6[%get3A_872, %get3A_873] {strides = array<i32>} : memref<128x128xf32, #tpu.memory_space<vmem>>, vector<1x16xf32>,
      %get3A_875 = vector.shape_cast %get3A_874 : vector<1x16xf32> to vector<16xf32>
      %get3A_876 = arith.constant 0 : i32
      %get3A_877 = arith.index_cast %get3A_876 : i32 to index
      %get3A_878 = arith.constant 48 : index
      %get3A_879 = tpu.vector_load %arg6[%get3A_877, %get3A_878] {strides = array<i32>} : memref<128x128xf32, #tpu.memory_space<vmem>>, vector<1x16xf32>,
      %get3A_880 = vector.shape_cast %get3A_879 : vector<1x16xf32> to vector<16xf32>
      %get3A_881 = arith.constant 0 : i32
      %get3A_882 = arith.index_cast %get3A_881 : i32 to index
      %get3A_883 = arith.constant 64 : index
      %get3A_884 = tpu.vector_load %arg6[%get3A_882, %get3A_883] {strides = array<i32>} : memref<128x128xf32, #tpu.memory_space<vmem>>, vector<1x16xf32>,
      %get3A_885 = vector.shape_cast %get3A_884 : vector<1x16xf32> to vector<16xf32>
      %get3A_886 = arith.constant 0 : i32
      %get3A_887 = arith.index_cast %get3A_886 : i32 to index
      %get3A_888 = arith.constant 80 : index
      %get3A_889 = tpu.vector_load %arg6[%get3A_887, %get3A_888] {strides = array<i32>} : memref<128x128xf32, #tpu.memory_space<vmem>>, vector<1x16xf32>,
      %get3A_890 = vector.shape_cast %get3A_889 : vector<1x16xf32> to vector<16xf32>
      %get3A_891 = arith.constant 0 : i32
      %get3A_892 = arith.index_cast %get3A_891 : i32 to index
      %get3A_893 = arith.constant 96 : index
      %get3A_894 = tpu.vector_load %arg6[%get3A_892, %get3A_893] {strides = array<i32>} : memref<128x128xf32, #tpu.memory_space<vmem>>, vector<1x16xf32>,
      %get3A_895 = vector.shape_cast %get3A_894 : vector<1x16xf32> to vector<16xf32>
      %get3A_896 = arith.constant 0 : i32
      %get3A_897 = arith.index_cast %get3A_896 : i32 to index
      %get3A_898 = arith.constant 112 : index
      %get3A_899 = tpu.vector_load %arg6[%get3A_897, %get3A_898] {strides = array<i32>} : memref<128x128xf32, #tpu.memory_space<vmem>>, vector<1x16xf32>,
      %get3A_900 = vector.shape_cast %get3A_899 : vector<1x16xf32> to vector<16xf32>
      %scan3A_901 = arith.constant 1 : i32
      %scan3A_902 = arith.constant 31 : i32
      %scan3A_903 = arith.addi %scan3A_901, %scan3A_902 : i32
      %scan3A_904 = arith.constant 1 : i32
      %scan3A_905:8 = scf.for %scan3A_1655 = %scan3A_901 to %scan3A_903 step %scan3A_904 iter_args(%scan3A_1656 = %get3A_865, %scan3A_1657 = %get3A_870, %scan3A_1658 = %get3A_875, %scan3A_1659 = %get3A_880, %scan3A_1660 = %get3A_885, %scan3A_1661 = %get3A_890, %scan3A_1662 = %get3A_895, %scan3A_1663 = %get3A_900) -> (vector<16xf32>, vector<16xf32>, vector<16xf32>, vector<16xf32>, vector<16xf32>, vector<16xf32>, vector<16xf32>, vector<16xf32>)  : i32 {
        %add3A_1664 = arith.constant 0 : i32
        %add3A_1665 = arith.addi %add3A_1664, %scan3A_1655 : i32
        %get3A_1666 = arith.index_cast %add3A_1665 : i32 to index
        %get3A_1667 = arith.constant 0 : index
        %get3A_1668 = tpu.vector_load %arg6[%get3A_1666, %get3A_1667] {strides = array<i32>} : memref<128x128xf32, #tpu.memory_space<vmem>>, vector<1x16xf32>,
        %get3A_1669 = vector.shape_cast %get3A_1668 : vector<1x16xf32> to vector<16xf32>
        %add3A_1670 = arith.addf %scan3A_1656, %get3A_1669 : vector<16xf32>
        %add3A_1671 = arith.constant 0 : i32
        %add3A_1672 = arith.addi %add3A_1671, %scan3A_1655 : i32
        %get3A_1673 = arith.index_cast %add3A_1672 : i32 to index
        %get3A_1674 = arith.constant 16 : index
        %get3A_1675 = tpu.vector_load %arg6[%get3A_1673, %get3A_1674] {strides = array<i32>} : memref<128x128xf32, #tpu.memory_space<vmem>>, vector<1x16xf32>,
        %get3A_1676 = vector.shape_cast %get3A_1675 : vector<1x16xf32> to vector<16xf32>
        %add3A_1677 = arith.addf %scan3A_1657, %get3A_1676 : vector<16xf32>
        %add3A_1678 = arith.constant 0 : i32
        %add3A_1679 = arith.addi %add3A_1678, %scan3A_1655 : i32
        %get3A_1680 = arith.index_cast %add3A_1679 : i32 to index
        %get3A_1681 = arith.constant 32 : index
        %get3A_1682 = tpu.vector_load %arg6[%get3A_1680, %get3A_1681] {strides = array<i32>} : memref<128x128xf32, #tpu.memory_space<vmem>>, vector<1x16xf32>,
        %get3A_1683 = vector.shape_cast %get3A_1682 : vector<1x16xf32> to vector<16xf32>
        %add3A_1684 = arith.addf %scan3A_1658, %get3A_1683 : vector<16xf32>
        %add3A_1685 = arith.constant 0 : i32
        %add3A_1686 = arith.addi %add3A_1685, %scan3A_1655 : i32
        %get3A_1687 = arith.index_cast %add3A_1686 : i32 to index
        %get3A_1688 = arith.constant 48 : index
        %get3A_1689 = tpu.vector_load %arg6[%get3A_1687, %get3A_1688] {strides = array<i32>} : memref<128x128xf32, #tpu.memory_space<vmem>>, vector<1x16xf32>,
        %get3A_1690 = vector.shape_cast %get3A_1689 : vector<1x16xf32> to vector<16xf32>
        %add3A_1691 = arith.addf %scan3A_1659, %get3A_1690 : vector<16xf32>
        %add3A_1692 = arith.constant 0 : i32
        %add3A_1693 = arith.addi %add3A_1692, %scan3A_1655 : i32
        %get3A_1694 = arith.index_cast %add3A_1693 : i32 to index
        %get3A_1695 = arith.constant 64 : index
        %get3A_1696 = tpu.vector_load %arg6[%get3A_1694, %get3A_1695] {strides = array<i32>} : memref<128x128xf32, #tpu.memory_space<vmem>>, vector<1x16xf32>,
        %get3A_1697 = vector.shape_cast %get3A_1696 : vector<1x16xf32> to vector<16xf32>
        %add3A_1698 = arith.addf %scan3A_1660, %get3A_1697 : vector<16xf32>
        %add3A_1699 = arith.constant 0 : i32
        %add3A_1700 = arith.addi %add3A_1699, %scan3A_1655 : i32
        %get3A_1701 = arith.index_cast %add3A_1700 : i32 to index
        %get3A_1702 = arith.constant 80 : index
        %get3A_1703 = tpu.vector_load %arg6[%get3A_1701, %get3A_1702] {strides = array<i32>} : memref<128x128xf32, #tpu.memory_space<vmem>>, vector<1x16xf32>,
        %get3A_1704 = vector.shape_cast %get3A_1703 : vector<1x16xf32> to vector<16xf32>
        %add3A_1705 = arith.addf %scan3A_1661, %get3A_1704 : vector<16xf32>
        %add3A_1706 = arith.constant 0 : i32
        %add3A_1707 = arith.addi %add3A_1706, %scan3A_1655 : i32
        %get3A_1708 = arith.index_cast %add3A_1707 : i32 to index
        %get3A_1709 = arith.constant 96 : index
        %get3A_1710 = tpu.vector_load %arg6[%get3A_1708, %get3A_1709] {strides = array<i32>} : memref<128x128xf32, #tpu.memory_space<vmem>>, vector<1x16xf32>,
        %get3A_1711 = vector.shape_cast %get3A_1710 : vector<1x16xf32> to vector<16xf32>
        %add3A_1712 = arith.addf %scan3A_1662, %get3A_1711 : vector<16xf32>
        %add3A_1713 = arith.constant 0 : i32
        %add3A_1714 = arith.addi %add3A_1713, %scan3A_1655 : i32
        %get3A_1715 = arith.index_cast %add3A_1714 : i32 to index
        %get3A_1716 = arith.constant 112 : index
        %get3A_1717 = tpu.vector_load %arg6[%get3A_1715, %get3A_1716] {strides = array<i32>} : memref<128x128xf32, #tpu.memory_space<vmem>>, vector<1x16xf32>,
        %get3A_1718 = vector.shape_cast %get3A_1717 : vector<1x16xf32> to vector<16xf32>
        %add3A_1719 = arith.addf %scan3A_1663, %get3A_1718 : vector<16xf32>
        scf.yield %add3A_1670, %add3A_1677, %add3A_1684, %add3A_1691, %add3A_1698, %add3A_1705, %add3A_1712, %add3A_1719 : vector<16xf32>, vector<16xf32>, vector<16xf32>, vector<16xf32>, vector<16xf32>, vector<16xf32>, vector<16xf32>, vector<16xf32>
      }
      %scan3A_906 = arith.constant 31 : i32
      %swap3A_907 = arith.constant 0 : i32
      %swap3A_908 = arith.index_cast %swap3A_907 : i32 to index
      %swap3A_909 = arith.constant 0 : index
      %swap3A_910 = tpu.vector_load %arg8[%swap3A_908, %swap3A_909] {strides = array<i32>} : memref<4x128xf32, #tpu.memory_space<vmem>>, vector<1x16xf32>,
      %swap3A_911 = vector.shape_cast %swap3A_910 : vector<1x16xf32> to vector<16xf32>
      %swap3A_912 = vector.shape_cast %scan3A_905#0 : vector<16xf32> to vector<1x16xf32>
      tpu.vector_store %arg8[%swap3A_908, %swap3A_909], %swap3A_912 {strides = array<i32>} : memref<4x128xf32, #tpu.memory_space<vmem>>, vector<1x16xf32>,
      %swap3A_913 = arith.constant 0 : i32
      %swap3A_914 = arith.index_cast %swap3A_913 : i32 to index
      %swap3A_915 = arith.constant 16 : index
      %swap3A_916 = tpu.vector_load %arg8[%swap3A_914, %swap3A_915] {strides = array<i32>} : memref<4x128xf32, #tpu.memory_space<vmem>>, vector<1x16xf32>,
      %swap3A_917 = vector.shape_cast %swap3A_916 : vector<1x16xf32> to vector<16xf32>
      %swap3A_918 = vector.shape_cast %scan3A_905#1 : vector<16xf32> to vector<1x16xf32>
      tpu.vector_store %arg8[%swap3A_914, %swap3A_915], %swap3A_918 {strides = array<i32>} : memref<4x128xf32, #tpu.memory_space<vmem>>, vector<1x16xf32>,
      %swap3A_919 = arith.constant 0 : i32
      %swap3A_920 = arith.index_cast %swap3A_919 : i32 to index
      %swap3A_921 = arith.constant 32 : index
      %swap3A_922 = tpu.vector_load %arg8[%swap3A_920, %swap3A_921] {strides = array<i32>} : memref<4x128xf32, #tpu.memory_space<vmem>>, vector<1x16xf32>,
      %swap3A_923 = vector.shape_cast %swap3A_922 : vector<1x16xf32> to vector<16xf32>
      %swap3A_924 = vector.shape_cast %scan3A_905#2 : vector<16xf32> to vector<1x16xf32>
      tpu.vector_store %arg8[%swap3A_920, %swap3A_921], %swap3A_924 {strides = array<i32>} : memref<4x128xf32, #tpu.memory_space<vmem>>, vector<1x16xf32>,
      %swap3A_925 = arith.constant 0 : i32
      %swap3A_926 = arith.index_cast %swap3A_925 : i32 to index
      %swap3A_927 = arith.constant 48 : index
      %swap3A_928 = tpu.vector_load %arg8[%swap3A_926, %swap3A_927] {strides = array<i32>} : memref<4x128xf32, #tpu.memory_space<vmem>>, vector<1x16xf32>,
      %swap3A_929 = vector.shape_cast %swap3A_928 : vector<1x16xf32> to vector<16xf32>
      %swap3A_930 = vector.shape_cast %scan3A_905#3 : vector<16xf32> to vector<1x16xf32>
      tpu.vector_store %arg8[%swap3A_926, %swap3A_927], %swap3A_930 {strides = array<i32>} : memref<4x128xf32, #tpu.memory_space<vmem>>, vector<1x16xf32>,
      %swap3A_931 = arith.constant 0 : i32
      %swap3A_932 = arith.index_cast %swap3A_931 : i32 to index
      %swap3A_933 = arith.constant 64 : index
      %swap3A_934 = tpu.vector_load %arg8[%swap3A_932, %swap3A_933] {strides = array<i32>} : memref<4x128xf32, #tpu.memory_space<vmem>>, vector<1x16xf32>,
      %swap3A_935 = vector.shape_cast %swap3A_934 : vector<1x16xf32> to vector<16xf32>
      %swap3A_936 = vector.shape_cast %scan3A_905#4 : vector<16xf32> to vector<1x16xf32>
      tpu.vector_store %arg8[%swap3A_932, %swap3A_933], %swap3A_936 {strides = array<i32>} : memref<4x128xf32, #tpu.memory_space<vmem>>, vector<1x16xf32>,
      %swap3A_937 = arith.constant 0 : i32
      %swap3A_938 = arith.index_cast %swap3A_937 : i32 to index
      %swap3A_939 = arith.constant 80 : index
      %swap3A_940 = tpu.vector_load %arg8[%swap3A_938, %swap3A_939] {strides = array<i32>} : memref<4x128xf32, #tpu.memory_space<vmem>>, vector<1x16xf32>,
      %swap3A_941 = vector.shape_cast %swap3A_940 : vector<1x16xf32> to vector<16xf32>
      %swap3A_942 = vector.shape_cast %scan3A_905#5 : vector<16xf32> to vector<1x16xf32>
      tpu.vector_store %arg8[%swap3A_938, %swap3A_939], %swap3A_942 {strides = array<i32>} : memref<4x128xf32, #tpu.memory_space<vmem>>, vector<1x16xf32>,
      %swap3A_943 = arith.constant 0 : i32
      %swap3A_944 = arith.index_cast %swap3A_943 : i32 to index
      %swap3A_945 = arith.constant 96 : index
      %swap3A_946 = tpu.vector_load %arg8[%swap3A_944, %swap3A_945] {strides = array<i32>} : memref<4x128xf32, #tpu.memory_space<vmem>>, vector<1x16xf32>,
      %swap3A_947 = vector.shape_cast %swap3A_946 : vector<1x16xf32> to vector<16xf32>
      %swap3A_948 = vector.shape_cast %scan3A_905#6 : vector<16xf32> to vector<1x16xf32>
      tpu.vector_store %arg8[%swap3A_944, %swap3A_945], %swap3A_948 {strides = array<i32>} : memref<4x128xf32, #tpu.memory_space<vmem>>, vector<1x16xf32>,
      %swap3A_949 = arith.constant 0 : i32
      %swap3A_950 = arith.index_cast %swap3A_949 : i32 to index
      %swap3A_951 = arith.constant 112 : index
      %swap3A_952 = tpu.vector_load %arg8[%swap3A_950, %swap3A_951] {strides = array<i32>} : memref<4x128xf32, #tpu.memory_space<vmem>>, vector<1x16xf32>,
      %swap3A_953 = vector.shape_cast %swap3A_952 : vector<1x16xf32> to vector<16xf32>
      %swap3A_954 = vector.shape_cast %scan3A_905#7 : vector<16xf32> to vector<1x16xf32>
      tpu.vector_store %arg8[%swap3A_950, %swap3A_951], %swap3A_954 {strides = array<i32>} : memref<4x128xf32, #tpu.memory_space<vmem>>, vector<1x16xf32>,
      %get3A_955 = arith.constant 32 : i32
      %get3A_956 = arith.index_cast %get3A_955 : i32 to index
      %get3A_957 = arith.constant 0 : index
      %get3A_958 = tpu.vector_load %arg6[%get3A_956, %get3A_957] {strides = array<i32>} : memref<128x128xf32, #tpu.memory_space<vmem>>, vector<1x16xf32>,
      %get3A_959 = vector.shape_cast %get3A_958 : vector<1x16xf32> to vector<16xf32>
      %get3A_960 = arith.constant 32 : i32
      %get3A_961 = arith.index_cast %get3A_960 : i32 to index
      %get3A_962 = arith.constant 16 : index
      %get3A_963 = tpu.vector_load %arg6[%get3A_961, %get3A_962] {strides = array<i32>} : memref<128x128xf32, #tpu.memory_space<vmem>>, vector<1x16xf32>,
      %get3A_964 = vector.shape_cast %get3A_963 : vector<1x16xf32> to vector<16xf32>
      %get3A_965 = arith.constant 32 : i32
      %get3A_966 = arith.index_cast %get3A_965 : i32 to index
      %get3A_967 = arith.constant 32 : index
      %get3A_968 = tpu.vector_load %arg6[%get3A_966, %get3A_967] {strides = array<i32>} : memref<128x128xf32, #tpu.memory_space<vmem>>, vector<1x16xf32>,
      %get3A_969 = vector.shape_cast %get3A_968 : vector<1x16xf32> to vector<16xf32>
      %get3A_970 = arith.constant 32 : i32
      %get3A_971 = arith.index_cast %get3A_970 : i32 to index
      %get3A_972 = arith.constant 48 : index
      %get3A_973 = tpu.vector_load %arg6[%get3A_971, %get3A_972] {strides = array<i32>} : memref<128x128xf32, #tpu.memory_space<vmem>>, vector<1x16xf32>,
      %get3A_974 = vector.shape_cast %get3A_973 : vector<1x16xf32> to vector<16xf32>
      %get3A_975 = arith.constant 32 : i32
      %get3A_976 = arith.index_cast %get3A_975 : i32 to index
      %get3A_977 = arith.constant 64 : index
      %get3A_978 = tpu.vector_load %arg6[%get3A_976, %get3A_977] {strides = array<i32>} : memref<128x128xf32, #tpu.memory_space<vmem>>, vector<1x16xf32>,
      %get3A_979 = vector.shape_cast %get3A_978 : vector<1x16xf32> to vector<16xf32>
      %get3A_980 = arith.constant 32 : i32
      %get3A_981 = arith.index_cast %get3A_980 : i32 to index
      %get3A_982 = arith.constant 80 : index
      %get3A_983 = tpu.vector_load %arg6[%get3A_981, %get3A_982] {strides = array<i32>} : memref<128x128xf32, #tpu.memory_space<vmem>>, vector<1x16xf32>,
      %get3A_984 = vector.shape_cast %get3A_983 : vector<1x16xf32> to vector<16xf32>
      %get3A_985 = arith.constant 32 : i32
      %get3A_986 = arith.index_cast %get3A_985 : i32 to index
      %get3A_987 = arith.constant 96 : index
      %get3A_988 = tpu.vector_load %arg6[%get3A_986, %get3A_987] {strides = array<i32>} : memref<128x128xf32, #tpu.memory_space<vmem>>, vector<1x16xf32>,
      %get3A_989 = vector.shape_cast %get3A_988 : vector<1x16xf32> to vector<16xf32>
      %get3A_990 = arith.constant 32 : i32
      %get3A_991 = arith.index_cast %get3A_990 : i32 to index
      %get3A_992 = arith.constant 112 : index
      %get3A_993 = tpu.vector_load %arg6[%get3A_991, %get3A_992] {strides = array<i32>} : memref<128x128xf32, #tpu.memory_space<vmem>>, vector<1x16xf32>,
      %get3A_994 = vector.shape_cast %get3A_993 : vector<1x16xf32> to vector<16xf32>
      %scan3A_995 = arith.constant 1 : i32
      %scan3A_996 = arith.constant 31 : i32
      %scan3A_997 = arith.addi %scan3A_995, %scan3A_996 : i32
      %scan3A_998 = arith.constant 1 : i32
      %scan3A_999:8 = scf.for %scan3A_1655 = %scan3A_995 to %scan3A_997 step %scan3A_998 iter_args(%scan3A_1656 = %get3A_959, %scan3A_1657 = %get3A_964, %scan3A_1658 = %get3A_969, %scan3A_1659 = %get3A_974, %scan3A_1660 = %get3A_979, %scan3A_1661 = %get3A_984, %scan3A_1662 = %get3A_989, %scan3A_1663 = %get3A_994) -> (vector<16xf32>, vector<16xf32>, vector<16xf32>, vector<16xf32>, vector<16xf32>, vector<16xf32>, vector<16xf32>, vector<16xf32>)  : i32 {
        %add3A_1664 = arith.constant 32 : i32
        %add3A_1665 = arith.addi %add3A_1664, %scan3A_1655 : i32
        %get3A_1666 = arith.index_cast %add3A_1665 : i32 to index
        %get3A_1667 = arith.constant 0 : index
        %get3A_1668 = tpu.vector_load %arg6[%get3A_1666, %get3A_1667] {strides = array<i32>} : memref<128x128xf32, #tpu.memory_space<vmem>>, vector<1x16xf32>,
        %get3A_1669 = vector.shape_cast %get3A_1668 : vector<1x16xf32> to vector<16xf32>
        %add3A_1670 = arith.addf %scan3A_1656, %get3A_1669 : vector<16xf32>
        %add3A_1671 = arith.constant 32 : i32
        %add3A_1672 = arith.addi %add3A_1671, %scan3A_1655 : i32
        %get3A_1673 = arith.index_cast %add3A_1672 : i32 to index
        %get3A_1674 = arith.constant 16 : index
        %get3A_1675 = tpu.vector_load %arg6[%get3A_1673, %get3A_1674] {strides = array<i32>} : memref<128x128xf32, #tpu.memory_space<vmem>>, vector<1x16xf32>,
        %get3A_1676 = vector.shape_cast %get3A_1675 : vector<1x16xf32> to vector<16xf32>
        %add3A_1677 = arith.addf %scan3A_1657, %get3A_1676 : vector<16xf32>
        %add3A_1678 = arith.constant 32 : i32
        %add3A_1679 = arith.addi %add3A_1678, %scan3A_1655 : i32
        %get3A_1680 = arith.index_cast %add3A_1679 : i32 to index
        %get3A_1681 = arith.constant 32 : index
        %get3A_1682 = tpu.vector_load %arg6[%get3A_1680, %get3A_1681] {strides = array<i32>} : memref<128x128xf32, #tpu.memory_space<vmem>>, vector<1x16xf32>,
        %get3A_1683 = vector.shape_cast %get3A_1682 : vector<1x16xf32> to vector<16xf32>
        %add3A_1684 = arith.addf %scan3A_1658, %get3A_1683 : vector<16xf32>
        %add3A_1685 = arith.constant 32 : i32
        %add3A_1686 = arith.addi %add3A_1685, %scan3A_1655 : i32
        %get3A_1687 = arith.index_cast %add3A_1686 : i32 to index
        %get3A_1688 = arith.constant 48 : index
        %get3A_1689 = tpu.vector_load %arg6[%get3A_1687, %get3A_1688] {strides = array<i32>} : memref<128x128xf32, #tpu.memory_space<vmem>>, vector<1x16xf32>,
        %get3A_1690 = vector.shape_cast %get3A_1689 : vector<1x16xf32> to vector<16xf32>
        %add3A_1691 = arith.addf %scan3A_1659, %get3A_1690 : vector<16xf32>
        %add3A_1692 = arith.constant 32 : i32
        %add3A_1693 = arith.addi %add3A_1692, %scan3A_1655 : i32
        %get3A_1694 = arith.index_cast %add3A_1693 : i32 to index
        %get3A_1695 = arith.constant 64 : index
        %get3A_1696 = tpu.vector_load %arg6[%get3A_1694, %get3A_1695] {strides = array<i32>} : memref<128x128xf32, #tpu.memory_space<vmem>>, vector<1x16xf32>,
        %get3A_1697 = vector.shape_cast %get3A_1696 : vector<1x16xf32> to vector<16xf32>
        %add3A_1698 = arith.addf %scan3A_1660, %get3A_1697 : vector<16xf32>
        %add3A_1699 = arith.constant 32 : i32
        %add3A_1700 = arith.addi %add3A_1699, %scan3A_1655 : i32
        %get3A_1701 = arith.index_cast %add3A_1700 : i32 to index
        %get3A_1702 = arith.constant 80 : index
        %get3A_1703 = tpu.vector_load %arg6[%get3A_1701, %get3A_1702] {strides = array<i32>} : memref<128x128xf32, #tpu.memory_space<vmem>>, vector<1x16xf32>,
        %get3A_1704 = vector.shape_cast %get3A_1703 : vector<1x16xf32> to vector<16xf32>
        %add3A_1705 = arith.addf %scan3A_1661, %get3A_1704 : vector<16xf32>
        %add3A_1706 = arith.constant 32 : i32
        %add3A_1707 = arith.addi %add3A_1706, %scan3A_1655 : i32
        %get3A_1708 = arith.index_cast %add3A_1707 : i32 to index
        %get3A_1709 = arith.constant 96 : index
        %get3A_1710 = tpu.vector_load %arg6[%get3A_1708, %get3A_1709] {strides = array<i32>} : memref<128x128xf32, #tpu.memory_space<vmem>>, vector<1x16xf32>,
        %get3A_1711 = vector.shape_cast %get3A_1710 : vector<1x16xf32> to vector<16xf32>
        %add3A_1712 = arith.addf %scan3A_1662, %get3A_1711 : vector<16xf32>
        %add3A_1713 = arith.constant 32 : i32
        %add3A_1714 = arith.addi %add3A_1713, %scan3A_1655 : i32
        %get3A_1715 = arith.index_cast %add3A_1714 : i32 to index
        %get3A_1716 = arith.constant 112 : index
        %get3A_1717 = tpu.vector_load %arg6[%get3A_1715, %get3A_1716] {strides = array<i32>} : memref<128x128xf32, #tpu.memory_space<vmem>>, vector<1x16xf32>,
        %get3A_1718 = vector.shape_cast %get3A_1717 : vector<1x16xf32> to vector<16xf32>
        %add3A_1719 = arith.addf %scan3A_1663, %get3A_1718 : vector<16xf32>
        scf.yield %add3A_1670, %add3A_1677, %add3A_1684, %add3A_1691, %add3A_1698, %add3A_1705, %add3A_1712, %add3A_1719 : vector<16xf32>, vector<16xf32>, vector<16xf32>, vector<16xf32>, vector<16xf32>, vector<16xf32>, vector<16xf32>, vector<16xf32>
      }
      %scan3A_1000 = arith.constant 31 : i32
      %swap3A_1001 = arith.constant 1 : i32
      %swap3A_1002 = arith.index_cast %swap3A_1001 : i32 to index
      %swap3A_1003 = arith.constant 0 : index
      %swap3A_1004 = tpu.vector_load %arg8[%swap3A_1002, %swap3A_1003] {strides = array<i32>} : memref<4x128xf32, #tpu.memory_space<vmem>>, vector<1x16xf32>,
      %swap3A_1005 = vector.shape_cast %swap3A_1004 : vector<1x16xf32> to vector<16xf32>
      %swap3A_1006 = vector.shape_cast %scan3A_999#0 : vector<16xf32> to vector<1x16xf32>
      tpu.vector_store %arg8[%swap3A_1002, %swap3A_1003], %swap3A_1006 {strides = array<i32>} : memref<4x128xf32, #tpu.memory_space<vmem>>, vector<1x16xf32>,
      %swap3A_1007 = arith.constant 1 : i32
      %swap3A_1008 = arith.index_cast %swap3A_1007 : i32 to index
      %swap3A_1009 = arith.constant 16 : index
      %swap3A_1010 = tpu.vector_load %arg8[%swap3A_1008, %swap3A_1009] {strides = array<i32>} : memref<4x128xf32, #tpu.memory_space<vmem>>, vector<1x16xf32>,
      %swap3A_1011 = vector.shape_cast %swap3A_1010 : vector<1x16xf32> to vector<16xf32>
      %swap3A_1012 = vector.shape_cast %scan3A_999#1 : vector<16xf32> to vector<1x16xf32>
      tpu.vector_store %arg8[%swap3A_1008, %swap3A_1009], %swap3A_1012 {strides = array<i32>} : memref<4x128xf32, #tpu.memory_space<vmem>>, vector<1x16xf32>,
      %swap3A_1013 = arith.constant 1 : i32
      %swap3A_1014 = arith.index_cast %swap3A_1013 : i32 to index
      %swap3A_1015 = arith.constant 32 : index
      %swap3A_1016 = tpu.vector_load %arg8[%swap3A_1014, %swap3A_1015] {strides = array<i32>} : memref<4x128xf32, #tpu.memory_space<vmem>>, vector<1x16xf32>,
      %swap3A_1017 = vector.shape_cast %swap3A_1016 : vector<1x16xf32> to vector<16xf32>
      %swap3A_1018 = vector.shape_cast %scan3A_999#2 : vector<16xf32> to vector<1x16xf32>
      tpu.vector_store %arg8[%swap3A_1014, %swap3A_1015], %swap3A_1018 {strides = array<i32>} : memref<4x128xf32, #tpu.memory_space<vmem>>, vector<1x16xf32>,
      %swap3A_1019 = arith.constant 1 : i32
      %swap3A_1020 = arith.index_cast %swap3A_1019 : i32 to index
      %swap3A_1021 = arith.constant 48 : index
      %swap3A_1022 = tpu.vector_load %arg8[%swap3A_1020, %swap3A_1021] {strides = array<i32>} : memref<4x128xf32, #tpu.memory_space<vmem>>, vector<1x16xf32>,
      %swap3A_1023 = vector.shape_cast %swap3A_1022 : vector<1x16xf32> to vector<16xf32>
      %swap3A_1024 = vector.shape_cast %scan3A_999#3 : vector<16xf32> to vector<1x16xf32>
      tpu.vector_store %arg8[%swap3A_1020, %swap3A_1021], %swap3A_1024 {strides = array<i32>} : memref<4x128xf32, #tpu.memory_space<vmem>>, vector<1x16xf32>,
      %swap3A_1025 = arith.constant 1 : i32
      %swap3A_1026 = arith.index_cast %swap3A_1025 : i32 to index
      %swap3A_1027 = arith.constant 64 : index
      %swap3A_1028 = tpu.vector_load %arg8[%swap3A_1026, %swap3A_1027] {strides = array<i32>} : memref<4x128xf32, #tpu.memory_space<vmem>>, vector<1x16xf32>,
      %swap3A_1029 = vector.shape_cast %swap3A_1028 : vector<1x16xf32> to vector<16xf32>
      %swap3A_1030 = vector.shape_cast %scan3A_999#4 : vector<16xf32> to vector<1x16xf32>
      tpu.vector_store %arg8[%swap3A_1026, %swap3A_1027], %swap3A_1030 {strides = array<i32>} : memref<4x128xf32, #tpu.memory_space<vmem>>, vector<1x16xf32>,
      %swap3A_1031 = arith.constant 1 : i32
      %swap3A_1032 = arith.index_cast %swap3A_1031 : i32 to index
      %swap3A_1033 = arith.constant 80 : index
      %swap3A_1034 = tpu.vector_load %arg8[%swap3A_1032, %swap3A_1033] {strides = array<i32>} : memref<4x128xf32, #tpu.memory_space<vmem>>, vector<1x16xf32>,
      %swap3A_1035 = vector.shape_cast %swap3A_1034 : vector<1x16xf32> to vector<16xf32>
      %swap3A_1036 = vector.shape_cast %scan3A_999#5 : vector<16xf32> to vector<1x16xf32>
      tpu.vector_store %arg8[%swap3A_1032, %swap3A_1033], %swap3A_1036 {strides = array<i32>} : memref<4x128xf32, #tpu.memory_space<vmem>>, vector<1x16xf32>,
      %swap3A_1037 = arith.constant 1 : i32
      %swap3A_1038 = arith.index_cast %swap3A_1037 : i32 to index
      %swap3A_1039 = arith.constant 96 : index
      %swap3A_1040 = tpu.vector_load %arg8[%swap3A_1038, %swap3A_1039] {strides = array<i32>} : memref<4x128xf32, #tpu.memory_space<vmem>>, vector<1x16xf32>,
      %swap3A_1041 = vector.shape_cast %swap3A_1040 : vector<1x16xf32> to vector<16xf32>
      %swap3A_1042 = vector.shape_cast %scan3A_999#6 : vector<16xf32> to vector<1x16xf32>
      tpu.vector_store %arg8[%swap3A_1038, %swap3A_1039], %swap3A_1042 {strides = array<i32>} : memref<4x128xf32, #tpu.memory_space<vmem>>, vector<1x16xf32>,
      %swap3A_1043 = arith.constant 1 : i32
      %swap3A_1044 = arith.index_cast %swap3A_1043 : i32 to index
      %swap3A_1045 = arith.constant 112 : index
      %swap3A_1046 = tpu.vector_load %arg8[%swap3A_1044, %swap3A_1045] {strides = array<i32>} : memref<4x128xf32, #tpu.memory_space<vmem>>, vector<1x16xf32>,
      %swap3A_1047 = vector.shape_cast %swap3A_1046 : vector<1x16xf32> to vector<16xf32>
      %swap3A_1048 = vector.shape_cast %scan3A_999#7 : vector<16xf32> to vector<1x16xf32>
      tpu.vector_store %arg8[%swap3A_1044, %swap3A_1045], %swap3A_1048 {strides = array<i32>} : memref<4x128xf32, #tpu.memory_space<vmem>>, vector<1x16xf32>,
      %get3A_1049 = arith.constant 64 : i32
      %get3A_1050 = arith.index_cast %get3A_1049 : i32 to index
      %get3A_1051 = arith.constant 0 : index
      %get3A_1052 = tpu.vector_load %arg6[%get3A_1050, %get3A_1051] {strides = array<i32>} : memref<128x128xf32, #tpu.memory_space<vmem>>, vector<1x16xf32>,
      %get3A_1053 = vector.shape_cast %get3A_1052 : vector<1x16xf32> to vector<16xf32>
      %get3A_1054 = arith.constant 64 : i32
      %get3A_1055 = arith.index_cast %get3A_1054 : i32 to index
      %get3A_1056 = arith.constant 16 : index
      %get3A_1057 = tpu.vector_load %arg6[%get3A_1055, %get3A_1056] {strides = array<i32>} : memref<128x128xf32, #tpu.memory_space<vmem>>, vector<1x16xf32>,
      %get3A_1058 = vector.shape_cast %get3A_1057 : vector<1x16xf32> to vector<16xf32>
      %get3A_1059 = arith.constant 64 : i32
      %get3A_1060 = arith.index_cast %get3A_1059 : i32 to index
      %get3A_1061 = arith.constant 32 : index
      %get3A_1062 = tpu.vector_load %arg6[%get3A_1060, %get3A_1061] {strides = array<i32>} : memref<128x128xf32, #tpu.memory_space<vmem>>, vector<1x16xf32>,
      %get3A_1063 = vector.shape_cast %get3A_1062 : vector<1x16xf32> to vector<16xf32>
      %get3A_1064 = arith.constant 64 : i32
      %get3A_1065 = arith.index_cast %get3A_1064 : i32 to index
      %get3A_1066 = arith.constant 48 : index
      %get3A_1067 = tpu.vector_load %arg6[%get3A_1065, %get3A_1066] {strides = array<i32>} : memref<128x128xf32, #tpu.memory_space<vmem>>, vector<1x16xf32>,
      %get3A_1068 = vector.shape_cast %get3A_1067 : vector<1x16xf32> to vector<16xf32>
      %get3A_1069 = arith.constant 64 : i32
      %get3A_1070 = arith.index_cast %get3A_1069 : i32 to index
      %get3A_1071 = arith.constant 64 : index
      %get3A_1072 = tpu.vector_load %arg6[%get3A_1070, %get3A_1071] {strides = array<i32>} : memref<128x128xf32, #tpu.memory_space<vmem>>, vector<1x16xf32>,
      %get3A_1073 = vector.shape_cast %get3A_1072 : vector<1x16xf32> to vector<16xf32>
      %get3A_1074 = arith.constant 64 : i32
      %get3A_1075 = arith.index_cast %get3A_1074 : i32 to index
      %get3A_1076 = arith.constant 80 : index
      %get3A_1077 = tpu.vector_load %arg6[%get3A_1075, %get3A_1076] {strides = array<i32>} : memref<128x128xf32, #tpu.memory_space<vmem>>, vector<1x16xf32>,
      %get3A_1078 = vector.shape_cast %get3A_1077 : vector<1x16xf32> to vector<16xf32>
      %get3A_1079 = arith.constant 64 : i32
      %get3A_1080 = arith.index_cast %get3A_1079 : i32 to index
      %get3A_1081 = arith.constant 96 : index
      %get3A_1082 = tpu.vector_load %arg6[%get3A_1080, %get3A_1081] {strides = array<i32>} : memref<128x128xf32, #tpu.memory_space<vmem>>, vector<1x16xf32>,
      %get3A_1083 = vector.shape_cast %get3A_1082 : vector<1x16xf32> to vector<16xf32>
      %get3A_1084 = arith.constant 64 : i32
      %get3A_1085 = arith.index_cast %get3A_1084 : i32 to index
      %get3A_1086 = arith.constant 112 : index
      %get3A_1087 = tpu.vector_load %arg6[%get3A_1085, %get3A_1086] {strides = array<i32>} : memref<128x128xf32, #tpu.memory_space<vmem>>, vector<1x16xf32>,
      %get3A_1088 = vector.shape_cast %get3A_1087 : vector<1x16xf32> to vector<16xf32>
      %scan3A_1089 = arith.constant 1 : i32
      %scan3A_1090 = arith.constant 31 : i32
      %scan3A_1091 = arith.addi %scan3A_1089, %scan3A_1090 : i32
      %scan3A_1092 = arith.constant 1 : i32
      %scan3A_1093:8 = scf.for %scan3A_1655 = %scan3A_1089 to %scan3A_1091 step %scan3A_1092 iter_args(%scan3A_1656 = %get3A_1053, %scan3A_1657 = %get3A_1058, %scan3A_1658 = %get3A_1063, %scan3A_1659 = %get3A_1068, %scan3A_1660 = %get3A_1073, %scan3A_1661 = %get3A_1078, %scan3A_1662 = %get3A_1083, %scan3A_1663 = %get3A_1088) -> (vector<16xf32>, vector<16xf32>, vector<16xf32>, vector<16xf32>, vector<16xf32>, vector<16xf32>, vector<16xf32>, vector<16xf32>)  : i32 {
        %add3A_1664 = arith.constant 64 : i32
        %add3A_1665 = arith.addi %add3A_1664, %scan3A_1655 : i32
        %get3A_1666 = arith.index_cast %add3A_1665 : i32 to index
        %get3A_1667 = arith.constant 0 : index
        %get3A_1668 = tpu.vector_load %arg6[%get3A_1666, %get3A_1667] {strides = array<i32>} : memref<128x128xf32, #tpu.memory_space<vmem>>, vector<1x16xf32>,
        %get3A_1669 = vector.shape_cast %get3A_1668 : vector<1x16xf32> to vector<16xf32>
        %add3A_1670 = arith.addf %scan3A_1656, %get3A_1669 : vector<16xf32>
        %add3A_1671 = arith.constant 64 : i32
        %add3A_1672 = arith.addi %add3A_1671, %scan3A_1655 : i32
        %get3A_1673 = arith.index_cast %add3A_1672 : i32 to index
        %get3A_1674 = arith.constant 16 : index
        %get3A_1675 = tpu.vector_load %arg6[%get3A_1673, %get3A_1674] {strides = array<i32>} : memref<128x128xf32, #tpu.memory_space<vmem>>, vector<1x16xf32>,
        %get3A_1676 = vector.shape_cast %get3A_1675 : vector<1x16xf32> to vector<16xf32>
        %add3A_1677 = arith.addf %scan3A_1657, %get3A_1676 : vector<16xf32>
        %add3A_1678 = arith.constant 64 : i32
        %add3A_1679 = arith.addi %add3A_1678, %scan3A_1655 : i32
        %get3A_1680 = arith.index_cast %add3A_1679 : i32 to index
        %get3A_1681 = arith.constant 32 : index
        %get3A_1682 = tpu.vector_load %arg6[%get3A_1680, %get3A_1681] {strides = array<i32>} : memref<128x128xf32, #tpu.memory_space<vmem>>, vector<1x16xf32>,
        %get3A_1683 = vector.shape_cast %get3A_1682 : vector<1x16xf32> to vector<16xf32>
        %add3A_1684 = arith.addf %scan3A_1658, %get3A_1683 : vector<16xf32>
        %add3A_1685 = arith.constant 64 : i32
        %add3A_1686 = arith.addi %add3A_1685, %scan3A_1655 : i32
        %get3A_1687 = arith.index_cast %add3A_1686 : i32 to index
        %get3A_1688 = arith.constant 48 : index
        %get3A_1689 = tpu.vector_load %arg6[%get3A_1687, %get3A_1688] {strides = array<i32>} : memref<128x128xf32, #tpu.memory_space<vmem>>, vector<1x16xf32>,
        %get3A_1690 = vector.shape_cast %get3A_1689 : vector<1x16xf32> to vector<16xf32>
        %add3A_1691 = arith.addf %scan3A_1659, %get3A_1690 : vector<16xf32>
        %add3A_1692 = arith.constant 64 : i32
        %add3A_1693 = arith.addi %add3A_1692, %scan3A_1655 : i32
        %get3A_1694 = arith.index_cast %add3A_1693 : i32 to index
        %get3A_1695 = arith.constant 64 : index
        %get3A_1696 = tpu.vector_load %arg6[%get3A_1694, %get3A_1695] {strides = array<i32>} : memref<128x128xf32, #tpu.memory_space<vmem>>, vector<1x16xf32>,
        %get3A_1697 = vector.shape_cast %get3A_1696 : vector<1x16xf32> to vector<16xf32>
        %add3A_1698 = arith.addf %scan3A_1660, %get3A_1697 : vector<16xf32>
        %add3A_1699 = arith.constant 64 : i32
        %add3A_1700 = arith.addi %add3A_1699, %scan3A_1655 : i32
        %get3A_1701 = arith.index_cast %add3A_1700 : i32 to index
        %get3A_1702 = arith.constant 80 : index
        %get3A_1703 = tpu.vector_load %arg6[%get3A_1701, %get3A_1702] {strides = array<i32>} : memref<128x128xf32, #tpu.memory_space<vmem>>, vector<1x16xf32>,
        %get3A_1704 = vector.shape_cast %get3A_1703 : vector<1x16xf32> to vector<16xf32>
        %add3A_1705 = arith.addf %scan3A_1661, %get3A_1704 : vector<16xf32>
        %add3A_1706 = arith.constant 64 : i32
        %add3A_1707 = arith.addi %add3A_1706, %scan3A_1655 : i32
        %get3A_1708 = arith.index_cast %add3A_1707 : i32 to index
        %get3A_1709 = arith.constant 96 : index
        %get3A_1710 = tpu.vector_load %arg6[%get3A_1708, %get3A_1709] {strides = array<i32>} : memref<128x128xf32, #tpu.memory_space<vmem>>, vector<1x16xf32>,
        %get3A_1711 = vector.shape_cast %get3A_1710 : vector<1x16xf32> to vector<16xf32>
        %add3A_1712 = arith.addf %scan3A_1662, %get3A_1711 : vector<16xf32>
        %add3A_1713 = arith.constant 64 : i32
        %add3A_1714 = arith.addi %add3A_1713, %scan3A_1655 : i32
        %get3A_1715 = arith.index_cast %add3A_1714 : i32 to index
        %get3A_1716 = arith.constant 112 : index
        %get3A_1717 = tpu.vector_load %arg6[%get3A_1715, %get3A_1716] {strides = array<i32>} : memref<128x128xf32, #tpu.memory_space<vmem>>, vector<1x16xf32>,
        %get3A_1718 = vector.shape_cast %get3A_1717 : vector<1x16xf32> to vector<16xf32>
        %add3A_1719 = arith.addf %scan3A_1663, %get3A_1718 : vector<16xf32>
        scf.yield %add3A_1670, %add3A_1677, %add3A_1684, %add3A_1691, %add3A_1698, %add3A_1705, %add3A_1712, %add3A_1719 : vector<16xf32>, vector<16xf32>, vector<16xf32>, vector<16xf32>, vector<16xf32>, vector<16xf32>, vector<16xf32>, vector<16xf32>
      }
      %scan3A_1094 = arith.constant 31 : i32
      %swap3A_1095 = arith.constant 2 : i32
      %swap3A_1096 = arith.index_cast %swap3A_1095 : i32 to index
      %swap3A_1097 = arith.constant 0 : index
      %swap3A_1098 = tpu.vector_load %arg8[%swap3A_1096, %swap3A_1097] {strides = array<i32>} : memref<4x128xf32, #tpu.memory_space<vmem>>, vector<1x16xf32>,
      %swap3A_1099 = vector.shape_cast %swap3A_1098 : vector<1x16xf32> to vector<16xf32>
      %swap3A_1100 = vector.shape_cast %scan3A_1093#0 : vector<16xf32> to vector<1x16xf32>
      tpu.vector_store %arg8[%swap3A_1096, %swap3A_1097], %swap3A_1100 {strides = array<i32>} : memref<4x128xf32, #tpu.memory_space<vmem>>, vector<1x16xf32>,
      %swap3A_1101 = arith.constant 2 : i32
      %swap3A_1102 = arith.index_cast %swap3A_1101 : i32 to index
      %swap3A_1103 = arith.constant 16 : index
      %swap3A_1104 = tpu.vector_load %arg8[%swap3A_1102, %swap3A_1103] {strides = array<i32>} : memref<4x128xf32, #tpu.memory_space<vmem>>, vector<1x16xf32>,
      %swap3A_1105 = vector.shape_cast %swap3A_1104 : vector<1x16xf32> to vector<16xf32>
      %swap3A_1106 = vector.shape_cast %scan3A_1093#1 : vector<16xf32> to vector<1x16xf32>
      tpu.vector_store %arg8[%swap3A_1102, %swap3A_1103], %swap3A_1106 {strides = array<i32>} : memref<4x128xf32, #tpu.memory_space<vmem>>, vector<1x16xf32>,
      %swap3A_1107 = arith.constant 2 : i32
      %swap3A_1108 = arith.index_cast %swap3A_1107 : i32 to index
      %swap3A_1109 = arith.constant 32 : index
      %swap3A_1110 = tpu.vector_load %arg8[%swap3A_1108, %swap3A_1109] {strides = array<i32>} : memref<4x128xf32, #tpu.memory_space<vmem>>, vector<1x16xf32>,
      %swap3A_1111 = vector.shape_cast %swap3A_1110 : vector<1x16xf32> to vector<16xf32>
      %swap3A_1112 = vector.shape_cast %scan3A_1093#2 : vector<16xf32> to vector<1x16xf32>
      tpu.vector_store %arg8[%swap3A_1108, %swap3A_1109], %swap3A_1112 {strides = array<i32>} : memref<4x128xf32, #tpu.memory_space<vmem>>, vector<1x16xf32>,
      %swap3A_1113 = arith.constant 2 : i32
      %swap3A_1114 = arith.index_cast %swap3A_1113 : i32 to index
      %swap3A_1115 = arith.constant 48 : index
      %swap3A_1116 = tpu.vector_load %arg8[%swap3A_1114, %swap3A_1115] {strides = array<i32>} : memref<4x128xf32, #tpu.memory_space<vmem>>, vector<1x16xf32>,
      %swap3A_1117 = vector.shape_cast %swap3A_1116 : vector<1x16xf32> to vector<16xf32>
      %swap3A_1118 = vector.shape_cast %scan3A_1093#3 : vector<16xf32> to vector<1x16xf32>
      tpu.vector_store %arg8[%swap3A_1114, %swap3A_1115], %swap3A_1118 {strides = array<i32>} : memref<4x128xf32, #tpu.memory_space<vmem>>, vector<1x16xf32>,
      %swap3A_1119 = arith.constant 2 : i32
      %swap3A_1120 = arith.index_cast %swap3A_1119 : i32 to index
      %swap3A_1121 = arith.constant 64 : index
      %swap3A_1122 = tpu.vector_load %arg8[%swap3A_1120, %swap3A_1121] {strides = array<i32>} : memref<4x128xf32, #tpu.memory_space<vmem>>, vector<1x16xf32>,
      %swap3A_1123 = vector.shape_cast %swap3A_1122 : vector<1x16xf32> to vector<16xf32>
      %swap3A_1124 = vector.shape_cast %scan3A_1093#4 : vector<16xf32> to vector<1x16xf32>
      tpu.vector_store %arg8[%swap3A_1120, %swap3A_1121], %swap3A_1124 {strides = array<i32>} : memref<4x128xf32, #tpu.memory_space<vmem>>, vector<1x16xf32>,
      %swap3A_1125 = arith.constant 2 : i32
      %swap3A_1126 = arith.index_cast %swap3A_1125 : i32 to index
      %swap3A_1127 = arith.constant 80 : index
      %swap3A_1128 = tpu.vector_load %arg8[%swap3A_1126, %swap3A_1127] {strides = array<i32>} : memref<4x128xf32, #tpu.memory_space<vmem>>, vector<1x16xf32>,
      %swap3A_1129 = vector.shape_cast %swap3A_1128 : vector<1x16xf32> to vector<16xf32>
      %swap3A_1130 = vector.shape_cast %scan3A_1093#5 : vector<16xf32> to vector<1x16xf32>
      tpu.vector_store %arg8[%swap3A_1126, %swap3A_1127], %swap3A_1130 {strides = array<i32>} : memref<4x128xf32, #tpu.memory_space<vmem>>, vector<1x16xf32>,
      %swap3A_1131 = arith.constant 2 : i32
      %swap3A_1132 = arith.index_cast %swap3A_1131 : i32 to index
      %swap3A_1133 = arith.constant 96 : index
      %swap3A_1134 = tpu.vector_load %arg8[%swap3A_1132, %swap3A_1133] {strides = array<i32>} : memref<4x128xf32, #tpu.memory_space<vmem>>, vector<1x16xf32>,
      %swap3A_1135 = vector.shape_cast %swap3A_1134 : vector<1x16xf32> to vector<16xf32>
      %swap3A_1136 = vector.shape_cast %scan3A_1093#6 : vector<16xf32> to vector<1x16xf32>
      tpu.vector_store %arg8[%swap3A_1132, %swap3A_1133], %swap3A_1136 {strides = array<i32>} : memref<4x128xf32, #tpu.memory_space<vmem>>, vector<1x16xf32>,
      %swap3A_1137 = arith.constant 2 : i32
      %swap3A_1138 = arith.index_cast %swap3A_1137 : i32 to index
      %swap3A_1139 = arith.constant 112 : index
      %swap3A_1140 = tpu.vector_load %arg8[%swap3A_1138, %swap3A_1139] {strides = array<i32>} : memref<4x128xf32, #tpu.memory_space<vmem>>, vector<1x16xf32>,
      %swap3A_1141 = vector.shape_cast %swap3A_1140 : vector<1x16xf32> to vector<16xf32>
      %swap3A_1142 = vector.shape_cast %scan3A_1093#7 : vector<16xf32> to vector<1x16xf32>
      tpu.vector_store %arg8[%swap3A_1138, %swap3A_1139], %swap3A_1142 {strides = array<i32>} : memref<4x128xf32, #tpu.memory_space<vmem>>, vector<1x16xf32>,
      %get3A_1143 = arith.constant 96 : i32
      %get3A_1144 = arith.index_cast %get3A_1143 : i32 to index
      %get3A_1145 = arith.constant 0 : index
      %get3A_1146 = tpu.vector_load %arg6[%get3A_1144, %get3A_1145] {strides = array<i32>} : memref<128x128xf32, #tpu.memory_space<vmem>>, vector<1x16xf32>,
      %get3A_1147 = vector.shape_cast %get3A_1146 : vector<1x16xf32> to vector<16xf32>
      %get3A_1148 = arith.constant 96 : i32
      %get3A_1149 = arith.index_cast %get3A_1148 : i32 to index
      %get3A_1150 = arith.constant 16 : index
      %get3A_1151 = tpu.vector_load %arg6[%get3A_1149, %get3A_1150] {strides = array<i32>} : memref<128x128xf32, #tpu.memory_space<vmem>>, vector<1x16xf32>,
      %get3A_1152 = vector.shape_cast %get3A_1151 : vector<1x16xf32> to vector<16xf32>
      %get3A_1153 = arith.constant 96 : i32
      %get3A_1154 = arith.index_cast %get3A_1153 : i32 to index
      %get3A_1155 = arith.constant 32 : index
      %get3A_1156 = tpu.vector_load %arg6[%get3A_1154, %get3A_1155] {strides = array<i32>} : memref<128x128xf32, #tpu.memory_space<vmem>>, vector<1x16xf32>,
      %get3A_1157 = vector.shape_cast %get3A_1156 : vector<1x16xf32> to vector<16xf32>
      %get3A_1158 = arith.constant 96 : i32
      %get3A_1159 = arith.index_cast %get3A_1158 : i32 to index
      %get3A_1160 = arith.constant 48 : index
      %get3A_1161 = tpu.vector_load %arg6[%get3A_1159, %get3A_1160] {strides = array<i32>} : memref<128x128xf32, #tpu.memory_space<vmem>>, vector<1x16xf32>,
      %get3A_1162 = vector.shape_cast %get3A_1161 : vector<1x16xf32> to vector<16xf32>
      %get3A_1163 = arith.constant 96 : i32
      %get3A_1164 = arith.index_cast %get3A_1163 : i32 to index
      %get3A_1165 = arith.constant 64 : index
      %get3A_1166 = tpu.vector_load %arg6[%get3A_1164, %get3A_1165] {strides = array<i32>} : memref<128x128xf32, #tpu.memory_space<vmem>>, vector<1x16xf32>,
      %get3A_1167 = vector.shape_cast %get3A_1166 : vector<1x16xf32> to vector<16xf32>
      %get3A_1168 = arith.constant 96 : i32
      %get3A_1169 = arith.index_cast %get3A_1168 : i32 to index
      %get3A_1170 = arith.constant 80 : index
      %get3A_1171 = tpu.vector_load %arg6[%get3A_1169, %get3A_1170] {strides = array<i32>} : memref<128x128xf32, #tpu.memory_space<vmem>>, vector<1x16xf32>,
      %get3A_1172 = vector.shape_cast %get3A_1171 : vector<1x16xf32> to vector<16xf32>
      %get3A_1173 = arith.constant 96 : i32
      %get3A_1174 = arith.index_cast %get3A_1173 : i32 to index
      %get3A_1175 = arith.constant 96 : index
      %get3A_1176 = tpu.vector_load %arg6[%get3A_1174, %get3A_1175] {strides = array<i32>} : memref<128x128xf32, #tpu.memory_space<vmem>>, vector<1x16xf32>,
      %get3A_1177 = vector.shape_cast %get3A_1176 : vector<1x16xf32> to vector<16xf32>
      %get3A_1178 = arith.constant 96 : i32
      %get3A_1179 = arith.index_cast %get3A_1178 : i32 to index
      %get3A_1180 = arith.constant 112 : index
      %get3A_1181 = tpu.vector_load %arg6[%get3A_1179, %get3A_1180] {strides = array<i32>} : memref<128x128xf32, #tpu.memory_space<vmem>>, vector<1x16xf32>,
      %get3A_1182 = vector.shape_cast %get3A_1181 : vector<1x16xf32> to vector<16xf32>
      %scan3A_1183 = arith.constant 1 : i32
      %scan3A_1184 = arith.constant 31 : i32
      %scan3A_1185 = arith.addi %scan3A_1183, %scan3A_1184 : i32
      %scan3A_1186 = arith.constant 1 : i32
      %scan3A_1187:8 = scf.for %scan3A_1655 = %scan3A_1183 to %scan3A_1185 step %scan3A_1186 iter_args(%scan3A_1656 = %get3A_1147, %scan3A_1657 = %get3A_1152, %scan3A_1658 = %get3A_1157, %scan3A_1659 = %get3A_1162, %scan3A_1660 = %get3A_1167, %scan3A_1661 = %get3A_1172, %scan3A_1662 = %get3A_1177, %scan3A_1663 = %get3A_1182) -> (vector<16xf32>, vector<16xf32>, vector<16xf32>, vector<16xf32>, vector<16xf32>, vector<16xf32>, vector<16xf32>, vector<16xf32>)  : i32 {
        %add3A_1664 = arith.constant 96 : i32
        %add3A_1665 = arith.addi %add3A_1664, %scan3A_1655 : i32
        %get3A_1666 = arith.index_cast %add3A_1665 : i32 to index
        %get3A_1667 = arith.constant 0 : index
        %get3A_1668 = tpu.vector_load %arg6[%get3A_1666, %get3A_1667] {strides = array<i32>} : memref<128x128xf32, #tpu.memory_space<vmem>>, vector<1x16xf32>,
        %get3A_1669 = vector.shape_cast %get3A_1668 : vector<1x16xf32> to vector<16xf32>
        %add3A_1670 = arith.addf %scan3A_1656, %get3A_1669 : vector<16xf32>
        %add3A_1671 = arith.constant 96 : i32
        %add3A_1672 = arith.addi %add3A_1671, %scan3A_1655 : i32
        %get3A_1673 = arith.index_cast %add3A_1672 : i32 to index
        %get3A_1674 = arith.constant 16 : index
        %get3A_1675 = tpu.vector_load %arg6[%get3A_1673, %get3A_1674] {strides = array<i32>} : memref<128x128xf32, #tpu.memory_space<vmem>>, vector<1x16xf32>,
        %get3A_1676 = vector.shape_cast %get3A_1675 : vector<1x16xf32> to vector<16xf32>
        %add3A_1677 = arith.addf %scan3A_1657, %get3A_1676 : vector<16xf32>
        %add3A_1678 = arith.constant 96 : i32
        %add3A_1679 = arith.addi %add3A_1678, %scan3A_1655 : i32
        %get3A_1680 = arith.index_cast %add3A_1679 : i32 to index
        %get3A_1681 = arith.constant 32 : index
        %get3A_1682 = tpu.vector_load %arg6[%get3A_1680, %get3A_1681] {strides = array<i32>} : memref<128x128xf32, #tpu.memory_space<vmem>>, vector<1x16xf32>,
        %get3A_1683 = vector.shape_cast %get3A_1682 : vector<1x16xf32> to vector<16xf32>
        %add3A_1684 = arith.addf %scan3A_1658, %get3A_1683 : vector<16xf32>
        %add3A_1685 = arith.constant 96 : i32
        %add3A_1686 = arith.addi %add3A_1685, %scan3A_1655 : i32
        %get3A_1687 = arith.index_cast %add3A_1686 : i32 to index
        %get3A_1688 = arith.constant 48 : index
        %get3A_1689 = tpu.vector_load %arg6[%get3A_1687, %get3A_1688] {strides = array<i32>} : memref<128x128xf32, #tpu.memory_space<vmem>>, vector<1x16xf32>,
        %get3A_1690 = vector.shape_cast %get3A_1689 : vector<1x16xf32> to vector<16xf32>
        %add3A_1691 = arith.addf %scan3A_1659, %get3A_1690 : vector<16xf32>
        %add3A_1692 = arith.constant 96 : i32
        %add3A_1693 = arith.addi %add3A_1692, %scan3A_1655 : i32
        %get3A_1694 = arith.index_cast %add3A_1693 : i32 to index
        %get3A_1695 = arith.constant 64 : index
        %get3A_1696 = tpu.vector_load %arg6[%get3A_1694, %get3A_1695] {strides = array<i32>} : memref<128x128xf32, #tpu.memory_space<vmem>>, vector<1x16xf32>,
        %get3A_1697 = vector.shape_cast %get3A_1696 : vector<1x16xf32> to vector<16xf32>
        %add3A_1698 = arith.addf %scan3A_1660, %get3A_1697 : vector<16xf32>
        %add3A_1699 = arith.constant 96 : i32
        %add3A_1700 = arith.addi %add3A_1699, %scan3A_1655 : i32
        %get3A_1701 = arith.index_cast %add3A_1700 : i32 to index
        %get3A_1702 = arith.constant 80 : index
        %get3A_1703 = tpu.vector_load %arg6[%get3A_1701, %get3A_1702] {strides = array<i32>} : memref<128x128xf32, #tpu.memory_space<vmem>>, vector<1x16xf32>,
        %get3A_1704 = vector.shape_cast %get3A_1703 : vector<1x16xf32> to vector<16xf32>
        %add3A_1705 = arith.addf %scan3A_1661, %get3A_1704 : vector<16xf32>
        %add3A_1706 = arith.constant 96 : i32
        %add3A_1707 = arith.addi %add3A_1706, %scan3A_1655 : i32
        %get3A_1708 = arith.index_cast %add3A_1707 : i32 to index
        %get3A_1709 = arith.constant 96 : index
        %get3A_1710 = tpu.vector_load %arg6[%get3A_1708, %get3A_1709] {strides = array<i32>} : memref<128x128xf32, #tpu.memory_space<vmem>>, vector<1x16xf32>,
        %get3A_1711 = vector.shape_cast %get3A_1710 : vector<1x16xf32> to vector<16xf32>
        %add3A_1712 = arith.addf %scan3A_1662, %get3A_1711 : vector<16xf32>
        %add3A_1713 = arith.constant 96 : i32
        %add3A_1714 = arith.addi %add3A_1713, %scan3A_1655 : i32
        %get3A_1715 = arith.index_cast %add3A_1714 : i32 to index
        %get3A_1716 = arith.constant 112 : index
        %get3A_1717 = tpu.vector_load %arg6[%get3A_1715, %get3A_1716] {strides = array<i32>} : memref<128x128xf32, #tpu.memory_space<vmem>>, vector<1x16xf32>,
        %get3A_1718 = vector.shape_cast %get3A_1717 : vector<1x16xf32> to vector<16xf32>
        %add3A_1719 = arith.addf %scan3A_1663, %get3A_1718 : vector<16xf32>
        scf.yield %add3A_1670, %add3A_1677, %add3A_1684, %add3A_1691, %add3A_1698, %add3A_1705, %add3A_1712, %add3A_1719 : vector<16xf32>, vector<16xf32>, vector<16xf32>, vector<16xf32>, vector<16xf32>, vector<16xf32>, vector<16xf32>, vector<16xf32>
      }
      %scan3A_1188 = arith.constant 31 : i32
      %swap3A_1189 = arith.constant 3 : i32
      %swap3A_1190 = arith.index_cast %swap3A_1189 : i32 to index
      %swap3A_1191 = arith.constant 0 : index
      %swap3A_1192 = tpu.vector_load %arg8[%swap3A_1190, %swap3A_1191] {strides = array<i32>} : memref<4x128xf32, #tpu.memory_space<vmem>>, vector<1x16xf32>,
      %swap3A_1193 = vector.shape_cast %swap3A_1192 : vector<1x16xf32> to vector<16xf32>
      %swap3A_1194 = vector.shape_cast %scan3A_1187#0 : vector<16xf32> to vector<1x16xf32>
      tpu.vector_store %arg8[%swap3A_1190, %swap3A_1191], %swap3A_1194 {strides = array<i32>} : memref<4x128xf32, #tpu.memory_space<vmem>>, vector<1x16xf32>,
      %swap3A_1195 = arith.constant 3 : i32
      %swap3A_1196 = arith.index_cast %swap3A_1195 : i32 to index
      %swap3A_1197 = arith.constant 16 : index
      %swap3A_1198 = tpu.vector_load %arg8[%swap3A_1196, %swap3A_1197] {strides = array<i32>} : memref<4x128xf32, #tpu.memory_space<vmem>>, vector<1x16xf32>,
      %swap3A_1199 = vector.shape_cast %swap3A_1198 : vector<1x16xf32> to vector<16xf32>
      %swap3A_1200 = vector.shape_cast %scan3A_1187#1 : vector<16xf32> to vector<1x16xf32>
      tpu.vector_store %arg8[%swap3A_1196, %swap3A_1197], %swap3A_1200 {strides = array<i32>} : memref<4x128xf32, #tpu.memory_space<vmem>>, vector<1x16xf32>,
      %swap3A_1201 = arith.constant 3 : i32
      %swap3A_1202 = arith.index_cast %swap3A_1201 : i32 to index
      %swap3A_1203 = arith.constant 32 : index
      %swap3A_1204 = tpu.vector_load %arg8[%swap3A_1202, %swap3A_1203] {strides = array<i32>} : memref<4x128xf32, #tpu.memory_space<vmem>>, vector<1x16xf32>,
      %swap3A_1205 = vector.shape_cast %swap3A_1204 : vector<1x16xf32> to vector<16xf32>
      %swap3A_1206 = vector.shape_cast %scan3A_1187#2 : vector<16xf32> to vector<1x16xf32>
      tpu.vector_store %arg8[%swap3A_1202, %swap3A_1203], %swap3A_1206 {strides = array<i32>} : memref<4x128xf32, #tpu.memory_space<vmem>>, vector<1x16xf32>,
      %swap3A_1207 = arith.constant 3 : i32
      %swap3A_1208 = arith.index_cast %swap3A_1207 : i32 to index
      %swap3A_1209 = arith.constant 48 : index
      %swap3A_1210 = tpu.vector_load %arg8[%swap3A_1208, %swap3A_1209] {strides = array<i32>} : memref<4x128xf32, #tpu.memory_space<vmem>>, vector<1x16xf32>,
      %swap3A_1211 = vector.shape_cast %swap3A_1210 : vector<1x16xf32> to vector<16xf32>
      %swap3A_1212 = vector.shape_cast %scan3A_1187#3 : vector<16xf32> to vector<1x16xf32>
      tpu.vector_store %arg8[%swap3A_1208, %swap3A_1209], %swap3A_1212 {strides = array<i32>} : memref<4x128xf32, #tpu.memory_space<vmem>>, vector<1x16xf32>,
      %swap3A_1213 = arith.constant 3 : i32
      %swap3A_1214 = arith.index_cast %swap3A_1213 : i32 to index
      %swap3A_1215 = arith.constant 64 : index
      %swap3A_1216 = tpu.vector_load %arg8[%swap3A_1214, %swap3A_1215] {strides = array<i32>} : memref<4x128xf32, #tpu.memory_space<vmem>>, vector<1x16xf32>,
      %swap3A_1217 = vector.shape_cast %swap3A_1216 : vector<1x16xf32> to vector<16xf32>
      %swap3A_1218 = vector.shape_cast %scan3A_1187#4 : vector<16xf32> to vector<1x16xf32>
      tpu.vector_store %arg8[%swap3A_1214, %swap3A_1215], %swap3A_1218 {strides = array<i32>} : memref<4x128xf32, #tpu.memory_space<vmem>>, vector<1x16xf32>,
      %swap3A_1219 = arith.constant 3 : i32
      %swap3A_1220 = arith.index_cast %swap3A_1219 : i32 to index
      %swap3A_1221 = arith.constant 80 : index
      %swap3A_1222 = tpu.vector_load %arg8[%swap3A_1220, %swap3A_1221] {strides = array<i32>} : memref<4x128xf32, #tpu.memory_space<vmem>>, vector<1x16xf32>,
      %swap3A_1223 = vector.shape_cast %swap3A_1222 : vector<1x16xf32> to vector<16xf32>
      %swap3A_1224 = vector.shape_cast %scan3A_1187#5 : vector<16xf32> to vector<1x16xf32>
      tpu.vector_store %arg8[%swap3A_1220, %swap3A_1221], %swap3A_1224 {strides = array<i32>} : memref<4x128xf32, #tpu.memory_space<vmem>>, vector<1x16xf32>,
      %swap3A_1225 = arith.constant 3 : i32
      %swap3A_1226 = arith.index_cast %swap3A_1225 : i32 to index
      %swap3A_1227 = arith.constant 96 : index
      %swap3A_1228 = tpu.vector_load %arg8[%swap3A_1226, %swap3A_1227] {strides = array<i32>} : memref<4x128xf32, #tpu.memory_space<vmem>>, vector<1x16xf32>,
      %swap3A_1229 = vector.shape_cast %swap3A_1228 : vector<1x16xf32> to vector<16xf32>
      %swap3A_1230 = vector.shape_cast %scan3A_1187#6 : vector<16xf32> to vector<1x16xf32>
      tpu.vector_store %arg8[%swap3A_1226, %swap3A_1227], %swap3A_1230 {strides = array<i32>} : memref<4x128xf32, #tpu.memory_space<vmem>>, vector<1x16xf32>,
      %swap3A_1231 = arith.constant 3 : i32
      %swap3A_1232 = arith.index_cast %swap3A_1231 : i32 to index
      %swap3A_1233 = arith.constant 112 : index
      %swap3A_1234 = tpu.vector_load %arg8[%swap3A_1232, %swap3A_1233] {strides = array<i32>} : memref<4x128xf32, #tpu.memory_space<vmem>>, vector<1x16xf32>,
      %swap3A_1235 = vector.shape_cast %swap3A_1234 : vector<1x16xf32> to vector<16xf32>
      %swap3A_1236 = vector.shape_cast %scan3A_1187#7 : vector<16xf32> to vector<1x16xf32>
      tpu.vector_store %arg8[%swap3A_1232, %swap3A_1233], %swap3A_1236 {strides = array<i32>} : memref<4x128xf32, #tpu.memory_space<vmem>>, vector<1x16xf32>,
      %mul3A_1237 = arith.constant 4 : i32
      %mul3A_1238 = arith.muli %add3A_846, %mul3A_1237 : i32
      %add3A_1239 = arith.addi %mul3A_2, %mul3A_1238 : i32
      %dma_start3A_1240 = arith.constant 0 : i32
      %dma_start3A_1241 = tpu.memref_slice %arg4[%add3A_1239, %dma_start3A_1240] : memref<10240x128xf32, #tpu.memory_space<hbm>> -> memref<4x128xf32, #tpu.memory_space<hbm>>
      %dma_start3A_1242 = arith.constant 0 : i32
      %dma_start3A_1243 = tpu.memref_slice %arg4[%add3A_1239, %dma_start3A_1242] : memref<10240x128xf32, #tpu.memory_space<hbm>> -> memref<4x128xf32, #tpu.memory_space<hbm>>
      tpu.enqueue_dma source(%arg8 : memref<4x128xf32, #tpu.memory_space<vmem>>) target(%dma_start3A_1243 : memref<4x128xf32, #tpu.memory_space<hbm>>) target_semaphore(%arg13 : memref<!tpu.dma_semaphore, #tpu.memory_space<semaphore_mem>>)
      %add3A_1244 = arith.constant 2 : i32
      %add3A_1245 = arith.addi %add3A_846, %add3A_1244 : i32
      %lt3A = arith.constant 80 : i32
      %lt3A_1246 = arith.cmpi slt, %add3A_1245, %lt3A : i32
      %convert_element_type3A = arith.extui %lt3A_1246 : i1 to i32
      %cond3A = arith.constant 0 : i32
      %cond3A_1247 = arith.cmpi ne, %convert_element_type3A, %cond3A : i32
      scf.if %cond3A_1247 {
        %add3A_1655 = arith.constant 2 : i32
        %add3A_1656 = arith.addi %add3A_846, %add3A_1655 : i32
        %dma_start3A_1657 = arith.constant 0 : i32
        %dma_start3A_1658 = tpu.memref_slice %arg5[%add3A_1656, %dma_start3A_1657] : memref<80x128xi32, #tpu.memory_space<vmem>> -> memref<1x128xi32, #tpu.memory_space<vmem>>
        %dma_start3A_1659 = tpu.memref_squeeze %dma_start3A_1658 : memref<1x128xi32, #tpu.memory_space<vmem>> -> memref<128xi32, #tpu.memory_space<vmem>>
        %dma_start3A_1660 = arith.constant 0 : i32
        %dma_start3A_1661 = arith.constant 0 : i32
        %dma_start3A_1662 = tpu.memref_slice %arg10[%dma_start3A_1660, %dma_start3A_1661] : memref<10240x128xf32, #tpu.memory_space<vmem_shared>> -> memref<10240x128xf32, #tpu.memory_space<vmem_shared>>
        tpu.enqueue_indirect_dma source(%dma_start3A_1662 : memref<10240x128xf32, #tpu.memory_space<vmem_shared>>) target(%arg6 : memref<128x128xf32, #tpu.memory_space<vmem>>) offsets(%dma_start3A_1659 : memref<128xi32, #tpu.memory_space<vmem>>) semaphore(%arg11 : memref<!tpu.dma_semaphore, #tpu.memory_space<semaphore_mem>>)
      } else {
      }
      %add3A_1248 = arith.constant 1 : i32
      %add3A_1249 = arith.addi %mul3A_844, %add3A_1248 : i32
      %dma_wait3A_1250 = arith.constant 0 : i32
      %dma_wait3A_1251 = tpu.memref_slice %arg5[%add3A_1249, %dma_wait3A_1250] : memref<80x128xi32, #tpu.memory_space<vmem>> -> memref<1x128xi32, #tpu.memory_space<vmem>>
      %dma_wait3A_1252 = tpu.memref_squeeze %dma_wait3A_1251 : memref<1x128xi32, #tpu.memory_space<vmem>> -> memref<128xi32, #tpu.memory_space<vmem>>
      %dma_wait3A_1253 = arith.constant 0 : i32
      %dma_wait3A_1254 = arith.constant 0 : i32
      %dma_wait3A_1255 = tpu.memref_slice %arg10[%dma_wait3A_1253, %dma_wait3A_1254] : memref<10240x128xf32, #tpu.memory_space<vmem_shared>> -> memref<10240x128xf32, #tpu.memory_space<vmem_shared>>
      tpu.wait_indirect_dma semaphore(%arg12 : memref<!tpu.dma_semaphore, #tpu.memory_space<semaphore_mem>>) src(%dma_wait3A_1255 : memref<10240x128xf32, #tpu.memory_space<vmem_shared>>) dst(%arg7 : memref<128x128xf32, #tpu.memory_space<vmem>>)
      %sub3A_1256 = arith.constant 2 : i32
      %sub3A_1257 = arith.subi %add3A_1249, %sub3A_1256 : i32
      %mul3A_1258 = arith.constant 4 : i32
      %mul3A_1259 = arith.muli %sub3A_1257, %mul3A_1258 : i32
      %add3A_1260 = arith.addi %mul3A_2, %mul3A_1259 : i32
      %dma_wait3A_1261 = arith.constant 0 : i32
      %dma_wait3A_1262 = tpu.memref_slice %arg4[%add3A_1260, %dma_wait3A_1261] : memref<10240x128xf32, #tpu.memory_space<hbm>> -> memref<4x128xf32, #tpu.memory_space<hbm>>
      %dma_wait3A_1263 = arith.constant 0 : i32
      %dma_wait3A_1264 = tpu.memref_slice %arg4[%add3A_1260, %dma_wait3A_1263] : memref<10240x128xf32, #tpu.memory_space<hbm>> -> memref<4x128xf32, #tpu.memory_space<hbm>>
      tpu.wait_dma2 semaphore(%arg14 : memref<!tpu.dma_semaphore, #tpu.memory_space<semaphore_mem>>) src(%arg9 : memref<4x128xf32, #tpu.memory_space<vmem>>) dst(%dma_wait3A_1264 : memref<4x128xf32, #tpu.memory_space<hbm>>)
      %get3A_1265 = arith.constant 0 : i32
      %get3A_1266 = arith.index_cast %get3A_1265 : i32 to index
      %get3A_1267 = arith.constant 0 : index
      %get3A_1268 = tpu.vector_load %arg7[%get3A_1266, %get3A_1267] {strides = array<i32>} : memref<128x128xf32, #tpu.memory_space<vmem>>, vector<1x16xf32>,
      %get3A_1269 = vector.shape_cast %get3A_1268 : vector<1x16xf32> to vector<16xf32>
      %get3A_1270 = arith.constant 0 : i32
      %get3A_1271 = arith.index_cast %get3A_1270 : i32 to index
      %get3A_1272 = arith.constant 16 : index
      %get3A_1273 = tpu.vector_load %arg7[%get3A_1271, %get3A_1272] {strides = array<i32>} : memref<128x128xf32, #tpu.memory_space<vmem>>, vector<1x16xf32>,
      %get3A_1274 = vector.shape_cast %get3A_1273 : vector<1x16xf32> to vector<16xf32>
      %get3A_1275 = arith.constant 0 : i32
      %get3A_1276 = arith.index_cast %get3A_1275 : i32 to index
      %get3A_1277 = arith.constant 32 : index
      %get3A_1278 = tpu.vector_load %arg7[%get3A_1276, %get3A_1277] {strides = array<i32>} : memref<128x128xf32, #tpu.memory_space<vmem>>, vector<1x16xf32>,
      %get3A_1279 = vector.shape_cast %get3A_1278 : vector<1x16xf32> to vector<16xf32>
      %get3A_1280 = arith.constant 0 : i32
      %get3A_1281 = arith.index_cast %get3A_1280 : i32 to index
      %get3A_1282 = arith.constant 48 : index
      %get3A_1283 = tpu.vector_load %arg7[%get3A_1281, %get3A_1282] {strides = array<i32>} : memref<128x128xf32, #tpu.memory_space<vmem>>, vector<1x16xf32>,
      %get3A_1284 = vector.shape_cast %get3A_1283 : vector<1x16xf32> to vector<16xf32>
      %get3A_1285 = arith.constant 0 : i32
      %get3A_1286 = arith.index_cast %get3A_1285 : i32 to index
      %get3A_1287 = arith.constant 64 : index
      %get3A_1288 = tpu.vector_load %arg7[%get3A_1286, %get3A_1287] {strides = array<i32>} : memref<128x128xf32, #tpu.memory_space<vmem>>, vector<1x16xf32>,
      %get3A_1289 = vector.shape_cast %get3A_1288 : vector<1x16xf32> to vector<16xf32>
      %get3A_1290 = arith.constant 0 : i32
      %get3A_1291 = arith.index_cast %get3A_1290 : i32 to index
      %get3A_1292 = arith.constant 80 : index
      %get3A_1293 = tpu.vector_load %arg7[%get3A_1291, %get3A_1292] {strides = array<i32>} : memref<128x128xf32, #tpu.memory_space<vmem>>, vector<1x16xf32>,
      %get3A_1294 = vector.shape_cast %get3A_1293 : vector<1x16xf32> to vector<16xf32>
      %get3A_1295 = arith.constant 0 : i32
      %get3A_1296 = arith.index_cast %get3A_1295 : i32 to index
      %get3A_1297 = arith.constant 96 : index
      %get3A_1298 = tpu.vector_load %arg7[%get3A_1296, %get3A_1297] {strides = array<i32>} : memref<128x128xf32, #tpu.memory_space<vmem>>, vector<1x16xf32>,
      %get3A_1299 = vector.shape_cast %get3A_1298 : vector<1x16xf32> to vector<16xf32>
      %get3A_1300 = arith.constant 0 : i32
      %get3A_1301 = arith.index_cast %get3A_1300 : i32 to index
      %get3A_1302 = arith.constant 112 : index
      %get3A_1303 = tpu.vector_load %arg7[%get3A_1301, %get3A_1302] {strides = array<i32>} : memref<128x128xf32, #tpu.memory_space<vmem>>, vector<1x16xf32>,
      %get3A_1304 = vector.shape_cast %get3A_1303 : vector<1x16xf32> to vector<16xf32>
      %scan3A_1305 = arith.constant 1 : i32
      %scan3A_1306 = arith.constant 31 : i32
      %scan3A_1307 = arith.addi %scan3A_1305, %scan3A_1306 : i32
      %scan3A_1308 = arith.constant 1 : i32
      %scan3A_1309:8 = scf.for %scan3A_1655 = %scan3A_1305 to %scan3A_1307 step %scan3A_1308 iter_args(%scan3A_1656 = %get3A_1269, %scan3A_1657 = %get3A_1274, %scan3A_1658 = %get3A_1279, %scan3A_1659 = %get3A_1284, %scan3A_1660 = %get3A_1289, %scan3A_1661 = %get3A_1294, %scan3A_1662 = %get3A_1299, %scan3A_1663 = %get3A_1304) -> (vector<16xf32>, vector<16xf32>, vector<16xf32>, vector<16xf32>, vector<16xf32>, vector<16xf32>, vector<16xf32>, vector<16xf32>)  : i32 {
        %add3A_1664 = arith.constant 0 : i32
        %add3A_1665 = arith.addi %add3A_1664, %scan3A_1655 : i32
        %get3A_1666 = arith.index_cast %add3A_1665 : i32 to index
        %get3A_1667 = arith.constant 0 : index
        %get3A_1668 = tpu.vector_load %arg7[%get3A_1666, %get3A_1667] {strides = array<i32>} : memref<128x128xf32, #tpu.memory_space<vmem>>, vector<1x16xf32>,
        %get3A_1669 = vector.shape_cast %get3A_1668 : vector<1x16xf32> to vector<16xf32>
        %add3A_1670 = arith.addf %scan3A_1656, %get3A_1669 : vector<16xf32>
        %add3A_1671 = arith.constant 0 : i32
        %add3A_1672 = arith.addi %add3A_1671, %scan3A_1655 : i32
        %get3A_1673 = arith.index_cast %add3A_1672 : i32 to index
        %get3A_1674 = arith.constant 16 : index
        %get3A_1675 = tpu.vector_load %arg7[%get3A_1673, %get3A_1674] {strides = array<i32>} : memref<128x128xf32, #tpu.memory_space<vmem>>, vector<1x16xf32>,
        %get3A_1676 = vector.shape_cast %get3A_1675 : vector<1x16xf32> to vector<16xf32>
        %add3A_1677 = arith.addf %scan3A_1657, %get3A_1676 : vector<16xf32>
        %add3A_1678 = arith.constant 0 : i32
        %add3A_1679 = arith.addi %add3A_1678, %scan3A_1655 : i32
        %get3A_1680 = arith.index_cast %add3A_1679 : i32 to index
        %get3A_1681 = arith.constant 32 : index
        %get3A_1682 = tpu.vector_load %arg7[%get3A_1680, %get3A_1681] {strides = array<i32>} : memref<128x128xf32, #tpu.memory_space<vmem>>, vector<1x16xf32>,
        %get3A_1683 = vector.shape_cast %get3A_1682 : vector<1x16xf32> to vector<16xf32>
        %add3A_1684 = arith.addf %scan3A_1658, %get3A_1683 : vector<16xf32>
        %add3A_1685 = arith.constant 0 : i32
        %add3A_1686 = arith.addi %add3A_1685, %scan3A_1655 : i32
        %get3A_1687 = arith.index_cast %add3A_1686 : i32 to index
        %get3A_1688 = arith.constant 48 : index
        %get3A_1689 = tpu.vector_load %arg7[%get3A_1687, %get3A_1688] {strides = array<i32>} : memref<128x128xf32, #tpu.memory_space<vmem>>, vector<1x16xf32>,
        %get3A_1690 = vector.shape_cast %get3A_1689 : vector<1x16xf32> to vector<16xf32>
        %add3A_1691 = arith.addf %scan3A_1659, %get3A_1690 : vector<16xf32>
        %add3A_1692 = arith.constant 0 : i32
        %add3A_1693 = arith.addi %add3A_1692, %scan3A_1655 : i32
        %get3A_1694 = arith.index_cast %add3A_1693 : i32 to index
        %get3A_1695 = arith.constant 64 : index
        %get3A_1696 = tpu.vector_load %arg7[%get3A_1694, %get3A_1695] {strides = array<i32>} : memref<128x128xf32, #tpu.memory_space<vmem>>, vector<1x16xf32>,
        %get3A_1697 = vector.shape_cast %get3A_1696 : vector<1x16xf32> to vector<16xf32>
        %add3A_1698 = arith.addf %scan3A_1660, %get3A_1697 : vector<16xf32>
        %add3A_1699 = arith.constant 0 : i32
        %add3A_1700 = arith.addi %add3A_1699, %scan3A_1655 : i32
        %get3A_1701 = arith.index_cast %add3A_1700 : i32 to index
        %get3A_1702 = arith.constant 80 : index
        %get3A_1703 = tpu.vector_load %arg7[%get3A_1701, %get3A_1702] {strides = array<i32>} : memref<128x128xf32, #tpu.memory_space<vmem>>, vector<1x16xf32>,
        %get3A_1704 = vector.shape_cast %get3A_1703 : vector<1x16xf32> to vector<16xf32>
        %add3A_1705 = arith.addf %scan3A_1661, %get3A_1704 : vector<16xf32>
        %add3A_1706 = arith.constant 0 : i32
        %add3A_1707 = arith.addi %add3A_1706, %scan3A_1655 : i32
        %get3A_1708 = arith.index_cast %add3A_1707 : i32 to index
        %get3A_1709 = arith.constant 96 : index
        %get3A_1710 = tpu.vector_load %arg7[%get3A_1708, %get3A_1709] {strides = array<i32>} : memref<128x128xf32, #tpu.memory_space<vmem>>, vector<1x16xf32>,
        %get3A_1711 = vector.shape_cast %get3A_1710 : vector<1x16xf32> to vector<16xf32>
        %add3A_1712 = arith.addf %scan3A_1662, %get3A_1711 : vector<16xf32>
        %add3A_1713 = arith.constant 0 : i32
        %add3A_1714 = arith.addi %add3A_1713, %scan3A_1655 : i32
        %get3A_1715 = arith.index_cast %add3A_1714 : i32 to index
        %get3A_1716 = arith.constant 112 : index
        %get3A_1717 = tpu.vector_load %arg7[%get3A_1715, %get3A_1716] {strides = array<i32>} : memref<128x128xf32, #tpu.memory_space<vmem>>, vector<1x16xf32>,
        %get3A_1718 = vector.shape_cast %get3A_1717 : vector<1x16xf32> to vector<16xf32>
        %add3A_1719 = arith.addf %scan3A_1663, %get3A_1718 : vector<16xf32>
        scf.yield %add3A_1670, %add3A_1677, %add3A_1684, %add3A_1691, %add3A_1698, %add3A_1705, %add3A_1712, %add3A_1719 : vector<16xf32>, vector<16xf32>, vector<16xf32>, vector<16xf32>, vector<16xf32>, vector<16xf32>, vector<16xf32>, vector<16xf32>
      }
      %scan3A_1310 = arith.constant 31 : i32
      %swap3A_1311 = arith.constant 0 : i32
      %swap3A_1312 = arith.index_cast %swap3A_1311 : i32 to index
      %swap3A_1313 = arith.constant 0 : index
      %swap3A_1314 = tpu.vector_load %arg9[%swap3A_1312, %swap3A_1313] {strides = array<i32>} : memref<4x128xf32, #tpu.memory_space<vmem>>, vector<1x16xf32>,
      %swap3A_1315 = vector.shape_cast %swap3A_1314 : vector<1x16xf32> to vector<16xf32>
      %swap3A_1316 = vector.shape_cast %scan3A_1309#0 : vector<16xf32> to vector<1x16xf32>
      tpu.vector_store %arg9[%swap3A_1312, %swap3A_1313], %swap3A_1316 {strides = array<i32>} : memref<4x128xf32, #tpu.memory_space<vmem>>, vector<1x16xf32>,
      %swap3A_1317 = arith.constant 0 : i32
      %swap3A_1318 = arith.index_cast %swap3A_1317 : i32 to index
      %swap3A_1319 = arith.constant 16 : index
      %swap3A_1320 = tpu.vector_load %arg9[%swap3A_1318, %swap3A_1319] {strides = array<i32>} : memref<4x128xf32, #tpu.memory_space<vmem>>, vector<1x16xf32>,
      %swap3A_1321 = vector.shape_cast %swap3A_1320 : vector<1x16xf32> to vector<16xf32>
      %swap3A_1322 = vector.shape_cast %scan3A_1309#1 : vector<16xf32> to vector<1x16xf32>
      tpu.vector_store %arg9[%swap3A_1318, %swap3A_1319], %swap3A_1322 {strides = array<i32>} : memref<4x128xf32, #tpu.memory_space<vmem>>, vector<1x16xf32>,
      %swap3A_1323 = arith.constant 0 : i32
      %swap3A_1324 = arith.index_cast %swap3A_1323 : i32 to index
      %swap3A_1325 = arith.constant 32 : index
      %swap3A_1326 = tpu.vector_load %arg9[%swap3A_1324, %swap3A_1325] {strides = array<i32>} : memref<4x128xf32, #tpu.memory_space<vmem>>, vector<1x16xf32>,
      %swap3A_1327 = vector.shape_cast %swap3A_1326 : vector<1x16xf32> to vector<16xf32>
      %swap3A_1328 = vector.shape_cast %scan3A_1309#2 : vector<16xf32> to vector<1x16xf32>
      tpu.vector_store %arg9[%swap3A_1324, %swap3A_1325], %swap3A_1328 {strides = array<i32>} : memref<4x128xf32, #tpu.memory_space<vmem>>, vector<1x16xf32>,
      %swap3A_1329 = arith.constant 0 : i32
      %swap3A_1330 = arith.index_cast %swap3A_1329 : i32 to index
      %swap3A_1331 = arith.constant 48 : index
      %swap3A_1332 = tpu.vector_load %arg9[%swap3A_1330, %swap3A_1331] {strides = array<i32>} : memref<4x128xf32, #tpu.memory_space<vmem>>, vector<1x16xf32>,
      %swap3A_1333 = vector.shape_cast %swap3A_1332 : vector<1x16xf32> to vector<16xf32>
      %swap3A_1334 = vector.shape_cast %scan3A_1309#3 : vector<16xf32> to vector<1x16xf32>
      tpu.vector_store %arg9[%swap3A_1330, %swap3A_1331], %swap3A_1334 {strides = array<i32>} : memref<4x128xf32, #tpu.memory_space<vmem>>, vector<1x16xf32>,
      %swap3A_1335 = arith.constant 0 : i32
      %swap3A_1336 = arith.index_cast %swap3A_1335 : i32 to index
      %swap3A_1337 = arith.constant 64 : index
      %swap3A_1338 = tpu.vector_load %arg9[%swap3A_1336, %swap3A_1337] {strides = array<i32>} : memref<4x128xf32, #tpu.memory_space<vmem>>, vector<1x16xf32>,
      %swap3A_1339 = vector.shape_cast %swap3A_1338 : vector<1x16xf32> to vector<16xf32>
      %swap3A_1340 = vector.shape_cast %scan3A_1309#4 : vector<16xf32> to vector<1x16xf32>
      tpu.vector_store %arg9[%swap3A_1336, %swap3A_1337], %swap3A_1340 {strides = array<i32>} : memref<4x128xf32, #tpu.memory_space<vmem>>, vector<1x16xf32>,
      %swap3A_1341 = arith.constant 0 : i32
      %swap3A_1342 = arith.index_cast %swap3A_1341 : i32 to index
      %swap3A_1343 = arith.constant 80 : index
      %swap3A_1344 = tpu.vector_load %arg9[%swap3A_1342, %swap3A_1343] {strides = array<i32>} : memref<4x128xf32, #tpu.memory_space<vmem>>, vector<1x16xf32>,
      %swap3A_1345 = vector.shape_cast %swap3A_1344 : vector<1x16xf32> to vector<16xf32>
      %swap3A_1346 = vector.shape_cast %scan3A_1309#5 : vector<16xf32> to vector<1x16xf32>
      tpu.vector_store %arg9[%swap3A_1342, %swap3A_1343], %swap3A_1346 {strides = array<i32>} : memref<4x128xf32, #tpu.memory_space<vmem>>, vector<1x16xf32>,
      %swap3A_1347 = arith.constant 0 : i32
      %swap3A_1348 = arith.index_cast %swap3A_1347 : i32 to index
      %swap3A_1349 = arith.constant 96 : index
      %swap3A_1350 = tpu.vector_load %arg9[%swap3A_1348, %swap3A_1349] {strides = array<i32>} : memref<4x128xf32, #tpu.memory_space<vmem>>, vector<1x16xf32>,
      %swap3A_1351 = vector.shape_cast %swap3A_1350 : vector<1x16xf32> to vector<16xf32>
      %swap3A_1352 = vector.shape_cast %scan3A_1309#6 : vector<16xf32> to vector<1x16xf32>
      tpu.vector_store %arg9[%swap3A_1348, %swap3A_1349], %swap3A_1352 {strides = array<i32>} : memref<4x128xf32, #tpu.memory_space<vmem>>, vector<1x16xf32>,
      %swap3A_1353 = arith.constant 0 : i32
      %swap3A_1354 = arith.index_cast %swap3A_1353 : i32 to index
      %swap3A_1355 = arith.constant 112 : index
      %swap3A_1356 = tpu.vector_load %arg9[%swap3A_1354, %swap3A_1355] {strides = array<i32>} : memref<4x128xf32, #tpu.memory_space<vmem>>, vector<1x16xf32>,
      %swap3A_1357 = vector.shape_cast %swap3A_1356 : vector<1x16xf32> to vector<16xf32>
      %swap3A_1358 = vector.shape_cast %scan3A_1309#7 : vector<16xf32> to vector<1x16xf32>
      tpu.vector_store %arg9[%swap3A_1354, %swap3A_1355], %swap3A_1358 {strides = array<i32>} : memref<4x128xf32, #tpu.memory_space<vmem>>, vector<1x16xf32>,
      %get3A_1359 = arith.constant 32 : i32
      %get3A_1360 = arith.index_cast %get3A_1359 : i32 to index
      %get3A_1361 = arith.constant 0 : index
      %get3A_1362 = tpu.vector_load %arg7[%get3A_1360, %get3A_1361] {strides = array<i32>} : memref<128x128xf32, #tpu.memory_space<vmem>>, vector<1x16xf32>,
      %get3A_1363 = vector.shape_cast %get3A_1362 : vector<1x16xf32> to vector<16xf32>
      %get3A_1364 = arith.constant 32 : i32
      %get3A_1365 = arith.index_cast %get3A_1364 : i32 to index
      %get3A_1366 = arith.constant 16 : index
      %get3A_1367 = tpu.vector_load %arg7[%get3A_1365, %get3A_1366] {strides = array<i32>} : memref<128x128xf32, #tpu.memory_space<vmem>>, vector<1x16xf32>,
      %get3A_1368 = vector.shape_cast %get3A_1367 : vector<1x16xf32> to vector<16xf32>
      %get3A_1369 = arith.constant 32 : i32
      %get3A_1370 = arith.index_cast %get3A_1369 : i32 to index
      %get3A_1371 = arith.constant 32 : index
      %get3A_1372 = tpu.vector_load %arg7[%get3A_1370, %get3A_1371] {strides = array<i32>} : memref<128x128xf32, #tpu.memory_space<vmem>>, vector<1x16xf32>,
      %get3A_1373 = vector.shape_cast %get3A_1372 : vector<1x16xf32> to vector<16xf32>
      %get3A_1374 = arith.constant 32 : i32
      %get3A_1375 = arith.index_cast %get3A_1374 : i32 to index
      %get3A_1376 = arith.constant 48 : index
      %get3A_1377 = tpu.vector_load %arg7[%get3A_1375, %get3A_1376] {strides = array<i32>} : memref<128x128xf32, #tpu.memory_space<vmem>>, vector<1x16xf32>,
      %get3A_1378 = vector.shape_cast %get3A_1377 : vector<1x16xf32> to vector<16xf32>
      %get3A_1379 = arith.constant 32 : i32
      %get3A_1380 = arith.index_cast %get3A_1379 : i32 to index
      %get3A_1381 = arith.constant 64 : index
      %get3A_1382 = tpu.vector_load %arg7[%get3A_1380, %get3A_1381] {strides = array<i32>} : memref<128x128xf32, #tpu.memory_space<vmem>>, vector<1x16xf32>,
      %get3A_1383 = vector.shape_cast %get3A_1382 : vector<1x16xf32> to vector<16xf32>
      %get3A_1384 = arith.constant 32 : i32
      %get3A_1385 = arith.index_cast %get3A_1384 : i32 to index
      %get3A_1386 = arith.constant 80 : index
      %get3A_1387 = tpu.vector_load %arg7[%get3A_1385, %get3A_1386] {strides = array<i32>} : memref<128x128xf32, #tpu.memory_space<vmem>>, vector<1x16xf32>,
      %get3A_1388 = vector.shape_cast %get3A_1387 : vector<1x16xf32> to vector<16xf32>
      %get3A_1389 = arith.constant 32 : i32
      %get3A_1390 = arith.index_cast %get3A_1389 : i32 to index
      %get3A_1391 = arith.constant 96 : index
      %get3A_1392 = tpu.vector_load %arg7[%get3A_1390, %get3A_1391] {strides = array<i32>} : memref<128x128xf32, #tpu.memory_space<vmem>>, vector<1x16xf32>,
      %get3A_1393 = vector.shape_cast %get3A_1392 : vector<1x16xf32> to vector<16xf32>
      %get3A_1394 = arith.constant 32 : i32
      %get3A_1395 = arith.index_cast %get3A_1394 : i32 to index
      %get3A_1396 = arith.constant 112 : index
      %get3A_1397 = tpu.vector_load %arg7[%get3A_1395, %get3A_1396] {strides = array<i32>} : memref<128x128xf32, #tpu.memory_space<vmem>>, vector<1x16xf32>,
      %get3A_1398 = vector.shape_cast %get3A_1397 : vector<1x16xf32> to vector<16xf32>
      %scan3A_1399 = arith.constant 1 : i32
      %scan3A_1400 = arith.constant 31 : i32
      %scan3A_1401 = arith.addi %scan3A_1399, %scan3A_1400 : i32
      %scan3A_1402 = arith.constant 1 : i32
      %scan3A_1403:8 = scf.for %scan3A_1655 = %scan3A_1399 to %scan3A_1401 step %scan3A_1402 iter_args(%scan3A_1656 = %get3A_1363, %scan3A_1657 = %get3A_1368, %scan3A_1658 = %get3A_1373, %scan3A_1659 = %get3A_1378, %scan3A_1660 = %get3A_1383, %scan3A_1661 = %get3A_1388, %scan3A_1662 = %get3A_1393, %scan3A_1663 = %get3A_1398) -> (vector<16xf32>, vector<16xf32>, vector<16xf32>, vector<16xf32>, vector<16xf32>, vector<16xf32>, vector<16xf32>, vector<16xf32>)  : i32 {
        %add3A_1664 = arith.constant 32 : i32
        %add3A_1665 = arith.addi %add3A_1664, %scan3A_1655 : i32
        %get3A_1666 = arith.index_cast %add3A_1665 : i32 to index
        %get3A_1667 = arith.constant 0 : index
        %get3A_1668 = tpu.vector_load %arg7[%get3A_1666, %get3A_1667] {strides = array<i32>} : memref<128x128xf32, #tpu.memory_space<vmem>>, vector<1x16xf32>,
        %get3A_1669 = vector.shape_cast %get3A_1668 : vector<1x16xf32> to vector<16xf32>
        %add3A_1670 = arith.addf %scan3A_1656, %get3A_1669 : vector<16xf32>
        %add3A_1671 = arith.constant 32 : i32
        %add3A_1672 = arith.addi %add3A_1671, %scan3A_1655 : i32
        %get3A_1673 = arith.index_cast %add3A_1672 : i32 to index
        %get3A_1674 = arith.constant 16 : index
        %get3A_1675 = tpu.vector_load %arg7[%get3A_1673, %get3A_1674] {strides = array<i32>} : memref<128x128xf32, #tpu.memory_space<vmem>>, vector<1x16xf32>,
        %get3A_1676 = vector.shape_cast %get3A_1675 : vector<1x16xf32> to vector<16xf32>
        %add3A_1677 = arith.addf %scan3A_1657, %get3A_1676 : vector<16xf32>
        %add3A_1678 = arith.constant 32 : i32
        %add3A_1679 = arith.addi %add3A_1678, %scan3A_1655 : i32
        %get3A_1680 = arith.index_cast %add3A_1679 : i32 to index
        %get3A_1681 = arith.constant 32 : index
        %get3A_1682 = tpu.vector_load %arg7[%get3A_1680, %get3A_1681] {strides = array<i32>} : memref<128x128xf32, #tpu.memory_space<vmem>>, vector<1x16xf32>,
        %get3A_1683 = vector.shape_cast %get3A_1682 : vector<1x16xf32> to vector<16xf32>
        %add3A_1684 = arith.addf %scan3A_1658, %get3A_1683 : vector<16xf32>
        %add3A_1685 = arith.constant 32 : i32
        %add3A_1686 = arith.addi %add3A_1685, %scan3A_1655 : i32
        %get3A_1687 = arith.index_cast %add3A_1686 : i32 to index
        %get3A_1688 = arith.constant 48 : index
        %get3A_1689 = tpu.vector_load %arg7[%get3A_1687, %get3A_1688] {strides = array<i32>} : memref<128x128xf32, #tpu.memory_space<vmem>>, vector<1x16xf32>,
        %get3A_1690 = vector.shape_cast %get3A_1689 : vector<1x16xf32> to vector<16xf32>
        %add3A_1691 = arith.addf %scan3A_1659, %get3A_1690 : vector<16xf32>
        %add3A_1692 = arith.constant 32 : i32
        %add3A_1693 = arith.addi %add3A_1692, %scan3A_1655 : i32
        %get3A_1694 = arith.index_cast %add3A_1693 : i32 to index
        %get3A_1695 = arith.constant 64 : index
        %get3A_1696 = tpu.vector_load %arg7[%get3A_1694, %get3A_1695] {strides = array<i32>} : memref<128x128xf32, #tpu.memory_space<vmem>>, vector<1x16xf32>,
        %get3A_1697 = vector.shape_cast %get3A_1696 : vector<1x16xf32> to vector<16xf32>
        %add3A_1698 = arith.addf %scan3A_1660, %get3A_1697 : vector<16xf32>
        %add3A_1699 = arith.constant 32 : i32
        %add3A_1700 = arith.addi %add3A_1699, %scan3A_1655 : i32
        %get3A_1701 = arith.index_cast %add3A_1700 : i32 to index
        %get3A_1702 = arith.constant 80 : index
        %get3A_1703 = tpu.vector_load %arg7[%get3A_1701, %get3A_1702] {strides = array<i32>} : memref<128x128xf32, #tpu.memory_space<vmem>>, vector<1x16xf32>,
        %get3A_1704 = vector.shape_cast %get3A_1703 : vector<1x16xf32> to vector<16xf32>
        %add3A_1705 = arith.addf %scan3A_1661, %get3A_1704 : vector<16xf32>
        %add3A_1706 = arith.constant 32 : i32
        %add3A_1707 = arith.addi %add3A_1706, %scan3A_1655 : i32
        %get3A_1708 = arith.index_cast %add3A_1707 : i32 to index
        %get3A_1709 = arith.constant 96 : index
        %get3A_1710 = tpu.vector_load %arg7[%get3A_1708, %get3A_1709] {strides = array<i32>} : memref<128x128xf32, #tpu.memory_space<vmem>>, vector<1x16xf32>,
        %get3A_1711 = vector.shape_cast %get3A_1710 : vector<1x16xf32> to vector<16xf32>
        %add3A_1712 = arith.addf %scan3A_1662, %get3A_1711 : vector<16xf32>
        %add3A_1713 = arith.constant 32 : i32
        %add3A_1714 = arith.addi %add3A_1713, %scan3A_1655 : i32
        %get3A_1715 = arith.index_cast %add3A_1714 : i32 to index
        %get3A_1716 = arith.constant 112 : index
        %get3A_1717 = tpu.vector_load %arg7[%get3A_1715, %get3A_1716] {strides = array<i32>} : memref<128x128xf32, #tpu.memory_space<vmem>>, vector<1x16xf32>,
        %get3A_1718 = vector.shape_cast %get3A_1717 : vector<1x16xf32> to vector<16xf32>
        %add3A_1719 = arith.addf %scan3A_1663, %get3A_1718 : vector<16xf32>
        scf.yield %add3A_1670, %add3A_1677, %add3A_1684, %add3A_1691, %add3A_1698, %add3A_1705, %add3A_1712, %add3A_1719 : vector<16xf32>, vector<16xf32>, vector<16xf32>, vector<16xf32>, vector<16xf32>, vector<16xf32>, vector<16xf32>, vector<16xf32>
      }
      %scan3A_1404 = arith.constant 31 : i32
      %swap3A_1405 = arith.constant 1 : i32
      %swap3A_1406 = arith.index_cast %swap3A_1405 : i32 to index
      %swap3A_1407 = arith.constant 0 : index
      %swap3A_1408 = tpu.vector_load %arg9[%swap3A_1406, %swap3A_1407] {strides = array<i32>} : memref<4x128xf32, #tpu.memory_space<vmem>>, vector<1x16xf32>,
      %swap3A_1409 = vector.shape_cast %swap3A_1408 : vector<1x16xf32> to vector<16xf32>
      %swap3A_1410 = vector.shape_cast %scan3A_1403#0 : vector<16xf32> to vector<1x16xf32>
      tpu.vector_store %arg9[%swap3A_1406, %swap3A_1407], %swap3A_1410 {strides = array<i32>} : memref<4x128xf32, #tpu.memory_space<vmem>>, vector<1x16xf32>,
      %swap3A_1411 = arith.constant 1 : i32
      %swap3A_1412 = arith.index_cast %swap3A_1411 : i32 to index
      %swap3A_1413 = arith.constant 16 : index
      %swap3A_1414 = tpu.vector_load %arg9[%swap3A_1412, %swap3A_1413] {strides = array<i32>} : memref<4x128xf32, #tpu.memory_space<vmem>>, vector<1x16xf32>,
      %swap3A_1415 = vector.shape_cast %swap3A_1414 : vector<1x16xf32> to vector<16xf32>
      %swap3A_1416 = vector.shape_cast %scan3A_1403#1 : vector<16xf32> to vector<1x16xf32>
      tpu.vector_store %arg9[%swap3A_1412, %swap3A_1413], %swap3A_1416 {strides = array<i32>} : memref<4x128xf32, #tpu.memory_space<vmem>>, vector<1x16xf32>,
      %swap3A_1417 = arith.constant 1 : i32
      %swap3A_1418 = arith.index_cast %swap3A_1417 : i32 to index
      %swap3A_1419 = arith.constant 32 : index
      %swap3A_1420 = tpu.vector_load %arg9[%swap3A_1418, %swap3A_1419] {strides = array<i32>} : memref<4x128xf32, #tpu.memory_space<vmem>>, vector<1x16xf32>,
      %swap3A_1421 = vector.shape_cast %swap3A_1420 : vector<1x16xf32> to vector<16xf32>
      %swap3A_1422 = vector.shape_cast %scan3A_1403#2 : vector<16xf32> to vector<1x16xf32>
      tpu.vector_store %arg9[%swap3A_1418, %swap3A_1419], %swap3A_1422 {strides = array<i32>} : memref<4x128xf32, #tpu.memory_space<vmem>>, vector<1x16xf32>,
      %swap3A_1423 = arith.constant 1 : i32
      %swap3A_1424 = arith.index_cast %swap3A_1423 : i32 to index
      %swap3A_1425 = arith.constant 48 : index
      %swap3A_1426 = tpu.vector_load %arg9[%swap3A_1424, %swap3A_1425] {strides = array<i32>} : memref<4x128xf32, #tpu.memory_space<vmem>>, vector<1x16xf32>,
      %swap3A_1427 = vector.shape_cast %swap3A_1426 : vector<1x16xf32> to vector<16xf32>
      %swap3A_1428 = vector.shape_cast %scan3A_1403#3 : vector<16xf32> to vector<1x16xf32>
      tpu.vector_store %arg9[%swap3A_1424, %swap3A_1425], %swap3A_1428 {strides = array<i32>} : memref<4x128xf32, #tpu.memory_space<vmem>>, vector<1x16xf32>,
      %swap3A_1429 = arith.constant 1 : i32
      %swap3A_1430 = arith.index_cast %swap3A_1429 : i32 to index
      %swap3A_1431 = arith.constant 64 : index
      %swap3A_1432 = tpu.vector_load %arg9[%swap3A_1430, %swap3A_1431] {strides = array<i32>} : memref<4x128xf32, #tpu.memory_space<vmem>>, vector<1x16xf32>,
      %swap3A_1433 = vector.shape_cast %swap3A_1432 : vector<1x16xf32> to vector<16xf32>
      %swap3A_1434 = vector.shape_cast %scan3A_1403#4 : vector<16xf32> to vector<1x16xf32>
      tpu.vector_store %arg9[%swap3A_1430, %swap3A_1431], %swap3A_1434 {strides = array<i32>} : memref<4x128xf32, #tpu.memory_space<vmem>>, vector<1x16xf32>,
      %swap3A_1435 = arith.constant 1 : i32
      %swap3A_1436 = arith.index_cast %swap3A_1435 : i32 to index
      %swap3A_1437 = arith.constant 80 : index
      %swap3A_1438 = tpu.vector_load %arg9[%swap3A_1436, %swap3A_1437] {strides = array<i32>} : memref<4x128xf32, #tpu.memory_space<vmem>>, vector<1x16xf32>,
      %swap3A_1439 = vector.shape_cast %swap3A_1438 : vector<1x16xf32> to vector<16xf32>
      %swap3A_1440 = vector.shape_cast %scan3A_1403#5 : vector<16xf32> to vector<1x16xf32>
      tpu.vector_store %arg9[%swap3A_1436, %swap3A_1437], %swap3A_1440 {strides = array<i32>} : memref<4x128xf32, #tpu.memory_space<vmem>>, vector<1x16xf32>,
      %swap3A_1441 = arith.constant 1 : i32
      %swap3A_1442 = arith.index_cast %swap3A_1441 : i32 to index
      %swap3A_1443 = arith.constant 96 : index
      %swap3A_1444 = tpu.vector_load %arg9[%swap3A_1442, %swap3A_1443] {strides = array<i32>} : memref<4x128xf32, #tpu.memory_space<vmem>>, vector<1x16xf32>,
      %swap3A_1445 = vector.shape_cast %swap3A_1444 : vector<1x16xf32> to vector<16xf32>
      %swap3A_1446 = vector.shape_cast %scan3A_1403#6 : vector<16xf32> to vector<1x16xf32>
      tpu.vector_store %arg9[%swap3A_1442, %swap3A_1443], %swap3A_1446 {strides = array<i32>} : memref<4x128xf32, #tpu.memory_space<vmem>>, vector<1x16xf32>,
      %swap3A_1447 = arith.constant 1 : i32
      %swap3A_1448 = arith.index_cast %swap3A_1447 : i32 to index
      %swap3A_1449 = arith.constant 112 : index
      %swap3A_1450 = tpu.vector_load %arg9[%swap3A_1448, %swap3A_1449] {strides = array<i32>} : memref<4x128xf32, #tpu.memory_space<vmem>>, vector<1x16xf32>,
      %swap3A_1451 = vector.shape_cast %swap3A_1450 : vector<1x16xf32> to vector<16xf32>
      %swap3A_1452 = vector.shape_cast %scan3A_1403#7 : vector<16xf32> to vector<1x16xf32>
      tpu.vector_store %arg9[%swap3A_1448, %swap3A_1449], %swap3A_1452 {strides = array<i32>} : memref<4x128xf32, #tpu.memory_space<vmem>>, vector<1x16xf32>,
      %get3A_1453 = arith.constant 64 : i32
      %get3A_1454 = arith.index_cast %get3A_1453 : i32 to index
      %get3A_1455 = arith.constant 0 : index
      %get3A_1456 = tpu.vector_load %arg7[%get3A_1454, %get3A_1455] {strides = array<i32>} : memref<128x128xf32, #tpu.memory_space<vmem>>, vector<1x16xf32>,
      %get3A_1457 = vector.shape_cast %get3A_1456 : vector<1x16xf32> to vector<16xf32>
      %get3A_1458 = arith.constant 64 : i32
      %get3A_1459 = arith.index_cast %get3A_1458 : i32 to index
      %get3A_1460 = arith.constant 16 : index
      %get3A_1461 = tpu.vector_load %arg7[%get3A_1459, %get3A_1460] {strides = array<i32>} : memref<128x128xf32, #tpu.memory_space<vmem>>, vector<1x16xf32>,
      %get3A_1462 = vector.shape_cast %get3A_1461 : vector<1x16xf32> to vector<16xf32>
      %get3A_1463 = arith.constant 64 : i32
      %get3A_1464 = arith.index_cast %get3A_1463 : i32 to index
      %get3A_1465 = arith.constant 32 : index
      %get3A_1466 = tpu.vector_load %arg7[%get3A_1464, %get3A_1465] {strides = array<i32>} : memref<128x128xf32, #tpu.memory_space<vmem>>, vector<1x16xf32>,
      %get3A_1467 = vector.shape_cast %get3A_1466 : vector<1x16xf32> to vector<16xf32>
      %get3A_1468 = arith.constant 64 : i32
      %get3A_1469 = arith.index_cast %get3A_1468 : i32 to index
      %get3A_1470 = arith.constant 48 : index
      %get3A_1471 = tpu.vector_load %arg7[%get3A_1469, %get3A_1470] {strides = array<i32>} : memref<128x128xf32, #tpu.memory_space<vmem>>, vector<1x16xf32>,
      %get3A_1472 = vector.shape_cast %get3A_1471 : vector<1x16xf32> to vector<16xf32>
      %get3A_1473 = arith.constant 64 : i32
      %get3A_1474 = arith.index_cast %get3A_1473 : i32 to index
      %get3A_1475 = arith.constant 64 : index
      %get3A_1476 = tpu.vector_load %arg7[%get3A_1474, %get3A_1475] {strides = array<i32>} : memref<128x128xf32, #tpu.memory_space<vmem>>, vector<1x16xf32>,
      %get3A_1477 = vector.shape_cast %get3A_1476 : vector<1x16xf32> to vector<16xf32>
      %get3A_1478 = arith.constant 64 : i32
      %get3A_1479 = arith.index_cast %get3A_1478 : i32 to index
      %get3A_1480 = arith.constant 80 : index
      %get3A_1481 = tpu.vector_load %arg7[%get3A_1479, %get3A_1480] {strides = array<i32>} : memref<128x128xf32, #tpu.memory_space<vmem>>, vector<1x16xf32>,
      %get3A_1482 = vector.shape_cast %get3A_1481 : vector<1x16xf32> to vector<16xf32>
      %get3A_1483 = arith.constant 64 : i32
      %get3A_1484 = arith.index_cast %get3A_1483 : i32 to index
      %get3A_1485 = arith.constant 96 : index
      %get3A_1486 = tpu.vector_load %arg7[%get3A_1484, %get3A_1485] {strides = array<i32>} : memref<128x128xf32, #tpu.memory_space<vmem>>, vector<1x16xf32>,
      %get3A_1487 = vector.shape_cast %get3A_1486 : vector<1x16xf32> to vector<16xf32>
      %get3A_1488 = arith.constant 64 : i32
      %get3A_1489 = arith.index_cast %get3A_1488 : i32 to index
      %get3A_1490 = arith.constant 112 : index
      %get3A_1491 = tpu.vector_load %arg7[%get3A_1489, %get3A_1490] {strides = array<i32>} : memref<128x128xf32, #tpu.memory_space<vmem>>, vector<1x16xf32>,
      %get3A_1492 = vector.shape_cast %get3A_1491 : vector<1x16xf32> to vector<16xf32>
      %scan3A_1493 = arith.constant 1 : i32
      %scan3A_1494 = arith.constant 31 : i32
      %scan3A_1495 = arith.addi %scan3A_1493, %scan3A_1494 : i32
      %scan3A_1496 = arith.constant 1 : i32
      %scan3A_1497:8 = scf.for %scan3A_1655 = %scan3A_1493 to %scan3A_1495 step %scan3A_1496 iter_args(%scan3A_1656 = %get3A_1457, %scan3A_1657 = %get3A_1462, %scan3A_1658 = %get3A_1467, %scan3A_1659 = %get3A_1472, %scan3A_1660 = %get3A_1477, %scan3A_1661 = %get3A_1482, %scan3A_1662 = %get3A_1487, %scan3A_1663 = %get3A_1492) -> (vector<16xf32>, vector<16xf32>, vector<16xf32>, vector<16xf32>, vector<16xf32>, vector<16xf32>, vector<16xf32>, vector<16xf32>)  : i32 {
        %add3A_1664 = arith.constant 64 : i32
        %add3A_1665 = arith.addi %add3A_1664, %scan3A_1655 : i32
        %get3A_1666 = arith.index_cast %add3A_1665 : i32 to index
        %get3A_1667 = arith.constant 0 : index
        %get3A_1668 = tpu.vector_load %arg7[%get3A_1666, %get3A_1667] {strides = array<i32>} : memref<128x128xf32, #tpu.memory_space<vmem>>, vector<1x16xf32>,
        %get3A_1669 = vector.shape_cast %get3A_1668 : vector<1x16xf32> to vector<16xf32>
        %add3A_1670 = arith.addf %scan3A_1656, %get3A_1669 : vector<16xf32>
        %add3A_1671 = arith.constant 64 : i32
        %add3A_1672 = arith.addi %add3A_1671, %scan3A_1655 : i32
        %get3A_1673 = arith.index_cast %add3A_1672 : i32 to index
        %get3A_1674 = arith.constant 16 : index
        %get3A_1675 = tpu.vector_load %arg7[%get3A_1673, %get3A_1674] {strides = array<i32>} : memref<128x128xf32, #tpu.memory_space<vmem>>, vector<1x16xf32>,
        %get3A_1676 = vector.shape_cast %get3A_1675 : vector<1x16xf32> to vector<16xf32>
        %add3A_1677 = arith.addf %scan3A_1657, %get3A_1676 : vector<16xf32>
        %add3A_1678 = arith.constant 64 : i32
        %add3A_1679 = arith.addi %add3A_1678, %scan3A_1655 : i32
        %get3A_1680 = arith.index_cast %add3A_1679 : i32 to index
        %get3A_1681 = arith.constant 32 : index
        %get3A_1682 = tpu.vector_load %arg7[%get3A_1680, %get3A_1681] {strides = array<i32>} : memref<128x128xf32, #tpu.memory_space<vmem>>, vector<1x16xf32>,
        %get3A_1683 = vector.shape_cast %get3A_1682 : vector<1x16xf32> to vector<16xf32>
        %add3A_1684 = arith.addf %scan3A_1658, %get3A_1683 : vector<16xf32>
        %add3A_1685 = arith.constant 64 : i32
        %add3A_1686 = arith.addi %add3A_1685, %scan3A_1655 : i32
        %get3A_1687 = arith.index_cast %add3A_1686 : i32 to index
        %get3A_1688 = arith.constant 48 : index
        %get3A_1689 = tpu.vector_load %arg7[%get3A_1687, %get3A_1688] {strides = array<i32>} : memref<128x128xf32, #tpu.memory_space<vmem>>, vector<1x16xf32>,
        %get3A_1690 = vector.shape_cast %get3A_1689 : vector<1x16xf32> to vector<16xf32>
        %add3A_1691 = arith.addf %scan3A_1659, %get3A_1690 : vector<16xf32>
        %add3A_1692 = arith.constant 64 : i32
        %add3A_1693 = arith.addi %add3A_1692, %scan3A_1655 : i32
        %get3A_1694 = arith.index_cast %add3A_1693 : i32 to index
        %get3A_1695 = arith.constant 64 : index
        %get3A_1696 = tpu.vector_load %arg7[%get3A_1694, %get3A_1695] {strides = array<i32>} : memref<128x128xf32, #tpu.memory_space<vmem>>, vector<1x16xf32>,
        %get3A_1697 = vector.shape_cast %get3A_1696 : vector<1x16xf32> to vector<16xf32>
        %add3A_1698 = arith.addf %scan3A_1660, %get3A_1697 : vector<16xf32>
        %add3A_1699 = arith.constant 64 : i32
        %add3A_1700 = arith.addi %add3A_1699, %scan3A_1655 : i32
        %get3A_1701 = arith.index_cast %add3A_1700 : i32 to index
        %get3A_1702 = arith.constant 80 : index
        %get3A_1703 = tpu.vector_load %arg7[%get3A_1701, %get3A_1702] {strides = array<i32>} : memref<128x128xf32, #tpu.memory_space<vmem>>, vector<1x16xf32>,
        %get3A_1704 = vector.shape_cast %get3A_1703 : vector<1x16xf32> to vector<16xf32>
        %add3A_1705 = arith.addf %scan3A_1661, %get3A_1704 : vector<16xf32>
        %add3A_1706 = arith.constant 64 : i32
        %add3A_1707 = arith.addi %add3A_1706, %scan3A_1655 : i32
        %get3A_1708 = arith.index_cast %add3A_1707 : i32 to index
        %get3A_1709 = arith.constant 96 : index
        %get3A_1710 = tpu.vector_load %arg7[%get3A_1708, %get3A_1709] {strides = array<i32>} : memref<128x128xf32, #tpu.memory_space<vmem>>, vector<1x16xf32>,
        %get3A_1711 = vector.shape_cast %get3A_1710 : vector<1x16xf32> to vector<16xf32>
        %add3A_1712 = arith.addf %scan3A_1662, %get3A_1711 : vector<16xf32>
        %add3A_1713 = arith.constant 64 : i32
        %add3A_1714 = arith.addi %add3A_1713, %scan3A_1655 : i32
        %get3A_1715 = arith.index_cast %add3A_1714 : i32 to index
        %get3A_1716 = arith.constant 112 : index
        %get3A_1717 = tpu.vector_load %arg7[%get3A_1715, %get3A_1716] {strides = array<i32>} : memref<128x128xf32, #tpu.memory_space<vmem>>, vector<1x16xf32>,
        %get3A_1718 = vector.shape_cast %get3A_1717 : vector<1x16xf32> to vector<16xf32>
        %add3A_1719 = arith.addf %scan3A_1663, %get3A_1718 : vector<16xf32>
        scf.yield %add3A_1670, %add3A_1677, %add3A_1684, %add3A_1691, %add3A_1698, %add3A_1705, %add3A_1712, %add3A_1719 : vector<16xf32>, vector<16xf32>, vector<16xf32>, vector<16xf32>, vector<16xf32>, vector<16xf32>, vector<16xf32>, vector<16xf32>
      }
      %scan3A_1498 = arith.constant 31 : i32
      %swap3A_1499 = arith.constant 2 : i32
      %swap3A_1500 = arith.index_cast %swap3A_1499 : i32 to index
      %swap3A_1501 = arith.constant 0 : index
      %swap3A_1502 = tpu.vector_load %arg9[%swap3A_1500, %swap3A_1501] {strides = array<i32>} : memref<4x128xf32, #tpu.memory_space<vmem>>, vector<1x16xf32>,
      %swap3A_1503 = vector.shape_cast %swap3A_1502 : vector<1x16xf32> to vector<16xf32>
      %swap3A_1504 = vector.shape_cast %scan3A_1497#0 : vector<16xf32> to vector<1x16xf32>
      tpu.vector_store %arg9[%swap3A_1500, %swap3A_1501], %swap3A_1504 {strides = array<i32>} : memref<4x128xf32, #tpu.memory_space<vmem>>, vector<1x16xf32>,
      %swap3A_1505 = arith.constant 2 : i32
      %swap3A_1506 = arith.index_cast %swap3A_1505 : i32 to index
      %swap3A_1507 = arith.constant 16 : index
      %swap3A_1508 = tpu.vector_load %arg9[%swap3A_1506, %swap3A_1507] {strides = array<i32>} : memref<4x128xf32, #tpu.memory_space<vmem>>, vector<1x16xf32>,
      %swap3A_1509 = vector.shape_cast %swap3A_1508 : vector<1x16xf32> to vector<16xf32>
      %swap3A_1510 = vector.shape_cast %scan3A_1497#1 : vector<16xf32> to vector<1x16xf32>
      tpu.vector_store %arg9[%swap3A_1506, %swap3A_1507], %swap3A_1510 {strides = array<i32>} : memref<4x128xf32, #tpu.memory_space<vmem>>, vector<1x16xf32>,
      %swap3A_1511 = arith.constant 2 : i32
      %swap3A_1512 = arith.index_cast %swap3A_1511 : i32 to index
      %swap3A_1513 = arith.constant 32 : index
      %swap3A_1514 = tpu.vector_load %arg9[%swap3A_1512, %swap3A_1513] {strides = array<i32>} : memref<4x128xf32, #tpu.memory_space<vmem>>, vector<1x16xf32>,
      %swap3A_1515 = vector.shape_cast %swap3A_1514 : vector<1x16xf32> to vector<16xf32>
      %swap3A_1516 = vector.shape_cast %scan3A_1497#2 : vector<16xf32> to vector<1x16xf32>
      tpu.vector_store %arg9[%swap3A_1512, %swap3A_1513], %swap3A_1516 {strides = array<i32>} : memref<4x128xf32, #tpu.memory_space<vmem>>, vector<1x16xf32>,
      %swap3A_1517 = arith.constant 2 : i32
      %swap3A_1518 = arith.index_cast %swap3A_1517 : i32 to index
      %swap3A_1519 = arith.constant 48 : index
      %swap3A_1520 = tpu.vector_load %arg9[%swap3A_1518, %swap3A_1519] {strides = array<i32>} : memref<4x128xf32, #tpu.memory_space<vmem>>, vector<1x16xf32>,
      %swap3A_1521 = vector.shape_cast %swap3A_1520 : vector<1x16xf32> to vector<16xf32>
      %swap3A_1522 = vector.shape_cast %scan3A_1497#3 : vector<16xf32> to vector<1x16xf32>
      tpu.vector_store %arg9[%swap3A_1518, %swap3A_1519], %swap3A_1522 {strides = array<i32>} : memref<4x128xf32, #tpu.memory_space<vmem>>, vector<1x16xf32>,
      %swap3A_1523 = arith.constant 2 : i32
      %swap3A_1524 = arith.index_cast %swap3A_1523 : i32 to index
      %swap3A_1525 = arith.constant 64 : index
      %swap3A_1526 = tpu.vector_load %arg9[%swap3A_1524, %swap3A_1525] {strides = array<i32>} : memref<4x128xf32, #tpu.memory_space<vmem>>, vector<1x16xf32>,
      %swap3A_1527 = vector.shape_cast %swap3A_1526 : vector<1x16xf32> to vector<16xf32>
      %swap3A_1528 = vector.shape_cast %scan3A_1497#4 : vector<16xf32> to vector<1x16xf32>
      tpu.vector_store %arg9[%swap3A_1524, %swap3A_1525], %swap3A_1528 {strides = array<i32>} : memref<4x128xf32, #tpu.memory_space<vmem>>, vector<1x16xf32>,
      %swap3A_1529 = arith.constant 2 : i32
      %swap3A_1530 = arith.index_cast %swap3A_1529 : i32 to index
      %swap3A_1531 = arith.constant 80 : index
      %swap3A_1532 = tpu.vector_load %arg9[%swap3A_1530, %swap3A_1531] {strides = array<i32>} : memref<4x128xf32, #tpu.memory_space<vmem>>, vector<1x16xf32>,
      %swap3A_1533 = vector.shape_cast %swap3A_1532 : vector<1x16xf32> to vector<16xf32>
      %swap3A_1534 = vector.shape_cast %scan3A_1497#5 : vector<16xf32> to vector<1x16xf32>
      tpu.vector_store %arg9[%swap3A_1530, %swap3A_1531], %swap3A_1534 {strides = array<i32>} : memref<4x128xf32, #tpu.memory_space<vmem>>, vector<1x16xf32>,
      %swap3A_1535 = arith.constant 2 : i32
      %swap3A_1536 = arith.index_cast %swap3A_1535 : i32 to index
      %swap3A_1537 = arith.constant 96 : index
      %swap3A_1538 = tpu.vector_load %arg9[%swap3A_1536, %swap3A_1537] {strides = array<i32>} : memref<4x128xf32, #tpu.memory_space<vmem>>, vector<1x16xf32>,
      %swap3A_1539 = vector.shape_cast %swap3A_1538 : vector<1x16xf32> to vector<16xf32>
      %swap3A_1540 = vector.shape_cast %scan3A_1497#6 : vector<16xf32> to vector<1x16xf32>
      tpu.vector_store %arg9[%swap3A_1536, %swap3A_1537], %swap3A_1540 {strides = array<i32>} : memref<4x128xf32, #tpu.memory_space<vmem>>, vector<1x16xf32>,
      %swap3A_1541 = arith.constant 2 : i32
      %swap3A_1542 = arith.index_cast %swap3A_1541 : i32 to index
      %swap3A_1543 = arith.constant 112 : index
      %swap3A_1544 = tpu.vector_load %arg9[%swap3A_1542, %swap3A_1543] {strides = array<i32>} : memref<4x128xf32, #tpu.memory_space<vmem>>, vector<1x16xf32>,
      %swap3A_1545 = vector.shape_cast %swap3A_1544 : vector<1x16xf32> to vector<16xf32>
      %swap3A_1546 = vector.shape_cast %scan3A_1497#7 : vector<16xf32> to vector<1x16xf32>
      tpu.vector_store %arg9[%swap3A_1542, %swap3A_1543], %swap3A_1546 {strides = array<i32>} : memref<4x128xf32, #tpu.memory_space<vmem>>, vector<1x16xf32>,
      %get3A_1547 = arith.constant 96 : i32
      %get3A_1548 = arith.index_cast %get3A_1547 : i32 to index
      %get3A_1549 = arith.constant 0 : index
      %get3A_1550 = tpu.vector_load %arg7[%get3A_1548, %get3A_1549] {strides = array<i32>} : memref<128x128xf32, #tpu.memory_space<vmem>>, vector<1x16xf32>,
      %get3A_1551 = vector.shape_cast %get3A_1550 : vector<1x16xf32> to vector<16xf32>
      %get3A_1552 = arith.constant 96 : i32
      %get3A_1553 = arith.index_cast %get3A_1552 : i32 to index
      %get3A_1554 = arith.constant 16 : index
      %get3A_1555 = tpu.vector_load %arg7[%get3A_1553, %get3A_1554] {strides = array<i32>} : memref<128x128xf32, #tpu.memory_space<vmem>>, vector<1x16xf32>,
      %get3A_1556 = vector.shape_cast %get3A_1555 : vector<1x16xf32> to vector<16xf32>
      %get3A_1557 = arith.constant 96 : i32
      %get3A_1558 = arith.index_cast %get3A_1557 : i32 to index
      %get3A_1559 = arith.constant 32 : index
      %get3A_1560 = tpu.vector_load %arg7[%get3A_1558, %get3A_1559] {strides = array<i32>} : memref<128x128xf32, #tpu.memory_space<vmem>>, vector<1x16xf32>,
      %get3A_1561 = vector.shape_cast %get3A_1560 : vector<1x16xf32> to vector<16xf32>
      %get3A_1562 = arith.constant 96 : i32
      %get3A_1563 = arith.index_cast %get3A_1562 : i32 to index
      %get3A_1564 = arith.constant 48 : index
      %get3A_1565 = tpu.vector_load %arg7[%get3A_1563, %get3A_1564] {strides = array<i32>} : memref<128x128xf32, #tpu.memory_space<vmem>>, vector<1x16xf32>,
      %get3A_1566 = vector.shape_cast %get3A_1565 : vector<1x16xf32> to vector<16xf32>
      %get3A_1567 = arith.constant 96 : i32
      %get3A_1568 = arith.index_cast %get3A_1567 : i32 to index
      %get3A_1569 = arith.constant 64 : index
      %get3A_1570 = tpu.vector_load %arg7[%get3A_1568, %get3A_1569] {strides = array<i32>} : memref<128x128xf32, #tpu.memory_space<vmem>>, vector<1x16xf32>,
      %get3A_1571 = vector.shape_cast %get3A_1570 : vector<1x16xf32> to vector<16xf32>
      %get3A_1572 = arith.constant 96 : i32
      %get3A_1573 = arith.index_cast %get3A_1572 : i32 to index
      %get3A_1574 = arith.constant 80 : index
      %get3A_1575 = tpu.vector_load %arg7[%get3A_1573, %get3A_1574] {strides = array<i32>} : memref<128x128xf32, #tpu.memory_space<vmem>>, vector<1x16xf32>,
      %get3A_1576 = vector.shape_cast %get3A_1575 : vector<1x16xf32> to vector<16xf32>
      %get3A_1577 = arith.constant 96 : i32
      %get3A_1578 = arith.index_cast %get3A_1577 : i32 to index
      %get3A_1579 = arith.constant 96 : index
      %get3A_1580 = tpu.vector_load %arg7[%get3A_1578, %get3A_1579] {strides = array<i32>} : memref<128x128xf32, #tpu.memory_space<vmem>>, vector<1x16xf32>,
      %get3A_1581 = vector.shape_cast %get3A_1580 : vector<1x16xf32> to vector<16xf32>
      %get3A_1582 = arith.constant 96 : i32
      %get3A_1583 = arith.index_cast %get3A_1582 : i32 to index
      %get3A_1584 = arith.constant 112 : index
      %get3A_1585 = tpu.vector_load %arg7[%get3A_1583, %get3A_1584] {strides = array<i32>} : memref<128x128xf32, #tpu.memory_space<vmem>>, vector<1x16xf32>,
      %get3A_1586 = vector.shape_cast %get3A_1585 : vector<1x16xf32> to vector<16xf32>
      %scan3A_1587 = arith.constant 1 : i32
      %scan3A_1588 = arith.constant 31 : i32
      %scan3A_1589 = arith.addi %scan3A_1587, %scan3A_1588 : i32
      %scan3A_1590 = arith.constant 1 : i32
      %scan3A_1591:8 = scf.for %scan3A_1655 = %scan3A_1587 to %scan3A_1589 step %scan3A_1590 iter_args(%scan3A_1656 = %get3A_1551, %scan3A_1657 = %get3A_1556, %scan3A_1658 = %get3A_1561, %scan3A_1659 = %get3A_1566, %scan3A_1660 = %get3A_1571, %scan3A_1661 = %get3A_1576, %scan3A_1662 = %get3A_1581, %scan3A_1663 = %get3A_1586) -> (vector<16xf32>, vector<16xf32>, vector<16xf32>, vector<16xf32>, vector<16xf32>, vector<16xf32>, vector<16xf32>, vector<16xf32>)  : i32 {
        %add3A_1664 = arith.constant 96 : i32
        %add3A_1665 = arith.addi %add3A_1664, %scan3A_1655 : i32
        %get3A_1666 = arith.index_cast %add3A_1665 : i32 to index
        %get3A_1667 = arith.constant 0 : index
        %get3A_1668 = tpu.vector_load %arg7[%get3A_1666, %get3A_1667] {strides = array<i32>} : memref<128x128xf32, #tpu.memory_space<vmem>>, vector<1x16xf32>,
        %get3A_1669 = vector.shape_cast %get3A_1668 : vector<1x16xf32> to vector<16xf32>
        %add3A_1670 = arith.addf %scan3A_1656, %get3A_1669 : vector<16xf32>
        %add3A_1671 = arith.constant 96 : i32
        %add3A_1672 = arith.addi %add3A_1671, %scan3A_1655 : i32
        %get3A_1673 = arith.index_cast %add3A_1672 : i32 to index
        %get3A_1674 = arith.constant 16 : index
        %get3A_1675 = tpu.vector_load %arg7[%get3A_1673, %get3A_1674] {strides = array<i32>} : memref<128x128xf32, #tpu.memory_space<vmem>>, vector<1x16xf32>,
        %get3A_1676 = vector.shape_cast %get3A_1675 : vector<1x16xf32> to vector<16xf32>
        %add3A_1677 = arith.addf %scan3A_1657, %get3A_1676 : vector<16xf32>
        %add3A_1678 = arith.constant 96 : i32
        %add3A_1679 = arith.addi %add3A_1678, %scan3A_1655 : i32
        %get3A_1680 = arith.index_cast %add3A_1679 : i32 to index
        %get3A_1681 = arith.constant 32 : index
        %get3A_1682 = tpu.vector_load %arg7[%get3A_1680, %get3A_1681] {strides = array<i32>} : memref<128x128xf32, #tpu.memory_space<vmem>>, vector<1x16xf32>,
        %get3A_1683 = vector.shape_cast %get3A_1682 : vector<1x16xf32> to vector<16xf32>
        %add3A_1684 = arith.addf %scan3A_1658, %get3A_1683 : vector<16xf32>
        %add3A_1685 = arith.constant 96 : i32
        %add3A_1686 = arith.addi %add3A_1685, %scan3A_1655 : i32
        %get3A_1687 = arith.index_cast %add3A_1686 : i32 to index
        %get3A_1688 = arith.constant 48 : index
        %get3A_1689 = tpu.vector_load %arg7[%get3A_1687, %get3A_1688] {strides = array<i32>} : memref<128x128xf32, #tpu.memory_space<vmem>>, vector<1x16xf32>,
        %get3A_1690 = vector.shape_cast %get3A_1689 : vector<1x16xf32> to vector<16xf32>
        %add3A_1691 = arith.addf %scan3A_1659, %get3A_1690 : vector<16xf32>
        %add3A_1692 = arith.constant 96 : i32
        %add3A_1693 = arith.addi %add3A_1692, %scan3A_1655 : i32
        %get3A_1694 = arith.index_cast %add3A_1693 : i32 to index
        %get3A_1695 = arith.constant 64 : index
        %get3A_1696 = tpu.vector_load %arg7[%get3A_1694, %get3A_1695] {strides = array<i32>} : memref<128x128xf32, #tpu.memory_space<vmem>>, vector<1x16xf32>,
        %get3A_1697 = vector.shape_cast %get3A_1696 : vector<1x16xf32> to vector<16xf32>
        %add3A_1698 = arith.addf %scan3A_1660, %get3A_1697 : vector<16xf32>
        %add3A_1699 = arith.constant 96 : i32
        %add3A_1700 = arith.addi %add3A_1699, %scan3A_1655 : i32
        %get3A_1701 = arith.index_cast %add3A_1700 : i32 to index
        %get3A_1702 = arith.constant 80 : index
        %get3A_1703 = tpu.vector_load %arg7[%get3A_1701, %get3A_1702] {strides = array<i32>} : memref<128x128xf32, #tpu.memory_space<vmem>>, vector<1x16xf32>,
        %get3A_1704 = vector.shape_cast %get3A_1703 : vector<1x16xf32> to vector<16xf32>
        %add3A_1705 = arith.addf %scan3A_1661, %get3A_1704 : vector<16xf32>
        %add3A_1706 = arith.constant 96 : i32
        %add3A_1707 = arith.addi %add3A_1706, %scan3A_1655 : i32
        %get3A_1708 = arith.index_cast %add3A_1707 : i32 to index
        %get3A_1709 = arith.constant 96 : index
        %get3A_1710 = tpu.vector_load %arg7[%get3A_1708, %get3A_1709] {strides = array<i32>} : memref<128x128xf32, #tpu.memory_space<vmem>>, vector<1x16xf32>,
        %get3A_1711 = vector.shape_cast %get3A_1710 : vector<1x16xf32> to vector<16xf32>
        %add3A_1712 = arith.addf %scan3A_1662, %get3A_1711 : vector<16xf32>
        %add3A_1713 = arith.constant 96 : i32
        %add3A_1714 = arith.addi %add3A_1713, %scan3A_1655 : i32
        %get3A_1715 = arith.index_cast %add3A_1714 : i32 to index
        %get3A_1716 = arith.constant 112 : index
        %get3A_1717 = tpu.vector_load %arg7[%get3A_1715, %get3A_1716] {strides = array<i32>} : memref<128x128xf32, #tpu.memory_space<vmem>>, vector<1x16xf32>,
        %get3A_1718 = vector.shape_cast %get3A_1717 : vector<1x16xf32> to vector<16xf32>
        %add3A_1719 = arith.addf %scan3A_1663, %get3A_1718 : vector<16xf32>
        scf.yield %add3A_1670, %add3A_1677, %add3A_1684, %add3A_1691, %add3A_1698, %add3A_1705, %add3A_1712, %add3A_1719 : vector<16xf32>, vector<16xf32>, vector<16xf32>, vector<16xf32>, vector<16xf32>, vector<16xf32>, vector<16xf32>, vector<16xf32>
      }
      %scan3A_1592 = arith.constant 31 : i32
      %swap3A_1593 = arith.constant 3 : i32
      %swap3A_1594 = arith.index_cast %swap3A_1593 : i32 to index
      %swap3A_1595 = arith.constant 0 : index
      %swap3A_1596 = tpu.vector_load %arg9[%swap3A_1594, %swap3A_1595] {strides = array<i32>} : memref<4x128xf32, #tpu.memory_space<vmem>>, vector<1x16xf32>,
      %swap3A_1597 = vector.shape_cast %swap3A_1596 : vector<1x16xf32> to vector<16xf32>
      %swap3A_1598 = vector.shape_cast %scan3A_1591#0 : vector<16xf32> to vector<1x16xf32>
      tpu.vector_store %arg9[%swap3A_1594, %swap3A_1595], %swap3A_1598 {strides = array<i32>} : memref<4x128xf32, #tpu.memory_space<vmem>>, vector<1x16xf32>,
      %swap3A_1599 = arith.constant 3 : i32
      %swap3A_1600 = arith.index_cast %swap3A_1599 : i32 to index
      %swap3A_1601 = arith.constant 16 : index
      %swap3A_1602 = tpu.vector_load %arg9[%swap3A_1600, %swap3A_1601] {strides = array<i32>} : memref<4x128xf32, #tpu.memory_space<vmem>>, vector<1x16xf32>,
      %swap3A_1603 = vector.shape_cast %swap3A_1602 : vector<1x16xf32> to vector<16xf32>
      %swap3A_1604 = vector.shape_cast %scan3A_1591#1 : vector<16xf32> to vector<1x16xf32>
      tpu.vector_store %arg9[%swap3A_1600, %swap3A_1601], %swap3A_1604 {strides = array<i32>} : memref<4x128xf32, #tpu.memory_space<vmem>>, vector<1x16xf32>,
      %swap3A_1605 = arith.constant 3 : i32
      %swap3A_1606 = arith.index_cast %swap3A_1605 : i32 to index
      %swap3A_1607 = arith.constant 32 : index
      %swap3A_1608 = tpu.vector_load %arg9[%swap3A_1606, %swap3A_1607] {strides = array<i32>} : memref<4x128xf32, #tpu.memory_space<vmem>>, vector<1x16xf32>,
      %swap3A_1609 = vector.shape_cast %swap3A_1608 : vector<1x16xf32> to vector<16xf32>
      %swap3A_1610 = vector.shape_cast %scan3A_1591#2 : vector<16xf32> to vector<1x16xf32>
      tpu.vector_store %arg9[%swap3A_1606, %swap3A_1607], %swap3A_1610 {strides = array<i32>} : memref<4x128xf32, #tpu.memory_space<vmem>>, vector<1x16xf32>,
      %swap3A_1611 = arith.constant 3 : i32
      %swap3A_1612 = arith.index_cast %swap3A_1611 : i32 to index
      %swap3A_1613 = arith.constant 48 : index
      %swap3A_1614 = tpu.vector_load %arg9[%swap3A_1612, %swap3A_1613] {strides = array<i32>} : memref<4x128xf32, #tpu.memory_space<vmem>>, vector<1x16xf32>,
      %swap3A_1615 = vector.shape_cast %swap3A_1614 : vector<1x16xf32> to vector<16xf32>
      %swap3A_1616 = vector.shape_cast %scan3A_1591#3 : vector<16xf32> to vector<1x16xf32>
      tpu.vector_store %arg9[%swap3A_1612, %swap3A_1613], %swap3A_1616 {strides = array<i32>} : memref<4x128xf32, #tpu.memory_space<vmem>>, vector<1x16xf32>,
      %swap3A_1617 = arith.constant 3 : i32
      %swap3A_1618 = arith.index_cast %swap3A_1617 : i32 to index
      %swap3A_1619 = arith.constant 64 : index
      %swap3A_1620 = tpu.vector_load %arg9[%swap3A_1618, %swap3A_1619] {strides = array<i32>} : memref<4x128xf32, #tpu.memory_space<vmem>>, vector<1x16xf32>,
      %swap3A_1621 = vector.shape_cast %swap3A_1620 : vector<1x16xf32> to vector<16xf32>
      %swap3A_1622 = vector.shape_cast %scan3A_1591#4 : vector<16xf32> to vector<1x16xf32>
      tpu.vector_store %arg9[%swap3A_1618, %swap3A_1619], %swap3A_1622 {strides = array<i32>} : memref<4x128xf32, #tpu.memory_space<vmem>>, vector<1x16xf32>,
      %swap3A_1623 = arith.constant 3 : i32
      %swap3A_1624 = arith.index_cast %swap3A_1623 : i32 to index
      %swap3A_1625 = arith.constant 80 : index
      %swap3A_1626 = tpu.vector_load %arg9[%swap3A_1624, %swap3A_1625] {strides = array<i32>} : memref<4x128xf32, #tpu.memory_space<vmem>>, vector<1x16xf32>,
      %swap3A_1627 = vector.shape_cast %swap3A_1626 : vector<1x16xf32> to vector<16xf32>
      %swap3A_1628 = vector.shape_cast %scan3A_1591#5 : vector<16xf32> to vector<1x16xf32>
      tpu.vector_store %arg9[%swap3A_1624, %swap3A_1625], %swap3A_1628 {strides = array<i32>} : memref<4x128xf32, #tpu.memory_space<vmem>>, vector<1x16xf32>,
      %swap3A_1629 = arith.constant 3 : i32
      %swap3A_1630 = arith.index_cast %swap3A_1629 : i32 to index
      %swap3A_1631 = arith.constant 96 : index
      %swap3A_1632 = tpu.vector_load %arg9[%swap3A_1630, %swap3A_1631] {strides = array<i32>} : memref<4x128xf32, #tpu.memory_space<vmem>>, vector<1x16xf32>,
      %swap3A_1633 = vector.shape_cast %swap3A_1632 : vector<1x16xf32> to vector<16xf32>
      %swap3A_1634 = vector.shape_cast %scan3A_1591#6 : vector<16xf32> to vector<1x16xf32>
      tpu.vector_store %arg9[%swap3A_1630, %swap3A_1631], %swap3A_1634 {strides = array<i32>} : memref<4x128xf32, #tpu.memory_space<vmem>>, vector<1x16xf32>,
      %swap3A_1635 = arith.constant 3 : i32
      %swap3A_1636 = arith.index_cast %swap3A_1635 : i32 to index
      %swap3A_1637 = arith.constant 112 : index
      %swap3A_1638 = tpu.vector_load %arg9[%swap3A_1636, %swap3A_1637] {strides = array<i32>} : memref<4x128xf32, #tpu.memory_space<vmem>>, vector<1x16xf32>,
      %swap3A_1639 = vector.shape_cast %swap3A_1638 : vector<1x16xf32> to vector<16xf32>
      %swap3A_1640 = vector.shape_cast %scan3A_1591#7 : vector<16xf32> to vector<1x16xf32>
      tpu.vector_store %arg9[%swap3A_1636, %swap3A_1637], %swap3A_1640 {strides = array<i32>} : memref<4x128xf32, #tpu.memory_space<vmem>>, vector<1x16xf32>,
      %mul3A_1641 = arith.constant 4 : i32
      %mul3A_1642 = arith.muli %add3A_1249, %mul3A_1641 : i32
      %add3A_1643 = arith.addi %mul3A_2, %mul3A_1642 : i32
      %dma_start3A_1644 = arith.constant 0 : i32
      %dma_start3A_1645 = tpu.memref_slice %arg4[%add3A_1643, %dma_start3A_1644] : memref<10240x128xf32, #tpu.memory_space<hbm>> -> memref<4x128xf32, #tpu.memory_space<hbm>>
      %dma_start3A_1646 = arith.constant 0 : i32
      %dma_start3A_1647 = tpu.memref_slice %arg4[%add3A_1643, %dma_start3A_1646] : memref<10240x128xf32, #tpu.memory_space<hbm>> -> memref<4x128xf32, #tpu.memory_space<hbm>>
      tpu.enqueue_dma source(%arg9 : memref<4x128xf32, #tpu.memory_space<vmem>>) target(%dma_start3A_1647 : memref<4x128xf32, #tpu.memory_space<hbm>>) target_semaphore(%arg14 : memref<!tpu.dma_semaphore, #tpu.memory_space<semaphore_mem>>)
      %add3A_1648 = arith.constant 2 : i32
      %add3A_1649 = arith.addi %add3A_1249, %add3A_1648 : i32
      %lt3A_1650 = arith.constant 80 : i32
      %lt3A_1651 = arith.cmpi slt, %add3A_1649, %lt3A_1650 : i32
      %convert_element_type3A_1652 = arith.extui %lt3A_1651 : i1 to i32
      %cond3A_1653 = arith.constant 0 : i32
      %cond3A_1654 = arith.cmpi ne, %convert_element_type3A_1652, %cond3A_1653 : i32
      scf.if %cond3A_1654 {
        %add3A_1655 = arith.constant 2 : i32
        %add3A_1656 = arith.addi %add3A_1249, %add3A_1655 : i32
        %dma_start3A_1657 = arith.constant 0 : i32
        %dma_start3A_1658 = tpu.memref_slice %arg5[%add3A_1656, %dma_start3A_1657] : memref<80x128xi32, #tpu.memory_space<vmem>> -> memref<1x128xi32, #tpu.memory_space<vmem>>
        %dma_start3A_1659 = tpu.memref_squeeze %dma_start3A_1658 : memref<1x128xi32, #tpu.memory_space<vmem>> -> memref<128xi32, #tpu.memory_space<vmem>>
        %dma_start3A_1660 = arith.constant 0 : i32
        %dma_start3A_1661 = arith.constant 0 : i32
        %dma_start3A_1662 = tpu.memref_slice %arg10[%dma_start3A_1660, %dma_start3A_1661] : memref<10240x128xf32, #tpu.memory_space<vmem_shared>> -> memref<10240x128xf32, #tpu.memory_space<vmem_shared>>
        tpu.enqueue_indirect_dma source(%dma_start3A_1662 : memref<10240x128xf32, #tpu.memory_space<vmem_shared>>) target(%arg7 : memref<128x128xf32, #tpu.memory_space<vmem>>) offsets(%dma_start3A_1659 : memref<128xi32, #tpu.memory_space<vmem>>) semaphore(%arg12 : memref<!tpu.dma_semaphore, #tpu.memory_space<semaphore_mem>>)
      } else {
      }
    }
    %scan3A_829 = arith.constant 39 : i32
    %add3A_830 = arith.constant 312 : i32
    %add3A_831 = arith.addi %mul3A_2, %add3A_830 : i32
    %dma_wait3A_832 = arith.constant 0 : i32
    %dma_wait3A_833 = tpu.memref_slice %arg4[%add3A_831, %dma_wait3A_832] : memref<10240x128xf32, #tpu.memory_space<hbm>> -> memref<4x128xf32, #tpu.memory_space<hbm>>
    %dma_wait3A_834 = arith.constant 0 : i32
    %dma_wait3A_835 = tpu.memref_slice %arg4[%add3A_831, %dma_wait3A_834] : memref<10240x128xf32, #tpu.memory_space<hbm>> -> memref<4x128xf32, #tpu.memory_space<hbm>>
    tpu.wait_dma2 semaphore(%arg13 : memref<!tpu.dma_semaphore, #tpu.memory_space<semaphore_mem>>) src(%arg8 : memref<4x128xf32, #tpu.memory_space<vmem>>) dst(%dma_wait3A_835 : memref<4x128xf32, #tpu.memory_space<hbm>>)
    %add3A_836 = arith.constant 316 : i32
    %add3A_837 = arith.addi %mul3A_2, %add3A_836 : i32
    %dma_wait3A_838 = arith.constant 0 : i32
    %dma_wait3A_839 = tpu.memref_slice %arg4[%add3A_837, %dma_wait3A_838] : memref<10240x128xf32, #tpu.memory_space<hbm>> -> memref<4x128xf32, #tpu.memory_space<hbm>>
    %dma_wait3A_840 = arith.constant 0 : i32
    %dma_wait3A_841 = tpu.memref_slice %arg4[%add3A_837, %dma_wait3A_840] : memref<10240x128xf32, #tpu.memory_space<hbm>> -> memref<4x128xf32, #tpu.memory_space<hbm>>
    tpu.wait_dma2 semaphore(%arg14 : memref<!tpu.dma_semaphore, #tpu.memory_space<semaphore_mem>>) src(%arg9 : memref<4x128xf32, #tpu.memory_space<vmem>>) dst(%dma_wait3A_841 : memref<4x128xf32, #tpu.memory_space<hbm>>)
    return
  }
}

module attributes {stable_mosaic.version = 14 : i64} {
  func.func @_tc_body(%arg0: i32, %arg1: memref<2048x128xf32, #tpu.memory_space<vmem>>, %arg2: memref<128x2048xf32, #tpu.memory_space<vmem>>, %arg3: memref<3x32x2048xf32, #tpu.memory_space<vmem>>, %arg4: memref<3x2048xf32, #tpu.memory_space<vmem>>, %arg5: memref<128x128xf32, #tpu.memory_space<vmem>>, %arg6: memref<128x3xf32, #tpu.memory_space<vmem>>, %arg7: memref<128x1xf32, #tpu.memory_space<vmem>>, %arg8: memref<128x125xf32, #tpu.memory_space<vmem>>, %arg9: memref<128x2048xf32, #tpu.memory_space<vmem>>) attributes {dimension_semantics = [#tpu.dimension_semantics<arbitrary>], iteration_bounds = array<i64: 5>, scalar_prefetch = 0 : i64, scratch_operands = 0 : i64, tpu.core_type = #tpu.core_type<tc>, window_params = [{transform_indices = @transform_0, window_bounds = array<i64: 2048, 128>}, {transform_indices = @transform_1, window_bounds = array<i64: 128, 2048>}, {transform_indices = @transform_2, window_bounds = array<i64: 3, 32, 2048>}, {transform_indices = @transform_3, window_bounds = array<i64: 3, 2048>}, {pipeline_mode = #tpu.pipeline_mode<synchronous>, transform_indices = @transform_4, window_bounds = array<i64: 128, 128>}, {pipeline_mode = #tpu.pipeline_mode<synchronous>, transform_indices = @transform_5, window_bounds = array<i64: 128, 3>}, {pipeline_mode = #tpu.pipeline_mode<synchronous>, transform_indices = @transform_6, window_bounds = array<i64: 128, 1>}, {pipeline_mode = #tpu.pipeline_mode<synchronous>, transform_indices = @transform_7, window_bounds = array<i64: 128, 125>}, {transform_indices = @transform_8, window_bounds = array<i64: 128, 2048>}]} {
    %get3A = arith.constant 0 : index
    %get3A_0 = arith.constant 0 : index
    %get3A_1 = vector.load %arg5[%get3A, %get3A_0] : memref<128x128xf32, #tpu.memory_space<vmem>>, vector<128x128xf32>
    %get3A_2 = arith.constant 0 : index
    %get3A_3 = arith.constant 0 : index
    %get3A_4 = vector.load %arg1[%get3A_2, %get3A_3] : memref<2048x128xf32, #tpu.memory_space<vmem>>, vector<2048x128xf32>
    %dot_general3A = arith.constant dense<0.000000e+00> : vector<128x2048xf32>
    %dot_general3A_5 = tpu.matmul %get3A_1, %get3A_4, %dot_general3A {dimension_numbers = #tpu.dot_dimension_numbers<[1], [1], [0], [0], [0, 0, 1, 0], [], []>, transpose_lhs_hint = false} : vector<128x128xf32>, vector<2048x128xf32>, vector<128x2048xf32> -> vector<128x2048xf32>
    %get3A_6 = arith.constant 0 : index
    %get3A_7 = arith.constant 0 : index
    %get3A_8 = vector.load %arg2[%get3A_6, %get3A_7] : memref<128x2048xf32, #tpu.memory_space<vmem>>, vector<128x2048xf32>
    %dot_general3A_9 = arith.constant dense<0.000000e+00> : vector<128x2048xf32>
    %dot_general3A_10 = tpu.matmul %get3A_1, %get3A_8, %dot_general3A_9 {dimension_numbers = #tpu.dot_dimension_numbers<[1], [0], [0], [1], [0, 0, 1, 1], [], []>, transpose_lhs_hint = false} : vector<128x128xf32>, vector<128x2048xf32>, vector<128x2048xf32> -> vector<128x2048xf32>
    %mul3A = arith.constant 3.000000e+01 : f32
    %mul3A_11 = vector.broadcast %mul3A : f32 to vector<128x2048xf32>
    %mul3A_12 = arith.mulf %mul3A_11, %dot_general3A_10 : vector<128x2048xf32>
    %sub3A = arith.subf %dot_general3A_5, %mul3A_12 : vector<128x2048xf32>
    %get3A_13 = arith.constant 0 : index
    %get3A_14 = arith.constant 0 : index
    %get3A_15 = arith.constant 0 : index
    %get3A_16 = vector.load %arg3[%get3A_13, %get3A_14, %get3A_15] : memref<3x32x2048xf32, #tpu.memory_space<vmem>>, vector<3x32x2048xf32>
    %reduce_sum3A = arith.constant dense<0.000000e+00> : vector<3x2048xf32>
    %reduce_sum3A_17 = vector.multi_reduction <add>, %get3A_16, %reduce_sum3A [1] : vector<3x32x2048xf32> to vector<3x2048xf32>
    %get3A_18 = arith.constant 0 : index
    %get3A_19 = arith.constant 0 : index
    %get3A_20 = vector.load %arg6[%get3A_18, %get3A_19] : memref<128x3xf32, #tpu.memory_space<vmem>>, vector<128x3xf32>
    %dot_general3A_21 = arith.constant dense<0.000000e+00> : vector<128x2048xf32>
    %dot_general3A_22 = tpu.matmul %get3A_20, %reduce_sum3A_17, %dot_general3A_21 {dimension_numbers = #tpu.dot_dimension_numbers<[1], [0], [0], [1], [0, 0, 1, 1], [], []>, transpose_lhs_hint = false} : vector<128x3xf32>, vector<3x2048xf32>, vector<128x2048xf32> -> vector<128x2048xf32>
    %add3A = arith.addf %sub3A, %dot_general3A_22 : vector<128x2048xf32>
    %get3A_23 = arith.constant 0 : index
    %get3A_24 = arith.constant 0 : index
    %get3A_25 = vector.load %arg7[%get3A_23, %get3A_24] : memref<128x1xf32, #tpu.memory_space<vmem>>, vector<128x1xf32>
    %mul3A_26 = arith.constant 3.200000e+01 : f32
    %mul3A_27 = vector.broadcast %mul3A_26 : f32 to vector<128x1xf32>
    %mul3A_28 = arith.mulf %mul3A_27, %get3A_25 : vector<128x1xf32>
    %add3A_29 = vector.broadcast %mul3A_28 : vector<128x1xf32> to vector<128x2048xf32>
    %add3A_30 = arith.addf %add3A, %add3A_29 : vector<128x2048xf32>
    %get3A_31 = arith.constant 0 : index
    %get3A_32 = arith.constant 0 : index
    %get3A_33 = vector.load %arg4[%get3A_31, %get3A_32] : memref<3x2048xf32, #tpu.memory_space<vmem>>, vector<3x2048xf32>
    %jit3A = arith.constant -0.999989986 : f32
    %jit3A_34 = arith.constant 0.999989986 : f32
    %max3A = vector.broadcast %jit3A : f32 to vector<3x2048xf32>
    %max3A_35 = arith.maximumf %max3A, %get3A_33 : vector<3x2048xf32>
    %min3A = vector.broadcast %jit3A_34 : f32 to vector<3x2048xf32>
    %min3A_36 = arith.minimumf %min3A, %max3A_35 : vector<3x2048xf32>
    %mul3A_37 = arith.constant 2.500000e+00 : f32
    %mul3A_38 = vector.broadcast %mul3A_37 : f32 to vector<3x2048xf32>
    %mul3A_39 = arith.mulf %min3A_36, %mul3A_38 : vector<3x2048xf32>
    %convert_element_type3A = arith.fptosi %mul3A_39 : vector<3x2048xf32> to vector<3x2048xi32>
    %add3A_40 = arith.constant 2 : i32
    %add3A_41 = vector.broadcast %add3A_40 : i32 to vector<3x2048xi32>
    %add3A_42 = arith.addi %convert_element_type3A, %add3A_41 : vector<3x2048xi32>
    %slice3A = vector.extract_strided_slice %add3A_42 {offsets = [2, 0], sizes = [1, 2048], strides = [1, 1]} : vector<3x2048xi32> to vector<1x2048xi32>
    %mul3A_43 = arith.constant 25 : i32
    %mul3A_44 = vector.broadcast %mul3A_43 : i32 to vector<1x2048xi32>
    %mul3A_45 = arith.muli %slice3A, %mul3A_44 : vector<1x2048xi32>
    %slice3A_46 = vector.extract_strided_slice %add3A_42 {offsets = [1, 0], sizes = [1, 2048], strides = [1, 1]} : vector<3x2048xi32> to vector<1x2048xi32>
    %mul3A_47 = arith.constant 5 : i32
    %mul3A_48 = vector.broadcast %mul3A_47 : i32 to vector<1x2048xi32>
    %mul3A_49 = arith.muli %slice3A_46, %mul3A_48 : vector<1x2048xi32>
    %add3A_50 = arith.addi %mul3A_45, %mul3A_49 : vector<1x2048xi32>
    %slice3A_51 = vector.extract_strided_slice %add3A_42 {offsets = [0, 0], sizes = [1, 2048], strides = [1, 1]} : vector<3x2048xi32> to vector<1x2048xi32>
    %add3A_52 = arith.addi %add3A_50, %slice3A_51 : vector<1x2048xi32>
    %iota3A = tpu.iota {dimensions = array<i32: 0>} : vector<125x2048xi32>
    %eq3A = vector.broadcast %add3A_52 : vector<1x2048xi32> to vector<125x2048xi32>
    %eq3A_53 = arith.cmpi eq, %iota3A, %eq3A : vector<125x2048xi32>
    %convert_element_type3A_54 = arith.extui %eq3A_53 : vector<125x2048xi1> to vector<125x2048xi32>
    %convert_element_type3A_55 = arith.sitofp %convert_element_type3A_54 : vector<125x2048xi32> to vector<125x2048xf32>
    %get3A_56 = arith.constant 0 : index
    %get3A_57 = arith.constant 0 : index
    %get3A_58 = vector.load %arg8[%get3A_56, %get3A_57] : memref<128x125xf32, #tpu.memory_space<vmem>>, vector<128x125xf32>
    %dot_general3A_59 = arith.constant dense<0.000000e+00> : vector<128x2048xf32>
    %dot_general3A_60 = tpu.matmul %get3A_58, %convert_element_type3A_55, %dot_general3A_59 {dimension_numbers = #tpu.dot_dimension_numbers<[1], [0], [0], [1], [0, 0, 1, 1], [], []>, transpose_lhs_hint = false} : vector<128x125xf32>, vector<125x2048xf32>, vector<128x2048xf32> -> vector<128x2048xf32>
    %mul3A_61 = arith.mulf %dot_general3A_60, %add3A_30 : vector<128x2048xf32>
    %swap3A = arith.constant 0 : index
    %swap3A_62 = arith.constant 0 : index
    %swap3A_63 = vector.load %arg9[%swap3A, %swap3A_62] : memref<128x2048xf32, #tpu.memory_space<vmem>>, vector<128x2048xf32>
    tpu.vector_store %arg9[%swap3A, %swap3A_62], %mul3A_61 {strides = array<i32>} : memref<128x2048xf32, #tpu.memory_space<vmem>>, vector<128x2048xf32>,
    return
  }
  func.func @transform_0(%arg0: i32) -> (i32, i32) {
    %c0_i32 = arith.constant 0 : i32
    %c0_i32_0 = arith.constant 0 : i32
    return %arg0, %c0_i32 : i32, i32
  }
  func.func @transform_1(%arg0: i32) -> (i32, i32) {
    %c0_i32 = arith.constant 0 : i32
    %c0_i32_0 = arith.constant 0 : i32
    return %c0_i32, %arg0 : i32, i32
  }
  func.func @transform_2(%arg0: i32) -> (i32, i32, i32) {
    %c0_i32 = arith.constant 0 : i32
    %c0_i32_0 = arith.constant 0 : i32
    %c0_i32_1 = arith.constant 0 : i32
    return %c0_i32, %c0_i32_0, %arg0 : i32, i32, i32
  }
  func.func @transform_3(%arg0: i32) -> (i32, i32) {
    %c0_i32 = arith.constant 0 : i32
    %c0_i32_0 = arith.constant 0 : i32
    return %c0_i32, %arg0 : i32, i32
  }
  func.func @transform_4(%arg0: i32) -> (i32, i32) {
    %c0_i32 = arith.constant 0 : i32
    %c0_i32_0 = arith.constant 0 : i32
    %c0_i32_1 = arith.constant 0 : i32
    return %c0_i32, %c0_i32_0 : i32, i32
  }
  func.func @transform_5(%arg0: i32) -> (i32, i32) {
    %c0_i32 = arith.constant 0 : i32
    %c0_i32_0 = arith.constant 0 : i32
    %c0_i32_1 = arith.constant 0 : i32
    return %c0_i32, %c0_i32_0 : i32, i32
  }
  func.func @transform_6(%arg0: i32) -> (i32, i32) {
    %c0_i32 = arith.constant 0 : i32
    %c0_i32_0 = arith.constant 0 : i32
    %c0_i32_1 = arith.constant 0 : i32
    return %c0_i32, %c0_i32_0 : i32, i32
  }
  func.func @transform_7(%arg0: i32) -> (i32, i32) {
    %c0_i32 = arith.constant 0 : i32
    %c0_i32_0 = arith.constant 0 : i32
    %c0_i32_1 = arith.constant 0 : i32
    return %c0_i32, %c0_i32_0 : i32, i32
  }
  func.func @transform_8(%arg0: i32) -> (i32, i32) {
    %c0_i32 = arith.constant 0 : i32
    %c0_i32_0 = arith.constant 0 : i32
    return %c0_i32, %arg0 : i32, i32
  }
}

</mosaic_0001>

<sc_bundles>
// kernel: kernel.4.cloned.1.call-start
scs
__scs_entry_jumppad:
0x0: {  	(pc) =	sbr.rel $0x88, $3  }
0x1: {  	(tag) =	ssettag $0x0;
	lr =	simm.s32 $0x1  }
0x2: {  	[smem:$0x3F9A] =	sst lr;
	_ =	strace $0xD0000000  }
0x3: {  	_ = 	snop  }
0x4: {  	_ = 	snop  }
0x5: {  	_ = 	snop  }
0x6: {  	_ = 	snop  }
0x7: {  	_ = 	snop  }
__scs_overlays_trampoline_lowered:
0x8: {  	[smem:$0x3FA9] =	sst s0  }
0x9: {  	[smem:$0x3FAA] =	sst s1  }
0xa: {  	[smem:$0x3FAB] =	sst s2  }
0xb: {  	[smem:$0x3FAC] =	sst s3  }
0xc: {  	[smem:$0x3FAD] =	sst s4  }
0xd: {  	[smem:$0x3FAE] =	sst s5  }
0xe: {  	[smem:$0x3FAF] =	sst s6  }
0xf: {  	[smem:$0x3FB0] =	sst s7  }
0x10: {  	[smem:$0x3FB1] =	sst s8  }
0x11: {  	[smem:$0x3FB2] =	sst s9;
	s0 =	simm.s32 @!p0 $0x0  }
0x12: {  	s1 =	sld [smem:$0x3F98];
	s0 =	simm.s32 @p0 $0x1  }
0x13: {  	[smem:$0x3FB3] =	sst s0;
	s0 =	simm.s32 @!p1 $0x0  }
0x14: {  	s2 =	sld [smem:$0x3F97];
	s0 =	simm.s32 @p1 $0x1  }
0x15: {  	[smem:$0x3FB4] =	sst s0;
	s0 =	simm.s32 @!p2 $0x0  }
0x16: {  	s3 =	sld [smem:$0x3FDB];
	s0 =	simm.s32 @p2 $0x1  }
0x17: {  	s4 =	simm.s32 $0x1BF5;
	[smem:$0x3FB6] =	sst s0  }
0x18: {  	s0 =	sld [smem:$0x3F99];
	_ =	swait.ge [sflag:s4], $0x0  }
0x19: {  	s7 =	sld [smem:$0x3F9A]  }
0x1a: {  	s8 =	sadd.s32 $0xFFFFE003, lr  }
0x1b: {  	s9 =	sadd.s32 $0xFFFFFEF7, lr;
	s5 =	simm.s32 $0xFFFFFFFF;
	p2 =	slt.u32 s8, $0xFFFFF086  }
0x1c: {  	p1 =	slt.u32 s9, $0xF7A;
	s5 =	simm.s32 @!p2 $0x0  }
0x1d: {  	s5 =	simm.s32 @p1 $0x1;
	p0 =	seq.s32 s7, s2  }
0x1e: {  	s7 =	smul.u32 @!p0 $0xF7A, s2;
	p2 =	seq.s32 @!p0 s5, $0x0  }
0x1f: {  	s9 =	smul.u32 $0xF7A, s1;
	s8 =	simm.s32 @!p0 $0x1BF5;
	p2 =	por !p2, p0  }
0x20: {  	[sflag:s8] =	ssyncset.s32 @!p0 $0xFFFFF086;
	s6 =	sadd.s32 @!p0 s3, s7;
	s7 =	simm.s32 @!p0 $0x108  }
0x21: {  	s3 =	sadd.s32 s3, s9;
	s6 =	sadd.s32 @!p0 $0x88, s6;
	s7 =	simm.s32 @p2 $0x1082  }
0x22: {  	[simem:s7], [sflag:s8] =	dma.local @!p0 [hbm:s6], $0xF7A  }
0x23: {  	s9 =	sor.u32 $0xD0000000, s2;
	s6 =	simm.s32 $0x108;
	_ =	swait.ge @!p0 [sflag:s8], $0x0  }
0x24: {  	s3 =	sadd.s32 $0x88, s3;
	s6 =	simm.s32 @!p1 $0x1082;
	[sflag:s4] =	ssyncset.s32 $0xFFFFF086  }
0x25: {  	[simem:s6], [sflag:s4] =	dma.local [hbm:s3], $0xF7A  }
0x26: {  	[smem:$0x3F9A] =	sst s1;
	(tag) =	ssettag s2;
	_ =	strace s9  }
0x27: {  	s1 =	sld [smem:$0x3FAA]  }
0x28: {  	s2 =	sld [smem:$0x3FAB]  }
0x29: {  	s4 =	sld [smem:$0x3FAD]  }
0x2a: {  	p0 =	seq.s32 s5, $0x0;
	s5 =	sld [smem:$0x3FAE]  }
0x2b: {  	s6 =	sld [smem:$0x3FAF]  }
0x2c: {  	s7 =	sld [smem:$0x3FB0]  }
0x2d: {  	s3 =	simm.s32 $0x108;
	s8 =	sld [smem:$0x3FB1]  }
0x2e: {  	s3 =	simm.s32 @!p0 $0x1082;
	s9 =	sld [smem:$0x3FB2]  }
0x2f: {  	lr =	sadd.s32 s0, s3;
	s0 =	sld [smem:$0x3FA9]  }
0x30: {  	s3 =	sld [smem:$0x3FAC]  }
0x31: {  	[smem:$0x3FB5] =	sst s10  }
0x32: {  	s10 =	sld [smem:$0x3FB3];
	_ =	sdelay $0x3  }
0x33: {  	p0 =	seq.s32 s10, $0x1;
	s10 =	sld [smem:$0x3FB5];
	_ =	sdelay $0x3  }
0x34: {  	[smem:$0x3FB5] =	sst s10  }
0x35: {  	s10 =	sld [smem:$0x3FB4];
	_ =	sdelay $0x3  }
0x36: {  	p1 =	seq.s32 s10, $0x1;
	s10 =	sld [smem:$0x3FB5];
	_ =	sdelay $0x3  }
0x37: {  	[smem:$0x3FB5] =	sst s10  }
0x38: {  	s10 =	sld [smem:$0x3FB6]  }
0x39: {  	_ = 	snop;
	(pc) =	sbr.ind lr, $3  }
0x3a: {  	_ = 	snop  }
0x3b: {  	_ = 	snop  }
0x3c: {  	p2 =	seq.s32 s10, $0x1;
	s10 =	sld [smem:$0x3FB5]  }
0x3d: {  	_ =	shalt  }
0x3e: {  	_ =	shalt  }
0x3f: {  	_ =	shalt  }
0x40: {  	_ =	shalt  }
0x41: {  	_ =	shalt  }
0x42: {  	_ =	shalt  }
0x43: {  	_ =	shalt  }
0x44: {  	_ =	shalt  }
0x45: {  	_ =	shalt  }
0x46: {  	_ =	shalt  }
0x47: {  	_ =	shalt  }
0x48: {  	_ =	shalt  }
0x49: {  	_ =	shalt  }
0x4a: {  	_ =	shalt  }
0x4b: {  	_ =	shalt  }
0x4c: {  	_ =	shalt  }
0x4d: {  	_ =	shalt  }
0x4e: {  	_ =	shalt  }
0x4f: {  	_ =	shalt  }
0x50: {  	_ =	shalt  }
0x51: {  	_ =	shalt  }
0x52: {  	_ =	shalt  }
0x53: {  	_ =	shalt  }
0x54: {  	_ =	shalt  }
0x55: {  	_ =	shalt  }
0x56: {  	_ =	shalt  }
0x57: {  	_ =	shalt  }
0x58: {  	_ =	shalt  }
0x59: {  	_ =	shalt  }
0x5a: {  	_ =	shalt  }
0x5b: {  	_ =	shalt  }
0x5c: {  	_ =	shalt  }
0x5d: {  	_ =	shalt  }
0x5e: {  	_ =	shalt  }
0x5f: {  	_ =	shalt  }
0x60: {  	_ =	shalt  }
0x61: {  	_ =	shalt  }
0x62: {  	_ =	shalt  }
0x63: {  	_ =	shalt  }
0x64: {  	_ =	shalt  }
0x65: {  	_ =	shalt  }
0x66: {  	_ =	shalt  }
0x67: {  	_ =	shalt  }
0x68: {  	_ =	shalt  }
0x69: {  	_ =	shalt  }
0x6a: {  	_ =	shalt  }
0x6b: {  	_ =	shalt  }
0x6c: {  	_ =	shalt  }
0x6d: {  	_ =	shalt  }
0x6e: {  	_ =	shalt  }
0x6f: {  	_ =	shalt  }
0x70: {  	_ =	shalt  }
0x71: {  	_ =	shalt  }
0x72: {  	_ =	shalt  }
0x73: {  	_ =	shalt  }
0x74: {  	_ =	shalt  }
0x75: {  	_ =	shalt  }
0x76: {  	_ =	shalt  }
0x77: {  	_ =	shalt  }
0x78: {  	_ =	shalt  }
0x79: {  	_ =	shalt  }
0x7a: {  	_ =	shalt  }
0x7b: {  	_ =	shalt  }
0x7c: {  	_ =	shalt  }
0x7d: {  	_ =	shalt  }
0x7e: {  	_ =	shalt  }
0x7f: {  	_ =	shalt  }
0x80: {  	_ =	shalt  }
0x81: {  	_ =	shalt  }
0x82: {  	_ =	shalt  }
0x83: {  	_ =	shalt  }
0x84: {  	_ =	shalt  }
0x85: {  	_ =	shalt  }
0x86: {  	_ =	shalt  }
0x87: {  	_ =	shalt  }
.Lfunc_end0:
.L_simem_size_0:
called_computation_lowered:
.L_overlay_start_0:
0x88: {  	s2 =	sld [smem:$0x3FD9]  }
0x89: {  	s3 =	sld [smem:$0x3FFE];
	_ =	sdelay $0x1  }
0x8a: {  	s1 =	srdreg.scid  }
0x8b: {  	s0 =	sand.u32 $0x1, s1  }
0x8c: {  	s17 =	sshll.u32 s0, $0xA;
	s2 =	sadd.s32 s3, s2  }
0x8d: {  	s2 =	sadd.s32 s2, s17  }
0x8e: {  	[smem:$0x3FC1] =	sst s2  }
0x8f: {  	_ = 	snop  }
0x90: {  	s2 =	sld [smem:$0x3FD0];
	(tm) =	ssettm $0x1  }
0x91: {  	s18 =	sld [smem:$0x3FFB];
	_ =	sdelay $0x3  }
0x92: {  	_ =	strace s18  }
0x93: {  	s3 =	sld [smem:$0x3FFC];
	_ =	sdelay $0x3  }
0x94: {  	_ =	strace s3  }
0x95: {  	s3 =	sld [smem:$0x3FFD];
	_ =	sdelay $0x3  }
0x96: {  	_ =	strace s3  }
0x97: {  	_ =	strace $0x8FFFFFFF  }
0x98: {  	s19 =	sld [smem:$0x3FDB];
	_ =	sdelay $0x1  }
0x99: {  	s4 =	simm.s32 $_scs_section_size  }
0x9a: {  	s5 =	simm.s32 $_size__tile_overlayer_lowered;
	s6 =	simm.s32 $_tile_overlayer_lowered  }
0x9b: {  	s22 =	simm.s32 $0x1BFF;
	s21 =	sshll.u32 s6, $0x1;
	s3 =	sadd.s32 s4, s19  }
0x9c: {  	s7 =	simm.s32 $0x0;
	s20 =	sshll.u32 s5, $0x1;
	s5 =	sadd.s32 s21, s3  }
0x9d: {  	[timem:s7], [sflag:s22] =	dma.local [hbm:s5], s20  }
0x9e: {  	_ =	swait.ge [sflag:s22], s20  }
0x9f: {  	s4 =	ssub.s32 $0x0, s20;
	[sflag:s22] =	ssyncset.done $0x0  }
0xa0: {  	[sflag:s22] =	ssyncadd.s32 s4;
	_ =	sdelay $0x1  }
0xa1: {  	s23 =	simm.s32 $0x1B8B  }
0xa2: {  	_ =	swait.ge [sflag:s23], $0x1  }
0xa3: {  	[sflag:s23] =	ssyncset.done $0x0  }
0xa4: {  	s25 =	simm.s32 $0x1B8E;
	s24 =	sld [smem:$0x3FFE];
	[sflag:s23] =	ssyncadd.s32 $0xFFFFFFFF  }
0xa5: {  	s26 =	simm.s32 $execute0_lowered;
	[smem:$0x3FD2] =	sst s25  }
0xa6: {  	s5 =	sshll.u32 s26, $0x1;
	_ =	strace $0x80000046;
	[dreg:$0x1] =	wrdreg $0xFFFFFFFF  }
0xa7: {  	s28 =	simm.s32 $_size_execute0_lowered;
	s3 =	sadd.s32 s3, s5;
	[dreg:$0x0] =	wrdreg $0x0  }
0xa8: {  	s5 =	sshll.u32 s28, $0x1;
	[dreg:$0x2] =	wrdreg s3  }
0xa9: {  	[dreg:$0x3] =	wrdreg s5  }
0xaa: {  	[dreg:$0x4] =	wrdreg $0xC0  }
0xab: {  	_ =	task [dreg:s7], $0x5FFFF  }
0xac: {  	[dreg:$0x1] =	wrdreg $0xFFFFFFFF  }
0xad: {  	[dreg:$0x0] =	wrdreg $0x60  }
0xae: {  	[dreg:$0x2] =	wrdreg s24  }
0xaf: {  	[dreg:$0x3] =	wrdreg s2  }
0xb0: {  	[dreg:$0x4] =	wrdreg $0xAC000  }
0xb1: {  	[dreg:$0x5] =	wrdreg $0x9  }
0xb2: {  	_ =	task.clear_ibuf [dreg:s7], $0x6FFFF;
	_ =	strace $0x90000046  }
0xb3: {  	s29 =	simm.s32 $0x9;
	_ =	strace $0x80000048  }
0xb4: {  	_ =	swait.ge [sflag:s29], $0x1  }
0xb5: {  	[sflag:s29] =	ssyncadd.s32 $0xFFFFFFFF  }
0xb6: {  	_ =	strace $0x90000048  }
0xb7: {  	_ =	sfence  }
0xb8: {  	s30 =	sld [smem:$0x0];
	_ =	sdelay $0x2  }
0xb9: {  	s31 =	sshll.u32 s1, $0xD;
	s1 =	sshrl.u32 s1, $0x2  }
0xba: {  	s3 =	sand.u32 $0x4000, s31;
	s1 =	sadd.s32 s1, s30  }
0xbb: {  	s0 =	sor.u32 s3, s0;
	s1 =	sshll.u32 s1, $0x11  }
0xbc: {  	s0 =	sor.u32 s1, s0  }
0xbd: {  	s0 =	sadd.s32 $0x8F2B, s0  }
0xbe: {  	[sflag:s0] =	ssyncadd.remote.s32 $0x1  }
0xbf: {  	_ =	sfence.sel $0xFFFF  }
0xc0: {  	[dreg:$0x0] =	wrdreg $0xFFFFFFFF;
	(pc) =	sbr.abs _section_cstart, $3  }
0xc1: {  	[dreg:$0x1] =	wrdreg $0xFFFFFFFF  }
0xc2: {  	_ =	task.clear_ibuf [dreg:s7], $0x2FFFF;
	_ =	strace $0x9FFFFFFF  }
0xc3: {  	(tm) =	ssettm $0x7FFFFFFF  }
tec
execute0_lowered:
.L_overlay_start_1:
0x0: {  	(tag) =	ssettag $0x1  }
0x1: {  	s0 =	rddreg [dreg:$0x0]  }
0x2: {  	s2 =	rddreg [dreg:$0x1]  }
0x3: {  	s1 =	rddreg [dreg:$0x2];
	s3 =	simm.s32 $0x0  }
0x4: {  	s4 =	srdreg.scid;
	s10 =	stileid.u32;
	s28 =	simm.s32 $0x2  }
0x5: {  	s29 =	simm.s32 $0xAA00;
	s31 =	simm.s32 $0x3;
	[smem:$0x7FF] =	sst s3  }
0x6: {  	s5 =	sadd.s32 $0x1A00, s0;
	s6 =	sand.u32 $0x1, s4;
	s12 =	smul.u32 $0x280, s10  }
0x7: {  	s4 =	sadd.s32 $0x29A00, s0;
	s7 =	smul.u32 $0x2800, s10;
	s9 =	sshll.u32 s10, $0x1  }
0x8: {  	s10 =	smul.u32 $0x50000, s10;
	_ =	strace $0x80000047;
	s18 =	ssub.s32 $0x2, s6  }
0x9: {  	s6 =	sor.u32 s6, s9;
	s8 =	sshrl.u32 s18, $0x1;
	s19 =	sadd.s32 $0x80, s12  }
0xa: {  	s7 =	sadd.s32 s5, s7;
	s20 =	sshrl.u32 s10, $0x2;
	s23 =	sadd.s32 $0x100, s12  }
0xb: {  	s13 =	sadd.s32 $0x180, s12;
	s25 =	sadd.s32 $0x200, s12;
	s15 =	smul.u32 $0x1400, s6  }
0xc: {  	s16 =	smul.u32 $0x500, s6;
	s0 =	ssub.s32 s18, s8;
	[dreg:$0x4] =	wrdreg s7  }
0xd: {  	s21 =	sshll.u32 s19, $0x4;
	s7 =	sadd.s32 s20, s1;
	s8 =	sshll.u32 s19, $0x7  }
0xe: {  	s24 =	sshll.u32 s23, $0x4;
	s11 =	sshll.u32 s23, $0x7;
	s14 =	sshll.u32 s13, $0x4  }
0xf: {  	s13 =	sshll.u32 s13, $0x7;
	s26 =	sshll.u32 s25, $0x4;
	s30 =	sshll.u32 s25, $0x7  }
0x10: {  	s18 =	smul.u32 $0x28, s6;
	s20 =	simm.s32 $0x2800;
	s23 =	simm.s32 $0x6800  }
0x11: {  	s25 =	simm.s32 $0xA800;
	[dreg:$0x5] =	wrdreg s7;
	s22 =	sadd.s32 s5, s21  }
0x12: {  	s8 =	sadd.s32 s8, s1;
	s9 =	sadd.s32 s5, s24;
	s10 =	sadd.s32 s11, s1  }
.Ltmp0:
0x13: {  	s11 =	sadd.s32 s5, s14;
	s12 =	sadd.s32 s13, s1;
	(pc) =	sbr.rel .LBB2_1-.Ltmp0, $4  }
0x14: {  	s13 =	sadd.s32 s5, s26;
	s14 =	sadd.s32 s4, s15;
	s15 =	sadd.s32 s30, s1  }
0x15: {  	s16 =	sadd.s32 s2, s16;
	s19 =	smax.u32 s0, $0x1;
	s21 =	simm.s32 $0x5  }
0x16: {  	s24 =	simm.s32 $0x1;
	s0 =	simm.s32 $0x4;
	s2 =	simm.s32 $0x0  }
0x17: {  	[dreg:$0x6] =	wrdreg s22;
	s17 =	sadd.s32 $0x40, s14;
	s22 =	simm.s32 $0x80  }
.LBB2_36:
0x18: {  	s2 =	sadd.s32 $0x1, s2  }
0x19: {  	_ =	swait.ge [sflag:s31], $0x200;
	p0 =	sne.s32 s2, s19  }
.Ltmp1:
0x1a: {  	[sflag:s31] =	ssyncset.done $0x0;
	(pc) =	sbr.rel @!p0 .LBB2_37-.Ltmp1, $4  }
0x1b: {  	[sflag:s31] =	ssyncadd.s32 $0xFFFFFE00  }
0x1c: {  	_ =	swait.ge [sflag:s0], $0x200  }
0x1d: {  	[sflag:s0] =	ssyncset.done $0x0  }
0x1e: {  	[sflag:s0] =	ssyncadd.s32 $0xFFFFFE00  }
.LBB2_1:
0x1f: {  	s5 =	rddreg [dreg:$0x4]  }
0x20: {  	[tilespmem:s20], [sflag:$0x5] =	stream.linear.gather [hbm4b:s5+s3], $0x4000, $0x38;
	[tilespmem:$0x1EC00] =	vst v63  }
0x21: {  	_ =	swait.ge [sflag:s21], $0x4000  }
0x22: {  	[sflag:s21] =	ssyncset.done $0x0  }
0x23: {  	s26 =	rddreg [dreg:$0x5];
	[sflag:s21] =	ssyncadd.s32 $0xFFFFC000  }
0x24: {  	[spmem:s26] =	stream.linear.scatter [tilespmem:s20], [sflag:$0x5], $0x4000, $0x38;
	[tilespmem:$0x1EC00] =	vst v63  }
0x25: {  	_ =	swait.ge [sflag:s21], $0x4000  }
0x26: {  	[sflag:s21] =	ssyncset.done $0x0  }
0x27: {  	s30 =	rddreg [dreg:$0x6];
	[sflag:s21] =	ssyncadd.s32 $0xFFFFC000  }
0x28: {  	[tilespmem:s20], [sflag:$0x5] =	stream.linear.gather [hbm4b:s30+s3], $0x4000, $0x38;
	[tilespmem:$0x1EC00] =	vst v63  }
0x29: {  	_ =	swait.ge [sflag:s21], $0x4000  }
0x2a: {  	[sflag:s21] =	ssyncset.done $0x0  }
0x2b: {  	[sflag:s21] =	ssyncadd.s32 $0xFFFFC000  }
0x2c: {  	[spmem:s8] =	stream.linear.scatter [tilespmem:s20], [sflag:$0x5], $0x4000, $0x38;
	[tilespmem:$0x1EC00] =	vst v63  }
0x2d: {  	_ =	swait.ge [sflag:s21], $0x4000  }
0x2e: {  	[sflag:s21] =	ssyncset.done $0x0  }
0x2f: {  	[sflag:s21] =	ssyncadd.s32 $0xFFFFC000  }
0x30: {  	[tilespmem:s20], [sflag:$0x5] =	stream.linear.gather [hbm4b:s9+s3], $0x4000, $0x38;
	[tilespmem:$0x1EC00] =	vst v63  }
0x31: {  	_ =	swait.ge [sflag:s21], $0x4000  }
0x32: {  	[sflag:s21] =	ssyncset.done $0x0  }
0x33: {  	[sflag:s21] =	ssyncadd.s32 $0xFFFFC000  }
0x34: {  	[spmem:s10] =	stream.linear.scatter [tilespmem:s20], [sflag:$0x5], $0x4000, $0x38;
	[tilespmem:$0x1EC00] =	vst v63  }
0x35: {  	_ =	swait.ge [sflag:s21], $0x4000  }
0x36: {  	[sflag:s21] =	ssyncset.done $0x0  }
0x37: {  	[sflag:s21] =	ssyncadd.s32 $0xFFFFC000  }
0x38: {  	[tilespmem:s20], [sflag:$0x5] =	stream.linear.gather [hbm4b:s11+s3], $0x4000, $0x38;
	[tilespmem:$0x1EC00] =	vst v63  }
0x39: {  	_ =	swait.ge [sflag:s21], $0x4000  }
0x3a: {  	[sflag:s21] =	ssyncset.done $0x0  }
0x3b: {  	[sflag:s21] =	ssyncadd.s32 $0xFFFFC000  }
0x3c: {  	[spmem:s12] =	stream.linear.scatter [tilespmem:s20], [sflag:$0x5], $0x4000, $0x38;
	[tilespmem:$0x1EC00] =	vst v63  }
0x3d: {  	_ =	swait.ge [sflag:s21], $0x4000  }
0x3e: {  	[sflag:s21] =	ssyncset.done $0x0  }
0x3f: {  	[sflag:s21] =	ssyncadd.s32 $0xFFFFC000  }
0x40: {  	[tilespmem:s20], [sflag:$0x5] =	stream.linear.gather [hbm4b:s13+s3], $0x4000, $0x38;
	[tilespmem:$0x1EC00] =	vst v63  }
0x41: {  	_ =	swait.ge [sflag:s21], $0x4000  }
0x42: {  	[sflag:s21] =	ssyncset.done $0x0  }
0x43: {  	[sflag:s21] =	ssyncadd.s32 $0xFFFFC000  }
0x44: {  	[spmem:s15] =	stream.linear.scatter [tilespmem:s20], [sflag:$0x5], $0x4000, $0x38;
	[tilespmem:$0x1EC00] =	vst v63  }
0x45: {  	_ =	swait.ge [sflag:s21], $0x4000  }
0x46: {  	[sflag:s21] =	ssyncset.done $0x0  }
0x47: {  	[sflag:s21] =	ssyncadd.s32 $0xFFFFC000  }
0x48: {  	[tilespmem:s3], [sflag:$0x5] =	stream.linear.gather [hbm4b:s16+s3], $0x2800, $0x38;
	[tilespmem:$0x1EC00] =	vst v63  }
0x49: {  	_ =	swait.ge [sflag:s21], $0x2800  }
0x4a: {  	[sflag:s21] =	ssyncset.done $0x0  }
0x4b: {  	[sflag:s21] =	ssyncadd.s32 $0xFFFFD800  }
0x4c: {  	[bflag:$0x0] =	sbarrier.arrive $0xFFFF  }
0x4d: {  	[tilespmem:s20], [sflag:$0x1] =	stream.indirect.gather [spmem:s1], $0x80, s3, s22, $0xb8;
	[tilespmem:$0x1EC00] =	vst v63  }
0x4e: {  	_ = 	snop  }
0x4f: {  	[tilespmem:s23], [sflag:$0x2] =	stream.indirect.gather [spmem:s1], $0x80, s22, s22, $0xb8;
	[tilespmem:$0x1EC00] =	vst v63  }
0x50: {  	_ =	swait.ge [sflag:s24], $0x4000  }
0x51: {  	[sflag:s24] =	ssyncset.done $0x0  }
0x52: {  	[sflag:s24] =	ssyncadd.s32 $0xFFFFC000  }
0x53: {  	v8 =	vld [tilespmem:$0x2800]  }
0x54: {  	v10 =	vld [tilespmem:$0x2810]  }
0x55: {  	v5 =	vld [tilespmem:$0x2820]  }
0x56: {  	v4 =	vld [tilespmem:$0x2830]  }
0x57: {  	v3 =	vld [tilespmem:$0x2840]  }
0x58: {  	v2 =	vld [tilespmem:$0x2850]  }
0x59: {  	v1 =	vld [tilespmem:$0x2860]  }
0x5a: {  	s6 =	simm.s32 $0x0;
	v0 =	vld [tilespmem:$0x2870]  }
0x5b: {  	v6 =	vld [tilespmem:s6+$0x28F0]  }
0x5c: {  	v9 =	vld [tilespmem:s6+$0x2880]  }
0x5d: {  	v13 =	vld [tilespmem:s6+$0x2890]  }
0x5e: {  	v12 =	vld [tilespmem:s6+$0x28A0]  }
0x5f: {  	v11 =	vld [tilespmem:s6+$0x28B0]  }
0x60: {  	v7 =	vld [tilespmem:s6+$0x28C0]  }
0x61: {  	v0 =	vadd.f32 v6, v0;
	v6 =	vld [tilespmem:s6+$0x28D0]  }
0x62: {  	s5 =	simm.s32 $0x400;
	s26 =	simm.s32 $0x80;
	v9 =	vadd.f32 v9, v8;
	v10 =	vadd.f32 v13, v10;
	v8 =	vld [tilespmem:s6+$0x28E0]  }
.LBB2_2:
0x63: {  	p0 =	sne.s32 s5, $0x3C00;
	v13 =	vld [tilespmem:s26+$0x28F0];
	v5 =	vadd.f32 v12, v5  }
0x64: {  	v14 =	vld [tilespmem:s26+$0x2880];
	v4 =	vadd.f32 v11, v4  }
0x65: {  	v15 =	vld [tilespmem:s26+$0x2890];
	v3 =	vadd.f32 v7, v3  }
.Ltmp2:
0x66: {  	v12 =	vld [tilespmem:s26+$0x28A0];
	v2 =	vadd.f32 v6, v2;
	(pc) =	sbr.rel @p0 .LBB2_2-.Ltmp2, $4  }
0x67: {  	v11 =	vld [tilespmem:s26+$0x28B0];
	v1 =	vadd.f32 v8, v1  }
0x68: {  	v7 =	vld [tilespmem:s26+$0x28C0];
	v0 =	vadd.f32 v13, v0  }
0x69: {  	v9 =	vadd.f32 v14, v9;
	v6 =	vld [tilespmem:s26+$0x28D0]  }
0x6a: {  	v10 =	vadd.f32 v15, v10;
	v8 =	vld [tilespmem:s26+$0x28E0];
	s26 =	sshra.s32 s5, $0x2;
	s5 =	sadd.s32 $0x200, s5  }
0x6b: {  	v14 =	vld [tilespmem:s26+$0x2880]  }
0x6c: {  	v15 =	vld [tilespmem:s26+$0x2890]  }
0x6d: {  	v16 =	vld [tilespmem:s26+$0x28A0]  }
0x6e: {  	v18 =	vld [tilespmem:s26+$0x28C0]  }
0x6f: {  	v17 =	vld [tilespmem:s26+$0x28B0]  }
0x70: {  	v13 =	vld [tilespmem:s26+$0x28F0];
	v5 =	vadd.f32 v12, v5;
	v4 =	vadd.f32 v11, v4  }
0x71: {  	v12 =	vld [tilespmem:s26+$0x28D0];
	v3 =	vadd.f32 v7, v3;
	v9 =	vadd.f32 v14, v9  }
0x72: {  	v11 =	vld [tilespmem:s26+$0x28E0];
	v2 =	vadd.f32 v6, v2;
	v10 =	vadd.f32 v15, v10  }
0x73: {  	v5 =	vadd.f32 v16, v5;
	v6 =	vadd.f32 v18, v3;
	v3 =	vld [tilespmem:$0x3820];
	[tilespmem:$0xA800] =	vst v9  }
0x74: {  	v4 =	vadd.f32 v17, v4;
	v9 =	vld [tilespmem:$0x3800];
	[tilespmem:$0xA810] =	vst v10  }
0x75: {  	v1 =	vadd.f32 v8, v1;
	v10 =	vld [tilespmem:$0x3810];
	[tilespmem:$0xA820] =	vst v5  }
0x76: {  	v2 =	vadd.f32 v12, v2;
	[tilespmem:$0xA830] =	vst v4;
	v4 =	vld [tilespmem:$0x3830]  }
0x77: {  	v1 =	vadd.f32 v11, v1;
	[tilespmem:$0xA840] =	vst v6;
	v5 =	vld [tilespmem:$0x3840]  }
0x78: {  	v6 =	vadd.f32 v13, v0;
	[tilespmem:$0xA850] =	vst v2;
	v2 =	vld [tilespmem:$0x3850]  }
0x79: {  	v0 =	vld [tilespmem:$0x3860];
	[tilespmem:$0xA860] =	vst v1  }
0x7a: {  	s6 =	simm.s32 $0x0;
	v1 =	vld [tilespmem:$0x3870];
	[tilespmem:$0xA870] =	vst v6  }
0x7b: {  	v6 =	vld [tilespmem:s6+$0x38F0]  }
0x7c: {  	v8 =	vld [tilespmem:s6+$0x3880]  }
0x7d: {  	v13 =	vld [tilespmem:s6+$0x3890]  }
0x7e: {  	v12 =	vld [tilespmem:s6+$0x38A0]  }
0x7f: {  	v11 =	vld [tilespmem:s6+$0x38B0]  }
0x80: {  	v7 =	vld [tilespmem:s6+$0x38C0]  }
0x81: {  	v1 =	vadd.f32 v6, v1;
	v6 =	vld [tilespmem:s6+$0x38D0]  }
0x82: {  	s5 =	simm.s32 $0x400;
	s26 =	simm.s32 $0x80;
	v9 =	vadd.f32 v8, v9;
	v10 =	vadd.f32 v13, v10;
	v8 =	vld [tilespmem:s6+$0x38E0]  }
.LBB2_4:
0x83: {  	p0 =	sne.s32 s5, $0x3C00;
	v13 =	vld [tilespmem:s26+$0x38F0];
	v3 =	vadd.f32 v12, v3  }
0x84: {  	v14 =	vld [tilespmem:s26+$0x3880];
	v4 =	vadd.f32 v11, v4  }
0x85: {  	v15 =	vld [tilespmem:s26+$0x3890];
	v5 =	vadd.f32 v7, v5  }
.Ltmp3:
0x86: {  	v12 =	vld [tilespmem:s26+$0x38A0];
	v2 =	vadd.f32 v6, v2;
	(pc) =	sbr.rel @p0 .LBB2_4-.Ltmp3, $4  }
0x87: {  	v11 =	vld [tilespmem:s26+$0x38B0];
	v0 =	vadd.f32 v8, v0  }
0x88: {  	v7 =	vld [tilespmem:s26+$0x38C0];
	v1 =	vadd.f32 v13, v1  }
0x89: {  	v9 =	vadd.f32 v14, v9;
	v6 =	vld [tilespmem:s26+$0x38D0]  }
0x8a: {  	v10 =	vadd.f32 v15, v10;
	v8 =	vld [tilespmem:s26+$0x38E0];
	s26 =	sshra.s32 s5, $0x2;
	s5 =	sadd.s32 $0x200, s5  }
0x8b: {  	v13 =	vld [tilespmem:s26+$0x38F0]  }
0x8c: {  	v14 =	vld [tilespmem:s26+$0x3880]  }
0x8d: {  	v15 =	vld [tilespmem:s26+$0x3890]  }
0x8e: {  	v16 =	vld [tilespmem:s26+$0x38A0]  }
0x8f: {  	v17 =	vld [tilespmem:s26+$0x38B0]  }
0x90: {  	v18 =	vld [tilespmem:s26+$0x38C0]  }
0x91: {  	v3 =	vadd.f32 v12, v3;
	v12 =	vld [tilespmem:s26+$0x38D0];
	v9 =	vadd.f32 v14, v9  }
0x92: {  	v4 =	vadd.f32 v11, v4;
	v11 =	vld [tilespmem:s26+$0x38E0];
	v10 =	vadd.f32 v15, v10  }
0x93: {  	v5 =	vadd.f32 v7, v5;
	v3 =	vadd.f32 v16, v3;
	[tilespmem:$0xA880] =	vst v9;
	v9 =	vld [tilespmem:$0x4800]  }
0x94: {  	v2 =	vadd.f32 v6, v2;
	v4 =	vadd.f32 v17, v4;
	[tilespmem:$0xA890] =	vst v10;
	v10 =	vld [tilespmem:$0x4810]  }
0x95: {  	v5 =	vadd.f32 v18, v5;
	[tilespmem:$0xA8A0] =	vst v3;
	v3 =	vld [tilespmem:$0x4820]  }
0x96: {  	v0 =	vadd.f32 v8, v0;
	v2 =	vadd.f32 v12, v2;
	[tilespmem:$0xA8B0] =	vst v4;
	v4 =	vld [tilespmem:$0x4830]  }
0x97: {  	v1 =	vadd.f32 v13, v1;
	[tilespmem:$0xA8C0] =	vst v5;
	v5 =	vld [tilespmem:$0x4840]  }
0x98: {  	v0 =	vadd.f32 v11, v0;
	[tilespmem:$0xA8D0] =	vst v2;
	v2 =	vld [tilespmem:$0x4850]  }
0x99: {  	[tilespmem:$0xA8F0] =	vst v1;
	v1 =	vld [tilespmem:$0x4870]  }
0x9a: {  	s6 =	simm.s32 $0x0;
	[tilespmem:$0xA8E0] =	vst v0;
	v0 =	vld [tilespmem:$0x4860]  }
0x9b: {  	v6 =	vld [tilespmem:s6+$0x48F0]  }
0x9c: {  	v8 =	vld [tilespmem:s6+$0x4880]  }
0x9d: {  	v13 =	vld [tilespmem:s6+$0x4890]  }
0x9e: {  	v12 =	vld [tilespmem:s6+$0x48A0]  }
0x9f: {  	v11 =	vld [tilespmem:s6+$0x48B0]  }
0xa0: {  	v7 =	vld [tilespmem:s6+$0x48C0]  }
0xa1: {  	v1 =	vadd.f32 v6, v1;
	v6 =	vld [tilespmem:s6+$0x48D0]  }
0xa2: {  	s5 =	simm.s32 $0x400;
	s26 =	simm.s32 $0x80;
	v9 =	vadd.f32 v8, v9;
	v10 =	vadd.f32 v13, v10;
	v8 =	vld [tilespmem:s6+$0x48E0]  }
.LBB2_6:
0xa3: {  	p0 =	sne.s32 s5, $0x3C00;
	v13 =	vld [tilespmem:s26+$0x48F0];
	v3 =	vadd.f32 v12, v3  }
0xa4: {  	v14 =	vld [tilespmem:s26+$0x4880];
	v4 =	vadd.f32 v11, v4  }
0xa5: {  	v15 =	vld [tilespmem:s26+$0x4890];
	v5 =	vadd.f32 v7, v5  }
.Ltmp4:
0xa6: {  	v12 =	vld [tilespmem:s26+$0x48A0];
	v2 =	vadd.f32 v6, v2;
	(pc) =	sbr.rel @p0 .LBB2_6-.Ltmp4, $4  }
0xa7: {  	v11 =	vld [tilespmem:s26+$0x48B0];
	v0 =	vadd.f32 v8, v0  }
0xa8: {  	v7 =	vld [tilespmem:s26+$0x48C0];
	v1 =	vadd.f32 v13, v1  }
0xa9: {  	v9 =	vadd.f32 v14, v9;
	v6 =	vld [tilespmem:s26+$0x48D0]  }
0xaa: {  	v10 =	vadd.f32 v15, v10;
	v8 =	vld [tilespmem:s26+$0x48E0];
	s26 =	sshra.s32 s5, $0x2;
	s5 =	sadd.s32 $0x200, s5  }
0xab: {  	v13 =	vld [tilespmem:s26+$0x48F0]  }
0xac: {  	v14 =	vld [tilespmem:s26+$0x4880]  }
0xad: {  	v15 =	vld [tilespmem:s26+$0x4890]  }
0xae: {  	v16 =	vld [tilespmem:s26+$0x48A0]  }
0xaf: {  	v17 =	vld [tilespmem:s26+$0x48B0]  }
0xb0: {  	v18 =	vld [tilespmem:s26+$0x48C0];
	v3 =	vadd.f32 v12, v3  }
0xb1: {  	v12 =	vld [tilespmem:s26+$0x48D0];
	v4 =	vadd.f32 v11, v4;
	v9 =	vadd.f32 v14, v9  }
0xb2: {  	v11 =	vld [tilespmem:s26+$0x48E0];
	v5 =	vadd.f32 v7, v5;
	v10 =	vadd.f32 v15, v10  }
0xb3: {  	v6 =	vadd.f32 v6, v2;
	v2 =	vld [tilespmem:$0x5820];
	v3 =	vadd.f32 v16, v3;
	[tilespmem:$0xA900] =	vst v9  }
0xb4: {  	v4 =	vadd.f32 v17, v4;
	v14 =	vld [tilespmem:$0x5810];
	[tilespmem:$0xA910] =	vst v10  }
0xb5: {  	v0 =	vadd.f32 v8, v0;
	v5 =	vadd.f32 v18, v5;
	v9 =	vld [tilespmem:$0x5800];
	[tilespmem:$0xA920] =	vst v3  }
0xb6: {  	v6 =	vadd.f32 v12, v6;
	[tilespmem:$0xA930] =	vst v4;
	v3 =	vld [tilespmem:$0x5830]  }
0xb7: {  	v0 =	vadd.f32 v11, v0;
	[tilespmem:$0xA940] =	vst v5;
	v4 =	vld [tilespmem:$0x5840]  }
0xb8: {  	v5 =	vadd.f32 v13, v1;
	[tilespmem:$0xA950] =	vst v6;
	v1 =	vld [tilespmem:$0x5850]  }
0xb9: {  	[tilespmem:$0xA960] =	vst v0;
	v0 =	vld [tilespmem:$0x5860]  }
0xba: {  	s6 =	simm.s32 $0x0;
	[tilespmem:$0xA970] =	vst v5;
	v5 =	vld [tilespmem:$0x5870]  }
0xbb: {  	v7 =	vld [tilespmem:s6+$0x58F0]  }
0xbc: {  	v8 =	vld [tilespmem:s6+$0x5880]  }
0xbd: {  	v11 =	vld [tilespmem:s6+$0x5890]  }
0xbe: {  	v12 =	vld [tilespmem:s6+$0x58A0]  }
0xbf: {  	v10 =	vld [tilespmem:s6+$0x58B0]  }
0xc0: {  	v6 =	vld [tilespmem:s6+$0x58C0]  }
0xc1: {  	v5 =	vadd.f32 v7, v5;
	v7 =	vld [tilespmem:s6+$0x58D0]  }
0xc2: {  	s5 =	simm.s32 $0x400;
	s26 =	simm.s32 $0x80;
	v8 =	vadd.f32 v8, v9;
	v9 =	vadd.f32 v11, v14;
	v11 =	vld [tilespmem:s6+$0x58E0]  }
.LBB2_8:
0xc3: {  	p0 =	sne.s32 s5, $0x3C00;
	v13 =	vld [tilespmem:s26+$0x58F0];
	v2 =	vadd.f32 v12, v2  }
0xc4: {  	v14 =	vld [tilespmem:s26+$0x5880];
	v3 =	vadd.f32 v10, v3  }
0xc5: {  	v15 =	vld [tilespmem:s26+$0x5890];
	v4 =	vadd.f32 v6, v4  }
.Ltmp5:
0xc6: {  	v12 =	vld [tilespmem:s26+$0x58A0];
	v1 =	vadd.f32 v7, v1;
	(pc) =	sbr.rel @p0 .LBB2_8-.Ltmp5, $4  }
0xc7: {  	v10 =	vld [tilespmem:s26+$0x58B0];
	v0 =	vadd.f32 v11, v0  }
0xc8: {  	v6 =	vld [tilespmem:s26+$0x58C0];
	v5 =	vadd.f32 v13, v5  }
0xc9: {  	v8 =	vadd.f32 v14, v8;
	v7 =	vld [tilespmem:s26+$0x58D0]  }
0xca: {  	v9 =	vadd.f32 v15, v9;
	v11 =	vld [tilespmem:s26+$0x58E0];
	s26 =	sshra.s32 s5, $0x2;
	s5 =	sadd.s32 $0x200, s5  }
0xcb: {  	v14 =	vld [tilespmem:s26+$0x5880]  }
0xcc: {  	v15 =	vld [tilespmem:s26+$0x5890]  }
0xcd: {  	v16 =	vld [tilespmem:s26+$0x58A0]  }
0xce: {  	v17 =	vld [tilespmem:s26+$0x58B0]  }
0xcf: {  	v18 =	vld [tilespmem:s26+$0x58C0]  }
0xd0: {  	v2 =	vadd.f32 v12, v2;
	v12 =	vld [tilespmem:s26+$0x58D0];
	v8 =	vadd.f32 v14, v8  }
0xd1: {  	v3 =	vadd.f32 v10, v3;
	v10 =	vld [tilespmem:s26+$0x58E0];
	v9 =	vadd.f32 v15, v9  }
0xd2: {  	v13 =	vld [tilespmem:s26+$0x58F0];
	v4 =	vadd.f32 v6, v4;
	v2 =	vadd.f32 v16, v2;
	[tilespmem:$0xA980] =	vst v8  }
0xd3: {  	v1 =	vadd.f32 v7, v1;
	v3 =	vadd.f32 v17, v3;
	[tilespmem:$0xA990] =	vst v9  }
0xd4: {  	v0 =	vadd.f32 v11, v0;
	v4 =	vadd.f32 v18, v4;
	[tilespmem:$0xA9A0] =	vst v2  }
0xd5: {  	v1 =	vadd.f32 v12, v1;
	[tilespmem:$0xA9B0] =	vst v3  }
0xd6: {  	v0 =	vadd.f32 v10, v0;
	[tilespmem:$0xA9C0] =	vst v4  }
0xd7: {  	v2 =	vadd.f32 v13, v5;
	[tilespmem:$0xA9D0] =	vst v1  }
0xd8: {  	[tilespmem:$0xA9E0] =	vst v0  }
0xd9: {  	s5 =	simm.s32 $0x0;
	[tilespmem:$0xA9F0] =	vst v2  }
0xda: {  	[hbm4b:s14+s5] =	stream.linear.scatter [tilespmem:s25], [sflag:$0x3], $0x200, $0x38;
	[tilespmem:$0x1EC00] =	vst v63  }
0xdb: {  	s30 =	simm.s32 $0x100  }
0xdc: {  	[tilespmem:s20], [sflag:$0x1] =	stream.indirect.gather [spmem:s1], $0x80, s30, s22, $0xb8;
	[tilespmem:$0x1EC00] =	vst v63  }
0xdd: {  	_ =	swait.ge [sflag:s28], $0x4000  }
0xde: {  	[sflag:s28] =	ssyncset.done $0x0  }
0xdf: {  	[sflag:s28] =	ssyncadd.s32 $0xFFFFC000  }
0xe0: {  	v8 =	vld [tilespmem:$0x6800]  }
0xe1: {  	v10 =	vld [tilespmem:$0x6810]  }
0xe2: {  	v5 =	vld [tilespmem:$0x6820]  }
0xe3: {  	v4 =	vld [tilespmem:$0x6830]  }
0xe4: {  	v3 =	vld [tilespmem:$0x6840]  }
0xe5: {  	v2 =	vld [tilespmem:$0x6850]  }
0xe6: {  	v1 =	vld [tilespmem:$0x6860]  }
0xe7: {  	s6 =	simm.s32 $0x0;
	v0 =	vld [tilespmem:$0x6870]  }
0xe8: {  	v6 =	vld [tilespmem:s6+$0x68F0]  }
0xe9: {  	v9 =	vld [tilespmem:s6+$0x6880]  }
0xea: {  	v13 =	vld [tilespmem:s6+$0x6890]  }
0xeb: {  	v12 =	vld [tilespmem:s6+$0x68A0]  }
0xec: {  	v11 =	vld [tilespmem:s6+$0x68B0]  }
0xed: {  	v7 =	vld [tilespmem:s6+$0x68C0]  }
0xee: {  	v0 =	vadd.f32 v6, v0;
	v6 =	vld [tilespmem:s6+$0x68D0]  }
0xef: {  	s26 =	simm.s32 $0x80;
	s5 =	simm.s32 $0x400;
	v9 =	vadd.f32 v9, v8;
	v10 =	vadd.f32 v13, v10;
	v8 =	vld [tilespmem:s6+$0x68E0]  }
.LBB2_10:
0xf0: {  	p0 =	sne.s32 s5, $0x3C00;
	v13 =	vld [tilespmem:s26+$0x68F0];
	v5 =	vadd.f32 v12, v5  }
0xf1: {  	v14 =	vld [tilespmem:s26+$0x6880];
	v4 =	vadd.f32 v11, v4  }
0xf2: {  	v15 =	vld [tilespmem:s26+$0x6890];
	v3 =	vadd.f32 v7, v3  }
.Ltmp6:
0xf3: {  	v12 =	vld [tilespmem:s26+$0x68A0];
	v2 =	vadd.f32 v6, v2;
	(pc) =	sbr.rel @p0 .LBB2_10-.Ltmp6, $4  }
0xf4: {  	v11 =	vld [tilespmem:s26+$0x68B0];
	v1 =	vadd.f32 v8, v1  }
0xf5: {  	v7 =	vld [tilespmem:s26+$0x68C0];
	v0 =	vadd.f32 v13, v0  }
0xf6: {  	v9 =	vadd.f32 v14, v9;
	v6 =	vld [tilespmem:s26+$0x68D0]  }
0xf7: {  	v10 =	vadd.f32 v15, v10;
	v8 =	vld [tilespmem:s26+$0x68E0];
	s26 =	sshra.s32 s5, $0x2;
	s5 =	sadd.s32 $0x200, s5  }
0xf8: {  	v14 =	vld [tilespmem:s26+$0x6880]  }
0xf9: {  	v15 =	vld [tilespmem:s26+$0x6890]  }
0xfa: {  	v16 =	vld [tilespmem:s26+$0x68A0]  }
0xfb: {  	v18 =	vld [tilespmem:s26+$0x68C0]  }
0xfc: {  	v17 =	vld [tilespmem:s26+$0x68B0]  }
0xfd: {  	v13 =	vld [tilespmem:s26+$0x68F0];
	v5 =	vadd.f32 v12, v5;
	v4 =	vadd.f32 v11, v4  }
0xfe: {  	v12 =	vld [tilespmem:s26+$0x68D0];
	v3 =	vadd.f32 v7, v3;
	v9 =	vadd.f32 v14, v9  }
0xff: {  	v11 =	vld [tilespmem:s26+$0x68E0];
	v2 =	vadd.f32 v6, v2;
	v10 =	vadd.f32 v15, v10  }
0x100: {  	v5 =	vadd.f32 v16, v5;
	v6 =	vadd.f32 v18, v3;
	v3 =	vld [tilespmem:$0x7820];
	[tilespmem:$0xAA00] =	vst v9  }
0x101: {  	v4 =	vadd.f32 v17, v4;
	v9 =	vld [tilespmem:$0x7800];
	[tilespmem:$0xAA10] =	vst v10  }
0x102: {  	v1 =	vadd.f32 v8, v1;
	v10 =	vld [tilespmem:$0x7810];
	[tilespmem:$0xAA20] =	vst v5  }
0x103: {  	v2 =	vadd.f32 v12, v2;
	[tilespmem:$0xAA30] =	vst v4;
	v4 =	vld [tilespmem:$0x7830]  }
0x104: {  	v1 =	vadd.f32 v11, v1;
	[tilespmem:$0xAA40] =	vst v6;
	v5 =	vld [tilespmem:$0x7840]  }
0x105: {  	v6 =	vadd.f32 v13, v0;
	[tilespmem:$0xAA50] =	vst v2;
	v2 =	vld [tilespmem:$0x7850]  }
0x106: {  	v0 =	vld [tilespmem:$0x7860];
	[tilespmem:$0xAA60] =	vst v1  }
0x107: {  	s6 =	simm.s32 $0x0;
	v1 =	vld [tilespmem:$0x7870];
	[tilespmem:$0xAA70] =	vst v6  }
0x108: {  	v6 =	vld [tilespmem:s6+$0x78F0]  }
0x109: {  	v8 =	vld [tilespmem:s6+$0x7880]  }
0x10a: {  	v13 =	vld [tilespmem:s6+$0x7890]  }
0x10b: {  	v12 =	vld [tilespmem:s6+$0x78A0]  }
0x10c: {  	v11 =	vld [tilespmem:s6+$0x78B0]  }
0x10d: {  	v7 =	vld [tilespmem:s6+$0x78C0]  }
0x10e: {  	v1 =	vadd.f32 v6, v1;
	v6 =	vld [tilespmem:s6+$0x78D0]  }
0x10f: {  	s5 =	simm.s32 $0x400;
	s26 =	simm.s32 $0x80;
	v9 =	vadd.f32 v8, v9;
	v10 =	vadd.f32 v13, v10;
	v8 =	vld [tilespmem:s6+$0x78E0]  }
.LBB2_12:
0x110: {  	p0 =	sne.s32 s5, $0x3C00;
	v13 =	vld [tilespmem:s26+$0x78F0];
	v3 =	vadd.f32 v12, v3  }
0x111: {  	v14 =	vld [tilespmem:s26+$0x7880];
	v4 =	vadd.f32 v11, v4  }
0x112: {  	v15 =	vld [tilespmem:s26+$0x7890];
	v5 =	vadd.f32 v7, v5  }
.Ltmp7:
0x113: {  	v12 =	vld [tilespmem:s26+$0x78A0];
	v2 =	vadd.f32 v6, v2;
	(pc) =	sbr.rel @p0 .LBB2_12-.Ltmp7, $4  }
0x114: {  	v11 =	vld [tilespmem:s26+$0x78B0];
	v0 =	vadd.f32 v8, v0  }
0x115: {  	v7 =	vld [tilespmem:s26+$0x78C0];
	v1 =	vadd.f32 v13, v1  }
0x116: {  	v9 =	vadd.f32 v14, v9;
	v6 =	vld [tilespmem:s26+$0x78D0]  }
0x117: {  	v10 =	vadd.f32 v15, v10;
	v8 =	vld [tilespmem:s26+$0x78E0];
	s26 =	sshra.s32 s5, $0x2;
	s5 =	sadd.s32 $0x200, s5  }
0x118: {  	v13 =	vld [tilespmem:s26+$0x78F0]  }
0x119: {  	v14 =	vld [tilespmem:s26+$0x7880]  }
0x11a: {  	v15 =	vld [tilespmem:s26+$0x7890]  }
0x11b: {  	v16 =	vld [tilespmem:s26+$0x78A0]  }
0x11c: {  	v17 =	vld [tilespmem:s26+$0x78B0]  }
0x11d: {  	v18 =	vld [tilespmem:s26+$0x78C0]  }
0x11e: {  	v3 =	vadd.f32 v12, v3;
	v12 =	vld [tilespmem:s26+$0x78D0];
	v9 =	vadd.f32 v14, v9  }
0x11f: {  	v4 =	vadd.f32 v11, v4;
	v11 =	vld [tilespmem:s26+$0x78E0];
	v10 =	vadd.f32 v15, v10  }
0x120: {  	v5 =	vadd.f32 v7, v5;
	v3 =	vadd.f32 v16, v3;
	[tilespmem:$0xAA80] =	vst v9;
	v9 =	vld [tilespmem:$0x8800]  }
0x121: {  	v2 =	vadd.f32 v6, v2;
	v4 =	vadd.f32 v17, v4;
	[tilespmem:$0xAA90] =	vst v10;
	v10 =	vld [tilespmem:$0x8810]  }
0x122: {  	v5 =	vadd.f32 v18, v5;
	[tilespmem:$0xAAA0] =	vst v3;
	v3 =	vld [tilespmem:$0x8820]  }
0x123: {  	v0 =	vadd.f32 v8, v0;
	v2 =	vadd.f32 v12, v2;
	[tilespmem:$0xAAB0] =	vst v4;
	v4 =	vld [tilespmem:$0x8830]  }
0x124: {  	v1 =	vadd.f32 v13, v1;
	[tilespmem:$0xAAC0] =	vst v5;
	v5 =	vld [tilespmem:$0x8840]  }
0x125: {  	v0 =	vadd.f32 v11, v0;
	[tilespmem:$0xAAD0] =	vst v2;
	v2 =	vld [tilespmem:$0x8850]  }
0x126: {  	[tilespmem:$0xAAF0] =	vst v1;
	v1 =	vld [tilespmem:$0x8870]  }
0x127: {  	s6 =	simm.s32 $0x0;
	[tilespmem:$0xAAE0] =	vst v0;
	v0 =	vld [tilespmem:$0x8860]  }
0x128: {  	v6 =	vld [tilespmem:s6+$0x88F0]  }
0x129: {  	v8 =	vld [tilespmem:s6+$0x8880]  }
0x12a: {  	v13 =	vld [tilespmem:s6+$0x8890]  }
0x12b: {  	v12 =	vld [tilespmem:s6+$0x88A0]  }
0x12c: {  	v11 =	vld [tilespmem:s6+$0x88B0]  }
0x12d: {  	v7 =	vld [tilespmem:s6+$0x88C0]  }
0x12e: {  	v1 =	vadd.f32 v6, v1;
	v6 =	vld [tilespmem:s6+$0x88D0]  }
0x12f: {  	s5 =	simm.s32 $0x400;
	s26 =	simm.s32 $0x80;
	v9 =	vadd.f32 v8, v9;
	v10 =	vadd.f32 v13, v10;
	v8 =	vld [tilespmem:s6+$0x88E0]  }
.LBB2_14:
0x130: {  	p0 =	sne.s32 s5, $0x3C00;
	v13 =	vld [tilespmem:s26+$0x88F0];
	v3 =	vadd.f32 v12, v3  }
0x131: {  	v14 =	vld [tilespmem:s26+$0x8880];
	v4 =	vadd.f32 v11, v4  }
0x132: {  	v15 =	vld [tilespmem:s26+$0x8890];
	v5 =	vadd.f32 v7, v5  }
.Ltmp8:
0x133: {  	v12 =	vld [tilespmem:s26+$0x88A0];
	v2 =	vadd.f32 v6, v2;
	(pc) =	sbr.rel @p0 .LBB2_14-.Ltmp8, $4  }
0x134: {  	v11 =	vld [tilespmem:s26+$0x88B0];
	v0 =	vadd.f32 v8, v0  }
0x135: {  	v7 =	vld [tilespmem:s26+$0x88C0];
	v1 =	vadd.f32 v13, v1  }
0x136: {  	v9 =	vadd.f32 v14, v9;
	v6 =	vld [tilespmem:s26+$0x88D0]  }
0x137: {  	v10 =	vadd.f32 v15, v10;
	v8 =	vld [tilespmem:s26+$0x88E0];
	s26 =	sshra.s32 s5, $0x2;
	s5 =	sadd.s32 $0x200, s5  }
0x138: {  	v13 =	vld [tilespmem:s26+$0x88F0]  }
0x139: {  	v14 =	vld [tilespmem:s26+$0x8880]  }
0x13a: {  	v15 =	vld [tilespmem:s26+$0x8890]  }
0x13b: {  	v16 =	vld [tilespmem:s26+$0x88A0]  }
0x13c: {  	v17 =	vld [tilespmem:s26+$0x88B0]  }
0x13d: {  	v18 =	vld [tilespmem:s26+$0x88C0];
	v3 =	vadd.f32 v12, v3  }
0x13e: {  	v12 =	vld [tilespmem:s26+$0x88D0];
	v4 =	vadd.f32 v11, v4;
	v9 =	vadd.f32 v14, v9  }
0x13f: {  	v11 =	vld [tilespmem:s26+$0x88E0];
	v5 =	vadd.f32 v7, v5;
	v10 =	vadd.f32 v15, v10  }
0x140: {  	v6 =	vadd.f32 v6, v2;
	v2 =	vld [tilespmem:$0x9820];
	v3 =	vadd.f32 v16, v3;
	[tilespmem:$0xAB00] =	vst v9  }
0x141: {  	v4 =	vadd.f32 v17, v4;
	v14 =	vld [tilespmem:$0x9810];
	[tilespmem:$0xAB10] =	vst v10  }
0x142: {  	v0 =	vadd.f32 v8, v0;
	v5 =	vadd.f32 v18, v5;
	v9 =	vld [tilespmem:$0x9800];
	[tilespmem:$0xAB20] =	vst v3  }
0x143: {  	v6 =	vadd.f32 v12, v6;
	[tilespmem:$0xAB30] =	vst v4;
	v3 =	vld [tilespmem:$0x9830]  }
0x144: {  	v0 =	vadd.f32 v11, v0;
	[tilespmem:$0xAB40] =	vst v5;
	v4 =	vld [tilespmem:$0x9840]  }
0x145: {  	v5 =	vadd.f32 v13, v1;
	[tilespmem:$0xAB50] =	vst v6;
	v1 =	vld [tilespmem:$0x9850]  }
0x146: {  	[tilespmem:$0xAB60] =	vst v0;
	v0 =	vld [tilespmem:$0x9860]  }
0x147: {  	s6 =	simm.s32 $0x0;
	[tilespmem:$0xAB70] =	vst v5;
	v5 =	vld [tilespmem:$0x9870]  }
0x148: {  	v7 =	vld [tilespmem:s6+$0x98F0]  }
0x149: {  	v8 =	vld [tilespmem:s6+$0x9880]  }
0x14a: {  	v11 =	vld [tilespmem:s6+$0x9890]  }
0x14b: {  	v12 =	vld [tilespmem:s6+$0x98A0]  }
0x14c: {  	v10 =	vld [tilespmem:s6+$0x98B0]  }
0x14d: {  	v6 =	vld [tilespmem:s6+$0x98C0]  }
0x14e: {  	v5 =	vadd.f32 v7, v5;
	v7 =	vld [tilespmem:s6+$0x98D0]  }
0x14f: {  	s5 =	simm.s32 $0x400;
	s26 =	simm.s32 $0x80;
	v8 =	vadd.f32 v8, v9;
	v9 =	vadd.f32 v11, v14;
	v11 =	vld [tilespmem:s6+$0x98E0]  }
.LBB2_16:
0x150: {  	p0 =	sne.s32 s5, $0x3C00;
	v13 =	vld [tilespmem:s26+$0x98F0];
	v2 =	vadd.f32 v12, v2  }
0x151: {  	v14 =	vld [tilespmem:s26+$0x9880];
	v3 =	vadd.f32 v10, v3  }
0x152: {  	v15 =	vld [tilespmem:s26+$0x9890];
	v4 =	vadd.f32 v6, v4  }
.Ltmp9:
0x153: {  	v12 =	vld [tilespmem:s26+$0x98A0];
	v1 =	vadd.f32 v7, v1;
	(pc) =	sbr.rel @p0 .LBB2_16-.Ltmp9, $4  }
0x154: {  	v10 =	vld [tilespmem:s26+$0x98B0];
	v0 =	vadd.f32 v11, v0  }
0x155: {  	v6 =	vld [tilespmem:s26+$0x98C0];
	v5 =	vadd.f32 v13, v5  }
0x156: {  	v8 =	vadd.f32 v14, v8;
	v7 =	vld [tilespmem:s26+$0x98D0]  }
0x157: {  	v9 =	vadd.f32 v15, v9;
	v11 =	vld [tilespmem:s26+$0x98E0];
	s26 =	sshra.s32 s5, $0x2;
	s5 =	sadd.s32 $0x200, s5  }
0x158: {  	v14 =	vld [tilespmem:s26+$0x9880]  }
0x159: {  	v15 =	vld [tilespmem:s26+$0x9890]  }
0x15a: {  	v16 =	vld [tilespmem:s26+$0x98A0]  }
0x15b: {  	v17 =	vld [tilespmem:s26+$0x98B0]  }
0x15c: {  	v18 =	vld [tilespmem:s26+$0x98C0]  }
0x15d: {  	v2 =	vadd.f32 v12, v2;
	v61 =	vld [tilespmem:s26+$0x98D0];
	v8 =	vadd.f32 v14, v8  }
0x15e: {  	v13 =	vld [tilespmem:s26+$0x98F0];
	v3 =	vadd.f32 v10, v3;
	v9 =	vadd.f32 v15, v9  }
0x15f: {  	v62 =	vld [tilespmem:s26+$0x98E0];
	v4 =	vadd.f32 v6, v4;
	v2 =	vadd.f32 v16, v2;
	[tilespmem:$0xAB80] =	vst v8  }
0x160: {  	v1 =	vadd.f32 v7, v1;
	v3 =	vadd.f32 v17, v3;
	[tilespmem:$0xAB90] =	vst v9  }
0x161: {  	v4 =	vadd.f32 v18, v4;
	[tilespmem:$0xABA0] =	vst v2  }
0x162: {  	v0 =	vadd.f32 v11, v0;
	v1 =	vadd.f32 v61, v1;
	[tilespmem:$0xABB0] =	vst v3  }
0x163: {  	v63 =	vadd.f32 v13, v5;
	[tilespmem:$0xABC0] =	vst v4  }
0x164: {  	v0 =	vadd.f32 v62, v0;
	[tilespmem:$0xABD0] =	vst v1  }
0x165: {  	[tilespmem:$0xABF0] =	vst v63  }
0x166: {  	[tilespmem:$0xABE0] =	vst v0  }
0x167: {  	[hbm4b:s17+s3] =	stream.linear.scatter [tilespmem:s29], [sflag:$0x4], $0x200, $0x38;
	[tilespmem:$0x1EC00] =	vst v63  }
0x168: {  	s5 =	simm.s32 $0x180;
	s26 =	simm.s32 $0x1  }
0x169: {  	[tilespmem:s23], [sflag:$0x2] =	stream.indirect.gather [spmem:s1], $0x80, s5, s22, $0xb8;
	[tilespmem:$0x1EC00] =	vst v63  }
.LBB2_18:
0x16a: {  	_ =	swait.ge [sflag:s24], $0x4000  }
0x16b: {  	[sflag:s24] =	ssyncset.done $0x0  }
0x16c: {  	[sflag:s24] =	ssyncadd.s32 $0xFFFFC000  }
0x16d: {  	_ =	swait.ge [sflag:s31], $0x200  }
0x16e: {  	[sflag:s31] =	ssyncset.done $0x0  }
0x16f: {  	[sflag:s31] =	ssyncadd.s32 $0xFFFFFE00  }
0x170: {  	v8 =	vld [tilespmem:$0x2800]  }
0x171: {  	v10 =	vld [tilespmem:$0x2810]  }
0x172: {  	v5 =	vld [tilespmem:$0x2820]  }
0x173: {  	v4 =	vld [tilespmem:$0x2830]  }
0x174: {  	v3 =	vld [tilespmem:$0x2840]  }
0x175: {  	v2 =	vld [tilespmem:$0x2850]  }
0x176: {  	v1 =	vld [tilespmem:$0x2860]  }
0x177: {  	s6 =	simm.s32 $0x0;
	v0 =	vld [tilespmem:$0x2870]  }
0x178: {  	v6 =	vld [tilespmem:s6+$0x28F0]  }
0x179: {  	v9 =	vld [tilespmem:s6+$0x2880]  }
0x17a: {  	v13 =	vld [tilespmem:s6+$0x2890]  }
0x17b: {  	v12 =	vld [tilespmem:s6+$0x28A0]  }
0x17c: {  	v11 =	vld [tilespmem:s6+$0x28B0]  }
0x17d: {  	v7 =	vld [tilespmem:s6+$0x28C0]  }
0x17e: {  	v0 =	vadd.f32 v6, v0;
	v6 =	vld [tilespmem:s6+$0x28D0]  }
0x17f: {  	s30 =	simm.s32 $0x80;
	s5 =	simm.s32 $0x400;
	v9 =	vadd.f32 v9, v8;
	v10 =	vadd.f32 v13, v10;
	v8 =	vld [tilespmem:s6+$0x28E0]  }
.LBB2_19:
0x180: {  	p0 =	sne.s32 s5, $0x3C00;
	v13 =	vld [tilespmem:s30+$0x28F0];
	v5 =	vadd.f32 v12, v5  }
0x181: {  	v14 =	vld [tilespmem:s30+$0x2880];
	v4 =	vadd.f32 v11, v4  }
0x182: {  	v15 =	vld [tilespmem:s30+$0x2890];
	v3 =	vadd.f32 v7, v3  }
.Ltmp10:
0x183: {  	v12 =	vld [tilespmem:s30+$0x28A0];
	v2 =	vadd.f32 v6, v2;
	(pc) =	sbr.rel @p0 .LBB2_19-.Ltmp10, $4  }
0x184: {  	v11 =	vld [tilespmem:s30+$0x28B0];
	v1 =	vadd.f32 v8, v1  }
0x185: {  	v7 =	vld [tilespmem:s30+$0x28C0];
	v0 =	vadd.f32 v13, v0  }
0x186: {  	v9 =	vadd.f32 v14, v9;
	v6 =	vld [tilespmem:s30+$0x28D0]  }
0x187: {  	v10 =	vadd.f32 v15, v10;
	v8 =	vld [tilespmem:s30+$0x28E0];
	s30 =	sshra.s32 s5, $0x2;
	s5 =	sadd.s32 $0x200, s5  }
0x188: {  	v14 =	vld [tilespmem:s30+$0x2880]  }
0x189: {  	v15 =	vld [tilespmem:s30+$0x2890]  }
0x18a: {  	v16 =	vld [tilespmem:s30+$0x28A0]  }
0x18b: {  	v18 =	vld [tilespmem:s30+$0x28C0]  }
0x18c: {  	v17 =	vld [tilespmem:s30+$0x28B0]  }
0x18d: {  	v13 =	vld [tilespmem:s30+$0x28F0];
	v5 =	vadd.f32 v12, v5;
	v4 =	vadd.f32 v11, v4  }
0x18e: {  	v12 =	vld [tilespmem:s30+$0x28D0];
	v3 =	vadd.f32 v7, v3;
	v9 =	vadd.f32 v14, v9  }
0x18f: {  	v11 =	vld [tilespmem:s30+$0x28E0];
	v2 =	vadd.f32 v6, v2;
	v10 =	vadd.f32 v15, v10  }
0x190: {  	v5 =	vadd.f32 v16, v5;
	v6 =	vadd.f32 v18, v3;
	v3 =	vld [tilespmem:$0x3820];
	[tilespmem:$0xA800] =	vst v9  }
0x191: {  	v4 =	vadd.f32 v17, v4;
	v9 =	vld [tilespmem:$0x3800];
	[tilespmem:$0xA810] =	vst v10  }
0x192: {  	v1 =	vadd.f32 v8, v1;
	v10 =	vld [tilespmem:$0x3810];
	[tilespmem:$0xA820] =	vst v5  }
0x193: {  	v2 =	vadd.f32 v12, v2;
	[tilespmem:$0xA830] =	vst v4;
	v4 =	vld [tilespmem:$0x3830]  }
0x194: {  	v1 =	vadd.f32 v11, v1;
	[tilespmem:$0xA840] =	vst v6;
	v5 =	vld [tilespmem:$0x3840]  }
0x195: {  	v6 =	vadd.f32 v13, v0;
	[tilespmem:$0xA850] =	vst v2;
	v2 =	vld [tilespmem:$0x3850]  }
0x196: {  	v0 =	vld [tilespmem:$0x3860];
	[tilespmem:$0xA860] =	vst v1  }
0x197: {  	s6 =	simm.s32 $0x0;
	v1 =	vld [tilespmem:$0x3870];
	[tilespmem:$0xA870] =	vst v6  }
0x198: {  	v6 =	vld [tilespmem:s6+$0x38F0]  }
0x199: {  	v8 =	vld [tilespmem:s6+$0x3880]  }
0x19a: {  	v13 =	vld [tilespmem:s6+$0x3890]  }
0x19b: {  	v12 =	vld [tilespmem:s6+$0x38A0]  }
0x19c: {  	v11 =	vld [tilespmem:s6+$0x38B0]  }
0x19d: {  	v7 =	vld [tilespmem:s6+$0x38C0]  }
0x19e: {  	v1 =	vadd.f32 v6, v1;
	v6 =	vld [tilespmem:s6+$0x38D0]  }
0x19f: {  	s5 =	simm.s32 $0x400;
	s30 =	simm.s32 $0x80;
	v9 =	vadd.f32 v8, v9;
	v10 =	vadd.f32 v13, v10;
	v8 =	vld [tilespmem:s6+$0x38E0]  }
.LBB2_21:
0x1a0: {  	p0 =	sne.s32 s5, $0x3C00;
	v13 =	vld [tilespmem:s30+$0x38F0];
	v3 =	vadd.f32 v12, v3  }
0x1a1: {  	v14 =	vld [tilespmem:s30+$0x3880];
	v4 =	vadd.f32 v11, v4  }
0x1a2: {  	v15 =	vld [tilespmem:s30+$0x3890];
	v5 =	vadd.f32 v7, v5  }
.Ltmp11:
0x1a3: {  	v12 =	vld [tilespmem:s30+$0x38A0];
	v2 =	vadd.f32 v6, v2;
	(pc) =	sbr.rel @p0 .LBB2_21-.Ltmp11, $4  }
0x1a4: {  	v11 =	vld [tilespmem:s30+$0x38B0];
	v0 =	vadd.f32 v8, v0  }
0x1a5: {  	v7 =	vld [tilespmem:s30+$0x38C0];
	v1 =	vadd.f32 v13, v1  }
0x1a6: {  	v9 =	vadd.f32 v14, v9;
	v6 =	vld [tilespmem:s30+$0x38D0]  }
0x1a7: {  	v10 =	vadd.f32 v15, v10;
	v8 =	vld [tilespmem:s30+$0x38E0];
	s30 =	sshra.s32 s5, $0x2;
	s5 =	sadd.s32 $0x200, s5  }
0x1a8: {  	v13 =	vld [tilespmem:s30+$0x38F0]  }
0x1a9: {  	v14 =	vld [tilespmem:s30+$0x3880]  }
0x1aa: {  	v15 =	vld [tilespmem:s30+$0x3890]  }
0x1ab: {  	v16 =	vld [tilespmem:s30+$0x38A0]  }
0x1ac: {  	v17 =	vld [tilespmem:s30+$0x38B0]  }
0x1ad: {  	v18 =	vld [tilespmem:s30+$0x38C0]  }
0x1ae: {  	v3 =	vadd.f32 v12, v3;
	v12 =	vld [tilespmem:s30+$0x38D0];
	v9 =	vadd.f32 v14, v9  }
0x1af: {  	v4 =	vadd.f32 v11, v4;
	v11 =	vld [tilespmem:s30+$0x38E0];
	v10 =	vadd.f32 v15, v10  }
0x1b0: {  	v5 =	vadd.f32 v7, v5;
	v3 =	vadd.f32 v16, v3;
	[tilespmem:$0xA880] =	vst v9;
	v9 =	vld [tilespmem:$0x4800]  }
0x1b1: {  	v2 =	vadd.f32 v6, v2;
	v4 =	vadd.f32 v17, v4;
	[tilespmem:$0xA890] =	vst v10;
	v10 =	vld [tilespmem:$0x4810]  }
0x1b2: {  	v5 =	vadd.f32 v18, v5;
	[tilespmem:$0xA8A0] =	vst v3;
	v3 =	vld [tilespmem:$0x4820]  }
0x1b3: {  	v0 =	vadd.f32 v8, v0;
	v2 =	vadd.f32 v12, v2;
	[tilespmem:$0xA8B0] =	vst v4;
	v4 =	vld [tilespmem:$0x4830]  }
0x1b4: {  	v1 =	vadd.f32 v13, v1;
	[tilespmem:$0xA8C0] =	vst v5;
	v5 =	vld [tilespmem:$0x4840]  }
0x1b5: {  	v0 =	vadd.f32 v11, v0;
	[tilespmem:$0xA8D0] =	vst v2;
	v2 =	vld [tilespmem:$0x4850]  }
0x1b6: {  	[tilespmem:$0xA8F0] =	vst v1;
	v1 =	vld [tilespmem:$0x4870]  }
0x1b7: {  	s6 =	simm.s32 $0x0;
	[tilespmem:$0xA8E0] =	vst v0;
	v0 =	vld [tilespmem:$0x4860]  }
0x1b8: {  	v6 =	vld [tilespmem:s6+$0x48F0]  }
0x1b9: {  	v8 =	vld [tilespmem:s6+$0x4880]  }
0x1ba: {  	v13 =	vld [tilespmem:s6+$0x4890]  }
0x1bb: {  	v12 =	vld [tilespmem:s6+$0x48A0]  }
0x1bc: {  	v11 =	vld [tilespmem:s6+$0x48B0]  }
0x1bd: {  	v7 =	vld [tilespmem:s6+$0x48C0]  }
0x1be: {  	v1 =	vadd.f32 v6, v1;
	v6 =	vld [tilespmem:s6+$0x48D0]  }
0x1bf: {  	s5 =	simm.s32 $0x400;
	s30 =	simm.s32 $0x80;
	v9 =	vadd.f32 v8, v9;
	v10 =	vadd.f32 v13, v10;
	v8 =	vld [tilespmem:s6+$0x48E0]  }
.LBB2_23:
0x1c0: {  	p0 =	sne.s32 s5, $0x3C00;
	v13 =	vld [tilespmem:s30+$0x48F0];
	v3 =	vadd.f32 v12, v3  }
0x1c1: {  	v14 =	vld [tilespmem:s30+$0x4880];
	v4 =	vadd.f32 v11, v4  }
0x1c2: {  	v15 =	vld [tilespmem:s30+$0x4890];
	v5 =	vadd.f32 v7, v5  }
.Ltmp12:
0x1c3: {  	v12 =	vld [tilespmem:s30+$0x48A0];
	v2 =	vadd.f32 v6, v2;
	(pc) =	sbr.rel @p0 .LBB2_23-.Ltmp12, $4  }
0x1c4: {  	v11 =	vld [tilespmem:s30+$0x48B0];
	v0 =	vadd.f32 v8, v0  }
0x1c5: {  	v7 =	vld [tilespmem:s30+$0x48C0];
	v1 =	vadd.f32 v13, v1  }
0x1c6: {  	v9 =	vadd.f32 v14, v9;
	v6 =	vld [tilespmem:s30+$0x48D0]  }
0x1c7: {  	v10 =	vadd.f32 v15, v10;
	v8 =	vld [tilespmem:s30+$0x48E0];
	s30 =	sshra.s32 s5, $0x2;
	s5 =	sadd.s32 $0x200, s5  }
0x1c8: {  	v13 =	vld [tilespmem:s30+$0x48F0]  }
0x1c9: {  	v14 =	vld [tilespmem:s30+$0x4880]  }
0x1ca: {  	v15 =	vld [tilespmem:s30+$0x4890]  }
0x1cb: {  	v16 =	vld [tilespmem:s30+$0x48A0]  }
0x1cc: {  	v17 =	vld [tilespmem:s30+$0x48B0]  }
0x1cd: {  	v18 =	vld [tilespmem:s30+$0x48C0];
	v3 =	vadd.f32 v12, v3  }
0x1ce: {  	v12 =	vld [tilespmem:s30+$0x48D0];
	v4 =	vadd.f32 v11, v4;
	v9 =	vadd.f32 v14, v9  }
0x1cf: {  	v11 =	vld [tilespmem:s30+$0x48E0];
	v5 =	vadd.f32 v7, v5;
	v10 =	vadd.f32 v15, v10  }
0x1d0: {  	v6 =	vadd.f32 v6, v2;
	v2 =	vld [tilespmem:$0x5820];
	v3 =	vadd.f32 v16, v3;
	[tilespmem:$0xA900] =	vst v9  }
0x1d1: {  	v4 =	vadd.f32 v17, v4;
	v14 =	vld [tilespmem:$0x5810];
	[tilespmem:$0xA910] =	vst v10  }
0x1d2: {  	v0 =	vadd.f32 v8, v0;
	v5 =	vadd.f32 v18, v5;
	v9 =	vld [tilespmem:$0x5800];
	[tilespmem:$0xA920] =	vst v3  }
0x1d3: {  	v6 =	vadd.f32 v12, v6;
	[tilespmem:$0xA930] =	vst v4;
	v3 =	vld [tilespmem:$0x5830]  }
0x1d4: {  	v0 =	vadd.f32 v11, v0;
	[tilespmem:$0xA940] =	vst v5;
	v4 =	vld [tilespmem:$0x5840]  }
0x1d5: {  	v5 =	vadd.f32 v13, v1;
	[tilespmem:$0xA950] =	vst v6;
	v1 =	vld [tilespmem:$0x5850]  }
0x1d6: {  	[tilespmem:$0xA960] =	vst v0;
	v0 =	vld [tilespmem:$0x5860]  }
0x1d7: {  	s6 =	simm.s32 $0x0;
	[tilespmem:$0xA970] =	vst v5;
	v5 =	vld [tilespmem:$0x5870]  }
0x1d8: {  	v7 =	vld [tilespmem:s6+$0x58F0]  }
0x1d9: {  	v8 =	vld [tilespmem:s6+$0x5880]  }
0x1da: {  	v11 =	vld [tilespmem:s6+$0x5890]  }
0x1db: {  	v12 =	vld [tilespmem:s6+$0x58A0]  }
0x1dc: {  	v10 =	vld [tilespmem:s6+$0x58B0]  }
0x1dd: {  	v6 =	vld [tilespmem:s6+$0x58C0]  }
0x1de: {  	v5 =	vadd.f32 v7, v5;
	v7 =	vld [tilespmem:s6+$0x58D0]  }
0x1df: {  	s5 =	simm.s32 $0x400;
	s30 =	simm.s32 $0x80;
	v8 =	vadd.f32 v8, v9;
	v9 =	vadd.f32 v11, v14;
	v11 =	vld [tilespmem:s6+$0x58E0]  }
.LBB2_25:
0x1e0: {  	p0 =	sne.s32 s5, $0x3C00;
	v13 =	vld [tilespmem:s30+$0x58F0];
	v2 =	vadd.f32 v12, v2  }
0x1e1: {  	v14 =	vld [tilespmem:s30+$0x5880];
	v3 =	vadd.f32 v10, v3  }
0x1e2: {  	v15 =	vld [tilespmem:s30+$0x5890];
	v4 =	vadd.f32 v6, v4  }
.Ltmp13:
0x1e3: {  	v12 =	vld [tilespmem:s30+$0x58A0];
	v1 =	vadd.f32 v7, v1;
	(pc) =	sbr.rel @p0 .LBB2_25-.Ltmp13, $4  }
0x1e4: {  	v10 =	vld [tilespmem:s30+$0x58B0];
	v0 =	vadd.f32 v11, v0  }
0x1e5: {  	v6 =	vld [tilespmem:s30+$0x58C0];
	v5 =	vadd.f32 v13, v5  }
0x1e6: {  	v8 =	vadd.f32 v14, v8;
	v7 =	vld [tilespmem:s30+$0x58D0]  }
0x1e7: {  	v9 =	vadd.f32 v15, v9;
	v11 =	vld [tilespmem:s30+$0x58E0];
	s30 =	sshra.s32 s5, $0x2;
	s5 =	sadd.s32 $0x200, s5  }
0x1e8: {  	v14 =	vld [tilespmem:s30+$0x5880]  }
0x1e9: {  	v15 =	vld [tilespmem:s30+$0x5890]  }
0x1ea: {  	v16 =	vld [tilespmem:s30+$0x58A0]  }
0x1eb: {  	v17 =	vld [tilespmem:s30+$0x58B0]  }
0x1ec: {  	v18 =	vld [tilespmem:s30+$0x58C0]  }
0x1ed: {  	v2 =	vadd.f32 v12, v2;
	v12 =	vld [tilespmem:s30+$0x58D0];
	v8 =	vadd.f32 v14, v8  }
0x1ee: {  	v3 =	vadd.f32 v10, v3;
	v10 =	vld [tilespmem:s30+$0x58E0];
	v9 =	vadd.f32 v15, v9  }
0x1ef: {  	v13 =	vld [tilespmem:s30+$0x58F0];
	v4 =	vadd.f32 v6, v4;
	v2 =	vadd.f32 v16, v2;
	[tilespmem:$0xA980] =	vst v8  }
0x1f0: {  	v1 =	vadd.f32 v7, v1;
	v3 =	vadd.f32 v17, v3;
	[tilespmem:$0xA990] =	vst v9  }
0x1f1: {  	v0 =	vadd.f32 v11, v0;
	v4 =	vadd.f32 v18, v4;
	[tilespmem:$0xA9A0] =	vst v2  }
0x1f2: {  	v1 =	vadd.f32 v12, v1;
	[tilespmem:$0xA9B0] =	vst v3  }
0x1f3: {  	s5 =	sadd.s32 s18, s26;
	v0 =	vadd.f32 v10, v0;
	[tilespmem:$0xA9C0] =	vst v4  }
0x1f4: {  	s5 =	sshll.u32 s5, $0x7;
	v2 =	vadd.f32 v13, v5;
	[tilespmem:$0xA9D0] =	vst v1  }
0x1f5: {  	s5 =	sand.u32 $0x1FFFFF80, s5;
	[tilespmem:$0xA9E0] =	vst v0  }
0x1f6: {  	p0 =	seq.s32 s26, $0x27;
	s30 =	sshll.u32 s26, $0xA;
	s5 =	sadd.s32 s4, s5;
	[tilespmem:$0xA9F0] =	vst v2  }
0x1f7: {  	[hbm4b:s5+s3] =	stream.linear.scatter [tilespmem:s25], [sflag:$0x3], $0x200, $0x38;
	[tilespmem:$0x1EC00] =	vst v63  }
0x1f8: {  	s5 =	sshrl.u32 @!p0 s30, $0x2  }
0x1f9: {  	s6 =	simm.s32 @!p0 $0x80;
	s7 =	simm.s32 @!p0 $0x2800;
	s5 =	sadd.s32 @!p0 $0x100, s5  }
0x1fa: {  	[tilespmem:s7], [sflag:$0x1] =	stream.indirect.gather @!p0 [spmem:s1], $0x80, s5, s6, $0xb8;
	[tilespmem:$0x1EC00] =	vst v63  }
0x1fb: {  	_ =	swait.ge [sflag:s28], $0x4000  }
0x1fc: {  	[sflag:s28] =	ssyncset.done $0x0  }
0x1fd: {  	[sflag:s28] =	ssyncadd.s32 $0xFFFFC000  }
0x1fe: {  	_ =	swait.ge [sflag:s0], $0x200  }
0x1ff: {  	[sflag:s0] =	ssyncset.done $0x0  }
0x200: {  	[sflag:s0] =	ssyncadd.s32 $0xFFFFFE00  }
0x201: {  	v8 =	vld [tilespmem:$0x6800]  }
0x202: {  	v10 =	vld [tilespmem:$0x6810]  }
0x203: {  	v5 =	vld [tilespmem:$0x6820]  }
0x204: {  	v4 =	vld [tilespmem:$0x6830]  }
0x205: {  	v3 =	vld [tilespmem:$0x6840]  }
0x206: {  	v2 =	vld [tilespmem:$0x6850]  }
0x207: {  	v1 =	vld [tilespmem:$0x6860]  }
0x208: {  	s7 =	simm.s32 $0x0;
	v0 =	vld [tilespmem:$0x6870]  }
0x209: {  	v6 =	vld [tilespmem:s7+$0x68F0]  }
0x20a: {  	v9 =	vld [tilespmem:s7+$0x6880]  }
0x20b: {  	v13 =	vld [tilespmem:s7+$0x6890]  }
0x20c: {  	v12 =	vld [tilespmem:s7+$0x68A0]  }
0x20d: {  	v11 =	vld [tilespmem:s7+$0x68B0]  }
0x20e: {  	v7 =	vld [tilespmem:s7+$0x68C0]  }
0x20f: {  	v0 =	vadd.f32 v6, v0;
	v6 =	vld [tilespmem:s7+$0x68D0]  }
0x210: {  	s5 =	simm.s32 $0x80;
	s6 =	simm.s32 $0x400;
	v9 =	vadd.f32 v9, v8;
	v10 =	vadd.f32 v13, v10;
	v8 =	vld [tilespmem:s7+$0x68E0]  }
.LBB2_27:
0x211: {  	p1 =	sne.s32 s6, $0x3C00;
	v13 =	vld [tilespmem:s5+$0x68F0];
	v5 =	vadd.f32 v12, v5  }
0x212: {  	v14 =	vld [tilespmem:s5+$0x6880];
	v4 =	vadd.f32 v11, v4  }
0x213: {  	v15 =	vld [tilespmem:s5+$0x6890];
	v3 =	vadd.f32 v7, v3  }
.Ltmp14:
0x214: {  	v12 =	vld [tilespmem:s5+$0x68A0];
	v2 =	vadd.f32 v6, v2;
	(pc) =	sbr.rel @p1 .LBB2_27-.Ltmp14, $4  }
0x215: {  	v11 =	vld [tilespmem:s5+$0x68B0];
	v1 =	vadd.f32 v8, v1  }
0x216: {  	v7 =	vld [tilespmem:s5+$0x68C0];
	v0 =	vadd.f32 v13, v0  }
0x217: {  	v9 =	vadd.f32 v14, v9;
	v6 =	vld [tilespmem:s5+$0x68D0]  }
0x218: {  	v10 =	vadd.f32 v15, v10;
	v8 =	vld [tilespmem:s5+$0x68E0];
	s5 =	sshra.s32 s6, $0x2;
	s6 =	sadd.s32 $0x200, s6  }
0x219: {  	v14 =	vld [tilespmem:s5+$0x6880]  }
0x21a: {  	v15 =	vld [tilespmem:s5+$0x6890]  }
0x21b: {  	v16 =	vld [tilespmem:s5+$0x68A0]  }
0x21c: {  	v18 =	vld [tilespmem:s5+$0x68C0]  }
0x21d: {  	v17 =	vld [tilespmem:s5+$0x68B0]  }
0x21e: {  	v13 =	vld [tilespmem:s5+$0x68F0];
	v5 =	vadd.f32 v12, v5;
	v4 =	vadd.f32 v11, v4  }
0x21f: {  	v12 =	vld [tilespmem:s5+$0x68D0];
	v3 =	vadd.f32 v7, v3;
	v9 =	vadd.f32 v14, v9  }
0x220: {  	v11 =	vld [tilespmem:s5+$0x68E0];
	v2 =	vadd.f32 v6, v2;
	v10 =	vadd.f32 v15, v10  }
0x221: {  	v5 =	vadd.f32 v16, v5;
	v6 =	vadd.f32 v18, v3;
	v3 =	vld [tilespmem:$0x7820];
	[tilespmem:$0xAA00] =	vst v9  }
0x222: {  	v4 =	vadd.f32 v17, v4;
	v9 =	vld [tilespmem:$0x7800];
	[tilespmem:$0xAA10] =	vst v10  }
0x223: {  	v1 =	vadd.f32 v8, v1;
	v10 =	vld [tilespmem:$0x7810];
	[tilespmem:$0xAA20] =	vst v5  }
0x224: {  	v2 =	vadd.f32 v12, v2;
	[tilespmem:$0xAA30] =	vst v4;
	v4 =	vld [tilespmem:$0x7830]  }
0x225: {  	v1 =	vadd.f32 v11, v1;
	[tilespmem:$0xAA40] =	vst v6;
	v5 =	vld [tilespmem:$0x7840]  }
0x226: {  	v6 =	vadd.f32 v13, v0;
	[tilespmem:$0xAA50] =	vst v2;
	v2 =	vld [tilespmem:$0x7850]  }
0x227: {  	v0 =	vld [tilespmem:$0x7860];
	[tilespmem:$0xAA60] =	vst v1  }
0x228: {  	s7 =	simm.s32 $0x0;
	v1 =	vld [tilespmem:$0x7870];
	[tilespmem:$0xAA70] =	vst v6  }
0x229: {  	v6 =	vld [tilespmem:s7+$0x78F0]  }
0x22a: {  	v8 =	vld [tilespmem:s7+$0x7880]  }
0x22b: {  	v13 =	vld [tilespmem:s7+$0x7890]  }
0x22c: {  	v12 =	vld [tilespmem:s7+$0x78A0]  }
0x22d: {  	v11 =	vld [tilespmem:s7+$0x78B0]  }
0x22e: {  	v7 =	vld [tilespmem:s7+$0x78C0]  }
0x22f: {  	v1 =	vadd.f32 v6, v1;
	v6 =	vld [tilespmem:s7+$0x78D0]  }
0x230: {  	s6 =	simm.s32 $0x400;
	s5 =	simm.s32 $0x80;
	v9 =	vadd.f32 v8, v9;
	v10 =	vadd.f32 v13, v10;
	v8 =	vld [tilespmem:s7+$0x78E0]  }
.LBB2_29:
0x231: {  	p1 =	sne.s32 s6, $0x3C00;
	v13 =	vld [tilespmem:s5+$0x78F0];
	v3 =	vadd.f32 v12, v3  }
0x232: {  	v14 =	vld [tilespmem:s5+$0x7880];
	v4 =	vadd.f32 v11, v4  }
0x233: {  	v15 =	vld [tilespmem:s5+$0x7890];
	v5 =	vadd.f32 v7, v5  }
.Ltmp15:
0x234: {  	v12 =	vld [tilespmem:s5+$0x78A0];
	v2 =	vadd.f32 v6, v2;
	(pc) =	sbr.rel @p1 .LBB2_29-.Ltmp15, $4  }
0x235: {  	v11 =	vld [tilespmem:s5+$0x78B0];
	v0 =	vadd.f32 v8, v0  }
0x236: {  	v7 =	vld [tilespmem:s5+$0x78C0];
	v1 =	vadd.f32 v13, v1  }
0x237: {  	v9 =	vadd.f32 v14, v9;
	v6 =	vld [tilespmem:s5+$0x78D0]  }
0x238: {  	v10 =	vadd.f32 v15, v10;
	v8 =	vld [tilespmem:s5+$0x78E0];
	s5 =	sshra.s32 s6, $0x2;
	s6 =	sadd.s32 $0x200, s6  }
0x239: {  	v13 =	vld [tilespmem:s5+$0x78F0]  }
0x23a: {  	v14 =	vld [tilespmem:s5+$0x7880]  }
0x23b: {  	v15 =	vld [tilespmem:s5+$0x7890]  }
0x23c: {  	v16 =	vld [tilespmem:s5+$0x78A0]  }
0x23d: {  	v17 =	vld [tilespmem:s5+$0x78B0]  }
0x23e: {  	v18 =	vld [tilespmem:s5+$0x78C0]  }
0x23f: {  	v3 =	vadd.f32 v12, v3;
	v12 =	vld [tilespmem:s5+$0x78D0];
	v9 =	vadd.f32 v14, v9  }
0x240: {  	v4 =	vadd.f32 v11, v4;
	v11 =	vld [tilespmem:s5+$0x78E0];
	v10 =	vadd.f32 v15, v10  }
0x241: {  	v5 =	vadd.f32 v7, v5;
	v3 =	vadd.f32 v16, v3;
	[tilespmem:$0xAA80] =	vst v9;
	v9 =	vld [tilespmem:$0x8800]  }
0x242: {  	v2 =	vadd.f32 v6, v2;
	v4 =	vadd.f32 v17, v4;
	[tilespmem:$0xAA90] =	vst v10;
	v10 =	vld [tilespmem:$0x8810]  }
0x243: {  	v5 =	vadd.f32 v18, v5;
	[tilespmem:$0xAAA0] =	vst v3;
	v3 =	vld [tilespmem:$0x8820]  }
0x244: {  	v0 =	vadd.f32 v8, v0;
	v2 =	vadd.f32 v12, v2;
	[tilespmem:$0xAAB0] =	vst v4;
	v4 =	vld [tilespmem:$0x8830]  }
0x245: {  	v1 =	vadd.f32 v13, v1;
	[tilespmem:$0xAAC0] =	vst v5;
	v5 =	vld [tilespmem:$0x8840]  }
0x246: {  	v0 =	vadd.f32 v11, v0;
	[tilespmem:$0xAAD0] =	vst v2;
	v2 =	vld [tilespmem:$0x8850]  }
0x247: {  	[tilespmem:$0xAAF0] =	vst v1;
	v1 =	vld [tilespmem:$0x8870]  }
0x248: {  	s7 =	simm.s32 $0x0;
	[tilespmem:$0xAAE0] =	vst v0;
	v0 =	vld [tilespmem:$0x8860]  }
0x249: {  	v6 =	vld [tilespmem:s7+$0x88F0]  }
0x24a: {  	v8 =	vld [tilespmem:s7+$0x8880]  }
0x24b: {  	v13 =	vld [tilespmem:s7+$0x8890]  }
0x24c: {  	v12 =	vld [tilespmem:s7+$0x88A0]  }
0x24d: {  	v11 =	vld [tilespmem:s7+$0x88B0]  }
0x24e: {  	v7 =	vld [tilespmem:s7+$0x88C0]  }
0x24f: {  	v1 =	vadd.f32 v6, v1;
	v6 =	vld [tilespmem:s7+$0x88D0]  }
0x250: {  	s6 =	simm.s32 $0x400;
	s5 =	simm.s32 $0x80;
	v9 =	vadd.f32 v8, v9;
	v10 =	vadd.f32 v13, v10;
	v8 =	vld [tilespmem:s7+$0x88E0]  }
.LBB2_31:
0x251: {  	p1 =	sne.s32 s6, $0x3C00;
	v13 =	vld [tilespmem:s5+$0x88F0];
	v3 =	vadd.f32 v12, v3  }
0x252: {  	v14 =	vld [tilespmem:s5+$0x8880];
	v4 =	vadd.f32 v11, v4  }
0x253: {  	v15 =	vld [tilespmem:s5+$0x8890];
	v5 =	vadd.f32 v7, v5  }
.Ltmp16:
0x254: {  	v12 =	vld [tilespmem:s5+$0x88A0];
	v2 =	vadd.f32 v6, v2;
	(pc) =	sbr.rel @p1 .LBB2_31-.Ltmp16, $4  }
0x255: {  	v11 =	vld [tilespmem:s5+$0x88B0];
	v0 =	vadd.f32 v8, v0  }
0x256: {  	v7 =	vld [tilespmem:s5+$0x88C0];
	v1 =	vadd.f32 v13, v1  }
0x257: {  	v9 =	vadd.f32 v14, v9;
	v6 =	vld [tilespmem:s5+$0x88D0]  }
0x258: {  	v10 =	vadd.f32 v15, v10;
	v8 =	vld [tilespmem:s5+$0x88E0];
	s5 =	sshra.s32 s6, $0x2;
	s6 =	sadd.s32 $0x200, s6  }
0x259: {  	v13 =	vld [tilespmem:s5+$0x88F0]  }
0x25a: {  	v14 =	vld [tilespmem:s5+$0x8880]  }
0x25b: {  	v15 =	vld [tilespmem:s5+$0x8890]  }
0x25c: {  	v16 =	vld [tilespmem:s5+$0x88A0]  }
0x25d: {  	v17 =	vld [tilespmem:s5+$0x88B0]  }
0x25e: {  	v18 =	vld [tilespmem:s5+$0x88C0];
	v3 =	vadd.f32 v12, v3  }
0x25f: {  	v12 =	vld [tilespmem:s5+$0x88D0];
	v4 =	vadd.f32 v11, v4;
	v9 =	vadd.f32 v14, v9  }
0x260: {  	v11 =	vld [tilespmem:s5+$0x88E0];
	v5 =	vadd.f32 v7, v5;
	v10 =	vadd.f32 v15, v10  }
0x261: {  	v6 =	vadd.f32 v6, v2;
	v2 =	vld [tilespmem:$0x9820];
	v3 =	vadd.f32 v16, v3;
	[tilespmem:$0xAB00] =	vst v9  }
0x262: {  	v4 =	vadd.f32 v17, v4;
	v14 =	vld [tilespmem:$0x9810];
	[tilespmem:$0xAB10] =	vst v10  }
0x263: {  	v0 =	vadd.f32 v8, v0;
	v5 =	vadd.f32 v18, v5;
	v9 =	vld [tilespmem:$0x9800];
	[tilespmem:$0xAB20] =	vst v3  }
0x264: {  	v6 =	vadd.f32 v12, v6;
	[tilespmem:$0xAB30] =	vst v4;
	v3 =	vld [tilespmem:$0x9830]  }
0x265: {  	v0 =	vadd.f32 v11, v0;
	[tilespmem:$0xAB40] =	vst v5;
	v4 =	vld [tilespmem:$0x9840]  }
0x266: {  	v5 =	vadd.f32 v13, v1;
	[tilespmem:$0xAB50] =	vst v6;
	v1 =	vld [tilespmem:$0x9850]  }
0x267: {  	[tilespmem:$0xAB60] =	vst v0;
	v0 =	vld [tilespmem:$0x9860]  }
0x268: {  	s7 =	simm.s32 $0x0;
	[tilespmem:$0xAB70] =	vst v5;
	v5 =	vld [tilespmem:$0x9870]  }
0x269: {  	v7 =	vld [tilespmem:s7+$0x98F0]  }
0x26a: {  	v8 =	vld [tilespmem:s7+$0x9880]  }
0x26b: {  	v11 =	vld [tilespmem:s7+$0x9890]  }
0x26c: {  	v12 =	vld [tilespmem:s7+$0x98A0]  }
0x26d: {  	v10 =	vld [tilespmem:s7+$0x98B0]  }
0x26e: {  	v6 =	vld [tilespmem:s7+$0x98C0]  }
0x26f: {  	v5 =	vadd.f32 v7, v5;
	v7 =	vld [tilespmem:s7+$0x98D0]  }
0x270: {  	s6 =	simm.s32 $0x400;
	s5 =	simm.s32 $0x80;
	v8 =	vadd.f32 v8, v9;
	v9 =	vadd.f32 v11, v14;
	v11 =	vld [tilespmem:s7+$0x98E0]  }
.LBB2_33:
0x271: {  	p1 =	sne.s32 s6, $0x3C00;
	v13 =	vld [tilespmem:s5+$0x98F0];
	v2 =	vadd.f32 v12, v2  }
0x272: {  	v14 =	vld [tilespmem:s5+$0x9880];
	v3 =	vadd.f32 v10, v3  }
0x273: {  	v15 =	vld [tilespmem:s5+$0x9890];
	v4 =	vadd.f32 v6, v4  }
.Ltmp17:
0x274: {  	v12 =	vld [tilespmem:s5+$0x98A0];
	v1 =	vadd.f32 v7, v1;
	(pc) =	sbr.rel @p1 .LBB2_33-.Ltmp17, $4  }
0x275: {  	v10 =	vld [tilespmem:s5+$0x98B0];
	v0 =	vadd.f32 v11, v0  }
0x276: {  	v6 =	vld [tilespmem:s5+$0x98C0];
	v5 =	vadd.f32 v13, v5  }
0x277: {  	v8 =	vadd.f32 v14, v8;
	v7 =	vld [tilespmem:s5+$0x98D0]  }
0x278: {  	v9 =	vadd.f32 v15, v9;
	v11 =	vld [tilespmem:s5+$0x98E0];
	s5 =	sshra.s32 s6, $0x2;
	s6 =	sadd.s32 $0x200, s6  }
0x279: {  	v14 =	vld [tilespmem:s5+$0x9880]  }
0x27a: {  	v15 =	vld [tilespmem:s5+$0x9890]  }
0x27b: {  	v16 =	vld [tilespmem:s5+$0x98A0]  }
0x27c: {  	v17 =	vld [tilespmem:s5+$0x98B0]  }
0x27d: {  	v18 =	vld [tilespmem:s5+$0x98C0]  }
0x27e: {  	v2 =	vadd.f32 v12, v2;
	v61 =	vld [tilespmem:s5+$0x98D0];
	v8 =	vadd.f32 v14, v8  }
0x27f: {  	v13 =	vld [tilespmem:s5+$0x98F0];
	v3 =	vadd.f32 v10, v3;
	v9 =	vadd.f32 v15, v9  }
0x280: {  	v62 =	vld [tilespmem:s5+$0x98E0];
	v4 =	vadd.f32 v6, v4;
	v2 =	vadd.f32 v16, v2;
	[tilespmem:$0xAB80] =	vst v8  }
0x281: {  	v1 =	vadd.f32 v7, v1;
	v3 =	vadd.f32 v17, v3;
	[tilespmem:$0xAB90] =	vst v9  }
0x282: {  	v4 =	vadd.f32 v18, v4;
	[tilespmem:$0xABA0] =	vst v2  }
0x283: {  	v0 =	vadd.f32 v11, v0;
	v1 =	vadd.f32 v61, v1;
	[tilespmem:$0xABB0] =	vst v3  }
.Ltmp18:
0x284: {  	v63 =	vadd.f32 v13, v5;
	[tilespmem:$0xABC0] =	vst v4;
	(pc) =	sbr.rel @p0 .LBB2_36-.Ltmp18, $4  }
0x285: {  	v0 =	vadd.f32 v62, v0;
	[tilespmem:$0xABD0] =	vst v1  }
0x286: {  	s7 =	sshll.u32 s26, $0x7;
	[tilespmem:$0xABF0] =	vst v63  }
0x287: {  	s5 =	sadd.s32 s17, s7;
	[tilespmem:$0xABE0] =	vst v0  }
0x288: {  	[hbm4b:s5+s3] =	stream.linear.scatter [tilespmem:s29], [sflag:$0x4], $0x200, $0x38;
	[tilespmem:$0x1EC00] =	vst v63  }
.Ltmp19:
0x289: {  	(pc) =	sbr.rel .LBB2_18-.Ltmp19, $4  }
0x28a: {  	_ = 	snop  }
0x28b: {  	s5 =	sshrl.u32 s30, $0x2  }
0x28c: {  	s26 =	sadd.s32 $0x1, s26;
	s5 =	sadd.s32 $0x180, s5  }
0x28d: {  	[tilespmem:s23], [sflag:$0x2] =	stream.indirect.gather [spmem:s1], $0x80, s5, s22, $0xb8;
	[tilespmem:$0x1EC00] =	vst v63  }
.LBB2_37:
0x28e: {  	_ =	sfence.sel $0x180000  }
0x28f: {  	[bflag:$0x0] =	sbarrier.arrive $0xFFFF  }
0x290: {  	_ =	strace $0x90000047  }
0x291: {  	s0 =	stileid.u32;
	[bflag:$0x2] =	sbarrier.arrive $0xFFFF  }
0x292: {  	p0 =	sne.s32 s0, $0x0;
	s0 =	rddreg [dreg:$0x3]  }
0x293: {  	s0 =	sadd.s32 @!p0 $0x100000, s0  }
0x294: {  	[sflag:s0] =	ssyncadd.tile.s32 @!p0 $0x1;
	_ =	shalt  }
.Lfunc_end2:
_tile_overlayer_lowered:
.L_overlay_start_2:
0x295: {  	(tag) =	ssettag $0x2  }
0x296: {  	s0 =	rddreg [dreg:$0x0];
	s2 =	stileid.u32  }
0x297: {  	s1 =	rddreg [dreg:$0x1];
	p0 =	sne.s32 s2, $0x0  }
0x298: {  	s3 =	rddreg [dreg:$0x2];
	[bflag:$0x3] =	sbarrier.arrive $0xFFFF;
	s2 =	simm.s32 @!p0 $0x1C05  }
0x299: {  	[timem:s3], [sflag:s2] =	dma.local @!p0 [hbm:s0], s1  }
0x29a: {  	s0 =	simm.s32 @!p0 $0x5  }
0x29b: {  	_ =	swait.ge @!p0 [sflag:s0], s1  }
0x29c: {  	s1 =	ssub.s32 @!p0 $0x0, s1;
	[sflag:s0] =	ssyncset.done @!p0 $0x0  }
0x29d: {  	[sflag:s0] =	ssyncadd.s32 @!p0 s1  }
0x29e: {  	[bflag:$0x3] =	sbarrier.arrive $0xFFFF  }
0x29f: {  	_ =	shalt  }

</sc_bundles>
